<compile_context>
chip_gen: v7x
topology: tpu7x:2x2x1
jax: 0.10.2.dev20260603
libtpu: 0.0.44.dev20260713+nightly
codegen_flags: <defaults>
</compile_context>

<pallas_src>
import jax
import jax.numpy as jnp
from jax import lax
from jax.experimental import pallas as pl
from jax.experimental.pallas import tpu as pltpu
from jax.experimental.pallas import tpu_sc as plsc

N_NODES = 10000
N_EDGES = 320000
D = 128
N_GRAPHS = 256

NC = 2
NS = 16
NW = NC * NS
CHUNK = 125
NCHUNK = N_EDGES // (NW * CHUNK)
BLK = 10
NBLK = NCHUNK // BLK
N_PAD = 10240
ROWS_PER_TILE = N_PAD // NS
ZCH = 64


def _sc_agg_kernel(x_hbm, edges_hbm, out_hbm,
                   isA, idA, isB, idB, r0, r1, zbuf, agg_sh,
                   sem_g0, sem_g1, sem_s, sem_ia, sem_ib, sem_d):
    c = lax.axis_index("c")
    s = lax.axis_index("s")
    row0 = s * ROWS_PER_TILE

    def _fetch_idx(blk, sref, dref, sem):
        pltpu.async_copy(edges_hbm.at[0, c, s, blk], sref, sem)
        pltpu.async_copy(edges_hbm.at[1, c, s, blk], dref, sem)

    def _wait_idx(blk, sref, dref, sem):
        pltpu.make_async_copy(edges_hbm.at[0, c, s, blk], sref, sem).wait()
        pltpu.make_async_copy(edges_hbm.at[1, c, s, blk], dref, sem).wait()

    _fetch_idx(0, isA, idA, sem_ia)

    zeros16 = jnp.zeros((16,), jnp.float32)

    def _zero_body(t, _):
        zbuf[t // 8, pl.ds((t % 8) * 16, 16)] = zeros16
        return 0

    lax.fori_loop(0, ZCH * 8, _zero_body, 0)
    for m in range(ROWS_PER_TILE // ZCH):
        pltpu.async_copy(zbuf, agg_sh.at[pl.ds(row0 + m * ZCH, ZCH)], sem_d)
    for m in range(ROWS_PER_TILE // ZCH):
        pltpu.make_async_copy(
            zbuf, agg_sh.at[pl.ds(row0 + m * ZCH, ZCH)], sem_d).wait()

    _wait_idx(0, isA, idA, sem_ia)
    pltpu.async_copy(x_hbm.at[isA.at[0, pl.ds(0, 32)]], r0.at[pl.ds(0, 32)], sem_g0)
    pltpu.async_copy(x_hbm.at[isA.at[0, pl.ds(32, 32)]], r0.at[pl.ds(32, 32)], sem_g0)
    pltpu.async_copy(x_hbm.at[isA.at[0, pl.ds(64, 32)]], r0.at[pl.ds(64, 32)], sem_g0)
    pltpu.async_copy(x_hbm.at[isA.at[0, pl.ds(96, 29)]], r0.at[pl.ds(96, 29)], sem_g0)
    pltpu.async_copy(x_hbm.at[isA.at[1, pl.ds(0, 32)]], r1.at[pl.ds(0, 32)], sem_g1)
    pltpu.async_copy(x_hbm.at[isA.at[1, pl.ds(32, 32)]], r1.at[pl.ds(32, 32)], sem_g1)
    pltpu.async_copy(x_hbm.at[isA.at[1, pl.ds(64, 32)]], r1.at[pl.ds(64, 32)], sem_g1)
    pltpu.async_copy(x_hbm.at[isA.at[1, pl.ds(96, 29)]], r1.at[pl.ds(96, 29)], sem_g1)
    plsc.subcore_barrier()

    bufs = (r0, r1)
    sem_g = (sem_g0, sem_g1)

    def _body(q, _):
        g0 = 2 * BLK * q
        for gl in range(2 * BLK):
            sref, dref = (isA, idA) if gl < BLK else (isB, idB)
            row = gl % BLK
            k = gl % 2

            if gl == 2:
                _fetch_idx(2 * q + 1, isB, idB, sem_ib)
            if gl == BLK + 2:
                @pl.when(g0 + 2 * BLK < NCHUNK)
                def _():
                    _fetch_idx(2 * q + 2, isA, idA, sem_ia)

            pltpu.make_async_copy(x_hbm.at[sref.at[row, pl.ds(0, 32)]],
                             bufs[k].at[pl.ds(0, 32)], sem_g[k]).wait()
            pltpu.make_async_copy(x_hbm.at[sref.at[row, pl.ds(32, 32)]],
                             bufs[k].at[pl.ds(32, 32)], sem_g[k]).wait()
            pltpu.make_async_copy(x_hbm.at[sref.at[row, pl.ds(64, 32)]],
                             bufs[k].at[pl.ds(64, 32)], sem_g[k]).wait()
            pltpu.make_async_copy(x_hbm.at[sref.at[row, pl.ds(96, 29)]],
                             bufs[k].at[pl.ds(96, 29)], sem_g[k]).wait()
            pltpu.async_copy(bufs[k], agg_sh.at[dref.at[row]], sem_s,
                             add=True).wait()

            if gl == BLK - 2:
                _wait_idx(2 * q + 1, isB, idB, sem_ib)
            if gl == 2 * BLK - 2:
                @pl.when(g0 + 2 * BLK < NCHUNK)
                def _():
                    _wait_idx(2 * q + 2, isA, idA, sem_ia)

            gl2 = gl + 2
            sref2 = isA if (gl2 < BLK or gl2 >= 2 * BLK) else isB
            row2 = gl2 % BLK

            @pl.when(g0 + gl2 < NCHUNK)
            def _():
                pltpu.async_copy(x_hbm.at[sref2.at[row2, pl.ds(0, 32)]],
                                 bufs[k].at[pl.ds(0, 32)], sem_g[k])
                pltpu.async_copy(x_hbm.at[sref2.at[row2, pl.ds(32, 32)]],
                                 bufs[k].at[pl.ds(32, 32)], sem_g[k])
                pltpu.async_copy(x_hbm.at[sref2.at[row2, pl.ds(64, 32)]],
                                 bufs[k].at[pl.ds(64, 32)], sem_g[k])
                pltpu.async_copy(x_hbm.at[sref2.at[row2, pl.ds(96, 29)]],
                                 bufs[k].at[pl.ds(96, 29)], sem_g[k])
        return 0

    lax.fori_loop(0, NBLK // 2, _body, 0)
    plsc.subcore_barrier()

    pltpu.async_copy(
        agg_sh.at[pl.ds(row0, ROWS_PER_TILE)],
        out_hbm.at[c, pl.ds(row0, ROWS_PER_TILE)],
        sem_d,
    ).wait()


@jax.jit
def _sc_aggregate(x, edges):
    run = pl.kernel(
        _sc_agg_kernel,
        mesh=plsc.VectorSubcoreMesh(core_axis_name="c", subcore_axis_name="s"),
        out_type=jax.ShapeDtypeStruct((NC, N_PAD, D), jnp.float32),
        scratch_types=[
            pltpu.VMEM((BLK, CHUNK), jnp.int32),
            pltpu.VMEM((BLK, CHUNK), jnp.int32),
            pltpu.VMEM((BLK, CHUNK), jnp.int32),
            pltpu.VMEM((BLK, CHUNK), jnp.int32),
            pltpu.VMEM((CHUNK, D), jnp.float32),
            pltpu.VMEM((CHUNK, D), jnp.float32),
            pltpu.VMEM((ZCH, D), jnp.float32),
            pltpu.VMEM_SHARED((N_PAD, D), jnp.float32),
        ] + [pltpu.SemaphoreType.DMA] * 6,
    )
    return run(x, edges)


RB = 5000
NTB = N_NODES // RB


def _tc_body(x_ref, agg_ref, batch_ref, w1_ref, b1_ref, w2_ref, b2_ref,
             w3_ref, b3_ref, gamma_ref, beta_ref, out_ref,
             h_scr, sums, sumsq, stats):
    p = pl.program_id(0)
    i = pl.program_id(1)

    @pl.when(p == 0)
    def _mlp_pass():
        hb = x_ref[...] + agg_ref[0] + agg_ref[1]
        hb = jnp.maximum(jnp.dot(hb, w1_ref[...],
                                 preferred_element_type=jnp.float32)
                         + b1_ref[...], 0.0)
        hb = jnp.maximum(jnp.dot(hb, w2_ref[...],
                                 preferred_element_type=jnp.float32)
                         + b2_ref[...], 0.0)
        hb = jnp.dot(hb, w3_ref[...],
                     preferred_element_type=jnp.float32) + b3_ref[...]
        hb = jnp.maximum(hb, 0.0)
        h_scr[pl.ds(i * RB, RB), :] = hb

        @pl.when(i == 0)
        def _():
            sums[...] = jnp.zeros((1, D), jnp.float32)
            sumsq[...] = jnp.zeros((1, D), jnp.float32)

        sums[...] += jnp.sum(hb, axis=0, keepdims=True)
        sumsq[...] += jnp.sum(hb * hb, axis=0, keepdims=True)

    @pl.when(p == 1)
    def _pool_pass():
        @pl.when(i == 0)
        def _():
            mean = sums[...] / N_NODES
            var = sumsq[...] / N_NODES - mean * mean
            stats[0:1, :] = mean
            stats[1:2, :] = jax.lax.rsqrt(var + 1e-5)
            out_ref[...] = jnp.zeros((N_GRAPHS, D), jnp.float32)

        hb = h_scr[pl.ds(i * RB, RB), :]
        hn = ((hb - stats[0:1, :]) * stats[1:2, :] * gamma_ref[...]
              + beta_ref[...])
        onehot = (batch_ref[...] ==
                  lax.broadcasted_iota(jnp.int32, (RB, N_GRAPHS), 1)
                  ).astype(jnp.float32)
        out_ref[...] += lax.dot_general(
            onehot, hn, (((0,), (0,)), ((), ())),
            preferred_element_type=jnp.float32)


def _tc_tail(x, agg, batch2d, W1, b1, W2, b2, W3, b3, gamma, beta):
    wspec = pl.BlockSpec((D, D), lambda p, i: (0, 0))
    bspec = pl.BlockSpec((1, D), lambda p, i: (0, 0))
    return pl.pallas_call(
        _tc_body,
        out_shape=jax.ShapeDtypeStruct((N_GRAPHS, D), jnp.float32),
        grid=(2, NTB),
        in_specs=[
            pl.BlockSpec((RB, D), lambda p, i: (i * (1 - p), 0)),
            pl.BlockSpec((NC, RB, D), lambda p, i: (0, i * (1 - p), 0)),
            pl.BlockSpec((RB, 1), lambda p, i: (i * p, 0)),
            wspec, bspec, wspec, bspec, wspec, bspec, bspec, bspec,
        ],
        out_specs=pl.BlockSpec((N_GRAPHS, D), lambda p, i: (0, 0)),
        scratch_shapes=[
            pltpu.VMEM((N_NODES, D), jnp.float32),
            pltpu.VMEM((1, D), jnp.float32),
            pltpu.VMEM((1, D), jnp.float32),
            pltpu.VMEM((2, D), jnp.float32),
        ],
    )(x, agg, batch2d, W1, b1, W2, b2, W3, b3, gamma, beta)


@jax.jit
def kernel(x, edge_index, batch, W1, b1, W2, b2, W3, b3, gamma, beta):
    edges = edge_index.astype(jnp.int32).reshape(2, NC, NS, NBLK, BLK, CHUNK)
    agg = _sc_aggregate(x, edges)
    batch2d = batch.astype(jnp.int32).reshape(N_NODES, 1)
    return _tc_tail(x, agg, batch2d,
                    W1, b1.reshape(1, D), W2, b2.reshape(1, D),
                    W3, b3.reshape(1, D), gamma.reshape(1, D),
                    beta.reshape(1, D))

# --- scband reference (transcript-rebuilt; emitter-appended) ---
"""Pipeline reference for scband-gin-net-1039382085872 (READ-ONLY COPY).

The authoritative reference and input builder live on the scoring server;
editing this copy changes nothing except your own understanding.
"""

import jax, jax.numpy as jnp
import numpy as np

N_NODES = 10000
N_EDGES = 320000
D = 128
N_GRAPHS = 256

def setup_inputs(seed: int = 0) -> dict:
    key = jax.random.key(seed)
    ks = jax.random.split(key, 12)
    x = jax.random.normal(ks[0], (N_NODES, D), dtype=jnp.float32)
    edge_index = jax.random.randint(ks[1], (2, N_EDGES), 0, N_NODES, dtype=jnp.int64)
    batch = jnp.sort(jax.random.randint(ks[2], (N_NODES,), 0, N_GRAPHS, dtype=jnp.int64))
    s = 1.0 / np.sqrt(D)
    W1 = jax.random.uniform(ks[3], (D, D), dtype=jnp.float32, minval=-s, maxval=s)
    b1 = jax.random.uniform(ks[4], (D,), dtype=jnp.float32, minval=-s, maxval=s)
    W2 = jax.random.uniform(ks[5], (D, D), dtype=jnp.float32, minval=-s, maxval=s)
    b2 = jax.random.uniform(ks[6], (D,), dtype=jnp.float32, minval=-s, maxval=s)
    W3 = jax.random.uniform(ks[7], (D, D), dtype=jnp.float32, minval=-s, maxval=s)
    b3 = jax.random.uniform(ks[8], (D,), dtype=jnp.float32, minval=-s, maxval=s)
    gamma = jnp.ones((D,), dtype=jnp.float32)
    beta = jnp.zeros((D,), dtype=jnp.float32)
    return {"x": x, "edge_index": edge_index, "batch": batch,
            "W1": W1, "b1": b1, "W2": W2, "b2": b2, "W3": W3, "b3": b3,
            "gamma": gamma, "beta": beta}

def reference(x, edge_index, batch, W1, b1, W2, b2, W3, b3, gamma, beta):
    # GINConv with eps=0: h_i = MLP((1+eps)*x_i + sum_{j->i} x_j)
    src = edge_index[0]
    dst = edge_index[1]
    agg = jnp.zeros_like(x).at[dst].add(x[src])
    h = x + agg
    # MLP: Linear-ReLU-Linear-ReLU-Linear
    h = jnp.maximum(h @ W1 + b1, 0.0)
    h = jnp.maximum(h @ W2 + b2, 0.0)
    h = h @ W3 + b3
    # outer relu
    h = jnp.maximum(h, 0.0)
    # BatchNorm1d (training mode: batch statistics, biased variance)
    mean = jnp.mean(h, axis=0)
    var = jnp.mean((h - mean) ** 2, axis=0)
    h = (h - mean) / jnp.sqrt(var + 1e-5) * gamma + beta
    # global_add_pool: segment sum over graph ids
    out = jax.ops.segment_sum(h, batch, num_segments=N_GRAPHS)
    return out

if __name__ == "__main__":
    import jax
    _d = setup_inputs()
    print(jax.jit(kernel)(*tuple(_d.values())))

</pallas_src>

<mosaic_0001>
#map = affine_map<(d0, d1) -> (0, 0)>
#map1 = affine_map<(d0, d1) -> (0, 0, 0, 0, 0, 0)>
#map2 = affine_map<(d0, d1) -> (0, 0, 0)>
module attributes {stable_mosaic.version = 14 : i64} {
  func.func @_sc_agg_kernel(%arg0: i32, %arg1: i32, %arg2: memref<10000x128xf32, #tpu.memory_space<hbm>>, %arg3: memref<2x2x16x8x10x125xi32, #tpu.memory_space<hbm>>, %arg4: memref<2x10240x128xf32, #tpu.memory_space<hbm>>, %arg5: memref<10x125xi32, #tpu.memory_space<vmem>>, %arg6: memref<10x125xi32, #tpu.memory_space<vmem>>, %arg7: memref<10x125xi32, #tpu.memory_space<vmem>>, %arg8: memref<10x125xi32, #tpu.memory_space<vmem>>, %arg9: memref<125x128xf32, #tpu.memory_space<vmem>>, %arg10: memref<125x128xf32, #tpu.memory_space<vmem>>, %arg11: memref<64x128xf32, #tpu.memory_space<vmem>>, %arg12: memref<10240x128xf32, #tpu.memory_space<vmem_shared>>, %arg13: memref<!tpu.dma_semaphore, #tpu.memory_space<semaphore_mem>>, %arg14: memref<!tpu.dma_semaphore, #tpu.memory_space<semaphore_mem>>, %arg15: memref<!tpu.dma_semaphore, #tpu.memory_space<semaphore_mem>>, %arg16: memref<!tpu.dma_semaphore, #tpu.memory_space<semaphore_mem>>, %arg17: memref<!tpu.dma_semaphore, #tpu.memory_space<semaphore_mem>>, %arg18: memref<!tpu.dma_semaphore, #tpu.memory_space<semaphore_mem>>) attributes {dimension_semantics = [#tpu.dimension_semantics<core_parallel>, #tpu.dimension_semantics<subcore_parallel>], iteration_bounds = array<i64: 2, 16>, scalar_prefetch = 0 : i64, scratch_operands = 14 : i64, tpu.core_type = #tpu.core_type<sc_vector_subcore>, window_params = [{transform_indices = #map}, {transform_indices = #map1}, {transform_indices = #map2}]} {
    %mul3A = arith.constant 640 : i32
    %mul3A_0 = arith.muli %arg1, %mul3A : i32
    %dma_start3A = arith.constant 0 : i32
    %dma_start3A_1 = arith.constant 0 : i32
    %dma_start3A_2 = arith.constant 0 : i32
    %dma_start3A_3 = arith.constant 0 : i32
    %dma_start3A_4 = tpu.memref_slice %arg3[%dma_start3A, %arg0, %arg1, %dma_start3A_1, %dma_start3A_2, %dma_start3A_3] : memref<2x2x16x8x10x125xi32, #tpu.memory_space<hbm>> -> memref<1x1x1x1x10x125xi32, #tpu.memory_space<hbm>>
    %dma_start3A_5 = tpu.memref_squeeze %dma_start3A_4 : memref<1x1x1x1x10x125xi32, #tpu.memory_space<hbm>> -> memref<10x125xi32, #tpu.memory_space<hbm>>
    %dma_start3A_6 = arith.constant 0 : i32
    %dma_start3A_7 = arith.constant 0 : i32
    %dma_start3A_8 = tpu.memref_slice %arg3[%dma_start3A, %arg0, %arg1, %dma_start3A_1, %dma_start3A_6, %dma_start3A_7] : memref<2x2x16x8x10x125xi32, #tpu.memory_space<hbm>> -> memref<1x1x1x1x10x125xi32, #tpu.memory_space<hbm>>
    %dma_start3A_9 = tpu.memref_squeeze %dma_start3A_8 : memref<1x1x1x1x10x125xi32, #tpu.memory_space<hbm>> -> memref<10x125xi32, #tpu.memory_space<hbm>>
    tpu.enqueue_dma source(%dma_start3A_9 : memref<10x125xi32, #tpu.memory_space<hbm>>) target(%arg5 : memref<10x125xi32, #tpu.memory_space<vmem>>) target_semaphore(%arg16 : memref<!tpu.dma_semaphore, #tpu.memory_space<semaphore_mem>>)
    %dma_start3A_10 = arith.constant 1 : i32
    %dma_start3A_11 = arith.constant 0 : i32
    %dma_start3A_12 = arith.constant 0 : i32
    %dma_start3A_13 = arith.constant 0 : i32
    %dma_start3A_14 = tpu.memref_slice %arg3[%dma_start3A_10, %arg0, %arg1, %dma_start3A_11, %dma_start3A_12, %dma_start3A_13] : memref<2x2x16x8x10x125xi32, #tpu.memory_space<hbm>> -> memref<1x1x1x1x10x125xi32, #tpu.memory_space<hbm>>
    %dma_start3A_15 = tpu.memref_squeeze %dma_start3A_14 : memref<1x1x1x1x10x125xi32, #tpu.memory_space<hbm>> -> memref<10x125xi32, #tpu.memory_space<hbm>>
    %dma_start3A_16 = arith.constant 0 : i32
    %dma_start3A_17 = arith.constant 0 : i32
    %dma_start3A_18 = tpu.memref_slice %arg3[%dma_start3A_10, %arg0, %arg1, %dma_start3A_11, %dma_start3A_16, %dma_start3A_17] : memref<2x2x16x8x10x125xi32, #tpu.memory_space<hbm>> -> memref<1x1x1x1x10x125xi32, #tpu.memory_space<hbm>>
    %dma_start3A_19 = tpu.memref_squeeze %dma_start3A_18 : memref<1x1x1x1x10x125xi32, #tpu.memory_space<hbm>> -> memref<10x125xi32, #tpu.memory_space<hbm>>
    tpu.enqueue_dma source(%dma_start3A_19 : memref<10x125xi32, #tpu.memory_space<hbm>>) target(%arg6 : memref<10x125xi32, #tpu.memory_space<vmem>>) target_semaphore(%arg16 : memref<!tpu.dma_semaphore, #tpu.memory_space<semaphore_mem>>)
    %broadcast_in_dim3A = arith.constant 0.000000e+00 : f32
    %broadcast_in_dim3A_20 = vector.broadcast %broadcast_in_dim3A : f32 to vector<16xf32>
    %scan3A = arith.constant 0 : i32
    %scan3A_21 = arith.constant 0 : i32
    %scan3A_22 = arith.constant 512 : i32
    %scan3A_23 = arith.addi %scan3A_21, %scan3A_22 : i32
    %scan3A_24 = arith.constant 1 : i32
    %scan3A_25 = scf.for %scan3A_263 = %scan3A_21 to %scan3A_23 step %scan3A_24 iter_args(%scan3A_264 = %scan3A) -> (i32)  : i32 {
      %jit3A = arith.constant 8 : i32
      %div3A = arith.divsi %scan3A_263, %jit3A : i32
      %sign3A = arith.constant 0 : i32
      %sign3A_265 = arith.cmpi sgt, %scan3A_263, %sign3A : i32
      %sign3A_266 = arith.extui %sign3A_265 : i1 to i32
      %sign3A_267 = arith.constant 0 : i32
      %sign3A_268 = arith.cmpi slt, %scan3A_263, %sign3A_267 : i32
      %sign3A_269 = arith.extui %sign3A_268 : i1 to i32
      %sign3A_270 = arith.subi %sign3A_266, %sign3A_269 : i32
      %sign3A_271 = arith.constant 0 : i32
      %sign3A_272 = arith.cmpi sgt, %jit3A, %sign3A_271 : i32
      %sign3A_273 = arith.extui %sign3A_272 : i1 to i32
      %sign3A_274 = arith.constant 0 : i32
      %sign3A_275 = arith.cmpi slt, %jit3A, %sign3A_274 : i32
      %sign3A_276 = arith.extui %sign3A_275 : i1 to i32
      %sign3A_277 = arith.subi %sign3A_273, %sign3A_276 : i32
      %ne3A = arith.cmpi ne, %sign3A_270, %sign3A_277 : i32
      %rem3A = arith.remsi %scan3A_263, %jit3A : i32
      %ne3A_278 = arith.constant 0 : i32
      %ne3A_279 = arith.cmpi ne, %rem3A, %ne3A_278 : i32
      %and3A = arith.andi %ne3A, %ne3A_279 : i1
      %sub3A = arith.constant 1 : i32
      %sub3A_280 = arith.subi %div3A, %sub3A : i32
      %select_n3A = arith.select %and3A, %sub3A_280, %div3A : i32
      %jit3A_281 = arith.constant 8 : i32
      %eq3A = arith.constant 0 : i32
      %eq3A_282 = arith.cmpi eq, %jit3A_281, %eq3A : i32
      %jit3A_283 = arith.constant 1 : i32
      %select_n3A_284 = arith.select %eq3A_282, %jit3A_283, %jit3A_281 : i32
      %rem3A_285 = arith.remsi %scan3A_263, %select_n3A_284 : i32
      %ne3A_286 = arith.constant 0 : i32
      %ne3A_287 = arith.cmpi ne, %rem3A_285, %ne3A_286 : i32
      %lt3A = arith.constant 0 : i32
      %lt3A_288 = arith.cmpi slt, %rem3A_285, %lt3A : i32
      %lt3A_289 = arith.constant 0 : i32
      %lt3A_290 = arith.cmpi slt, %select_n3A_284, %lt3A_289 : i32
      %ne3A_291 = arith.xori %lt3A_288, %lt3A_290 : i1
      %and3A_292 = arith.andi %ne3A_291, %ne3A_287 : i1
      %add3A_293 = arith.addi %rem3A_285, %select_n3A_284 : i32
      %select_n3A_294 = arith.select %and3A_292, %add3A_293, %rem3A_285 : i32
      %mul3A_295 = arith.constant 16 : i32
      %mul3A_296 = arith.muli %select_n3A_294, %mul3A_295 : i32
      %swap3A = arith.index_cast %select_n3A : i32 to index
      %swap3A_297 = arith.index_cast %mul3A_296 : i32 to index
      %swap3A_298 = tpu.vector_load %arg11[%swap3A, %swap3A_297] {strides = array<i32>} : memref<64x128xf32, #tpu.memory_space<vmem>>, vector<1x16xf32>,
      %swap3A_299 = vector.shape_cast %swap3A_298 : vector<1x16xf32> to vector<16xf32>
      %swap3A_300 = vector.shape_cast %broadcast_in_dim3A_20 : vector<16xf32> to vector<1x16xf32>
      tpu.vector_store %arg11[%swap3A, %swap3A_297], %swap3A_300 {strides = array<i32>} : memref<64x128xf32, #tpu.memory_space<vmem>>, vector<1x16xf32>,
      %scan3A_301 = arith.constant 0 : i32
      scf.yield %scan3A_301 : i32
    }
    %scan3A_26 = arith.constant 512 : i32
    %add3A = arith.constant 0 : i32
    %add3A_27 = arith.addi %mul3A_0, %add3A : i32
    %dma_start3A_28 = arith.constant 0 : i32
    %dma_start3A_29 = tpu.memref_slice %arg12[%add3A_27, %dma_start3A_28] : memref<10240x128xf32, #tpu.memory_space<vmem_shared>> -> memref<64x128xf32, #tpu.memory_space<vmem_shared>>
    %dma_start3A_30 = arith.constant 0 : i32
    %dma_start3A_31 = tpu.memref_slice %arg12[%add3A_27, %dma_start3A_30] : memref<10240x128xf32, #tpu.memory_space<vmem_shared>> -> memref<64x128xf32, #tpu.memory_space<vmem_shared>>
    tpu.enqueue_dma source(%arg11 : memref<64x128xf32, #tpu.memory_space<vmem>>) target(%dma_start3A_31 : memref<64x128xf32, #tpu.memory_space<vmem_shared>>) target_semaphore(%arg18 : memref<!tpu.dma_semaphore, #tpu.memory_space<semaphore_mem>>)
    %add3A_32 = arith.constant 64 : i32
    %add3A_33 = arith.addi %mul3A_0, %add3A_32 : i32
    %dma_start3A_34 = arith.constant 0 : i32
    %dma_start3A_35 = tpu.memref_slice %arg12[%add3A_33, %dma_start3A_34] : memref<10240x128xf32, #tpu.memory_space<vmem_shared>> -> memref<64x128xf32, #tpu.memory_space<vmem_shared>>
    %dma_start3A_36 = arith.constant 0 : i32
    %dma_start3A_37 = tpu.memref_slice %arg12[%add3A_33, %dma_start3A_36] : memref<10240x128xf32, #tpu.memory_space<vmem_shared>> -> memref<64x128xf32, #tpu.memory_space<vmem_shared>>
    tpu.enqueue_dma source(%arg11 : memref<64x128xf32, #tpu.memory_space<vmem>>) target(%dma_start3A_37 : memref<64x128xf32, #tpu.memory_space<vmem_shared>>) target_semaphore(%arg18 : memref<!tpu.dma_semaphore, #tpu.memory_space<semaphore_mem>>)
    %add3A_38 = arith.constant 128 : i32
    %add3A_39 = arith.addi %mul3A_0, %add3A_38 : i32
    %dma_start3A_40 = arith.constant 0 : i32
    %dma_start3A_41 = tpu.memref_slice %arg12[%add3A_39, %dma_start3A_40] : memref<10240x128xf32, #tpu.memory_space<vmem_shared>> -> memref<64x128xf32, #tpu.memory_space<vmem_shared>>
    %dma_start3A_42 = arith.constant 0 : i32
    %dma_start3A_43 = tpu.memref_slice %arg12[%add3A_39, %dma_start3A_42] : memref<10240x128xf32, #tpu.memory_space<vmem_shared>> -> memref<64x128xf32, #tpu.memory_space<vmem_shared>>
    tpu.enqueue_dma source(%arg11 : memref<64x128xf32, #tpu.memory_space<vmem>>) target(%dma_start3A_43 : memref<64x128xf32, #tpu.memory_space<vmem_shared>>) target_semaphore(%arg18 : memref<!tpu.dma_semaphore, #tpu.memory_space<semaphore_mem>>)
    %add3A_44 = arith.constant 192 : i32
    %add3A_45 = arith.addi %mul3A_0, %add3A_44 : i32
    %dma_start3A_46 = arith.constant 0 : i32
    %dma_start3A_47 = tpu.memref_slice %arg12[%add3A_45, %dma_start3A_46] : memref<10240x128xf32, #tpu.memory_space<vmem_shared>> -> memref<64x128xf32, #tpu.memory_space<vmem_shared>>
    %dma_start3A_48 = arith.constant 0 : i32
    %dma_start3A_49 = tpu.memref_slice %arg12[%add3A_45, %dma_start3A_48] : memref<10240x128xf32, #tpu.memory_space<vmem_shared>> -> memref<64x128xf32, #tpu.memory_space<vmem_shared>>
    tpu.enqueue_dma source(%arg11 : memref<64x128xf32, #tpu.memory_space<vmem>>) target(%dma_start3A_49 : memref<64x128xf32, #tpu.memory_space<vmem_shared>>) target_semaphore(%arg18 : memref<!tpu.dma_semaphore, #tpu.memory_space<semaphore_mem>>)
    %add3A_50 = arith.constant 256 : i32
    %add3A_51 = arith.addi %mul3A_0, %add3A_50 : i32
    %dma_start3A_52 = arith.constant 0 : i32
    %dma_start3A_53 = tpu.memref_slice %arg12[%add3A_51, %dma_start3A_52] : memref<10240x128xf32, #tpu.memory_space<vmem_shared>> -> memref<64x128xf32, #tpu.memory_space<vmem_shared>>
    %dma_start3A_54 = arith.constant 0 : i32
    %dma_start3A_55 = tpu.memref_slice %arg12[%add3A_51, %dma_start3A_54] : memref<10240x128xf32, #tpu.memory_space<vmem_shared>> -> memref<64x128xf32, #tpu.memory_space<vmem_shared>>
    tpu.enqueue_dma source(%arg11 : memref<64x128xf32, #tpu.memory_space<vmem>>) target(%dma_start3A_55 : memref<64x128xf32, #tpu.memory_space<vmem_shared>>) target_semaphore(%arg18 : memref<!tpu.dma_semaphore, #tpu.memory_space<semaphore_mem>>)
    %add3A_56 = arith.constant 320 : i32
    %add3A_57 = arith.addi %mul3A_0, %add3A_56 : i32
    %dma_start3A_58 = arith.constant 0 : i32
    %dma_start3A_59 = tpu.memref_slice %arg12[%add3A_57, %dma_start3A_58] : memref<10240x128xf32, #tpu.memory_space<vmem_shared>> -> memref<64x128xf32, #tpu.memory_space<vmem_shared>>
    %dma_start3A_60 = arith.constant 0 : i32
    %dma_start3A_61 = tpu.memref_slice %arg12[%add3A_57, %dma_start3A_60] : memref<10240x128xf32, #tpu.memory_space<vmem_shared>> -> memref<64x128xf32, #tpu.memory_space<vmem_shared>>
    tpu.enqueue_dma source(%arg11 : memref<64x128xf32, #tpu.memory_space<vmem>>) target(%dma_start3A_61 : memref<64x128xf32, #tpu.memory_space<vmem_shared>>) target_semaphore(%arg18 : memref<!tpu.dma_semaphore, #tpu.memory_space<semaphore_mem>>)
    %add3A_62 = arith.constant 384 : i32
    %add3A_63 = arith.addi %mul3A_0, %add3A_62 : i32
    %dma_start3A_64 = arith.constant 0 : i32
    %dma_start3A_65 = tpu.memref_slice %arg12[%add3A_63, %dma_start3A_64] : memref<10240x128xf32, #tpu.memory_space<vmem_shared>> -> memref<64x128xf32, #tpu.memory_space<vmem_shared>>
    %dma_start3A_66 = arith.constant 0 : i32
    %dma_start3A_67 = tpu.memref_slice %arg12[%add3A_63, %dma_start3A_66] : memref<10240x128xf32, #tpu.memory_space<vmem_shared>> -> memref<64x128xf32, #tpu.memory_space<vmem_shared>>
    tpu.enqueue_dma source(%arg11 : memref<64x128xf32, #tpu.memory_space<vmem>>) target(%dma_start3A_67 : memref<64x128xf32, #tpu.memory_space<vmem_shared>>) target_semaphore(%arg18 : memref<!tpu.dma_semaphore, #tpu.memory_space<semaphore_mem>>)
    %add3A_68 = arith.constant 448 : i32
    %add3A_69 = arith.addi %mul3A_0, %add3A_68 : i32
    %dma_start3A_70 = arith.constant 0 : i32
    %dma_start3A_71 = tpu.memref_slice %arg12[%add3A_69, %dma_start3A_70] : memref<10240x128xf32, #tpu.memory_space<vmem_shared>> -> memref<64x128xf32, #tpu.memory_space<vmem_shared>>
    %dma_start3A_72 = arith.constant 0 : i32
    %dma_start3A_73 = tpu.memref_slice %arg12[%add3A_69, %dma_start3A_72] : memref<10240x128xf32, #tpu.memory_space<vmem_shared>> -> memref<64x128xf32, #tpu.memory_space<vmem_shared>>
    tpu.enqueue_dma source(%arg11 : memref<64x128xf32, #tpu.memory_space<vmem>>) target(%dma_start3A_73 : memref<64x128xf32, #tpu.memory_space<vmem_shared>>) target_semaphore(%arg18 : memref<!tpu.dma_semaphore, #tpu.memory_space<semaphore_mem>>)
    %add3A_74 = arith.constant 512 : i32
    %add3A_75 = arith.addi %mul3A_0, %add3A_74 : i32
    %dma_start3A_76 = arith.constant 0 : i32
    %dma_start3A_77 = tpu.memref_slice %arg12[%add3A_75, %dma_start3A_76] : memref<10240x128xf32, #tpu.memory_space<vmem_shared>> -> memref<64x128xf32, #tpu.memory_space<vmem_shared>>
    %dma_start3A_78 = arith.constant 0 : i32
    %dma_start3A_79 = tpu.memref_slice %arg12[%add3A_75, %dma_start3A_78] : memref<10240x128xf32, #tpu.memory_space<vmem_shared>> -> memref<64x128xf32, #tpu.memory_space<vmem_shared>>
    tpu.enqueue_dma source(%arg11 : memref<64x128xf32, #tpu.memory_space<vmem>>) target(%dma_start3A_79 : memref<64x128xf32, #tpu.memory_space<vmem_shared>>) target_semaphore(%arg18 : memref<!tpu.dma_semaphore, #tpu.memory_space<semaphore_mem>>)
    %add3A_80 = arith.constant 576 : i32
    %add3A_81 = arith.addi %mul3A_0, %add3A_80 : i32
    %dma_start3A_82 = arith.constant 0 : i32
    %dma_start3A_83 = tpu.memref_slice %arg12[%add3A_81, %dma_start3A_82] : memref<10240x128xf32, #tpu.memory_space<vmem_shared>> -> memref<64x128xf32, #tpu.memory_space<vmem_shared>>
    %dma_start3A_84 = arith.constant 0 : i32
    %dma_start3A_85 = tpu.memref_slice %arg12[%add3A_81, %dma_start3A_84] : memref<10240x128xf32, #tpu.memory_space<vmem_shared>> -> memref<64x128xf32, #tpu.memory_space<vmem_shared>>
    tpu.enqueue_dma source(%arg11 : memref<64x128xf32, #tpu.memory_space<vmem>>) target(%dma_start3A_85 : memref<64x128xf32, #tpu.memory_space<vmem_shared>>) target_semaphore(%arg18 : memref<!tpu.dma_semaphore, #tpu.memory_space<semaphore_mem>>)
    %add3A_86 = arith.constant 0 : i32
    %add3A_87 = arith.addi %mul3A_0, %add3A_86 : i32
    %dma_wait3A = arith.constant 0 : i32
    %dma_wait3A_88 = tpu.memref_slice %arg12[%add3A_87, %dma_wait3A] : memref<10240x128xf32, #tpu.memory_space<vmem_shared>> -> memref<64x128xf32, #tpu.memory_space<vmem_shared>>
    %dma_wait3A_89 = arith.constant 0 : i32
    %dma_wait3A_90 = tpu.memref_slice %arg12[%add3A_87, %dma_wait3A_89] : memref<10240x128xf32, #tpu.memory_space<vmem_shared>> -> memref<64x128xf32, #tpu.memory_space<vmem_shared>>
    tpu.wait_dma2 semaphore(%arg18 : memref<!tpu.dma_semaphore, #tpu.memory_space<semaphore_mem>>) src(%arg11 : memref<64x128xf32, #tpu.memory_space<vmem>>) dst(%dma_wait3A_90 : memref<64x128xf32, #tpu.memory_space<vmem_shared>>)
    %add3A_91 = arith.constant 64 : i32
    %add3A_92 = arith.addi %mul3A_0, %add3A_91 : i32
    %dma_wait3A_93 = arith.constant 0 : i32
    %dma_wait3A_94 = tpu.memref_slice %arg12[%add3A_92, %dma_wait3A_93] : memref<10240x128xf32, #tpu.memory_space<vmem_shared>> -> memref<64x128xf32, #tpu.memory_space<vmem_shared>>
    %dma_wait3A_95 = arith.constant 0 : i32
    %dma_wait3A_96 = tpu.memref_slice %arg12[%add3A_92, %dma_wait3A_95] : memref<10240x128xf32, #tpu.memory_space<vmem_shared>> -> memref<64x128xf32, #tpu.memory_space<vmem_shared>>
    tpu.wait_dma2 semaphore(%arg18 : memref<!tpu.dma_semaphore, #tpu.memory_space<semaphore_mem>>) src(%arg11 : memref<64x128xf32, #tpu.memory_space<vmem>>) dst(%dma_wait3A_96 : memref<64x128xf32, #tpu.memory_space<vmem_shared>>)
    %add3A_97 = arith.constant 128 : i32
    %add3A_98 = arith.addi %mul3A_0, %add3A_97 : i32
    %dma_wait3A_99 = arith.constant 0 : i32
    %dma_wait3A_100 = tpu.memref_slice %arg12[%add3A_98, %dma_wait3A_99] : memref<10240x128xf32, #tpu.memory_space<vmem_shared>> -> memref<64x128xf32, #tpu.memory_space<vmem_shared>>
    %dma_wait3A_101 = arith.constant 0 : i32
    %dma_wait3A_102 = tpu.memref_slice %arg12[%add3A_98, %dma_wait3A_101] : memref<10240x128xf32, #tpu.memory_space<vmem_shared>> -> memref<64x128xf32, #tpu.memory_space<vmem_shared>>
    tpu.wait_dma2 semaphore(%arg18 : memref<!tpu.dma_semaphore, #tpu.memory_space<semaphore_mem>>) src(%arg11 : memref<64x128xf32, #tpu.memory_space<vmem>>) dst(%dma_wait3A_102 : memref<64x128xf32, #tpu.memory_space<vmem_shared>>)
    %add3A_103 = arith.constant 192 : i32
    %add3A_104 = arith.addi %mul3A_0, %add3A_103 : i32
    %dma_wait3A_105 = arith.constant 0 : i32
    %dma_wait3A_106 = tpu.memref_slice %arg12[%add3A_104, %dma_wait3A_105] : memref<10240x128xf32, #tpu.memory_space<vmem_shared>> -> memref<64x128xf32, #tpu.memory_space<vmem_shared>>
    %dma_wait3A_107 = arith.constant 0 : i32
    %dma_wait3A_108 = tpu.memref_slice %arg12[%add3A_104, %dma_wait3A_107] : memref<10240x128xf32, #tpu.memory_space<vmem_shared>> -> memref<64x128xf32, #tpu.memory_space<vmem_shared>>
    tpu.wait_dma2 semaphore(%arg18 : memref<!tpu.dma_semaphore, #tpu.memory_space<semaphore_mem>>) src(%arg11 : memref<64x128xf32, #tpu.memory_space<vmem>>) dst(%dma_wait3A_108 : memref<64x128xf32, #tpu.memory_space<vmem_shared>>)
    %add3A_109 = arith.constant 256 : i32
    %add3A_110 = arith.addi %mul3A_0, %add3A_109 : i32
    %dma_wait3A_111 = arith.constant 0 : i32
    %dma_wait3A_112 = tpu.memref_slice %arg12[%add3A_110, %dma_wait3A_111] : memref<10240x128xf32, #tpu.memory_space<vmem_shared>> -> memref<64x128xf32, #tpu.memory_space<vmem_shared>>
    %dma_wait3A_113 = arith.constant 0 : i32
    %dma_wait3A_114 = tpu.memref_slice %arg12[%add3A_110, %dma_wait3A_113] : memref<10240x128xf32, #tpu.memory_space<vmem_shared>> -> memref<64x128xf32, #tpu.memory_space<vmem_shared>>
    tpu.wait_dma2 semaphore(%arg18 : memref<!tpu.dma_semaphore, #tpu.memory_space<semaphore_mem>>) src(%arg11 : memref<64x128xf32, #tpu.memory_space<vmem>>) dst(%dma_wait3A_114 : memref<64x128xf32, #tpu.memory_space<vmem_shared>>)
    %add3A_115 = arith.constant 320 : i32
    %add3A_116 = arith.addi %mul3A_0, %add3A_115 : i32
    %dma_wait3A_117 = arith.constant 0 : i32
    %dma_wait3A_118 = tpu.memref_slice %arg12[%add3A_116, %dma_wait3A_117] : memref<10240x128xf32, #tpu.memory_space<vmem_shared>> -> memref<64x128xf32, #tpu.memory_space<vmem_shared>>
    %dma_wait3A_119 = arith.constant 0 : i32
    %dma_wait3A_120 = tpu.memref_slice %arg12[%add3A_116, %dma_wait3A_119] : memref<10240x128xf32, #tpu.memory_space<vmem_shared>> -> memref<64x128xf32, #tpu.memory_space<vmem_shared>>
    tpu.wait_dma2 semaphore(%arg18 : memref<!tpu.dma_semaphore, #tpu.memory_space<semaphore_mem>>) src(%arg11 : memref<64x128xf32, #tpu.memory_space<vmem>>) dst(%dma_wait3A_120 : memref<64x128xf32, #tpu.memory_space<vmem_shared>>)
    %add3A_121 = arith.constant 384 : i32
    %add3A_122 = arith.addi %mul3A_0, %add3A_121 : i32
    %dma_wait3A_123 = arith.constant 0 : i32
    %dma_wait3A_124 = tpu.memref_slice %arg12[%add3A_122, %dma_wait3A_123] : memref<10240x128xf32, #tpu.memory_space<vmem_shared>> -> memref<64x128xf32, #tpu.memory_space<vmem_shared>>
    %dma_wait3A_125 = arith.constant 0 : i32
    %dma_wait3A_126 = tpu.memref_slice %arg12[%add3A_122, %dma_wait3A_125] : memref<10240x128xf32, #tpu.memory_space<vmem_shared>> -> memref<64x128xf32, #tpu.memory_space<vmem_shared>>
    tpu.wait_dma2 semaphore(%arg18 : memref<!tpu.dma_semaphore, #tpu.memory_space<semaphore_mem>>) src(%arg11 : memref<64x128xf32, #tpu.memory_space<vmem>>) dst(%dma_wait3A_126 : memref<64x128xf32, #tpu.memory_space<vmem_shared>>)
    %add3A_127 = arith.constant 448 : i32
    %add3A_128 = arith.addi %mul3A_0, %add3A_127 : i32
    %dma_wait3A_129 = arith.constant 0 : i32
    %dma_wait3A_130 = tpu.memref_slice %arg12[%add3A_128, %dma_wait3A_129] : memref<10240x128xf32, #tpu.memory_space<vmem_shared>> -> memref<64x128xf32, #tpu.memory_space<vmem_shared>>
    %dma_wait3A_131 = arith.constant 0 : i32
    %dma_wait3A_132 = tpu.memref_slice %arg12[%add3A_128, %dma_wait3A_131] : memref<10240x128xf32, #tpu.memory_space<vmem_shared>> -> memref<64x128xf32, #tpu.memory_space<vmem_shared>>
    tpu.wait_dma2 semaphore(%arg18 : memref<!tpu.dma_semaphore, #tpu.memory_space<semaphore_mem>>) src(%arg11 : memref<64x128xf32, #tpu.memory_space<vmem>>) dst(%dma_wait3A_132 : memref<64x128xf32, #tpu.memory_space<vmem_shared>>)
    %add3A_133 = arith.constant 512 : i32
    %add3A_134 = arith.addi %mul3A_0, %add3A_133 : i32
    %dma_wait3A_135 = arith.constant 0 : i32
    %dma_wait3A_136 = tpu.memref_slice %arg12[%add3A_134, %dma_wait3A_135] : memref<10240x128xf32, #tpu.memory_space<vmem_shared>> -> memref<64x128xf32, #tpu.memory_space<vmem_shared>>
    %dma_wait3A_137 = arith.constant 0 : i32
    %dma_wait3A_138 = tpu.memref_slice %arg12[%add3A_134, %dma_wait3A_137] : memref<10240x128xf32, #tpu.memory_space<vmem_shared>> -> memref<64x128xf32, #tpu.memory_space<vmem_shared>>
    tpu.wait_dma2 semaphore(%arg18 : memref<!tpu.dma_semaphore, #tpu.memory_space<semaphore_mem>>) src(%arg11 : memref<64x128xf32, #tpu.memory_space<vmem>>) dst(%dma_wait3A_138 : memref<64x128xf32, #tpu.memory_space<vmem_shared>>)
    %add3A_139 = arith.constant 576 : i32
    %add3A_140 = arith.addi %mul3A_0, %add3A_139 : i32
    %dma_wait3A_141 = arith.constant 0 : i32
    %dma_wait3A_142 = tpu.memref_slice %arg12[%add3A_140, %dma_wait3A_141] : memref<10240x128xf32, #tpu.memory_space<vmem_shared>> -> memref<64x128xf32, #tpu.memory_space<vmem_shared>>
    %dma_wait3A_143 = arith.constant 0 : i32
    %dma_wait3A_144 = tpu.memref_slice %arg12[%add3A_140, %dma_wait3A_143] : memref<10240x128xf32, #tpu.memory_space<vmem_shared>> -> memref<64x128xf32, #tpu.memory_space<vmem_shared>>
    tpu.wait_dma2 semaphore(%arg18 : memref<!tpu.dma_semaphore, #tpu.memory_space<semaphore_mem>>) src(%arg11 : memref<64x128xf32, #tpu.memory_space<vmem>>) dst(%dma_wait3A_144 : memref<64x128xf32, #tpu.memory_space<vmem_shared>>)
    %dma_wait3A_145 = arith.constant 0 : i32
    %dma_wait3A_146 = arith.constant 0 : i32
    %dma_wait3A_147 = arith.constant 0 : i32
    %dma_wait3A_148 = arith.constant 0 : i32
    %dma_wait3A_149 = tpu.memref_slice %arg3[%dma_wait3A_145, %arg0, %arg1, %dma_wait3A_146, %dma_wait3A_147, %dma_wait3A_148] : memref<2x2x16x8x10x125xi32, #tpu.memory_space<hbm>> -> memref<1x1x1x1x10x125xi32, #tpu.memory_space<hbm>>
    %dma_wait3A_150 = tpu.memref_squeeze %dma_wait3A_149 : memref<1x1x1x1x10x125xi32, #tpu.memory_space<hbm>> -> memref<10x125xi32, #tpu.memory_space<hbm>>
    %dma_wait3A_151 = arith.constant 0 : i32
    %dma_wait3A_152 = arith.constant 0 : i32
    %dma_wait3A_153 = tpu.memref_slice %arg3[%dma_wait3A_145, %arg0, %arg1, %dma_wait3A_146, %dma_wait3A_151, %dma_wait3A_152] : memref<2x2x16x8x10x125xi32, #tpu.memory_space<hbm>> -> memref<1x1x1x1x10x125xi32, #tpu.memory_space<hbm>>
    %dma_wait3A_154 = tpu.memref_squeeze %dma_wait3A_153 : memref<1x1x1x1x10x125xi32, #tpu.memory_space<hbm>> -> memref<10x125xi32, #tpu.memory_space<hbm>>
    tpu.wait_dma2 semaphore(%arg16 : memref<!tpu.dma_semaphore, #tpu.memory_space<semaphore_mem>>) src(%dma_wait3A_154 : memref<10x125xi32, #tpu.memory_space<hbm>>) dst(%arg5 : memref<10x125xi32, #tpu.memory_space<vmem>>)
    %dma_wait3A_155 = arith.constant 1 : i32
    %dma_wait3A_156 = arith.constant 0 : i32
    %dma_wait3A_157 = arith.constant 0 : i32
    %dma_wait3A_158 = arith.constant 0 : i32
    %dma_wait3A_159 = tpu.memref_slice %arg3[%dma_wait3A_155, %arg0, %arg1, %dma_wait3A_156, %dma_wait3A_157, %dma_wait3A_158] : memref<2x2x16x8x10x125xi32, #tpu.memory_space<hbm>> -> memref<1x1x1x1x10x125xi32, #tpu.memory_space<hbm>>
    %dma_wait3A_160 = tpu.memref_squeeze %dma_wait3A_159 : memref<1x1x1x1x10x125xi32, #tpu.memory_space<hbm>> -> memref<10x125xi32, #tpu.memory_space<hbm>>
    %dma_wait3A_161 = arith.constant 0 : i32
    %dma_wait3A_162 = arith.constant 0 : i32
    %dma_wait3A_163 = tpu.memref_slice %arg3[%dma_wait3A_155, %arg0, %arg1, %dma_wait3A_156, %dma_wait3A_161, %dma_wait3A_162] : memref<2x2x16x8x10x125xi32, #tpu.memory_space<hbm>> -> memref<1x1x1x1x10x125xi32, #tpu.memory_space<hbm>>
    %dma_wait3A_164 = tpu.memref_squeeze %dma_wait3A_163 : memref<1x1x1x1x10x125xi32, #tpu.memory_space<hbm>> -> memref<10x125xi32, #tpu.memory_space<hbm>>
    tpu.wait_dma2 semaphore(%arg16 : memref<!tpu.dma_semaphore, #tpu.memory_space<semaphore_mem>>) src(%dma_wait3A_164 : memref<10x125xi32, #tpu.memory_space<hbm>>) dst(%arg6 : memref<10x125xi32, #tpu.memory_space<vmem>>)
    %dma_start3A_165 = arith.constant 0 : i32
    %dma_start3A_166 = arith.constant 0 : i32
    %dma_start3A_167 = arith.constant 0 : i32
    %dma_start3A_168 = tpu.memref_slice %arg9[%dma_start3A_166, %dma_start3A_167] : memref<125x128xf32, #tpu.memory_space<vmem>> -> memref<32x128xf32, #tpu.memory_space<vmem>>
    %dma_start3A_169 = arith.constant 0 : i32
    %dma_start3A_170 = tpu.memref_slice %arg5[%dma_start3A_165, %dma_start3A_169] : memref<10x125xi32, #tpu.memory_space<vmem>> -> memref<1x32xi32, #tpu.memory_space<vmem>>
    %dma_start3A_171 = tpu.memref_squeeze %dma_start3A_170 : memref<1x32xi32, #tpu.memory_space<vmem>> -> memref<32xi32, #tpu.memory_space<vmem>>
    %dma_start3A_172 = arith.constant 0 : i32
    %dma_start3A_173 = arith.constant 0 : i32
    %dma_start3A_174 = tpu.memref_slice %arg2[%dma_start3A_172, %dma_start3A_173] : memref<10000x128xf32, #tpu.memory_space<hbm>> -> memref<10000x128xf32, #tpu.memory_space<hbm>>
    tpu.enqueue_indirect_dma source(%dma_start3A_174 : memref<10000x128xf32, #tpu.memory_space<hbm>>) target(%dma_start3A_168 : memref<32x128xf32, #tpu.memory_space<vmem>>) offsets(%dma_start3A_171 : memref<32xi32, #tpu.memory_space<vmem>>) semaphore(%arg13 : memref<!tpu.dma_semaphore, #tpu.memory_space<semaphore_mem>>)
    %dma_start3A_175 = arith.constant 0 : i32
    %dma_start3A_176 = arith.constant 32 : i32
    %dma_start3A_177 = arith.constant 0 : i32
    %dma_start3A_178 = tpu.memref_slice %arg9[%dma_start3A_176, %dma_start3A_177] : memref<125x128xf32, #tpu.memory_space<vmem>> -> memref<32x128xf32, #tpu.memory_space<vmem>>
    %dma_start3A_179 = arith.constant 32 : i32
    %dma_start3A_180 = tpu.memref_slice %arg5[%dma_start3A_175, %dma_start3A_179] : memref<10x125xi32, #tpu.memory_space<vmem>> -> memref<1x32xi32, #tpu.memory_space<vmem>>
    %dma_start3A_181 = tpu.memref_squeeze %dma_start3A_180 : memref<1x32xi32, #tpu.memory_space<vmem>> -> memref<32xi32, #tpu.memory_space<vmem>>
    %dma_start3A_182 = arith.constant 0 : i32
    %dma_start3A_183 = arith.constant 0 : i32
    %dma_start3A_184 = tpu.memref_slice %arg2[%dma_start3A_182, %dma_start3A_183] : memref<10000x128xf32, #tpu.memory_space<hbm>> -> memref<10000x128xf32, #tpu.memory_space<hbm>>
    tpu.enqueue_indirect_dma source(%dma_start3A_184 : memref<10000x128xf32, #tpu.memory_space<hbm>>) target(%dma_start3A_178 : memref<32x128xf32, #tpu.memory_space<vmem>>) offsets(%dma_start3A_181 : memref<32xi32, #tpu.memory_space<vmem>>) semaphore(%arg13 : memref<!tpu.dma_semaphore, #tpu.memory_space<semaphore_mem>>)
    %dma_start3A_185 = arith.constant 0 : i32
    %dma_start3A_186 = arith.constant 64 : i32
    %dma_start3A_187 = arith.constant 0 : i32
    %dma_start3A_188 = tpu.memref_slice %arg9[%dma_start3A_186, %dma_start3A_187] : memref<125x128xf32, #tpu.memory_space<vmem>> -> memref<32x128xf32, #tpu.memory_space<vmem>>
    %dma_start3A_189 = arith.constant 64 : i32
    %dma_start3A_190 = tpu.memref_slice %arg5[%dma_start3A_185, %dma_start3A_189] : memref<10x125xi32, #tpu.memory_space<vmem>> -> memref<1x32xi32, #tpu.memory_space<vmem>>
    %dma_start3A_191 = tpu.memref_squeeze %dma_start3A_190 : memref<1x32xi32, #tpu.memory_space<vmem>> -> memref<32xi32, #tpu.memory_space<vmem>>
    %dma_start3A_192 = arith.constant 0 : i32
    %dma_start3A_193 = arith.constant 0 : i32
    %dma_start3A_194 = tpu.memref_slice %arg2[%dma_start3A_192, %dma_start3A_193] : memref<10000x128xf32, #tpu.memory_space<hbm>> -> memref<10000x128xf32, #tpu.memory_space<hbm>>
    tpu.enqueue_indirect_dma source(%dma_start3A_194 : memref<10000x128xf32, #tpu.memory_space<hbm>>) target(%dma_start3A_188 : memref<32x128xf32, #tpu.memory_space<vmem>>) offsets(%dma_start3A_191 : memref<32xi32, #tpu.memory_space<vmem>>) semaphore(%arg13 : memref<!tpu.dma_semaphore, #tpu.memory_space<semaphore_mem>>)
    %dma_start3A_195 = arith.constant 0 : i32
    %dma_start3A_196 = arith.constant 96 : i32
    %dma_start3A_197 = arith.constant 0 : i32
    %dma_start3A_198 = tpu.memref_slice %arg9[%dma_start3A_196, %dma_start3A_197] : memref<125x128xf32, #tpu.memory_space<vmem>> -> memref<29x128xf32, #tpu.memory_space<vmem>>
    %dma_start3A_199 = arith.constant 96 : i32
    %dma_start3A_200 = tpu.memref_slice %arg5[%dma_start3A_195, %dma_start3A_199] : memref<10x125xi32, #tpu.memory_space<vmem>> -> memref<1x29xi32, #tpu.memory_space<vmem>>
    %dma_start3A_201 = tpu.memref_squeeze %dma_start3A_200 : memref<1x29xi32, #tpu.memory_space<vmem>> -> memref<29xi32, #tpu.memory_space<vmem>>
    %dma_start3A_202 = arith.constant 0 : i32
    %dma_start3A_203 = arith.constant 0 : i32
    %dma_start3A_204 = tpu.memref_slice %arg2[%dma_start3A_202, %dma_start3A_203] : memref<10000x128xf32, #tpu.memory_space<hbm>> -> memref<10000x128xf32, #tpu.memory_space<hbm>>
    tpu.enqueue_indirect_dma source(%dma_start3A_204 : memref<10000x128xf32, #tpu.memory_space<hbm>>) target(%dma_start3A_198 : memref<29x128xf32, #tpu.memory_space<vmem>>) offsets(%dma_start3A_201 : memref<29xi32, #tpu.memory_space<vmem>>) semaphore(%arg13 : memref<!tpu.dma_semaphore, #tpu.memory_space<semaphore_mem>>)
    %dma_start3A_205 = arith.constant 1 : i32
    %dma_start3A_206 = arith.constant 0 : i32
    %dma_start3A_207 = arith.constant 0 : i32
    %dma_start3A_208 = tpu.memref_slice %arg10[%dma_start3A_206, %dma_start3A_207] : memref<125x128xf32, #tpu.memory_space<vmem>> -> memref<32x128xf32, #tpu.memory_space<vmem>>
    %dma_start3A_209 = arith.constant 0 : i32
    %dma_start3A_210 = tpu.memref_slice %arg5[%dma_start3A_205, %dma_start3A_209] : memref<10x125xi32, #tpu.memory_space<vmem>> -> memref<1x32xi32, #tpu.memory_space<vmem>>
    %dma_start3A_211 = tpu.memref_squeeze %dma_start3A_210 : memref<1x32xi32, #tpu.memory_space<vmem>> -> memref<32xi32, #tpu.memory_space<vmem>>
    %dma_start3A_212 = arith.constant 0 : i32
    %dma_start3A_213 = arith.constant 0 : i32
    %dma_start3A_214 = tpu.memref_slice %arg2[%dma_start3A_212, %dma_start3A_213] : memref<10000x128xf32, #tpu.memory_space<hbm>> -> memref<10000x128xf32, #tpu.memory_space<hbm>>
    tpu.enqueue_indirect_dma source(%dma_start3A_214 : memref<10000x128xf32, #tpu.memory_space<hbm>>) target(%dma_start3A_208 : memref<32x128xf32, #tpu.memory_space<vmem>>) offsets(%dma_start3A_211 : memref<32xi32, #tpu.memory_space<vmem>>) semaphore(%arg14 : memref<!tpu.dma_semaphore, #tpu.memory_space<semaphore_mem>>)
    %dma_start3A_215 = arith.constant 1 : i32
    %dma_start3A_216 = arith.constant 32 : i32
    %dma_start3A_217 = arith.constant 0 : i32
    %dma_start3A_218 = tpu.memref_slice %arg10[%dma_start3A_216, %dma_start3A_217] : memref<125x128xf32, #tpu.memory_space<vmem>> -> memref<32x128xf32, #tpu.memory_space<vmem>>
    %dma_start3A_219 = arith.constant 32 : i32
    %dma_start3A_220 = tpu.memref_slice %arg5[%dma_start3A_215, %dma_start3A_219] : memref<10x125xi32, #tpu.memory_space<vmem>> -> memref<1x32xi32, #tpu.memory_space<vmem>>
    %dma_start3A_221 = tpu.memref_squeeze %dma_start3A_220 : memref<1x32xi32, #tpu.memory_space<vmem>> -> memref<32xi32, #tpu.memory_space<vmem>>
    %dma_start3A_222 = arith.constant 0 : i32
    %dma_start3A_223 = arith.constant 0 : i32
    %dma_start3A_224 = tpu.memref_slice %arg2[%dma_start3A_222, %dma_start3A_223] : memref<10000x128xf32, #tpu.memory_space<hbm>> -> memref<10000x128xf32, #tpu.memory_space<hbm>>
    tpu.enqueue_indirect_dma source(%dma_start3A_224 : memref<10000x128xf32, #tpu.memory_space<hbm>>) target(%dma_start3A_218 : memref<32x128xf32, #tpu.memory_space<vmem>>) offsets(%dma_start3A_221 : memref<32xi32, #tpu.memory_space<vmem>>) semaphore(%arg14 : memref<!tpu.dma_semaphore, #tpu.memory_space<semaphore_mem>>)
    %dma_start3A_225 = arith.constant 1 : i32
    %dma_start3A_226 = arith.constant 64 : i32
    %dma_start3A_227 = arith.constant 0 : i32
    %dma_start3A_228 = tpu.memref_slice %arg10[%dma_start3A_226, %dma_start3A_227] : memref<125x128xf32, #tpu.memory_space<vmem>> -> memref<32x128xf32, #tpu.memory_space<vmem>>
    %dma_start3A_229 = arith.constant 64 : i32
    %dma_start3A_230 = tpu.memref_slice %arg5[%dma_start3A_225, %dma_start3A_229] : memref<10x125xi32, #tpu.memory_space<vmem>> -> memref<1x32xi32, #tpu.memory_space<vmem>>
    %dma_start3A_231 = tpu.memref_squeeze %dma_start3A_230 : memref<1x32xi32, #tpu.memory_space<vmem>> -> memref<32xi32, #tpu.memory_space<vmem>>
    %dma_start3A_232 = arith.constant 0 : i32
    %dma_start3A_233 = arith.constant 0 : i32
    %dma_start3A_234 = tpu.memref_slice %arg2[%dma_start3A_232, %dma_start3A_233] : memref<10000x128xf32, #tpu.memory_space<hbm>> -> memref<10000x128xf32, #tpu.memory_space<hbm>>
    tpu.enqueue_indirect_dma source(%dma_start3A_234 : memref<10000x128xf32, #tpu.memory_space<hbm>>) target(%dma_start3A_228 : memref<32x128xf32, #tpu.memory_space<vmem>>) offsets(%dma_start3A_231 : memref<32xi32, #tpu.memory_space<vmem>>) semaphore(%arg14 : memref<!tpu.dma_semaphore, #tpu.memory_space<semaphore_mem>>)
    %dma_start3A_235 = arith.constant 1 : i32
    %dma_start3A_236 = arith.constant 96 : i32
    %dma_start3A_237 = arith.constant 0 : i32
    %dma_start3A_238 = tpu.memref_slice %arg10[%dma_start3A_236, %dma_start3A_237] : memref<125x128xf32, #tpu.memory_space<vmem>> -> memref<29x128xf32, #tpu.memory_space<vmem>>
    %dma_start3A_239 = arith.constant 96 : i32
    %dma_start3A_240 = tpu.memref_slice %arg5[%dma_start3A_235, %dma_start3A_239] : memref<10x125xi32, #tpu.memory_space<vmem>> -> memref<1x29xi32, #tpu.memory_space<vmem>>
    %dma_start3A_241 = tpu.memref_squeeze %dma_start3A_240 : memref<1x29xi32, #tpu.memory_space<vmem>> -> memref<29xi32, #tpu.memory_space<vmem>>
    %dma_start3A_242 = arith.constant 0 : i32
    %dma_start3A_243 = arith.constant 0 : i32
    %dma_start3A_244 = tpu.memref_slice %arg2[%dma_start3A_242, %dma_start3A_243] : memref<10000x128xf32, #tpu.memory_space<hbm>> -> memref<10000x128xf32, #tpu.memory_space<hbm>>
    tpu.enqueue_indirect_dma source(%dma_start3A_244 : memref<10000x128xf32, #tpu.memory_space<hbm>>) target(%dma_start3A_238 : memref<29x128xf32, #tpu.memory_space<vmem>>) offsets(%dma_start3A_241 : memref<29xi32, #tpu.memory_space<vmem>>) semaphore(%arg14 : memref<!tpu.dma_semaphore, #tpu.memory_space<semaphore_mem>>)
    %barrier3A = arith.constant 0 : index
    tpu.barrier barrier_id(%barrier3A)
    %scan3A_245 = arith.constant 0 : i32
    %scan3A_246 = arith.constant 0 : i32
    %scan3A_247 = arith.constant 4 : i32
    %scan3A_248 = arith.addi %scan3A_246, %scan3A_247 : i32
    %scan3A_249 = arith.constant 1 : i32
    %scan3A_250 = scf.for %scan3A_263 = %scan3A_246 to %scan3A_248 step %scan3A_249 iter_args(%scan3A_264 = %scan3A_245) -> (i32)  : i32 {
      %mul3A_265 = arith.constant 20 : i32
      %mul3A_266 = arith.muli %mul3A_265, %scan3A_263 : i32
      %dma_wait3A_267 = arith.constant 0 : i32
      %dma_wait3A_268 = arith.constant 0 : i32
      %dma_wait3A_269 = arith.constant 0 : i32
      %dma_wait3A_270 = tpu.memref_slice %arg9[%dma_wait3A_268, %dma_wait3A_269] : memref<125x128xf32, #tpu.memory_space<vmem>> -> memref<32x128xf32, #tpu.memory_space<vmem>>
      %dma_wait3A_271 = arith.constant 0 : i32
      %dma_wait3A_272 = tpu.memref_slice %arg5[%dma_wait3A_267, %dma_wait3A_271] : memref<10x125xi32, #tpu.memory_space<vmem>> -> memref<1x32xi32, #tpu.memory_space<vmem>>
      %dma_wait3A_273 = tpu.memref_squeeze %dma_wait3A_272 : memref<1x32xi32, #tpu.memory_space<vmem>> -> memref<32xi32, #tpu.memory_space<vmem>>
      %dma_wait3A_274 = arith.constant 0 : i32
      %dma_wait3A_275 = arith.constant 0 : i32
      %dma_wait3A_276 = tpu.memref_slice %arg2[%dma_wait3A_274, %dma_wait3A_275] : memref<10000x128xf32, #tpu.memory_space<hbm>> -> memref<10000x128xf32, #tpu.memory_space<hbm>>
      tpu.wait_indirect_dma semaphore(%arg13 : memref<!tpu.dma_semaphore, #tpu.memory_space<semaphore_mem>>) src(%dma_wait3A_276 : memref<10000x128xf32, #tpu.memory_space<hbm>>) dst(%dma_wait3A_270 : memref<32x128xf32, #tpu.memory_space<vmem>>)
      %dma_wait3A_277 = arith.constant 0 : i32
      %dma_wait3A_278 = arith.constant 32 : i32
      %dma_wait3A_279 = arith.constant 0 : i32
      %dma_wait3A_280 = tpu.memref_slice %arg9[%dma_wait3A_278, %dma_wait3A_279] : memref<125x128xf32, #tpu.memory_space<vmem>> -> memref<32x128xf32, #tpu.memory_space<vmem>>
      %dma_wait3A_281 = arith.constant 32 : i32
      %dma_wait3A_282 = tpu.memref_slice %arg5[%dma_wait3A_277, %dma_wait3A_281] : memref<10x125xi32, #tpu.memory_space<vmem>> -> memref<1x32xi32, #tpu.memory_space<vmem>>
      %dma_wait3A_283 = tpu.memref_squeeze %dma_wait3A_282 : memref<1x32xi32, #tpu.memory_space<vmem>> -> memref<32xi32, #tpu.memory_space<vmem>>
      %dma_wait3A_284 = arith.constant 0 : i32
      %dma_wait3A_285 = arith.constant 0 : i32
      %dma_wait3A_286 = tpu.memref_slice %arg2[%dma_wait3A_284, %dma_wait3A_285] : memref<10000x128xf32, #tpu.memory_space<hbm>> -> memref<10000x128xf32, #tpu.memory_space<hbm>>
      tpu.wait_indirect_dma semaphore(%arg13 : memref<!tpu.dma_semaphore, #tpu.memory_space<semaphore_mem>>) src(%dma_wait3A_286 : memref<10000x128xf32, #tpu.memory_space<hbm>>) dst(%dma_wait3A_280 : memref<32x128xf32, #tpu.memory_space<vmem>>)
      %dma_wait3A_287 = arith.constant 0 : i32
      %dma_wait3A_288 = arith.constant 64 : i32
      %dma_wait3A_289 = arith.constant 0 : i32
      %dma_wait3A_290 = tpu.memref_slice %arg9[%dma_wait3A_288, %dma_wait3A_289] : memref<125x128xf32, #tpu.memory_space<vmem>> -> memref<32x128xf32, #tpu.memory_space<vmem>>
      %dma_wait3A_291 = arith.constant 64 : i32
      %dma_wait3A_292 = tpu.memref_slice %arg5[%dma_wait3A_287, %dma_wait3A_291] : memref<10x125xi32, #tpu.memory_space<vmem>> -> memref<1x32xi32, #tpu.memory_space<vmem>>
      %dma_wait3A_293 = tpu.memref_squeeze %dma_wait3A_292 : memref<1x32xi32, #tpu.memory_space<vmem>> -> memref<32xi32, #tpu.memory_space<vmem>>
      %dma_wait3A_294 = arith.constant 0 : i32
      %dma_wait3A_295 = arith.constant 0 : i32
      %dma_wait3A_296 = tpu.memref_slice %arg2[%dma_wait3A_294, %dma_wait3A_295] : memref<10000x128xf32, #tpu.memory_space<hbm>> -> memref<10000x128xf32, #tpu.memory_space<hbm>>
      tpu.wait_indirect_dma semaphore(%arg13 : memref<!tpu.dma_semaphore, #tpu.memory_space<semaphore_mem>>) src(%dma_wait3A_296 : memref<10000x128xf32, #tpu.memory_space<hbm>>) dst(%dma_wait3A_290 : memref<32x128xf32, #tpu.memory_space<vmem>>)
      %dma_wait3A_297 = arith.constant 0 : i32
      %dma_wait3A_298 = arith.constant 96 : i32
      %dma_wait3A_299 = arith.constant 0 : i32
      %dma_wait3A_300 = tpu.memref_slice %arg9[%dma_wait3A_298, %dma_wait3A_299] : memref<125x128xf32, #tpu.memory_space<vmem>> -> memref<29x128xf32, #tpu.memory_space<vmem>>
      %dma_wait3A_301 = arith.constant 96 : i32
      %dma_wait3A_302 = tpu.memref_slice %arg5[%dma_wait3A_297, %dma_wait3A_301] : memref<10x125xi32, #tpu.memory_space<vmem>> -> memref<1x29xi32, #tpu.memory_space<vmem>>
      %dma_wait3A_303 = tpu.memref_squeeze %dma_wait3A_302 : memref<1x29xi32, #tpu.memory_space<vmem>> -> memref<29xi32, #tpu.memory_space<vmem>>
      %dma_wait3A_304 = arith.constant 0 : i32
      %dma_wait3A_305 = arith.constant 0 : i32
      %dma_wait3A_306 = tpu.memref_slice %arg2[%dma_wait3A_304, %dma_wait3A_305] : memref<10000x128xf32, #tpu.memory_space<hbm>> -> memref<10000x128xf32, #tpu.memory_space<hbm>>
      tpu.wait_indirect_dma semaphore(%arg13 : memref<!tpu.dma_semaphore, #tpu.memory_space<semaphore_mem>>) src(%dma_wait3A_306 : memref<10000x128xf32, #tpu.memory_space<hbm>>) dst(%dma_wait3A_300 : memref<29x128xf32, #tpu.memory_space<vmem>>)
      %dma_start3A_307 = arith.constant 0 : i32
      %dma_start3A_308 = arith.constant 0 : i32
      %dma_start3A_309 = tpu.memref_slice %arg6[%dma_start3A_307, %dma_start3A_308] : memref<10x125xi32, #tpu.memory_space<vmem>> -> memref<1x125xi32, #tpu.memory_space<vmem>>
      %dma_start3A_310 = tpu.memref_squeeze %dma_start3A_309 : memref<1x125xi32, #tpu.memory_space<vmem>> -> memref<125xi32, #tpu.memory_space<vmem>>
      %dma_start3A_311 = arith.constant 0 : i32
      %dma_start3A_312 = arith.constant 0 : i32
      %dma_start3A_313 = tpu.memref_slice %arg12[%dma_start3A_311, %dma_start3A_312] : memref<10240x128xf32, #tpu.memory_space<vmem_shared>> -> memref<10240x128xf32, #tpu.memory_space<vmem_shared>>
      tpu.enqueue_indirect_dma source(%arg9 : memref<125x128xf32, #tpu.memory_space<vmem>>) target(%dma_start3A_313 : memref<10240x128xf32, #tpu.memory_space<vmem_shared>>) offsets(%dma_start3A_310 : memref<125xi32, #tpu.memory_space<vmem>>) semaphore(%arg15 : memref<!tpu.dma_semaphore, #tpu.memory_space<semaphore_mem>>) {add = true}
      %dma_wait3A_314 = arith.constant 0 : i32
      %dma_wait3A_315 = arith.constant 0 : i32
      %dma_wait3A_316 = tpu.memref_slice %arg6[%dma_wait3A_314, %dma_wait3A_315] : memref<10x125xi32, #tpu.memory_space<vmem>> -> memref<1x125xi32, #tpu.memory_space<vmem>>
      %dma_wait3A_317 = tpu.memref_squeeze %dma_wait3A_316 : memref<1x125xi32, #tpu.memory_space<vmem>> -> memref<125xi32, #tpu.memory_space<vmem>>
      %dma_wait3A_318 = arith.constant 0 : i32
      %dma_wait3A_319 = arith.constant 0 : i32
      %dma_wait3A_320 = tpu.memref_slice %arg12[%dma_wait3A_318, %dma_wait3A_319] : memref<10240x128xf32, #tpu.memory_space<vmem_shared>> -> memref<10240x128xf32, #tpu.memory_space<vmem_shared>>
      tpu.wait_indirect_dma semaphore(%arg15 : memref<!tpu.dma_semaphore, #tpu.memory_space<semaphore_mem>>) src(%arg9 : memref<125x128xf32, #tpu.memory_space<vmem>>) dst(%dma_wait3A_320 : memref<10240x128xf32, #tpu.memory_space<vmem_shared>>)
      %add3A_321 = arith.constant 2 : i32
      %add3A_322 = arith.addi %mul3A_266, %add3A_321 : i32
      %lt3A = arith.constant 80 : i32
      %lt3A_323 = arith.cmpi slt, %add3A_322, %lt3A : i32
      %convert_element_type3A = arith.extui %lt3A_323 : i1 to i32
      %cond3A = arith.constant 0 : i32
      %cond3A_324 = arith.cmpi ne, %convert_element_type3A, %cond3A : i32
      scf.if %cond3A_324 {
        %dma_start3A_1543 = arith.constant 2 : i32
        %dma_start3A_1544 = arith.constant 0 : i32
        %dma_start3A_1545 = arith.constant 0 : i32
        %dma_start3A_1546 = tpu.memref_slice %arg9[%dma_start3A_1544, %dma_start3A_1545] : memref<125x128xf32, #tpu.memory_space<vmem>> -> memref<32x128xf32, #tpu.memory_space<vmem>>
        %dma_start3A_1547 = arith.constant 0 : i32
        %dma_start3A_1548 = tpu.memref_slice %arg5[%dma_start3A_1543, %dma_start3A_1547] : memref<10x125xi32, #tpu.memory_space<vmem>> -> memref<1x32xi32, #tpu.memory_space<vmem>>
        %dma_start3A_1549 = tpu.memref_squeeze %dma_start3A_1548 : memref<1x32xi32, #tpu.memory_space<vmem>> -> memref<32xi32, #tpu.memory_space<vmem>>
        %dma_start3A_1550 = arith.constant 0 : i32
        %dma_start3A_1551 = arith.constant 0 : i32
        %dma_start3A_1552 = tpu.memref_slice %arg2[%dma_start3A_1550, %dma_start3A_1551] : memref<10000x128xf32, #tpu.memory_space<hbm>> -> memref<10000x128xf32, #tpu.memory_space<hbm>>
        tpu.enqueue_indirect_dma source(%dma_start3A_1552 : memref<10000x128xf32, #tpu.memory_space<hbm>>) target(%dma_start3A_1546 : memref<32x128xf32, #tpu.memory_space<vmem>>) offsets(%dma_start3A_1549 : memref<32xi32, #tpu.memory_space<vmem>>) semaphore(%arg13 : memref<!tpu.dma_semaphore, #tpu.memory_space<semaphore_mem>>)
        %dma_start3A_1553 = arith.constant 2 : i32
        %dma_start3A_1554 = arith.constant 32 : i32
        %dma_start3A_1555 = arith.constant 0 : i32
        %dma_start3A_1556 = tpu.memref_slice %arg9[%dma_start3A_1554, %dma_start3A_1555] : memref<125x128xf32, #tpu.memory_space<vmem>> -> memref<32x128xf32, #tpu.memory_space<vmem>>
        %dma_start3A_1557 = arith.constant 32 : i32
        %dma_start3A_1558 = tpu.memref_slice %arg5[%dma_start3A_1553, %dma_start3A_1557] : memref<10x125xi32, #tpu.memory_space<vmem>> -> memref<1x32xi32, #tpu.memory_space<vmem>>
        %dma_start3A_1559 = tpu.memref_squeeze %dma_start3A_1558 : memref<1x32xi32, #tpu.memory_space<vmem>> -> memref<32xi32, #tpu.memory_space<vmem>>
        %dma_start3A_1560 = arith.constant 0 : i32
        %dma_start3A_1561 = arith.constant 0 : i32
        %dma_start3A_1562 = tpu.memref_slice %arg2[%dma_start3A_1560, %dma_start3A_1561] : memref<10000x128xf32, #tpu.memory_space<hbm>> -> memref<10000x128xf32, #tpu.memory_space<hbm>>
        tpu.enqueue_indirect_dma source(%dma_start3A_1562 : memref<10000x128xf32, #tpu.memory_space<hbm>>) target(%dma_start3A_1556 : memref<32x128xf32, #tpu.memory_space<vmem>>) offsets(%dma_start3A_1559 : memref<32xi32, #tpu.memory_space<vmem>>) semaphore(%arg13 : memref<!tpu.dma_semaphore, #tpu.memory_space<semaphore_mem>>)
        %dma_start3A_1563 = arith.constant 2 : i32
        %dma_start3A_1564 = arith.constant 64 : i32
        %dma_start3A_1565 = arith.constant 0 : i32
        %dma_start3A_1566 = tpu.memref_slice %arg9[%dma_start3A_1564, %dma_start3A_1565] : memref<125x128xf32, #tpu.memory_space<vmem>> -> memref<32x128xf32, #tpu.memory_space<vmem>>
        %dma_start3A_1567 = arith.constant 64 : i32
        %dma_start3A_1568 = tpu.memref_slice %arg5[%dma_start3A_1563, %dma_start3A_1567] : memref<10x125xi32, #tpu.memory_space<vmem>> -> memref<1x32xi32, #tpu.memory_space<vmem>>
        %dma_start3A_1569 = tpu.memref_squeeze %dma_start3A_1568 : memref<1x32xi32, #tpu.memory_space<vmem>> -> memref<32xi32, #tpu.memory_space<vmem>>
        %dma_start3A_1570 = arith.constant 0 : i32
        %dma_start3A_1571 = arith.constant 0 : i32
        %dma_start3A_1572 = tpu.memref_slice %arg2[%dma_start3A_1570, %dma_start3A_1571] : memref<10000x128xf32, #tpu.memory_space<hbm>> -> memref<10000x128xf32, #tpu.memory_space<hbm>>
        tpu.enqueue_indirect_dma source(%dma_start3A_1572 : memref<10000x128xf32, #tpu.memory_space<hbm>>) target(%dma_start3A_1566 : memref<32x128xf32, #tpu.memory_space<vmem>>) offsets(%dma_start3A_1569 : memref<32xi32, #tpu.memory_space<vmem>>) semaphore(%arg13 : memref<!tpu.dma_semaphore, #tpu.memory_space<semaphore_mem>>)
        %dma_start3A_1573 = arith.constant 2 : i32
        %dma_start3A_1574 = arith.constant 96 : i32
        %dma_start3A_1575 = arith.constant 0 : i32
        %dma_start3A_1576 = tpu.memref_slice %arg9[%dma_start3A_1574, %dma_start3A_1575] : memref<125x128xf32, #tpu.memory_space<vmem>> -> memref<29x128xf32, #tpu.memory_space<vmem>>
        %dma_start3A_1577 = arith.constant 96 : i32
        %dma_start3A_1578 = tpu.memref_slice %arg5[%dma_start3A_1573, %dma_start3A_1577] : memref<10x125xi32, #tpu.memory_space<vmem>> -> memref<1x29xi32, #tpu.memory_space<vmem>>
        %dma_start3A_1579 = tpu.memref_squeeze %dma_start3A_1578 : memref<1x29xi32, #tpu.memory_space<vmem>> -> memref<29xi32, #tpu.memory_space<vmem>>
        %dma_start3A_1580 = arith.constant 0 : i32
        %dma_start3A_1581 = arith.constant 0 : i32
        %dma_start3A_1582 = tpu.memref_slice %arg2[%dma_start3A_1580, %dma_start3A_1581] : memref<10000x128xf32, #tpu.memory_space<hbm>> -> memref<10000x128xf32, #tpu.memory_space<hbm>>
        tpu.enqueue_indirect_dma source(%dma_start3A_1582 : memref<10000x128xf32, #tpu.memory_space<hbm>>) target(%dma_start3A_1576 : memref<29x128xf32, #tpu.memory_space<vmem>>) offsets(%dma_start3A_1579 : memref<29xi32, #tpu.memory_space<vmem>>) semaphore(%arg13 : memref<!tpu.dma_semaphore, #tpu.memory_space<semaphore_mem>>)
      } else {
      }
      %dma_wait3A_325 = arith.constant 1 : i32
      %dma_wait3A_326 = arith.constant 0 : i32
      %dma_wait3A_327 = arith.constant 0 : i32
      %dma_wait3A_328 = tpu.memref_slice %arg10[%dma_wait3A_326, %dma_wait3A_327] : memref<125x128xf32, #tpu.memory_space<vmem>> -> memref<32x128xf32, #tpu.memory_space<vmem>>
      %dma_wait3A_329 = arith.constant 0 : i32
      %dma_wait3A_330 = tpu.memref_slice %arg5[%dma_wait3A_325, %dma_wait3A_329] : memref<10x125xi32, #tpu.memory_space<vmem>> -> memref<1x32xi32, #tpu.memory_space<vmem>>
      %dma_wait3A_331 = tpu.memref_squeeze %dma_wait3A_330 : memref<1x32xi32, #tpu.memory_space<vmem>> -> memref<32xi32, #tpu.memory_space<vmem>>
      %dma_wait3A_332 = arith.constant 0 : i32
      %dma_wait3A_333 = arith.constant 0 : i32
      %dma_wait3A_334 = tpu.memref_slice %arg2[%dma_wait3A_332, %dma_wait3A_333] : memref<10000x128xf32, #tpu.memory_space<hbm>> -> memref<10000x128xf32, #tpu.memory_space<hbm>>
      tpu.wait_indirect_dma semaphore(%arg14 : memref<!tpu.dma_semaphore, #tpu.memory_space<semaphore_mem>>) src(%dma_wait3A_334 : memref<10000x128xf32, #tpu.memory_space<hbm>>) dst(%dma_wait3A_328 : memref<32x128xf32, #tpu.memory_space<vmem>>)
      %dma_wait3A_335 = arith.constant 1 : i32
      %dma_wait3A_336 = arith.constant 32 : i32
      %dma_wait3A_337 = arith.constant 0 : i32
      %dma_wait3A_338 = tpu.memref_slice %arg10[%dma_wait3A_336, %dma_wait3A_337] : memref<125x128xf32, #tpu.memory_space<vmem>> -> memref<32x128xf32, #tpu.memory_space<vmem>>
      %dma_wait3A_339 = arith.constant 32 : i32
      %dma_wait3A_340 = tpu.memref_slice %arg5[%dma_wait3A_335, %dma_wait3A_339] : memref<10x125xi32, #tpu.memory_space<vmem>> -> memref<1x32xi32, #tpu.memory_space<vmem>>
      %dma_wait3A_341 = tpu.memref_squeeze %dma_wait3A_340 : memref<1x32xi32, #tpu.memory_space<vmem>> -> memref<32xi32, #tpu.memory_space<vmem>>
      %dma_wait3A_342 = arith.constant 0 : i32
      %dma_wait3A_343 = arith.constant 0 : i32
      %dma_wait3A_344 = tpu.memref_slice %arg2[%dma_wait3A_342, %dma_wait3A_343] : memref<10000x128xf32, #tpu.memory_space<hbm>> -> memref<10000x128xf32, #tpu.memory_space<hbm>>
      tpu.wait_indirect_dma semaphore(%arg14 : memref<!tpu.dma_semaphore, #tpu.memory_space<semaphore_mem>>) src(%dma_wait3A_344 : memref<10000x128xf32, #tpu.memory_space<hbm>>) dst(%dma_wait3A_338 : memref<32x128xf32, #tpu.memory_space<vmem>>)
      %dma_wait3A_345 = arith.constant 1 : i32
      %dma_wait3A_346 = arith.constant 64 : i32
      %dma_wait3A_347 = arith.constant 0 : i32
      %dma_wait3A_348 = tpu.memref_slice %arg10[%dma_wait3A_346, %dma_wait3A_347] : memref<125x128xf32, #tpu.memory_space<vmem>> -> memref<32x128xf32, #tpu.memory_space<vmem>>
      %dma_wait3A_349 = arith.constant 64 : i32
      %dma_wait3A_350 = tpu.memref_slice %arg5[%dma_wait3A_345, %dma_wait3A_349] : memref<10x125xi32, #tpu.memory_space<vmem>> -> memref<1x32xi32, #tpu.memory_space<vmem>>
      %dma_wait3A_351 = tpu.memref_squeeze %dma_wait3A_350 : memref<1x32xi32, #tpu.memory_space<vmem>> -> memref<32xi32, #tpu.memory_space<vmem>>
      %dma_wait3A_352 = arith.constant 0 : i32
      %dma_wait3A_353 = arith.constant 0 : i32
      %dma_wait3A_354 = tpu.memref_slice %arg2[%dma_wait3A_352, %dma_wait3A_353] : memref<10000x128xf32, #tpu.memory_space<hbm>> -> memref<10000x128xf32, #tpu.memory_space<hbm>>
      tpu.wait_indirect_dma semaphore(%arg14 : memref<!tpu.dma_semaphore, #tpu.memory_space<semaphore_mem>>) src(%dma_wait3A_354 : memref<10000x128xf32, #tpu.memory_space<hbm>>) dst(%dma_wait3A_348 : memref<32x128xf32, #tpu.memory_space<vmem>>)
      %dma_wait3A_355 = arith.constant 1 : i32
      %dma_wait3A_356 = arith.constant 96 : i32
      %dma_wait3A_357 = arith.constant 0 : i32
      %dma_wait3A_358 = tpu.memref_slice %arg10[%dma_wait3A_356, %dma_wait3A_357] : memref<125x128xf32, #tpu.memory_space<vmem>> -> memref<29x128xf32, #tpu.memory_space<vmem>>
      %dma_wait3A_359 = arith.constant 96 : i32
      %dma_wait3A_360 = tpu.memref_slice %arg5[%dma_wait3A_355, %dma_wait3A_359] : memref<10x125xi32, #tpu.memory_space<vmem>> -> memref<1x29xi32, #tpu.memory_space<vmem>>
      %dma_wait3A_361 = tpu.memref_squeeze %dma_wait3A_360 : memref<1x29xi32, #tpu.memory_space<vmem>> -> memref<29xi32, #tpu.memory_space<vmem>>
      %dma_wait3A_362 = arith.constant 0 : i32
      %dma_wait3A_363 = arith.constant 0 : i32
      %dma_wait3A_364 = tpu.memref_slice %arg2[%dma_wait3A_362, %dma_wait3A_363] : memref<10000x128xf32, #tpu.memory_space<hbm>> -> memref<10000x128xf32, #tpu.memory_space<hbm>>
      tpu.wait_indirect_dma semaphore(%arg14 : memref<!tpu.dma_semaphore, #tpu.memory_space<semaphore_mem>>) src(%dma_wait3A_364 : memref<10000x128xf32, #tpu.memory_space<hbm>>) dst(%dma_wait3A_358 : memref<29x128xf32, #tpu.memory_space<vmem>>)
      %dma_start3A_365 = arith.constant 1 : i32
      %dma_start3A_366 = arith.constant 0 : i32
      %dma_start3A_367 = tpu.memref_slice %arg6[%dma_start3A_365, %dma_start3A_366] : memref<10x125xi32, #tpu.memory_space<vmem>> -> memref<1x125xi32, #tpu.memory_space<vmem>>
      %dma_start3A_368 = tpu.memref_squeeze %dma_start3A_367 : memref<1x125xi32, #tpu.memory_space<vmem>> -> memref<125xi32, #tpu.memory_space<vmem>>
      %dma_start3A_369 = arith.constant 0 : i32
      %dma_start3A_370 = arith.constant 0 : i32
      %dma_start3A_371 = tpu.memref_slice %arg12[%dma_start3A_369, %dma_start3A_370] : memref<10240x128xf32, #tpu.memory_space<vmem_shared>> -> memref<10240x128xf32, #tpu.memory_space<vmem_shared>>
      tpu.enqueue_indirect_dma source(%arg10 : memref<125x128xf32, #tpu.memory_space<vmem>>) target(%dma_start3A_371 : memref<10240x128xf32, #tpu.memory_space<vmem_shared>>) offsets(%dma_start3A_368 : memref<125xi32, #tpu.memory_space<vmem>>) semaphore(%arg15 : memref<!tpu.dma_semaphore, #tpu.memory_space<semaphore_mem>>) {add = true}
      %dma_wait3A_372 = arith.constant 1 : i32
      %dma_wait3A_373 = arith.constant 0 : i32
      %dma_wait3A_374 = tpu.memref_slice %arg6[%dma_wait3A_372, %dma_wait3A_373] : memref<10x125xi32, #tpu.memory_space<vmem>> -> memref<1x125xi32, #tpu.memory_space<vmem>>
      %dma_wait3A_375 = tpu.memref_squeeze %dma_wait3A_374 : memref<1x125xi32, #tpu.memory_space<vmem>> -> memref<125xi32, #tpu.memory_space<vmem>>
      %dma_wait3A_376 = arith.constant 0 : i32
      %dma_wait3A_377 = arith.constant 0 : i32
      %dma_wait3A_378 = tpu.memref_slice %arg12[%dma_wait3A_376, %dma_wait3A_377] : memref<10240x128xf32, #tpu.memory_space<vmem_shared>> -> memref<10240x128xf32, #tpu.memory_space<vmem_shared>>
      tpu.wait_indirect_dma semaphore(%arg15 : memref<!tpu.dma_semaphore, #tpu.memory_space<semaphore_mem>>) src(%arg10 : memref<125x128xf32, #tpu.memory_space<vmem>>) dst(%dma_wait3A_378 : memref<10240x128xf32, #tpu.memory_space<vmem_shared>>)
      %add3A_379 = arith.constant 3 : i32
      %add3A_380 = arith.addi %mul3A_266, %add3A_379 : i32
      %lt3A_381 = arith.constant 80 : i32
      %lt3A_382 = arith.cmpi slt, %add3A_380, %lt3A_381 : i32
      %convert_element_type3A_383 = arith.extui %lt3A_382 : i1 to i32
      %cond3A_384 = arith.constant 0 : i32
      %cond3A_385 = arith.cmpi ne, %convert_element_type3A_383, %cond3A_384 : i32
      scf.if %cond3A_385 {
        %dma_start3A_1543 = arith.constant 3 : i32
        %dma_start3A_1544 = arith.constant 0 : i32
        %dma_start3A_1545 = arith.constant 0 : i32
        %dma_start3A_1546 = tpu.memref_slice %arg10[%dma_start3A_1544, %dma_start3A_1545] : memref<125x128xf32, #tpu.memory_space<vmem>> -> memref<32x128xf32, #tpu.memory_space<vmem>>
        %dma_start3A_1547 = arith.constant 0 : i32
        %dma_start3A_1548 = tpu.memref_slice %arg5[%dma_start3A_1543, %dma_start3A_1547] : memref<10x125xi32, #tpu.memory_space<vmem>> -> memref<1x32xi32, #tpu.memory_space<vmem>>
        %dma_start3A_1549 = tpu.memref_squeeze %dma_start3A_1548 : memref<1x32xi32, #tpu.memory_space<vmem>> -> memref<32xi32, #tpu.memory_space<vmem>>
        %dma_start3A_1550 = arith.constant 0 : i32
        %dma_start3A_1551 = arith.constant 0 : i32
        %dma_start3A_1552 = tpu.memref_slice %arg2[%dma_start3A_1550, %dma_start3A_1551] : memref<10000x128xf32, #tpu.memory_space<hbm>> -> memref<10000x128xf32, #tpu.memory_space<hbm>>
        tpu.enqueue_indirect_dma source(%dma_start3A_1552 : memref<10000x128xf32, #tpu.memory_space<hbm>>) target(%dma_start3A_1546 : memref<32x128xf32, #tpu.memory_space<vmem>>) offsets(%dma_start3A_1549 : memref<32xi32, #tpu.memory_space<vmem>>) semaphore(%arg14 : memref<!tpu.dma_semaphore, #tpu.memory_space<semaphore_mem>>)
        %dma_start3A_1553 = arith.constant 3 : i32
        %dma_start3A_1554 = arith.constant 32 : i32
        %dma_start3A_1555 = arith.constant 0 : i32
        %dma_start3A_1556 = tpu.memref_slice %arg10[%dma_start3A_1554, %dma_start3A_1555] : memref<125x128xf32, #tpu.memory_space<vmem>> -> memref<32x128xf32, #tpu.memory_space<vmem>>
        %dma_start3A_1557 = arith.constant 32 : i32
        %dma_start3A_1558 = tpu.memref_slice %arg5[%dma_start3A_1553, %dma_start3A_1557] : memref<10x125xi32, #tpu.memory_space<vmem>> -> memref<1x32xi32, #tpu.memory_space<vmem>>
        %dma_start3A_1559 = tpu.memref_squeeze %dma_start3A_1558 : memref<1x32xi32, #tpu.memory_space<vmem>> -> memref<32xi32, #tpu.memory_space<vmem>>
        %dma_start3A_1560 = arith.constant 0 : i32
        %dma_start3A_1561 = arith.constant 0 : i32
        %dma_start3A_1562 = tpu.memref_slice %arg2[%dma_start3A_1560, %dma_start3A_1561] : memref<10000x128xf32, #tpu.memory_space<hbm>> -> memref<10000x128xf32, #tpu.memory_space<hbm>>
        tpu.enqueue_indirect_dma source(%dma_start3A_1562 : memref<10000x128xf32, #tpu.memory_space<hbm>>) target(%dma_start3A_1556 : memref<32x128xf32, #tpu.memory_space<vmem>>) offsets(%dma_start3A_1559 : memref<32xi32, #tpu.memory_space<vmem>>) semaphore(%arg14 : memref<!tpu.dma_semaphore, #tpu.memory_space<semaphore_mem>>)
        %dma_start3A_1563 = arith.constant 3 : i32
        %dma_start3A_1564 = arith.constant 64 : i32
        %dma_start3A_1565 = arith.constant 0 : i32
        %dma_start3A_1566 = tpu.memref_slice %arg10[%dma_start3A_1564, %dma_start3A_1565] : memref<125x128xf32, #tpu.memory_space<vmem>> -> memref<32x128xf32, #tpu.memory_space<vmem>>
        %dma_start3A_1567 = arith.constant 64 : i32
        %dma_start3A_1568 = tpu.memref_slice %arg5[%dma_start3A_1563, %dma_start3A_1567] : memref<10x125xi32, #tpu.memory_space<vmem>> -> memref<1x32xi32, #tpu.memory_space<vmem>>
        %dma_start3A_1569 = tpu.memref_squeeze %dma_start3A_1568 : memref<1x32xi32, #tpu.memory_space<vmem>> -> memref<32xi32, #tpu.memory_space<vmem>>
        %dma_start3A_1570 = arith.constant 0 : i32
        %dma_start3A_1571 = arith.constant 0 : i32
        %dma_start3A_1572 = tpu.memref_slice %arg2[%dma_start3A_1570, %dma_start3A_1571] : memref<10000x128xf32, #tpu.memory_space<hbm>> -> memref<10000x128xf32, #tpu.memory_space<hbm>>
        tpu.enqueue_indirect_dma source(%dma_start3A_1572 : memref<10000x128xf32, #tpu.memory_space<hbm>>) target(%dma_start3A_1566 : memref<32x128xf32, #tpu.memory_space<vmem>>) offsets(%dma_start3A_1569 : memref<32xi32, #tpu.memory_space<vmem>>) semaphore(%arg14 : memref<!tpu.dma_semaphore, #tpu.memory_space<semaphore_mem>>)
        %dma_start3A_1573 = arith.constant 3 : i32
        %dma_start3A_1574 = arith.constant 96 : i32
        %dma_start3A_1575 = arith.constant 0 : i32
        %dma_start3A_1576 = tpu.memref_slice %arg10[%dma_start3A_1574, %dma_start3A_1575] : memref<125x128xf32, #tpu.memory_space<vmem>> -> memref<29x128xf32, #tpu.memory_space<vmem>>
        %dma_start3A_1577 = arith.constant 96 : i32
        %dma_start3A_1578 = tpu.memref_slice %arg5[%dma_start3A_1573, %dma_start3A_1577] : memref<10x125xi32, #tpu.memory_space<vmem>> -> memref<1x29xi32, #tpu.memory_space<vmem>>
        %dma_start3A_1579 = tpu.memref_squeeze %dma_start3A_1578 : memref<1x29xi32, #tpu.memory_space<vmem>> -> memref<29xi32, #tpu.memory_space<vmem>>
        %dma_start3A_1580 = arith.constant 0 : i32
        %dma_start3A_1581 = arith.constant 0 : i32
        %dma_start3A_1582 = tpu.memref_slice %arg2[%dma_start3A_1580, %dma_start3A_1581] : memref<10000x128xf32, #tpu.memory_space<hbm>> -> memref<10000x128xf32, #tpu.memory_space<hbm>>
        tpu.enqueue_indirect_dma source(%dma_start3A_1582 : memref<10000x128xf32, #tpu.memory_space<hbm>>) target(%dma_start3A_1576 : memref<29x128xf32, #tpu.memory_space<vmem>>) offsets(%dma_start3A_1579 : memref<29xi32, #tpu.memory_space<vmem>>) semaphore(%arg14 : memref<!tpu.dma_semaphore, #tpu.memory_space<semaphore_mem>>)
      } else {
      }
      %mul3A_386 = arith.constant 2 : i32
      %mul3A_387 = arith.muli %mul3A_386, %scan3A_263 : i32
      %add3A_388 = arith.constant 1 : i32
      %add3A_389 = arith.addi %mul3A_387, %add3A_388 : i32
      %dma_start3A_390 = arith.constant 0 : i32
      %dma_start3A_391 = arith.constant 0 : i32
      %dma_start3A_392 = arith.constant 0 : i32
      %dma_start3A_393 = tpu.memref_slice %arg3[%dma_start3A_390, %arg0, %arg1, %add3A_389, %dma_start3A_391, %dma_start3A_392] : memref<2x2x16x8x10x125xi32, #tpu.memory_space<hbm>> -> memref<1x1x1x1x10x125xi32, #tpu.memory_space<hbm>>
      %dma_start3A_394 = tpu.memref_squeeze %dma_start3A_393 : memref<1x1x1x1x10x125xi32, #tpu.memory_space<hbm>> -> memref<10x125xi32, #tpu.memory_space<hbm>>
      %dma_start3A_395 = arith.constant 0 : i32
      %dma_start3A_396 = arith.constant 0 : i32
      %dma_start3A_397 = tpu.memref_slice %arg3[%dma_start3A_390, %arg0, %arg1, %add3A_389, %dma_start3A_395, %dma_start3A_396] : memref<2x2x16x8x10x125xi32, #tpu.memory_space<hbm>> -> memref<1x1x1x1x10x125xi32, #tpu.memory_space<hbm>>
      %dma_start3A_398 = tpu.memref_squeeze %dma_start3A_397 : memref<1x1x1x1x10x125xi32, #tpu.memory_space<hbm>> -> memref<10x125xi32, #tpu.memory_space<hbm>>
      tpu.enqueue_dma source(%dma_start3A_398 : memref<10x125xi32, #tpu.memory_space<hbm>>) target(%arg7 : memref<10x125xi32, #tpu.memory_space<vmem>>) target_semaphore(%arg17 : memref<!tpu.dma_semaphore, #tpu.memory_space<semaphore_mem>>)
      %dma_start3A_399 = arith.constant 1 : i32
      %dma_start3A_400 = arith.constant 0 : i32
      %dma_start3A_401 = arith.constant 0 : i32
      %dma_start3A_402 = tpu.memref_slice %arg3[%dma_start3A_399, %arg0, %arg1, %add3A_389, %dma_start3A_400, %dma_start3A_401] : memref<2x2x16x8x10x125xi32, #tpu.memory_space<hbm>> -> memref<1x1x1x1x10x125xi32, #tpu.memory_space<hbm>>
      %dma_start3A_403 = tpu.memref_squeeze %dma_start3A_402 : memref<1x1x1x1x10x125xi32, #tpu.memory_space<hbm>> -> memref<10x125xi32, #tpu.memory_space<hbm>>
      %dma_start3A_404 = arith.constant 0 : i32
      %dma_start3A_405 = arith.constant 0 : i32
      %dma_start3A_406 = tpu.memref_slice %arg3[%dma_start3A_399, %arg0, %arg1, %add3A_389, %dma_start3A_404, %dma_start3A_405] : memref<2x2x16x8x10x125xi32, #tpu.memory_space<hbm>> -> memref<1x1x1x1x10x125xi32, #tpu.memory_space<hbm>>
      %dma_start3A_407 = tpu.memref_squeeze %dma_start3A_406 : memref<1x1x1x1x10x125xi32, #tpu.memory_space<hbm>> -> memref<10x125xi32, #tpu.memory_space<hbm>>
      tpu.enqueue_dma source(%dma_start3A_407 : memref<10x125xi32, #tpu.memory_space<hbm>>) target(%arg8 : memref<10x125xi32, #tpu.memory_space<vmem>>) target_semaphore(%arg17 : memref<!tpu.dma_semaphore, #tpu.memory_space<semaphore_mem>>)
      %dma_wait3A_408 = arith.constant 2 : i32
      %dma_wait3A_409 = arith.constant 0 : i32
      %dma_wait3A_410 = arith.constant 0 : i32
      %dma_wait3A_411 = tpu.memref_slice %arg9[%dma_wait3A_409, %dma_wait3A_410] : memref<125x128xf32, #tpu.memory_space<vmem>> -> memref<32x128xf32, #tpu.memory_space<vmem>>
      %dma_wait3A_412 = arith.constant 0 : i32
      %dma_wait3A_413 = tpu.memref_slice %arg5[%dma_wait3A_408, %dma_wait3A_412] : memref<10x125xi32, #tpu.memory_space<vmem>> -> memref<1x32xi32, #tpu.memory_space<vmem>>
      %dma_wait3A_414 = tpu.memref_squeeze %dma_wait3A_413 : memref<1x32xi32, #tpu.memory_space<vmem>> -> memref<32xi32, #tpu.memory_space<vmem>>
      %dma_wait3A_415 = arith.constant 0 : i32
      %dma_wait3A_416 = arith.constant 0 : i32
      %dma_wait3A_417 = tpu.memref_slice %arg2[%dma_wait3A_415, %dma_wait3A_416] : memref<10000x128xf32, #tpu.memory_space<hbm>> -> memref<10000x128xf32, #tpu.memory_space<hbm>>
      tpu.wait_indirect_dma semaphore(%arg13 : memref<!tpu.dma_semaphore, #tpu.memory_space<semaphore_mem>>) src(%dma_wait3A_417 : memref<10000x128xf32, #tpu.memory_space<hbm>>) dst(%dma_wait3A_411 : memref<32x128xf32, #tpu.memory_space<vmem>>)
      %dma_wait3A_418 = arith.constant 2 : i32
      %dma_wait3A_419 = arith.constant 32 : i32
      %dma_wait3A_420 = arith.constant 0 : i32
      %dma_wait3A_421 = tpu.memref_slice %arg9[%dma_wait3A_419, %dma_wait3A_420] : memref<125x128xf32, #tpu.memory_space<vmem>> -> memref<32x128xf32, #tpu.memory_space<vmem>>
      %dma_wait3A_422 = arith.constant 32 : i32
      %dma_wait3A_423 = tpu.memref_slice %arg5[%dma_wait3A_418, %dma_wait3A_422] : memref<10x125xi32, #tpu.memory_space<vmem>> -> memref<1x32xi32, #tpu.memory_space<vmem>>
      %dma_wait3A_424 = tpu.memref_squeeze %dma_wait3A_423 : memref<1x32xi32, #tpu.memory_space<vmem>> -> memref<32xi32, #tpu.memory_space<vmem>>
      %dma_wait3A_425 = arith.constant 0 : i32
      %dma_wait3A_426 = arith.constant 0 : i32
      %dma_wait3A_427 = tpu.memref_slice %arg2[%dma_wait3A_425, %dma_wait3A_426] : memref<10000x128xf32, #tpu.memory_space<hbm>> -> memref<10000x128xf32, #tpu.memory_space<hbm>>
      tpu.wait_indirect_dma semaphore(%arg13 : memref<!tpu.dma_semaphore, #tpu.memory_space<semaphore_mem>>) src(%dma_wait3A_427 : memref<10000x128xf32, #tpu.memory_space<hbm>>) dst(%dma_wait3A_421 : memref<32x128xf32, #tpu.memory_space<vmem>>)
      %dma_wait3A_428 = arith.constant 2 : i32
      %dma_wait3A_429 = arith.constant 64 : i32
      %dma_wait3A_430 = arith.constant 0 : i32
      %dma_wait3A_431 = tpu.memref_slice %arg9[%dma_wait3A_429, %dma_wait3A_430] : memref<125x128xf32, #tpu.memory_space<vmem>> -> memref<32x128xf32, #tpu.memory_space<vmem>>
      %dma_wait3A_432 = arith.constant 64 : i32
      %dma_wait3A_433 = tpu.memref_slice %arg5[%dma_wait3A_428, %dma_wait3A_432] : memref<10x125xi32, #tpu.memory_space<vmem>> -> memref<1x32xi32, #tpu.memory_space<vmem>>
      %dma_wait3A_434 = tpu.memref_squeeze %dma_wait3A_433 : memref<1x32xi32, #tpu.memory_space<vmem>> -> memref<32xi32, #tpu.memory_space<vmem>>
      %dma_wait3A_435 = arith.constant 0 : i32
      %dma_wait3A_436 = arith.constant 0 : i32
      %dma_wait3A_437 = tpu.memref_slice %arg2[%dma_wait3A_435, %dma_wait3A_436] : memref<10000x128xf32, #tpu.memory_space<hbm>> -> memref<10000x128xf32, #tpu.memory_space<hbm>>
      tpu.wait_indirect_dma semaphore(%arg13 : memref<!tpu.dma_semaphore, #tpu.memory_space<semaphore_mem>>) src(%dma_wait3A_437 : memref<10000x128xf32, #tpu.memory_space<hbm>>) dst(%dma_wait3A_431 : memref<32x128xf32, #tpu.memory_space<vmem>>)
      %dma_wait3A_438 = arith.constant 2 : i32
      %dma_wait3A_439 = arith.constant 96 : i32
      %dma_wait3A_440 = arith.constant 0 : i32
      %dma_wait3A_441 = tpu.memref_slice %arg9[%dma_wait3A_439, %dma_wait3A_440] : memref<125x128xf32, #tpu.memory_space<vmem>> -> memref<29x128xf32, #tpu.memory_space<vmem>>
      %dma_wait3A_442 = arith.constant 96 : i32
      %dma_wait3A_443 = tpu.memref_slice %arg5[%dma_wait3A_438, %dma_wait3A_442] : memref<10x125xi32, #tpu.memory_space<vmem>> -> memref<1x29xi32, #tpu.memory_space<vmem>>
      %dma_wait3A_444 = tpu.memref_squeeze %dma_wait3A_443 : memref<1x29xi32, #tpu.memory_space<vmem>> -> memref<29xi32, #tpu.memory_space<vmem>>
      %dma_wait3A_445 = arith.constant 0 : i32
      %dma_wait3A_446 = arith.constant 0 : i32
      %dma_wait3A_447 = tpu.memref_slice %arg2[%dma_wait3A_445, %dma_wait3A_446] : memref<10000x128xf32, #tpu.memory_space<hbm>> -> memref<10000x128xf32, #tpu.memory_space<hbm>>
      tpu.wait_indirect_dma semaphore(%arg13 : memref<!tpu.dma_semaphore, #tpu.memory_space<semaphore_mem>>) src(%dma_wait3A_447 : memref<10000x128xf32, #tpu.memory_space<hbm>>) dst(%dma_wait3A_441 : memref<29x128xf32, #tpu.memory_space<vmem>>)
      %dma_start3A_448 = arith.constant 2 : i32
      %dma_start3A_449 = arith.constant 0 : i32
      %dma_start3A_450 = tpu.memref_slice %arg6[%dma_start3A_448, %dma_start3A_449] : memref<10x125xi32, #tpu.memory_space<vmem>> -> memref<1x125xi32, #tpu.memory_space<vmem>>
      %dma_start3A_451 = tpu.memref_squeeze %dma_start3A_450 : memref<1x125xi32, #tpu.memory_space<vmem>> -> memref<125xi32, #tpu.memory_space<vmem>>
      %dma_start3A_452 = arith.constant 0 : i32
      %dma_start3A_453 = arith.constant 0 : i32
      %dma_start3A_454 = tpu.memref_slice %arg12[%dma_start3A_452, %dma_start3A_453] : memref<10240x128xf32, #tpu.memory_space<vmem_shared>> -> memref<10240x128xf32, #tpu.memory_space<vmem_shared>>
      tpu.enqueue_indirect_dma source(%arg9 : memref<125x128xf32, #tpu.memory_space<vmem>>) target(%dma_start3A_454 : memref<10240x128xf32, #tpu.memory_space<vmem_shared>>) offsets(%dma_start3A_451 : memref<125xi32, #tpu.memory_space<vmem>>) semaphore(%arg15 : memref<!tpu.dma_semaphore, #tpu.memory_space<semaphore_mem>>) {add = true}
      %dma_wait3A_455 = arith.constant 2 : i32
      %dma_wait3A_456 = arith.constant 0 : i32
      %dma_wait3A_457 = tpu.memref_slice %arg6[%dma_wait3A_455, %dma_wait3A_456] : memref<10x125xi32, #tpu.memory_space<vmem>> -> memref<1x125xi32, #tpu.memory_space<vmem>>
      %dma_wait3A_458 = tpu.memref_squeeze %dma_wait3A_457 : memref<1x125xi32, #tpu.memory_space<vmem>> -> memref<125xi32, #tpu.memory_space<vmem>>
      %dma_wait3A_459 = arith.constant 0 : i32
      %dma_wait3A_460 = arith.constant 0 : i32
      %dma_wait3A_461 = tpu.memref_slice %arg12[%dma_wait3A_459, %dma_wait3A_460] : memref<10240x128xf32, #tpu.memory_space<vmem_shared>> -> memref<10240x128xf32, #tpu.memory_space<vmem_shared>>
      tpu.wait_indirect_dma semaphore(%arg15 : memref<!tpu.dma_semaphore, #tpu.memory_space<semaphore_mem>>) src(%arg9 : memref<125x128xf32, #tpu.memory_space<vmem>>) dst(%dma_wait3A_461 : memref<10240x128xf32, #tpu.memory_space<vmem_shared>>)
      %add3A_462 = arith.constant 4 : i32
      %add3A_463 = arith.addi %mul3A_266, %add3A_462 : i32
      %lt3A_464 = arith.constant 80 : i32
      %lt3A_465 = arith.cmpi slt, %add3A_463, %lt3A_464 : i32
      %convert_element_type3A_466 = arith.extui %lt3A_465 : i1 to i32
      %cond3A_467 = arith.constant 0 : i32
      %cond3A_468 = arith.cmpi ne, %convert_element_type3A_466, %cond3A_467 : i32
      scf.if %cond3A_468 {
        %dma_start3A_1543 = arith.constant 4 : i32
        %dma_start3A_1544 = arith.constant 0 : i32
        %dma_start3A_1545 = arith.constant 0 : i32
        %dma_start3A_1546 = tpu.memref_slice %arg9[%dma_start3A_1544, %dma_start3A_1545] : memref<125x128xf32, #tpu.memory_space<vmem>> -> memref<32x128xf32, #tpu.memory_space<vmem>>
        %dma_start3A_1547 = arith.constant 0 : i32
        %dma_start3A_1548 = tpu.memref_slice %arg5[%dma_start3A_1543, %dma_start3A_1547] : memref<10x125xi32, #tpu.memory_space<vmem>> -> memref<1x32xi32, #tpu.memory_space<vmem>>
        %dma_start3A_1549 = tpu.memref_squeeze %dma_start3A_1548 : memref<1x32xi32, #tpu.memory_space<vmem>> -> memref<32xi32, #tpu.memory_space<vmem>>
        %dma_start3A_1550 = arith.constant 0 : i32
        %dma_start3A_1551 = arith.constant 0 : i32
        %dma_start3A_1552 = tpu.memref_slice %arg2[%dma_start3A_1550, %dma_start3A_1551] : memref<10000x128xf32, #tpu.memory_space<hbm>> -> memref<10000x128xf32, #tpu.memory_space<hbm>>
        tpu.enqueue_indirect_dma source(%dma_start3A_1552 : memref<10000x128xf32, #tpu.memory_space<hbm>>) target(%dma_start3A_1546 : memref<32x128xf32, #tpu.memory_space<vmem>>) offsets(%dma_start3A_1549 : memref<32xi32, #tpu.memory_space<vmem>>) semaphore(%arg13 : memref<!tpu.dma_semaphore, #tpu.memory_space<semaphore_mem>>)
        %dma_start3A_1553 = arith.constant 4 : i32
        %dma_start3A_1554 = arith.constant 32 : i32
        %dma_start3A_1555 = arith.constant 0 : i32
        %dma_start3A_1556 = tpu.memref_slice %arg9[%dma_start3A_1554, %dma_start3A_1555] : memref<125x128xf32, #tpu.memory_space<vmem>> -> memref<32x128xf32, #tpu.memory_space<vmem>>
        %dma_start3A_1557 = arith.constant 32 : i32
        %dma_start3A_1558 = tpu.memref_slice %arg5[%dma_start3A_1553, %dma_start3A_1557] : memref<10x125xi32, #tpu.memory_space<vmem>> -> memref<1x32xi32, #tpu.memory_space<vmem>>
        %dma_start3A_1559 = tpu.memref_squeeze %dma_start3A_1558 : memref<1x32xi32, #tpu.memory_space<vmem>> -> memref<32xi32, #tpu.memory_space<vmem>>
        %dma_start3A_1560 = arith.constant 0 : i32
        %dma_start3A_1561 = arith.constant 0 : i32
        %dma_start3A_1562 = tpu.memref_slice %arg2[%dma_start3A_1560, %dma_start3A_1561] : memref<10000x128xf32, #tpu.memory_space<hbm>> -> memref<10000x128xf32, #tpu.memory_space<hbm>>
        tpu.enqueue_indirect_dma source(%dma_start3A_1562 : memref<10000x128xf32, #tpu.memory_space<hbm>>) target(%dma_start3A_1556 : memref<32x128xf32, #tpu.memory_space<vmem>>) offsets(%dma_start3A_1559 : memref<32xi32, #tpu.memory_space<vmem>>) semaphore(%arg13 : memref<!tpu.dma_semaphore, #tpu.memory_space<semaphore_mem>>)
        %dma_start3A_1563 = arith.constant 4 : i32
        %dma_start3A_1564 = arith.constant 64 : i32
        %dma_start3A_1565 = arith.constant 0 : i32
        %dma_start3A_1566 = tpu.memref_slice %arg9[%dma_start3A_1564, %dma_start3A_1565] : memref<125x128xf32, #tpu.memory_space<vmem>> -> memref<32x128xf32, #tpu.memory_space<vmem>>
        %dma_start3A_1567 = arith.constant 64 : i32
        %dma_start3A_1568 = tpu.memref_slice %arg5[%dma_start3A_1563, %dma_start3A_1567] : memref<10x125xi32, #tpu.memory_space<vmem>> -> memref<1x32xi32, #tpu.memory_space<vmem>>
        %dma_start3A_1569 = tpu.memref_squeeze %dma_start3A_1568 : memref<1x32xi32, #tpu.memory_space<vmem>> -> memref<32xi32, #tpu.memory_space<vmem>>
        %dma_start3A_1570 = arith.constant 0 : i32
        %dma_start3A_1571 = arith.constant 0 : i32
        %dma_start3A_1572 = tpu.memref_slice %arg2[%dma_start3A_1570, %dma_start3A_1571] : memref<10000x128xf32, #tpu.memory_space<hbm>> -> memref<10000x128xf32, #tpu.memory_space<hbm>>
        tpu.enqueue_indirect_dma source(%dma_start3A_1572 : memref<10000x128xf32, #tpu.memory_space<hbm>>) target(%dma_start3A_1566 : memref<32x128xf32, #tpu.memory_space<vmem>>) offsets(%dma_start3A_1569 : memref<32xi32, #tpu.memory_space<vmem>>) semaphore(%arg13 : memref<!tpu.dma_semaphore, #tpu.memory_space<semaphore_mem>>)
        %dma_start3A_1573 = arith.constant 4 : i32
        %dma_start3A_1574 = arith.constant 96 : i32
        %dma_start3A_1575 = arith.constant 0 : i32
        %dma_start3A_1576 = tpu.memref_slice %arg9[%dma_start3A_1574, %dma_start3A_1575] : memref<125x128xf32, #tpu.memory_space<vmem>> -> memref<29x128xf32, #tpu.memory_space<vmem>>
        %dma_start3A_1577 = arith.constant 96 : i32
        %dma_start3A_1578 = tpu.memref_slice %arg5[%dma_start3A_1573, %dma_start3A_1577] : memref<10x125xi32, #tpu.memory_space<vmem>> -> memref<1x29xi32, #tpu.memory_space<vmem>>
        %dma_start3A_1579 = tpu.memref_squeeze %dma_start3A_1578 : memref<1x29xi32, #tpu.memory_space<vmem>> -> memref<29xi32, #tpu.memory_space<vmem>>
        %dma_start3A_1580 = arith.constant 0 : i32
        %dma_start3A_1581 = arith.constant 0 : i32
        %dma_start3A_1582 = tpu.memref_slice %arg2[%dma_start3A_1580, %dma_start3A_1581] : memref<10000x128xf32, #tpu.memory_space<hbm>> -> memref<10000x128xf32, #tpu.memory_space<hbm>>
        tpu.enqueue_indirect_dma source(%dma_start3A_1582 : memref<10000x128xf32, #tpu.memory_space<hbm>>) target(%dma_start3A_1576 : memref<29x128xf32, #tpu.memory_space<vmem>>) offsets(%dma_start3A_1579 : memref<29xi32, #tpu.memory_space<vmem>>) semaphore(%arg13 : memref<!tpu.dma_semaphore, #tpu.memory_space<semaphore_mem>>)
      } else {
      }
      %dma_wait3A_469 = arith.constant 3 : i32
      %dma_wait3A_470 = arith.constant 0 : i32
      %dma_wait3A_471 = arith.constant 0 : i32
      %dma_wait3A_472 = tpu.memref_slice %arg10[%dma_wait3A_470, %dma_wait3A_471] : memref<125x128xf32, #tpu.memory_space<vmem>> -> memref<32x128xf32, #tpu.memory_space<vmem>>
      %dma_wait3A_473 = arith.constant 0 : i32
      %dma_wait3A_474 = tpu.memref_slice %arg5[%dma_wait3A_469, %dma_wait3A_473] : memref<10x125xi32, #tpu.memory_space<vmem>> -> memref<1x32xi32, #tpu.memory_space<vmem>>
      %dma_wait3A_475 = tpu.memref_squeeze %dma_wait3A_474 : memref<1x32xi32, #tpu.memory_space<vmem>> -> memref<32xi32, #tpu.memory_space<vmem>>
      %dma_wait3A_476 = arith.constant 0 : i32
      %dma_wait3A_477 = arith.constant 0 : i32
      %dma_wait3A_478 = tpu.memref_slice %arg2[%dma_wait3A_476, %dma_wait3A_477] : memref<10000x128xf32, #tpu.memory_space<hbm>> -> memref<10000x128xf32, #tpu.memory_space<hbm>>
      tpu.wait_indirect_dma semaphore(%arg14 : memref<!tpu.dma_semaphore, #tpu.memory_space<semaphore_mem>>) src(%dma_wait3A_478 : memref<10000x128xf32, #tpu.memory_space<hbm>>) dst(%dma_wait3A_472 : memref<32x128xf32, #tpu.memory_space<vmem>>)
      %dma_wait3A_479 = arith.constant 3 : i32
      %dma_wait3A_480 = arith.constant 32 : i32
      %dma_wait3A_481 = arith.constant 0 : i32
      %dma_wait3A_482 = tpu.memref_slice %arg10[%dma_wait3A_480, %dma_wait3A_481] : memref<125x128xf32, #tpu.memory_space<vmem>> -> memref<32x128xf32, #tpu.memory_space<vmem>>
      %dma_wait3A_483 = arith.constant 32 : i32
      %dma_wait3A_484 = tpu.memref_slice %arg5[%dma_wait3A_479, %dma_wait3A_483] : memref<10x125xi32, #tpu.memory_space<vmem>> -> memref<1x32xi32, #tpu.memory_space<vmem>>
      %dma_wait3A_485 = tpu.memref_squeeze %dma_wait3A_484 : memref<1x32xi32, #tpu.memory_space<vmem>> -> memref<32xi32, #tpu.memory_space<vmem>>
      %dma_wait3A_486 = arith.constant 0 : i32
      %dma_wait3A_487 = arith.constant 0 : i32
      %dma_wait3A_488 = tpu.memref_slice %arg2[%dma_wait3A_486, %dma_wait3A_487] : memref<10000x128xf32, #tpu.memory_space<hbm>> -> memref<10000x128xf32, #tpu.memory_space<hbm>>
      tpu.wait_indirect_dma semaphore(%arg14 : memref<!tpu.dma_semaphore, #tpu.memory_space<semaphore_mem>>) src(%dma_wait3A_488 : memref<10000x128xf32, #tpu.memory_space<hbm>>) dst(%dma_wait3A_482 : memref<32x128xf32, #tpu.memory_space<vmem>>)
      %dma_wait3A_489 = arith.constant 3 : i32
      %dma_wait3A_490 = arith.constant 64 : i32
      %dma_wait3A_491 = arith.constant 0 : i32
      %dma_wait3A_492 = tpu.memref_slice %arg10[%dma_wait3A_490, %dma_wait3A_491] : memref<125x128xf32, #tpu.memory_space<vmem>> -> memref<32x128xf32, #tpu.memory_space<vmem>>
      %dma_wait3A_493 = arith.constant 64 : i32
      %dma_wait3A_494 = tpu.memref_slice %arg5[%dma_wait3A_489, %dma_wait3A_493] : memref<10x125xi32, #tpu.memory_space<vmem>> -> memref<1x32xi32, #tpu.memory_space<vmem>>
      %dma_wait3A_495 = tpu.memref_squeeze %dma_wait3A_494 : memref<1x32xi32, #tpu.memory_space<vmem>> -> memref<32xi32, #tpu.memory_space<vmem>>
      %dma_wait3A_496 = arith.constant 0 : i32
      %dma_wait3A_497 = arith.constant 0 : i32
      %dma_wait3A_498 = tpu.memref_slice %arg2[%dma_wait3A_496, %dma_wait3A_497] : memref<10000x128xf32, #tpu.memory_space<hbm>> -> memref<10000x128xf32, #tpu.memory_space<hbm>>
      tpu.wait_indirect_dma semaphore(%arg14 : memref<!tpu.dma_semaphore, #tpu.memory_space<semaphore_mem>>) src(%dma_wait3A_498 : memref<10000x128xf32, #tpu.memory_space<hbm>>) dst(%dma_wait3A_492 : memref<32x128xf32, #tpu.memory_space<vmem>>)
      %dma_wait3A_499 = arith.constant 3 : i32
      %dma_wait3A_500 = arith.constant 96 : i32
      %dma_wait3A_501 = arith.constant 0 : i32
      %dma_wait3A_502 = tpu.memref_slice %arg10[%dma_wait3A_500, %dma_wait3A_501] : memref<125x128xf32, #tpu.memory_space<vmem>> -> memref<29x128xf32, #tpu.memory_space<vmem>>
      %dma_wait3A_503 = arith.constant 96 : i32
      %dma_wait3A_504 = tpu.memref_slice %arg5[%dma_wait3A_499, %dma_wait3A_503] : memref<10x125xi32, #tpu.memory_space<vmem>> -> memref<1x29xi32, #tpu.memory_space<vmem>>
      %dma_wait3A_505 = tpu.memref_squeeze %dma_wait3A_504 : memref<1x29xi32, #tpu.memory_space<vmem>> -> memref<29xi32, #tpu.memory_space<vmem>>
      %dma_wait3A_506 = arith.constant 0 : i32
      %dma_wait3A_507 = arith.constant 0 : i32
      %dma_wait3A_508 = tpu.memref_slice %arg2[%dma_wait3A_506, %dma_wait3A_507] : memref<10000x128xf32, #tpu.memory_space<hbm>> -> memref<10000x128xf32, #tpu.memory_space<hbm>>
      tpu.wait_indirect_dma semaphore(%arg14 : memref<!tpu.dma_semaphore, #tpu.memory_space<semaphore_mem>>) src(%dma_wait3A_508 : memref<10000x128xf32, #tpu.memory_space<hbm>>) dst(%dma_wait3A_502 : memref<29x128xf32, #tpu.memory_space<vmem>>)
      %dma_start3A_509 = arith.constant 3 : i32
      %dma_start3A_510 = arith.constant 0 : i32
      %dma_start3A_511 = tpu.memref_slice %arg6[%dma_start3A_509, %dma_start3A_510] : memref<10x125xi32, #tpu.memory_space<vmem>> -> memref<1x125xi32, #tpu.memory_space<vmem>>
      %dma_start3A_512 = tpu.memref_squeeze %dma_start3A_511 : memref<1x125xi32, #tpu.memory_space<vmem>> -> memref<125xi32, #tpu.memory_space<vmem>>
      %dma_start3A_513 = arith.constant 0 : i32
      %dma_start3A_514 = arith.constant 0 : i32
      %dma_start3A_515 = tpu.memref_slice %arg12[%dma_start3A_513, %dma_start3A_514] : memref<10240x128xf32, #tpu.memory_space<vmem_shared>> -> memref<10240x128xf32, #tpu.memory_space<vmem_shared>>
      tpu.enqueue_indirect_dma source(%arg10 : memref<125x128xf32, #tpu.memory_space<vmem>>) target(%dma_start3A_515 : memref<10240x128xf32, #tpu.memory_space<vmem_shared>>) offsets(%dma_start3A_512 : memref<125xi32, #tpu.memory_space<vmem>>) semaphore(%arg15 : memref<!tpu.dma_semaphore, #tpu.memory_space<semaphore_mem>>) {add = true}
      %dma_wait3A_516 = arith.constant 3 : i32
      %dma_wait3A_517 = arith.constant 0 : i32
      %dma_wait3A_518 = tpu.memref_slice %arg6[%dma_wait3A_516, %dma_wait3A_517] : memref<10x125xi32, #tpu.memory_space<vmem>> -> memref<1x125xi32, #tpu.memory_space<vmem>>
      %dma_wait3A_519 = tpu.memref_squeeze %dma_wait3A_518 : memref<1x125xi32, #tpu.memory_space<vmem>> -> memref<125xi32, #tpu.memory_space<vmem>>
      %dma_wait3A_520 = arith.constant 0 : i32
      %dma_wait3A_521 = arith.constant 0 : i32
      %dma_wait3A_522 = tpu.memref_slice %arg12[%dma_wait3A_520, %dma_wait3A_521] : memref<10240x128xf32, #tpu.memory_space<vmem_shared>> -> memref<10240x128xf32, #tpu.memory_space<vmem_shared>>
      tpu.wait_indirect_dma semaphore(%arg15 : memref<!tpu.dma_semaphore, #tpu.memory_space<semaphore_mem>>) src(%arg10 : memref<125x128xf32, #tpu.memory_space<vmem>>) dst(%dma_wait3A_522 : memref<10240x128xf32, #tpu.memory_space<vmem_shared>>)
      %add3A_523 = arith.constant 5 : i32
      %add3A_524 = arith.addi %mul3A_266, %add3A_523 : i32
      %lt3A_525 = arith.constant 80 : i32
      %lt3A_526 = arith.cmpi slt, %add3A_524, %lt3A_525 : i32
      %convert_element_type3A_527 = arith.extui %lt3A_526 : i1 to i32
      %cond3A_528 = arith.constant 0 : i32
      %cond3A_529 = arith.cmpi ne, %convert_element_type3A_527, %cond3A_528 : i32
      scf.if %cond3A_529 {
        %dma_start3A_1543 = arith.constant 5 : i32
        %dma_start3A_1544 = arith.constant 0 : i32
        %dma_start3A_1545 = arith.constant 0 : i32
        %dma_start3A_1546 = tpu.memref_slice %arg10[%dma_start3A_1544, %dma_start3A_1545] : memref<125x128xf32, #tpu.memory_space<vmem>> -> memref<32x128xf32, #tpu.memory_space<vmem>>
        %dma_start3A_1547 = arith.constant 0 : i32
        %dma_start3A_1548 = tpu.memref_slice %arg5[%dma_start3A_1543, %dma_start3A_1547] : memref<10x125xi32, #tpu.memory_space<vmem>> -> memref<1x32xi32, #tpu.memory_space<vmem>>
        %dma_start3A_1549 = tpu.memref_squeeze %dma_start3A_1548 : memref<1x32xi32, #tpu.memory_space<vmem>> -> memref<32xi32, #tpu.memory_space<vmem>>
        %dma_start3A_1550 = arith.constant 0 : i32
        %dma_start3A_1551 = arith.constant 0 : i32
        %dma_start3A_1552 = tpu.memref_slice %arg2[%dma_start3A_1550, %dma_start3A_1551] : memref<10000x128xf32, #tpu.memory_space<hbm>> -> memref<10000x128xf32, #tpu.memory_space<hbm>>
        tpu.enqueue_indirect_dma source(%dma_start3A_1552 : memref<10000x128xf32, #tpu.memory_space<hbm>>) target(%dma_start3A_1546 : memref<32x128xf32, #tpu.memory_space<vmem>>) offsets(%dma_start3A_1549 : memref<32xi32, #tpu.memory_space<vmem>>) semaphore(%arg14 : memref<!tpu.dma_semaphore, #tpu.memory_space<semaphore_mem>>)
        %dma_start3A_1553 = arith.constant 5 : i32
        %dma_start3A_1554 = arith.constant 32 : i32
        %dma_start3A_1555 = arith.constant 0 : i32
        %dma_start3A_1556 = tpu.memref_slice %arg10[%dma_start3A_1554, %dma_start3A_1555] : memref<125x128xf32, #tpu.memory_space<vmem>> -> memref<32x128xf32, #tpu.memory_space<vmem>>
        %dma_start3A_1557 = arith.constant 32 : i32
        %dma_start3A_1558 = tpu.memref_slice %arg5[%dma_start3A_1553, %dma_start3A_1557] : memref<10x125xi32, #tpu.memory_space<vmem>> -> memref<1x32xi32, #tpu.memory_space<vmem>>
        %dma_start3A_1559 = tpu.memref_squeeze %dma_start3A_1558 : memref<1x32xi32, #tpu.memory_space<vmem>> -> memref<32xi32, #tpu.memory_space<vmem>>
        %dma_start3A_1560 = arith.constant 0 : i32
        %dma_start3A_1561 = arith.constant 0 : i32
        %dma_start3A_1562 = tpu.memref_slice %arg2[%dma_start3A_1560, %dma_start3A_1561] : memref<10000x128xf32, #tpu.memory_space<hbm>> -> memref<10000x128xf32, #tpu.memory_space<hbm>>
        tpu.enqueue_indirect_dma source(%dma_start3A_1562 : memref<10000x128xf32, #tpu.memory_space<hbm>>) target(%dma_start3A_1556 : memref<32x128xf32, #tpu.memory_space<vmem>>) offsets(%dma_start3A_1559 : memref<32xi32, #tpu.memory_space<vmem>>) semaphore(%arg14 : memref<!tpu.dma_semaphore, #tpu.memory_space<semaphore_mem>>)
        %dma_start3A_1563 = arith.constant 5 : i32
        %dma_start3A_1564 = arith.constant 64 : i32
        %dma_start3A_1565 = arith.constant 0 : i32
        %dma_start3A_1566 = tpu.memref_slice %arg10[%dma_start3A_1564, %dma_start3A_1565] : memref<125x128xf32, #tpu.memory_space<vmem>> -> memref<32x128xf32, #tpu.memory_space<vmem>>
        %dma_start3A_1567 = arith.constant 64 : i32
        %dma_start3A_1568 = tpu.memref_slice %arg5[%dma_start3A_1563, %dma_start3A_1567] : memref<10x125xi32, #tpu.memory_space<vmem>> -> memref<1x32xi32, #tpu.memory_space<vmem>>
        %dma_start3A_1569 = tpu.memref_squeeze %dma_start3A_1568 : memref<1x32xi32, #tpu.memory_space<vmem>> -> memref<32xi32, #tpu.memory_space<vmem>>
        %dma_start3A_1570 = arith.constant 0 : i32
        %dma_start3A_1571 = arith.constant 0 : i32
        %dma_start3A_1572 = tpu.memref_slice %arg2[%dma_start3A_1570, %dma_start3A_1571] : memref<10000x128xf32, #tpu.memory_space<hbm>> -> memref<10000x128xf32, #tpu.memory_space<hbm>>
        tpu.enqueue_indirect_dma source(%dma_start3A_1572 : memref<10000x128xf32, #tpu.memory_space<hbm>>) target(%dma_start3A_1566 : memref<32x128xf32, #tpu.memory_space<vmem>>) offsets(%dma_start3A_1569 : memref<32xi32, #tpu.memory_space<vmem>>) semaphore(%arg14 : memref<!tpu.dma_semaphore, #tpu.memory_space<semaphore_mem>>)
        %dma_start3A_1573 = arith.constant 5 : i32
        %dma_start3A_1574 = arith.constant 96 : i32
        %dma_start3A_1575 = arith.constant 0 : i32
        %dma_start3A_1576 = tpu.memref_slice %arg10[%dma_start3A_1574, %dma_start3A_1575] : memref<125x128xf32, #tpu.memory_space<vmem>> -> memref<29x128xf32, #tpu.memory_space<vmem>>
        %dma_start3A_1577 = arith.constant 96 : i32
        %dma_start3A_1578 = tpu.memref_slice %arg5[%dma_start3A_1573, %dma_start3A_1577] : memref<10x125xi32, #tpu.memory_space<vmem>> -> memref<1x29xi32, #tpu.memory_space<vmem>>
        %dma_start3A_1579 = tpu.memref_squeeze %dma_start3A_1578 : memref<1x29xi32, #tpu.memory_space<vmem>> -> memref<29xi32, #tpu.memory_space<vmem>>
        %dma_start3A_1580 = arith.constant 0 : i32
        %dma_start3A_1581 = arith.constant 0 : i32
        %dma_start3A_1582 = tpu.memref_slice %arg2[%dma_start3A_1580, %dma_start3A_1581] : memref<10000x128xf32, #tpu.memory_space<hbm>> -> memref<10000x128xf32, #tpu.memory_space<hbm>>
        tpu.enqueue_indirect_dma source(%dma_start3A_1582 : memref<10000x128xf32, #tpu.memory_space<hbm>>) target(%dma_start3A_1576 : memref<29x128xf32, #tpu.memory_space<vmem>>) offsets(%dma_start3A_1579 : memref<29xi32, #tpu.memory_space<vmem>>) semaphore(%arg14 : memref<!tpu.dma_semaphore, #tpu.memory_space<semaphore_mem>>)
      } else {
      }
      %dma_wait3A_530 = arith.constant 4 : i32
      %dma_wait3A_531 = arith.constant 0 : i32
      %dma_wait3A_532 = arith.constant 0 : i32
      %dma_wait3A_533 = tpu.memref_slice %arg9[%dma_wait3A_531, %dma_wait3A_532] : memref<125x128xf32, #tpu.memory_space<vmem>> -> memref<32x128xf32, #tpu.memory_space<vmem>>
      %dma_wait3A_534 = arith.constant 0 : i32
      %dma_wait3A_535 = tpu.memref_slice %arg5[%dma_wait3A_530, %dma_wait3A_534] : memref<10x125xi32, #tpu.memory_space<vmem>> -> memref<1x32xi32, #tpu.memory_space<vmem>>
      %dma_wait3A_536 = tpu.memref_squeeze %dma_wait3A_535 : memref<1x32xi32, #tpu.memory_space<vmem>> -> memref<32xi32, #tpu.memory_space<vmem>>
      %dma_wait3A_537 = arith.constant 0 : i32
      %dma_wait3A_538 = arith.constant 0 : i32
      %dma_wait3A_539 = tpu.memref_slice %arg2[%dma_wait3A_537, %dma_wait3A_538] : memref<10000x128xf32, #tpu.memory_space<hbm>> -> memref<10000x128xf32, #tpu.memory_space<hbm>>
      tpu.wait_indirect_dma semaphore(%arg13 : memref<!tpu.dma_semaphore, #tpu.memory_space<semaphore_mem>>) src(%dma_wait3A_539 : memref<10000x128xf32, #tpu.memory_space<hbm>>) dst(%dma_wait3A_533 : memref<32x128xf32, #tpu.memory_space<vmem>>)
      %dma_wait3A_540 = arith.constant 4 : i32
      %dma_wait3A_541 = arith.constant 32 : i32
      %dma_wait3A_542 = arith.constant 0 : i32
      %dma_wait3A_543 = tpu.memref_slice %arg9[%dma_wait3A_541, %dma_wait3A_542] : memref<125x128xf32, #tpu.memory_space<vmem>> -> memref<32x128xf32, #tpu.memory_space<vmem>>
      %dma_wait3A_544 = arith.constant 32 : i32
      %dma_wait3A_545 = tpu.memref_slice %arg5[%dma_wait3A_540, %dma_wait3A_544] : memref<10x125xi32, #tpu.memory_space<vmem>> -> memref<1x32xi32, #tpu.memory_space<vmem>>
      %dma_wait3A_546 = tpu.memref_squeeze %dma_wait3A_545 : memref<1x32xi32, #tpu.memory_space<vmem>> -> memref<32xi32, #tpu.memory_space<vmem>>
      %dma_wait3A_547 = arith.constant 0 : i32
      %dma_wait3A_548 = arith.constant 0 : i32
      %dma_wait3A_549 = tpu.memref_slice %arg2[%dma_wait3A_547, %dma_wait3A_548] : memref<10000x128xf32, #tpu.memory_space<hbm>> -> memref<10000x128xf32, #tpu.memory_space<hbm>>
      tpu.wait_indirect_dma semaphore(%arg13 : memref<!tpu.dma_semaphore, #tpu.memory_space<semaphore_mem>>) src(%dma_wait3A_549 : memref<10000x128xf32, #tpu.memory_space<hbm>>) dst(%dma_wait3A_543 : memref<32x128xf32, #tpu.memory_space<vmem>>)
      %dma_wait3A_550 = arith.constant 4 : i32
      %dma_wait3A_551 = arith.constant 64 : i32
      %dma_wait3A_552 = arith.constant 0 : i32
      %dma_wait3A_553 = tpu.memref_slice %arg9[%dma_wait3A_551, %dma_wait3A_552] : memref<125x128xf32, #tpu.memory_space<vmem>> -> memref<32x128xf32, #tpu.memory_space<vmem>>
      %dma_wait3A_554 = arith.constant 64 : i32
      %dma_wait3A_555 = tpu.memref_slice %arg5[%dma_wait3A_550, %dma_wait3A_554] : memref<10x125xi32, #tpu.memory_space<vmem>> -> memref<1x32xi32, #tpu.memory_space<vmem>>
      %dma_wait3A_556 = tpu.memref_squeeze %dma_wait3A_555 : memref<1x32xi32, #tpu.memory_space<vmem>> -> memref<32xi32, #tpu.memory_space<vmem>>
      %dma_wait3A_557 = arith.constant 0 : i32
      %dma_wait3A_558 = arith.constant 0 : i32
      %dma_wait3A_559 = tpu.memref_slice %arg2[%dma_wait3A_557, %dma_wait3A_558] : memref<10000x128xf32, #tpu.memory_space<hbm>> -> memref<10000x128xf32, #tpu.memory_space<hbm>>
      tpu.wait_indirect_dma semaphore(%arg13 : memref<!tpu.dma_semaphore, #tpu.memory_space<semaphore_mem>>) src(%dma_wait3A_559 : memref<10000x128xf32, #tpu.memory_space<hbm>>) dst(%dma_wait3A_553 : memref<32x128xf32, #tpu.memory_space<vmem>>)
      %dma_wait3A_560 = arith.constant 4 : i32
      %dma_wait3A_561 = arith.constant 96 : i32
      %dma_wait3A_562 = arith.constant 0 : i32
      %dma_wait3A_563 = tpu.memref_slice %arg9[%dma_wait3A_561, %dma_wait3A_562] : memref<125x128xf32, #tpu.memory_space<vmem>> -> memref<29x128xf32, #tpu.memory_space<vmem>>
      %dma_wait3A_564 = arith.constant 96 : i32
      %dma_wait3A_565 = tpu.memref_slice %arg5[%dma_wait3A_560, %dma_wait3A_564] : memref<10x125xi32, #tpu.memory_space<vmem>> -> memref<1x29xi32, #tpu.memory_space<vmem>>
      %dma_wait3A_566 = tpu.memref_squeeze %dma_wait3A_565 : memref<1x29xi32, #tpu.memory_space<vmem>> -> memref<29xi32, #tpu.memory_space<vmem>>
      %dma_wait3A_567 = arith.constant 0 : i32
      %dma_wait3A_568 = arith.constant 0 : i32
      %dma_wait3A_569 = tpu.memref_slice %arg2[%dma_wait3A_567, %dma_wait3A_568] : memref<10000x128xf32, #tpu.memory_space<hbm>> -> memref<10000x128xf32, #tpu.memory_space<hbm>>
      tpu.wait_indirect_dma semaphore(%arg13 : memref<!tpu.dma_semaphore, #tpu.memory_space<semaphore_mem>>) src(%dma_wait3A_569 : memref<10000x128xf32, #tpu.memory_space<hbm>>) dst(%dma_wait3A_563 : memref<29x128xf32, #tpu.memory_space<vmem>>)
      %dma_start3A_570 = arith.constant 4 : i32
      %dma_start3A_571 = arith.constant 0 : i32
      %dma_start3A_572 = tpu.memref_slice %arg6[%dma_start3A_570, %dma_start3A_571] : memref<10x125xi32, #tpu.memory_space<vmem>> -> memref<1x125xi32, #tpu.memory_space<vmem>>
      %dma_start3A_573 = tpu.memref_squeeze %dma_start3A_572 : memref<1x125xi32, #tpu.memory_space<vmem>> -> memref<125xi32, #tpu.memory_space<vmem>>
      %dma_start3A_574 = arith.constant 0 : i32
      %dma_start3A_575 = arith.constant 0 : i32
      %dma_start3A_576 = tpu.memref_slice %arg12[%dma_start3A_574, %dma_start3A_575] : memref<10240x128xf32, #tpu.memory_space<vmem_shared>> -> memref<10240x128xf32, #tpu.memory_space<vmem_shared>>
      tpu.enqueue_indirect_dma source(%arg9 : memref<125x128xf32, #tpu.memory_space<vmem>>) target(%dma_start3A_576 : memref<10240x128xf32, #tpu.memory_space<vmem_shared>>) offsets(%dma_start3A_573 : memref<125xi32, #tpu.memory_space<vmem>>) semaphore(%arg15 : memref<!tpu.dma_semaphore, #tpu.memory_space<semaphore_mem>>) {add = true}
      %dma_wait3A_577 = arith.constant 4 : i32
      %dma_wait3A_578 = arith.constant 0 : i32
      %dma_wait3A_579 = tpu.memref_slice %arg6[%dma_wait3A_577, %dma_wait3A_578] : memref<10x125xi32, #tpu.memory_space<vmem>> -> memref<1x125xi32, #tpu.memory_space<vmem>>
      %dma_wait3A_580 = tpu.memref_squeeze %dma_wait3A_579 : memref<1x125xi32, #tpu.memory_space<vmem>> -> memref<125xi32, #tpu.memory_space<vmem>>
      %dma_wait3A_581 = arith.constant 0 : i32
      %dma_wait3A_582 = arith.constant 0 : i32
      %dma_wait3A_583 = tpu.memref_slice %arg12[%dma_wait3A_581, %dma_wait3A_582] : memref<10240x128xf32, #tpu.memory_space<vmem_shared>> -> memref<10240x128xf32, #tpu.memory_space<vmem_shared>>
      tpu.wait_indirect_dma semaphore(%arg15 : memref<!tpu.dma_semaphore, #tpu.memory_space<semaphore_mem>>) src(%arg9 : memref<125x128xf32, #tpu.memory_space<vmem>>) dst(%dma_wait3A_583 : memref<10240x128xf32, #tpu.memory_space<vmem_shared>>)
      %add3A_584 = arith.constant 6 : i32
      %add3A_585 = arith.addi %mul3A_266, %add3A_584 : i32
      %lt3A_586 = arith.constant 80 : i32
      %lt3A_587 = arith.cmpi slt, %add3A_585, %lt3A_586 : i32
      %convert_element_type3A_588 = arith.extui %lt3A_587 : i1 to i32
      %cond3A_589 = arith.constant 0 : i32
      %cond3A_590 = arith.cmpi ne, %convert_element_type3A_588, %cond3A_589 : i32
      scf.if %cond3A_590 {
        %dma_start3A_1543 = arith.constant 6 : i32
        %dma_start3A_1544 = arith.constant 0 : i32
        %dma_start3A_1545 = arith.constant 0 : i32
        %dma_start3A_1546 = tpu.memref_slice %arg9[%dma_start3A_1544, %dma_start3A_1545] : memref<125x128xf32, #tpu.memory_space<vmem>> -> memref<32x128xf32, #tpu.memory_space<vmem>>
        %dma_start3A_1547 = arith.constant 0 : i32
        %dma_start3A_1548 = tpu.memref_slice %arg5[%dma_start3A_1543, %dma_start3A_1547] : memref<10x125xi32, #tpu.memory_space<vmem>> -> memref<1x32xi32, #tpu.memory_space<vmem>>
        %dma_start3A_1549 = tpu.memref_squeeze %dma_start3A_1548 : memref<1x32xi32, #tpu.memory_space<vmem>> -> memref<32xi32, #tpu.memory_space<vmem>>
        %dma_start3A_1550 = arith.constant 0 : i32
        %dma_start3A_1551 = arith.constant 0 : i32
        %dma_start3A_1552 = tpu.memref_slice %arg2[%dma_start3A_1550, %dma_start3A_1551] : memref<10000x128xf32, #tpu.memory_space<hbm>> -> memref<10000x128xf32, #tpu.memory_space<hbm>>
        tpu.enqueue_indirect_dma source(%dma_start3A_1552 : memref<10000x128xf32, #tpu.memory_space<hbm>>) target(%dma_start3A_1546 : memref<32x128xf32, #tpu.memory_space<vmem>>) offsets(%dma_start3A_1549 : memref<32xi32, #tpu.memory_space<vmem>>) semaphore(%arg13 : memref<!tpu.dma_semaphore, #tpu.memory_space<semaphore_mem>>)
        %dma_start3A_1553 = arith.constant 6 : i32
        %dma_start3A_1554 = arith.constant 32 : i32
        %dma_start3A_1555 = arith.constant 0 : i32
        %dma_start3A_1556 = tpu.memref_slice %arg9[%dma_start3A_1554, %dma_start3A_1555] : memref<125x128xf32, #tpu.memory_space<vmem>> -> memref<32x128xf32, #tpu.memory_space<vmem>>
        %dma_start3A_1557 = arith.constant 32 : i32
        %dma_start3A_1558 = tpu.memref_slice %arg5[%dma_start3A_1553, %dma_start3A_1557] : memref<10x125xi32, #tpu.memory_space<vmem>> -> memref<1x32xi32, #tpu.memory_space<vmem>>
        %dma_start3A_1559 = tpu.memref_squeeze %dma_start3A_1558 : memref<1x32xi32, #tpu.memory_space<vmem>> -> memref<32xi32, #tpu.memory_space<vmem>>
        %dma_start3A_1560 = arith.constant 0 : i32
        %dma_start3A_1561 = arith.constant 0 : i32
        %dma_start3A_1562 = tpu.memref_slice %arg2[%dma_start3A_1560, %dma_start3A_1561] : memref<10000x128xf32, #tpu.memory_space<hbm>> -> memref<10000x128xf32, #tpu.memory_space<hbm>>
        tpu.enqueue_indirect_dma source(%dma_start3A_1562 : memref<10000x128xf32, #tpu.memory_space<hbm>>) target(%dma_start3A_1556 : memref<32x128xf32, #tpu.memory_space<vmem>>) offsets(%dma_start3A_1559 : memref<32xi32, #tpu.memory_space<vmem>>) semaphore(%arg13 : memref<!tpu.dma_semaphore, #tpu.memory_space<semaphore_mem>>)
        %dma_start3A_1563 = arith.constant 6 : i32
        %dma_start3A_1564 = arith.constant 64 : i32
        %dma_start3A_1565 = arith.constant 0 : i32
        %dma_start3A_1566 = tpu.memref_slice %arg9[%dma_start3A_1564, %dma_start3A_1565] : memref<125x128xf32, #tpu.memory_space<vmem>> -> memref<32x128xf32, #tpu.memory_space<vmem>>
        %dma_start3A_1567 = arith.constant 64 : i32
        %dma_start3A_1568 = tpu.memref_slice %arg5[%dma_start3A_1563, %dma_start3A_1567] : memref<10x125xi32, #tpu.memory_space<vmem>> -> memref<1x32xi32, #tpu.memory_space<vmem>>
        %dma_start3A_1569 = tpu.memref_squeeze %dma_start3A_1568 : memref<1x32xi32, #tpu.memory_space<vmem>> -> memref<32xi32, #tpu.memory_space<vmem>>
        %dma_start3A_1570 = arith.constant 0 : i32
        %dma_start3A_1571 = arith.constant 0 : i32
        %dma_start3A_1572 = tpu.memref_slice %arg2[%dma_start3A_1570, %dma_start3A_1571] : memref<10000x128xf32, #tpu.memory_space<hbm>> -> memref<10000x128xf32, #tpu.memory_space<hbm>>
        tpu.enqueue_indirect_dma source(%dma_start3A_1572 : memref<10000x128xf32, #tpu.memory_space<hbm>>) target(%dma_start3A_1566 : memref<32x128xf32, #tpu.memory_space<vmem>>) offsets(%dma_start3A_1569 : memref<32xi32, #tpu.memory_space<vmem>>) semaphore(%arg13 : memref<!tpu.dma_semaphore, #tpu.memory_space<semaphore_mem>>)
        %dma_start3A_1573 = arith.constant 6 : i32
        %dma_start3A_1574 = arith.constant 96 : i32
        %dma_start3A_1575 = arith.constant 0 : i32
        %dma_start3A_1576 = tpu.memref_slice %arg9[%dma_start3A_1574, %dma_start3A_1575] : memref<125x128xf32, #tpu.memory_space<vmem>> -> memref<29x128xf32, #tpu.memory_space<vmem>>
        %dma_start3A_1577 = arith.constant 96 : i32
        %dma_start3A_1578 = tpu.memref_slice %arg5[%dma_start3A_1573, %dma_start3A_1577] : memref<10x125xi32, #tpu.memory_space<vmem>> -> memref<1x29xi32, #tpu.memory_space<vmem>>
        %dma_start3A_1579 = tpu.memref_squeeze %dma_start3A_1578 : memref<1x29xi32, #tpu.memory_space<vmem>> -> memref<29xi32, #tpu.memory_space<vmem>>
        %dma_start3A_1580 = arith.constant 0 : i32
        %dma_start3A_1581 = arith.constant 0 : i32
        %dma_start3A_1582 = tpu.memref_slice %arg2[%dma_start3A_1580, %dma_start3A_1581] : memref<10000x128xf32, #tpu.memory_space<hbm>> -> memref<10000x128xf32, #tpu.memory_space<hbm>>
        tpu.enqueue_indirect_dma source(%dma_start3A_1582 : memref<10000x128xf32, #tpu.memory_space<hbm>>) target(%dma_start3A_1576 : memref<29x128xf32, #tpu.memory_space<vmem>>) offsets(%dma_start3A_1579 : memref<29xi32, #tpu.memory_space<vmem>>) semaphore(%arg13 : memref<!tpu.dma_semaphore, #tpu.memory_space<semaphore_mem>>)
      } else {
      }
      %dma_wait3A_591 = arith.constant 5 : i32
      %dma_wait3A_592 = arith.constant 0 : i32
      %dma_wait3A_593 = arith.constant 0 : i32
      %dma_wait3A_594 = tpu.memref_slice %arg10[%dma_wait3A_592, %dma_wait3A_593] : memref<125x128xf32, #tpu.memory_space<vmem>> -> memref<32x128xf32, #tpu.memory_space<vmem>>
      %dma_wait3A_595 = arith.constant 0 : i32
      %dma_wait3A_596 = tpu.memref_slice %arg5[%dma_wait3A_591, %dma_wait3A_595] : memref<10x125xi32, #tpu.memory_space<vmem>> -> memref<1x32xi32, #tpu.memory_space<vmem>>
      %dma_wait3A_597 = tpu.memref_squeeze %dma_wait3A_596 : memref<1x32xi32, #tpu.memory_space<vmem>> -> memref<32xi32, #tpu.memory_space<vmem>>
      %dma_wait3A_598 = arith.constant 0 : i32
      %dma_wait3A_599 = arith.constant 0 : i32
      %dma_wait3A_600 = tpu.memref_slice %arg2[%dma_wait3A_598, %dma_wait3A_599] : memref<10000x128xf32, #tpu.memory_space<hbm>> -> memref<10000x128xf32, #tpu.memory_space<hbm>>
      tpu.wait_indirect_dma semaphore(%arg14 : memref<!tpu.dma_semaphore, #tpu.memory_space<semaphore_mem>>) src(%dma_wait3A_600 : memref<10000x128xf32, #tpu.memory_space<hbm>>) dst(%dma_wait3A_594 : memref<32x128xf32, #tpu.memory_space<vmem>>)
      %dma_wait3A_601 = arith.constant 5 : i32
      %dma_wait3A_602 = arith.constant 32 : i32
      %dma_wait3A_603 = arith.constant 0 : i32
      %dma_wait3A_604 = tpu.memref_slice %arg10[%dma_wait3A_602, %dma_wait3A_603] : memref<125x128xf32, #tpu.memory_space<vmem>> -> memref<32x128xf32, #tpu.memory_space<vmem>>
      %dma_wait3A_605 = arith.constant 32 : i32
      %dma_wait3A_606 = tpu.memref_slice %arg5[%dma_wait3A_601, %dma_wait3A_605] : memref<10x125xi32, #tpu.memory_space<vmem>> -> memref<1x32xi32, #tpu.memory_space<vmem>>
      %dma_wait3A_607 = tpu.memref_squeeze %dma_wait3A_606 : memref<1x32xi32, #tpu.memory_space<vmem>> -> memref<32xi32, #tpu.memory_space<vmem>>
      %dma_wait3A_608 = arith.constant 0 : i32
      %dma_wait3A_609 = arith.constant 0 : i32
      %dma_wait3A_610 = tpu.memref_slice %arg2[%dma_wait3A_608, %dma_wait3A_609] : memref<10000x128xf32, #tpu.memory_space<hbm>> -> memref<10000x128xf32, #tpu.memory_space<hbm>>
      tpu.wait_indirect_dma semaphore(%arg14 : memref<!tpu.dma_semaphore, #tpu.memory_space<semaphore_mem>>) src(%dma_wait3A_610 : memref<10000x128xf32, #tpu.memory_space<hbm>>) dst(%dma_wait3A_604 : memref<32x128xf32, #tpu.memory_space<vmem>>)
      %dma_wait3A_611 = arith.constant 5 : i32
      %dma_wait3A_612 = arith.constant 64 : i32
      %dma_wait3A_613 = arith.constant 0 : i32
      %dma_wait3A_614 = tpu.memref_slice %arg10[%dma_wait3A_612, %dma_wait3A_613] : memref<125x128xf32, #tpu.memory_space<vmem>> -> memref<32x128xf32, #tpu.memory_space<vmem>>
      %dma_wait3A_615 = arith.constant 64 : i32
      %dma_wait3A_616 = tpu.memref_slice %arg5[%dma_wait3A_611, %dma_wait3A_615] : memref<10x125xi32, #tpu.memory_space<vmem>> -> memref<1x32xi32, #tpu.memory_space<vmem>>
      %dma_wait3A_617 = tpu.memref_squeeze %dma_wait3A_616 : memref<1x32xi32, #tpu.memory_space<vmem>> -> memref<32xi32, #tpu.memory_space<vmem>>
      %dma_wait3A_618 = arith.constant 0 : i32
      %dma_wait3A_619 = arith.constant 0 : i32
      %dma_wait3A_620 = tpu.memref_slice %arg2[%dma_wait3A_618, %dma_wait3A_619] : memref<10000x128xf32, #tpu.memory_space<hbm>> -> memref<10000x128xf32, #tpu.memory_space<hbm>>
      tpu.wait_indirect_dma semaphore(%arg14 : memref<!tpu.dma_semaphore, #tpu.memory_space<semaphore_mem>>) src(%dma_wait3A_620 : memref<10000x128xf32, #tpu.memory_space<hbm>>) dst(%dma_wait3A_614 : memref<32x128xf32, #tpu.memory_space<vmem>>)
      %dma_wait3A_621 = arith.constant 5 : i32
      %dma_wait3A_622 = arith.constant 96 : i32
      %dma_wait3A_623 = arith.constant 0 : i32
      %dma_wait3A_624 = tpu.memref_slice %arg10[%dma_wait3A_622, %dma_wait3A_623] : memref<125x128xf32, #tpu.memory_space<vmem>> -> memref<29x128xf32, #tpu.memory_space<vmem>>
      %dma_wait3A_625 = arith.constant 96 : i32
      %dma_wait3A_626 = tpu.memref_slice %arg5[%dma_wait3A_621, %dma_wait3A_625] : memref<10x125xi32, #tpu.memory_space<vmem>> -> memref<1x29xi32, #tpu.memory_space<vmem>>
      %dma_wait3A_627 = tpu.memref_squeeze %dma_wait3A_626 : memref<1x29xi32, #tpu.memory_space<vmem>> -> memref<29xi32, #tpu.memory_space<vmem>>
      %dma_wait3A_628 = arith.constant 0 : i32
      %dma_wait3A_629 = arith.constant 0 : i32
      %dma_wait3A_630 = tpu.memref_slice %arg2[%dma_wait3A_628, %dma_wait3A_629] : memref<10000x128xf32, #tpu.memory_space<hbm>> -> memref<10000x128xf32, #tpu.memory_space<hbm>>
      tpu.wait_indirect_dma semaphore(%arg14 : memref<!tpu.dma_semaphore, #tpu.memory_space<semaphore_mem>>) src(%dma_wait3A_630 : memref<10000x128xf32, #tpu.memory_space<hbm>>) dst(%dma_wait3A_624 : memref<29x128xf32, #tpu.memory_space<vmem>>)
      %dma_start3A_631 = arith.constant 5 : i32
      %dma_start3A_632 = arith.constant 0 : i32
      %dma_start3A_633 = tpu.memref_slice %arg6[%dma_start3A_631, %dma_start3A_632] : memref<10x125xi32, #tpu.memory_space<vmem>> -> memref<1x125xi32, #tpu.memory_space<vmem>>
      %dma_start3A_634 = tpu.memref_squeeze %dma_start3A_633 : memref<1x125xi32, #tpu.memory_space<vmem>> -> memref<125xi32, #tpu.memory_space<vmem>>
      %dma_start3A_635 = arith.constant 0 : i32
      %dma_start3A_636 = arith.constant 0 : i32
      %dma_start3A_637 = tpu.memref_slice %arg12[%dma_start3A_635, %dma_start3A_636] : memref<10240x128xf32, #tpu.memory_space<vmem_shared>> -> memref<10240x128xf32, #tpu.memory_space<vmem_shared>>
      tpu.enqueue_indirect_dma source(%arg10 : memref<125x128xf32, #tpu.memory_space<vmem>>) target(%dma_start3A_637 : memref<10240x128xf32, #tpu.memory_space<vmem_shared>>) offsets(%dma_start3A_634 : memref<125xi32, #tpu.memory_space<vmem>>) semaphore(%arg15 : memref<!tpu.dma_semaphore, #tpu.memory_space<semaphore_mem>>) {add = true}
      %dma_wait3A_638 = arith.constant 5 : i32
      %dma_wait3A_639 = arith.constant 0 : i32
      %dma_wait3A_640 = tpu.memref_slice %arg6[%dma_wait3A_638, %dma_wait3A_639] : memref<10x125xi32, #tpu.memory_space<vmem>> -> memref<1x125xi32, #tpu.memory_space<vmem>>
      %dma_wait3A_641 = tpu.memref_squeeze %dma_wait3A_640 : memref<1x125xi32, #tpu.memory_space<vmem>> -> memref<125xi32, #tpu.memory_space<vmem>>
      %dma_wait3A_642 = arith.constant 0 : i32
      %dma_wait3A_643 = arith.constant 0 : i32
      %dma_wait3A_644 = tpu.memref_slice %arg12[%dma_wait3A_642, %dma_wait3A_643] : memref<10240x128xf32, #tpu.memory_space<vmem_shared>> -> memref<10240x128xf32, #tpu.memory_space<vmem_shared>>
      tpu.wait_indirect_dma semaphore(%arg15 : memref<!tpu.dma_semaphore, #tpu.memory_space<semaphore_mem>>) src(%arg10 : memref<125x128xf32, #tpu.memory_space<vmem>>) dst(%dma_wait3A_644 : memref<10240x128xf32, #tpu.memory_space<vmem_shared>>)
      %add3A_645 = arith.constant 7 : i32
      %add3A_646 = arith.addi %mul3A_266, %add3A_645 : i32
      %lt3A_647 = arith.constant 80 : i32
      %lt3A_648 = arith.cmpi slt, %add3A_646, %lt3A_647 : i32
      %convert_element_type3A_649 = arith.extui %lt3A_648 : i1 to i32
      %cond3A_650 = arith.constant 0 : i32
      %cond3A_651 = arith.cmpi ne, %convert_element_type3A_649, %cond3A_650 : i32
      scf.if %cond3A_651 {
        %dma_start3A_1543 = arith.constant 7 : i32
        %dma_start3A_1544 = arith.constant 0 : i32
        %dma_start3A_1545 = arith.constant 0 : i32
        %dma_start3A_1546 = tpu.memref_slice %arg10[%dma_start3A_1544, %dma_start3A_1545] : memref<125x128xf32, #tpu.memory_space<vmem>> -> memref<32x128xf32, #tpu.memory_space<vmem>>
        %dma_start3A_1547 = arith.constant 0 : i32
        %dma_start3A_1548 = tpu.memref_slice %arg5[%dma_start3A_1543, %dma_start3A_1547] : memref<10x125xi32, #tpu.memory_space<vmem>> -> memref<1x32xi32, #tpu.memory_space<vmem>>
        %dma_start3A_1549 = tpu.memref_squeeze %dma_start3A_1548 : memref<1x32xi32, #tpu.memory_space<vmem>> -> memref<32xi32, #tpu.memory_space<vmem>>
        %dma_start3A_1550 = arith.constant 0 : i32
        %dma_start3A_1551 = arith.constant 0 : i32
        %dma_start3A_1552 = tpu.memref_slice %arg2[%dma_start3A_1550, %dma_start3A_1551] : memref<10000x128xf32, #tpu.memory_space<hbm>> -> memref<10000x128xf32, #tpu.memory_space<hbm>>
        tpu.enqueue_indirect_dma source(%dma_start3A_1552 : memref<10000x128xf32, #tpu.memory_space<hbm>>) target(%dma_start3A_1546 : memref<32x128xf32, #tpu.memory_space<vmem>>) offsets(%dma_start3A_1549 : memref<32xi32, #tpu.memory_space<vmem>>) semaphore(%arg14 : memref<!tpu.dma_semaphore, #tpu.memory_space<semaphore_mem>>)
        %dma_start3A_1553 = arith.constant 7 : i32
        %dma_start3A_1554 = arith.constant 32 : i32
        %dma_start3A_1555 = arith.constant 0 : i32
        %dma_start3A_1556 = tpu.memref_slice %arg10[%dma_start3A_1554, %dma_start3A_1555] : memref<125x128xf32, #tpu.memory_space<vmem>> -> memref<32x128xf32, #tpu.memory_space<vmem>>
        %dma_start3A_1557 = arith.constant 32 : i32
        %dma_start3A_1558 = tpu.memref_slice %arg5[%dma_start3A_1553, %dma_start3A_1557] : memref<10x125xi32, #tpu.memory_space<vmem>> -> memref<1x32xi32, #tpu.memory_space<vmem>>
        %dma_start3A_1559 = tpu.memref_squeeze %dma_start3A_1558 : memref<1x32xi32, #tpu.memory_space<vmem>> -> memref<32xi32, #tpu.memory_space<vmem>>
        %dma_start3A_1560 = arith.constant 0 : i32
        %dma_start3A_1561 = arith.constant 0 : i32
        %dma_start3A_1562 = tpu.memref_slice %arg2[%dma_start3A_1560, %dma_start3A_1561] : memref<10000x128xf32, #tpu.memory_space<hbm>> -> memref<10000x128xf32, #tpu.memory_space<hbm>>
        tpu.enqueue_indirect_dma source(%dma_start3A_1562 : memref<10000x128xf32, #tpu.memory_space<hbm>>) target(%dma_start3A_1556 : memref<32x128xf32, #tpu.memory_space<vmem>>) offsets(%dma_start3A_1559 : memref<32xi32, #tpu.memory_space<vmem>>) semaphore(%arg14 : memref<!tpu.dma_semaphore, #tpu.memory_space<semaphore_mem>>)
        %dma_start3A_1563 = arith.constant 7 : i32
        %dma_start3A_1564 = arith.constant 64 : i32
        %dma_start3A_1565 = arith.constant 0 : i32
        %dma_start3A_1566 = tpu.memref_slice %arg10[%dma_start3A_1564, %dma_start3A_1565] : memref<125x128xf32, #tpu.memory_space<vmem>> -> memref<32x128xf32, #tpu.memory_space<vmem>>
        %dma_start3A_1567 = arith.constant 64 : i32
        %dma_start3A_1568 = tpu.memref_slice %arg5[%dma_start3A_1563, %dma_start3A_1567] : memref<10x125xi32, #tpu.memory_space<vmem>> -> memref<1x32xi32, #tpu.memory_space<vmem>>
        %dma_start3A_1569 = tpu.memref_squeeze %dma_start3A_1568 : memref<1x32xi32, #tpu.memory_space<vmem>> -> memref<32xi32, #tpu.memory_space<vmem>>
        %dma_start3A_1570 = arith.constant 0 : i32
        %dma_start3A_1571 = arith.constant 0 : i32
        %dma_start3A_1572 = tpu.memref_slice %arg2[%dma_start3A_1570, %dma_start3A_1571] : memref<10000x128xf32, #tpu.memory_space<hbm>> -> memref<10000x128xf32, #tpu.memory_space<hbm>>
        tpu.enqueue_indirect_dma source(%dma_start3A_1572 : memref<10000x128xf32, #tpu.memory_space<hbm>>) target(%dma_start3A_1566 : memref<32x128xf32, #tpu.memory_space<vmem>>) offsets(%dma_start3A_1569 : memref<32xi32, #tpu.memory_space<vmem>>) semaphore(%arg14 : memref<!tpu.dma_semaphore, #tpu.memory_space<semaphore_mem>>)
        %dma_start3A_1573 = arith.constant 7 : i32
        %dma_start3A_1574 = arith.constant 96 : i32
        %dma_start3A_1575 = arith.constant 0 : i32
        %dma_start3A_1576 = tpu.memref_slice %arg10[%dma_start3A_1574, %dma_start3A_1575] : memref<125x128xf32, #tpu.memory_space<vmem>> -> memref<29x128xf32, #tpu.memory_space<vmem>>
        %dma_start3A_1577 = arith.constant 96 : i32
        %dma_start3A_1578 = tpu.memref_slice %arg5[%dma_start3A_1573, %dma_start3A_1577] : memref<10x125xi32, #tpu.memory_space<vmem>> -> memref<1x29xi32, #tpu.memory_space<vmem>>
        %dma_start3A_1579 = tpu.memref_squeeze %dma_start3A_1578 : memref<1x29xi32, #tpu.memory_space<vmem>> -> memref<29xi32, #tpu.memory_space<vmem>>
        %dma_start3A_1580 = arith.constant 0 : i32
        %dma_start3A_1581 = arith.constant 0 : i32
        %dma_start3A_1582 = tpu.memref_slice %arg2[%dma_start3A_1580, %dma_start3A_1581] : memref<10000x128xf32, #tpu.memory_space<hbm>> -> memref<10000x128xf32, #tpu.memory_space<hbm>>
        tpu.enqueue_indirect_dma source(%dma_start3A_1582 : memref<10000x128xf32, #tpu.memory_space<hbm>>) target(%dma_start3A_1576 : memref<29x128xf32, #tpu.memory_space<vmem>>) offsets(%dma_start3A_1579 : memref<29xi32, #tpu.memory_space<vmem>>) semaphore(%arg14 : memref<!tpu.dma_semaphore, #tpu.memory_space<semaphore_mem>>)
      } else {
      }
      %dma_wait3A_652 = arith.constant 6 : i32
      %dma_wait3A_653 = arith.constant 0 : i32
      %dma_wait3A_654 = arith.constant 0 : i32
      %dma_wait3A_655 = tpu.memref_slice %arg9[%dma_wait3A_653, %dma_wait3A_654] : memref<125x128xf32, #tpu.memory_space<vmem>> -> memref<32x128xf32, #tpu.memory_space<vmem>>
      %dma_wait3A_656 = arith.constant 0 : i32
      %dma_wait3A_657 = tpu.memref_slice %arg5[%dma_wait3A_652, %dma_wait3A_656] : memref<10x125xi32, #tpu.memory_space<vmem>> -> memref<1x32xi32, #tpu.memory_space<vmem>>
      %dma_wait3A_658 = tpu.memref_squeeze %dma_wait3A_657 : memref<1x32xi32, #tpu.memory_space<vmem>> -> memref<32xi32, #tpu.memory_space<vmem>>
      %dma_wait3A_659 = arith.constant 0 : i32
      %dma_wait3A_660 = arith.constant 0 : i32
      %dma_wait3A_661 = tpu.memref_slice %arg2[%dma_wait3A_659, %dma_wait3A_660] : memref<10000x128xf32, #tpu.memory_space<hbm>> -> memref<10000x128xf32, #tpu.memory_space<hbm>>
      tpu.wait_indirect_dma semaphore(%arg13 : memref<!tpu.dma_semaphore, #tpu.memory_space<semaphore_mem>>) src(%dma_wait3A_661 : memref<10000x128xf32, #tpu.memory_space<hbm>>) dst(%dma_wait3A_655 : memref<32x128xf32, #tpu.memory_space<vmem>>)
      %dma_wait3A_662 = arith.constant 6 : i32
      %dma_wait3A_663 = arith.constant 32 : i32
      %dma_wait3A_664 = arith.constant 0 : i32
      %dma_wait3A_665 = tpu.memref_slice %arg9[%dma_wait3A_663, %dma_wait3A_664] : memref<125x128xf32, #tpu.memory_space<vmem>> -> memref<32x128xf32, #tpu.memory_space<vmem>>
      %dma_wait3A_666 = arith.constant 32 : i32
      %dma_wait3A_667 = tpu.memref_slice %arg5[%dma_wait3A_662, %dma_wait3A_666] : memref<10x125xi32, #tpu.memory_space<vmem>> -> memref<1x32xi32, #tpu.memory_space<vmem>>
      %dma_wait3A_668 = tpu.memref_squeeze %dma_wait3A_667 : memref<1x32xi32, #tpu.memory_space<vmem>> -> memref<32xi32, #tpu.memory_space<vmem>>
      %dma_wait3A_669 = arith.constant 0 : i32
      %dma_wait3A_670 = arith.constant 0 : i32
      %dma_wait3A_671 = tpu.memref_slice %arg2[%dma_wait3A_669, %dma_wait3A_670] : memref<10000x128xf32, #tpu.memory_space<hbm>> -> memref<10000x128xf32, #tpu.memory_space<hbm>>
      tpu.wait_indirect_dma semaphore(%arg13 : memref<!tpu.dma_semaphore, #tpu.memory_space<semaphore_mem>>) src(%dma_wait3A_671 : memref<10000x128xf32, #tpu.memory_space<hbm>>) dst(%dma_wait3A_665 : memref<32x128xf32, #tpu.memory_space<vmem>>)
      %dma_wait3A_672 = arith.constant 6 : i32
      %dma_wait3A_673 = arith.constant 64 : i32
      %dma_wait3A_674 = arith.constant 0 : i32
      %dma_wait3A_675 = tpu.memref_slice %arg9[%dma_wait3A_673, %dma_wait3A_674] : memref<125x128xf32, #tpu.memory_space<vmem>> -> memref<32x128xf32, #tpu.memory_space<vmem>>
      %dma_wait3A_676 = arith.constant 64 : i32
      %dma_wait3A_677 = tpu.memref_slice %arg5[%dma_wait3A_672, %dma_wait3A_676] : memref<10x125xi32, #tpu.memory_space<vmem>> -> memref<1x32xi32, #tpu.memory_space<vmem>>
      %dma_wait3A_678 = tpu.memref_squeeze %dma_wait3A_677 : memref<1x32xi32, #tpu.memory_space<vmem>> -> memref<32xi32, #tpu.memory_space<vmem>>
      %dma_wait3A_679 = arith.constant 0 : i32
      %dma_wait3A_680 = arith.constant 0 : i32
      %dma_wait3A_681 = tpu.memref_slice %arg2[%dma_wait3A_679, %dma_wait3A_680] : memref<10000x128xf32, #tpu.memory_space<hbm>> -> memref<10000x128xf32, #tpu.memory_space<hbm>>
      tpu.wait_indirect_dma semaphore(%arg13 : memref<!tpu.dma_semaphore, #tpu.memory_space<semaphore_mem>>) src(%dma_wait3A_681 : memref<10000x128xf32, #tpu.memory_space<hbm>>) dst(%dma_wait3A_675 : memref<32x128xf32, #tpu.memory_space<vmem>>)
      %dma_wait3A_682 = arith.constant 6 : i32
      %dma_wait3A_683 = arith.constant 96 : i32
      %dma_wait3A_684 = arith.constant 0 : i32
      %dma_wait3A_685 = tpu.memref_slice %arg9[%dma_wait3A_683, %dma_wait3A_684] : memref<125x128xf32, #tpu.memory_space<vmem>> -> memref<29x128xf32, #tpu.memory_space<vmem>>
      %dma_wait3A_686 = arith.constant 96 : i32
      %dma_wait3A_687 = tpu.memref_slice %arg5[%dma_wait3A_682, %dma_wait3A_686] : memref<10x125xi32, #tpu.memory_space<vmem>> -> memref<1x29xi32, #tpu.memory_space<vmem>>
      %dma_wait3A_688 = tpu.memref_squeeze %dma_wait3A_687 : memref<1x29xi32, #tpu.memory_space<vmem>> -> memref<29xi32, #tpu.memory_space<vmem>>
      %dma_wait3A_689 = arith.constant 0 : i32
      %dma_wait3A_690 = arith.constant 0 : i32
      %dma_wait3A_691 = tpu.memref_slice %arg2[%dma_wait3A_689, %dma_wait3A_690] : memref<10000x128xf32, #tpu.memory_space<hbm>> -> memref<10000x128xf32, #tpu.memory_space<hbm>>
      tpu.wait_indirect_dma semaphore(%arg13 : memref<!tpu.dma_semaphore, #tpu.memory_space<semaphore_mem>>) src(%dma_wait3A_691 : memref<10000x128xf32, #tpu.memory_space<hbm>>) dst(%dma_wait3A_685 : memref<29x128xf32, #tpu.memory_space<vmem>>)
      %dma_start3A_692 = arith.constant 6 : i32
      %dma_start3A_693 = arith.constant 0 : i32
      %dma_start3A_694 = tpu.memref_slice %arg6[%dma_start3A_692, %dma_start3A_693] : memref<10x125xi32, #tpu.memory_space<vmem>> -> memref<1x125xi32, #tpu.memory_space<vmem>>
      %dma_start3A_695 = tpu.memref_squeeze %dma_start3A_694 : memref<1x125xi32, #tpu.memory_space<vmem>> -> memref<125xi32, #tpu.memory_space<vmem>>
      %dma_start3A_696 = arith.constant 0 : i32
      %dma_start3A_697 = arith.constant 0 : i32
      %dma_start3A_698 = tpu.memref_slice %arg12[%dma_start3A_696, %dma_start3A_697] : memref<10240x128xf32, #tpu.memory_space<vmem_shared>> -> memref<10240x128xf32, #tpu.memory_space<vmem_shared>>
      tpu.enqueue_indirect_dma source(%arg9 : memref<125x128xf32, #tpu.memory_space<vmem>>) target(%dma_start3A_698 : memref<10240x128xf32, #tpu.memory_space<vmem_shared>>) offsets(%dma_start3A_695 : memref<125xi32, #tpu.memory_space<vmem>>) semaphore(%arg15 : memref<!tpu.dma_semaphore, #tpu.memory_space<semaphore_mem>>) {add = true}
      %dma_wait3A_699 = arith.constant 6 : i32
      %dma_wait3A_700 = arith.constant 0 : i32
      %dma_wait3A_701 = tpu.memref_slice %arg6[%dma_wait3A_699, %dma_wait3A_700] : memref<10x125xi32, #tpu.memory_space<vmem>> -> memref<1x125xi32, #tpu.memory_space<vmem>>
      %dma_wait3A_702 = tpu.memref_squeeze %dma_wait3A_701 : memref<1x125xi32, #tpu.memory_space<vmem>> -> memref<125xi32, #tpu.memory_space<vmem>>
      %dma_wait3A_703 = arith.constant 0 : i32
      %dma_wait3A_704 = arith.constant 0 : i32
      %dma_wait3A_705 = tpu.memref_slice %arg12[%dma_wait3A_703, %dma_wait3A_704] : memref<10240x128xf32, #tpu.memory_space<vmem_shared>> -> memref<10240x128xf32, #tpu.memory_space<vmem_shared>>
      tpu.wait_indirect_dma semaphore(%arg15 : memref<!tpu.dma_semaphore, #tpu.memory_space<semaphore_mem>>) src(%arg9 : memref<125x128xf32, #tpu.memory_space<vmem>>) dst(%dma_wait3A_705 : memref<10240x128xf32, #tpu.memory_space<vmem_shared>>)
      %add3A_706 = arith.constant 8 : i32
      %add3A_707 = arith.addi %mul3A_266, %add3A_706 : i32
      %lt3A_708 = arith.constant 80 : i32
      %lt3A_709 = arith.cmpi slt, %add3A_707, %lt3A_708 : i32
      %convert_element_type3A_710 = arith.extui %lt3A_709 : i1 to i32
      %cond3A_711 = arith.constant 0 : i32
      %cond3A_712 = arith.cmpi ne, %convert_element_type3A_710, %cond3A_711 : i32
      scf.if %cond3A_712 {
        %dma_start3A_1543 = arith.constant 8 : i32
        %dma_start3A_1544 = arith.constant 0 : i32
        %dma_start3A_1545 = arith.constant 0 : i32
        %dma_start3A_1546 = tpu.memref_slice %arg9[%dma_start3A_1544, %dma_start3A_1545] : memref<125x128xf32, #tpu.memory_space<vmem>> -> memref<32x128xf32, #tpu.memory_space<vmem>>
        %dma_start3A_1547 = arith.constant 0 : i32
        %dma_start3A_1548 = tpu.memref_slice %arg5[%dma_start3A_1543, %dma_start3A_1547] : memref<10x125xi32, #tpu.memory_space<vmem>> -> memref<1x32xi32, #tpu.memory_space<vmem>>
        %dma_start3A_1549 = tpu.memref_squeeze %dma_start3A_1548 : memref<1x32xi32, #tpu.memory_space<vmem>> -> memref<32xi32, #tpu.memory_space<vmem>>
        %dma_start3A_1550 = arith.constant 0 : i32
        %dma_start3A_1551 = arith.constant 0 : i32
        %dma_start3A_1552 = tpu.memref_slice %arg2[%dma_start3A_1550, %dma_start3A_1551] : memref<10000x128xf32, #tpu.memory_space<hbm>> -> memref<10000x128xf32, #tpu.memory_space<hbm>>
        tpu.enqueue_indirect_dma source(%dma_start3A_1552 : memref<10000x128xf32, #tpu.memory_space<hbm>>) target(%dma_start3A_1546 : memref<32x128xf32, #tpu.memory_space<vmem>>) offsets(%dma_start3A_1549 : memref<32xi32, #tpu.memory_space<vmem>>) semaphore(%arg13 : memref<!tpu.dma_semaphore, #tpu.memory_space<semaphore_mem>>)
        %dma_start3A_1553 = arith.constant 8 : i32
        %dma_start3A_1554 = arith.constant 32 : i32
        %dma_start3A_1555 = arith.constant 0 : i32
        %dma_start3A_1556 = tpu.memref_slice %arg9[%dma_start3A_1554, %dma_start3A_1555] : memref<125x128xf32, #tpu.memory_space<vmem>> -> memref<32x128xf32, #tpu.memory_space<vmem>>
        %dma_start3A_1557 = arith.constant 32 : i32
        %dma_start3A_1558 = tpu.memref_slice %arg5[%dma_start3A_1553, %dma_start3A_1557] : memref<10x125xi32, #tpu.memory_space<vmem>> -> memref<1x32xi32, #tpu.memory_space<vmem>>
        %dma_start3A_1559 = tpu.memref_squeeze %dma_start3A_1558 : memref<1x32xi32, #tpu.memory_space<vmem>> -> memref<32xi32, #tpu.memory_space<vmem>>
        %dma_start3A_1560 = arith.constant 0 : i32
        %dma_start3A_1561 = arith.constant 0 : i32
        %dma_start3A_1562 = tpu.memref_slice %arg2[%dma_start3A_1560, %dma_start3A_1561] : memref<10000x128xf32, #tpu.memory_space<hbm>> -> memref<10000x128xf32, #tpu.memory_space<hbm>>
        tpu.enqueue_indirect_dma source(%dma_start3A_1562 : memref<10000x128xf32, #tpu.memory_space<hbm>>) target(%dma_start3A_1556 : memref<32x128xf32, #tpu.memory_space<vmem>>) offsets(%dma_start3A_1559 : memref<32xi32, #tpu.memory_space<vmem>>) semaphore(%arg13 : memref<!tpu.dma_semaphore, #tpu.memory_space<semaphore_mem>>)
        %dma_start3A_1563 = arith.constant 8 : i32
        %dma_start3A_1564 = arith.constant 64 : i32
        %dma_start3A_1565 = arith.constant 0 : i32
        %dma_start3A_1566 = tpu.memref_slice %arg9[%dma_start3A_1564, %dma_start3A_1565] : memref<125x128xf32, #tpu.memory_space<vmem>> -> memref<32x128xf32, #tpu.memory_space<vmem>>
        %dma_start3A_1567 = arith.constant 64 : i32
        %dma_start3A_1568 = tpu.memref_slice %arg5[%dma_start3A_1563, %dma_start3A_1567] : memref<10x125xi32, #tpu.memory_space<vmem>> -> memref<1x32xi32, #tpu.memory_space<vmem>>
        %dma_start3A_1569 = tpu.memref_squeeze %dma_start3A_1568 : memref<1x32xi32, #tpu.memory_space<vmem>> -> memref<32xi32, #tpu.memory_space<vmem>>
        %dma_start3A_1570 = arith.constant 0 : i32
        %dma_start3A_1571 = arith.constant 0 : i32
        %dma_start3A_1572 = tpu.memref_slice %arg2[%dma_start3A_1570, %dma_start3A_1571] : memref<10000x128xf32, #tpu.memory_space<hbm>> -> memref<10000x128xf32, #tpu.memory_space<hbm>>
        tpu.enqueue_indirect_dma source(%dma_start3A_1572 : memref<10000x128xf32, #tpu.memory_space<hbm>>) target(%dma_start3A_1566 : memref<32x128xf32, #tpu.memory_space<vmem>>) offsets(%dma_start3A_1569 : memref<32xi32, #tpu.memory_space<vmem>>) semaphore(%arg13 : memref<!tpu.dma_semaphore, #tpu.memory_space<semaphore_mem>>)
        %dma_start3A_1573 = arith.constant 8 : i32
        %dma_start3A_1574 = arith.constant 96 : i32
        %dma_start3A_1575 = arith.constant 0 : i32
        %dma_start3A_1576 = tpu.memref_slice %arg9[%dma_start3A_1574, %dma_start3A_1575] : memref<125x128xf32, #tpu.memory_space<vmem>> -> memref<29x128xf32, #tpu.memory_space<vmem>>
        %dma_start3A_1577 = arith.constant 96 : i32
        %dma_start3A_1578 = tpu.memref_slice %arg5[%dma_start3A_1573, %dma_start3A_1577] : memref<10x125xi32, #tpu.memory_space<vmem>> -> memref<1x29xi32, #tpu.memory_space<vmem>>
        %dma_start3A_1579 = tpu.memref_squeeze %dma_start3A_1578 : memref<1x29xi32, #tpu.memory_space<vmem>> -> memref<29xi32, #tpu.memory_space<vmem>>
        %dma_start3A_1580 = arith.constant 0 : i32
        %dma_start3A_1581 = arith.constant 0 : i32
        %dma_start3A_1582 = tpu.memref_slice %arg2[%dma_start3A_1580, %dma_start3A_1581] : memref<10000x128xf32, #tpu.memory_space<hbm>> -> memref<10000x128xf32, #tpu.memory_space<hbm>>
        tpu.enqueue_indirect_dma source(%dma_start3A_1582 : memref<10000x128xf32, #tpu.memory_space<hbm>>) target(%dma_start3A_1576 : memref<29x128xf32, #tpu.memory_space<vmem>>) offsets(%dma_start3A_1579 : memref<29xi32, #tpu.memory_space<vmem>>) semaphore(%arg13 : memref<!tpu.dma_semaphore, #tpu.memory_space<semaphore_mem>>)
      } else {
      }
      %dma_wait3A_713 = arith.constant 7 : i32
      %dma_wait3A_714 = arith.constant 0 : i32
      %dma_wait3A_715 = arith.constant 0 : i32
      %dma_wait3A_716 = tpu.memref_slice %arg10[%dma_wait3A_714, %dma_wait3A_715] : memref<125x128xf32, #tpu.memory_space<vmem>> -> memref<32x128xf32, #tpu.memory_space<vmem>>
      %dma_wait3A_717 = arith.constant 0 : i32
      %dma_wait3A_718 = tpu.memref_slice %arg5[%dma_wait3A_713, %dma_wait3A_717] : memref<10x125xi32, #tpu.memory_space<vmem>> -> memref<1x32xi32, #tpu.memory_space<vmem>>
      %dma_wait3A_719 = tpu.memref_squeeze %dma_wait3A_718 : memref<1x32xi32, #tpu.memory_space<vmem>> -> memref<32xi32, #tpu.memory_space<vmem>>
      %dma_wait3A_720 = arith.constant 0 : i32
      %dma_wait3A_721 = arith.constant 0 : i32
      %dma_wait3A_722 = tpu.memref_slice %arg2[%dma_wait3A_720, %dma_wait3A_721] : memref<10000x128xf32, #tpu.memory_space<hbm>> -> memref<10000x128xf32, #tpu.memory_space<hbm>>
      tpu.wait_indirect_dma semaphore(%arg14 : memref<!tpu.dma_semaphore, #tpu.memory_space<semaphore_mem>>) src(%dma_wait3A_722 : memref<10000x128xf32, #tpu.memory_space<hbm>>) dst(%dma_wait3A_716 : memref<32x128xf32, #tpu.memory_space<vmem>>)
      %dma_wait3A_723 = arith.constant 7 : i32
      %dma_wait3A_724 = arith.constant 32 : i32
      %dma_wait3A_725 = arith.constant 0 : i32
      %dma_wait3A_726 = tpu.memref_slice %arg10[%dma_wait3A_724, %dma_wait3A_725] : memref<125x128xf32, #tpu.memory_space<vmem>> -> memref<32x128xf32, #tpu.memory_space<vmem>>
      %dma_wait3A_727 = arith.constant 32 : i32
      %dma_wait3A_728 = tpu.memref_slice %arg5[%dma_wait3A_723, %dma_wait3A_727] : memref<10x125xi32, #tpu.memory_space<vmem>> -> memref<1x32xi32, #tpu.memory_space<vmem>>
      %dma_wait3A_729 = tpu.memref_squeeze %dma_wait3A_728 : memref<1x32xi32, #tpu.memory_space<vmem>> -> memref<32xi32, #tpu.memory_space<vmem>>
      %dma_wait3A_730 = arith.constant 0 : i32
      %dma_wait3A_731 = arith.constant 0 : i32
      %dma_wait3A_732 = tpu.memref_slice %arg2[%dma_wait3A_730, %dma_wait3A_731] : memref<10000x128xf32, #tpu.memory_space<hbm>> -> memref<10000x128xf32, #tpu.memory_space<hbm>>
      tpu.wait_indirect_dma semaphore(%arg14 : memref<!tpu.dma_semaphore, #tpu.memory_space<semaphore_mem>>) src(%dma_wait3A_732 : memref<10000x128xf32, #tpu.memory_space<hbm>>) dst(%dma_wait3A_726 : memref<32x128xf32, #tpu.memory_space<vmem>>)
      %dma_wait3A_733 = arith.constant 7 : i32
      %dma_wait3A_734 = arith.constant 64 : i32
      %dma_wait3A_735 = arith.constant 0 : i32
      %dma_wait3A_736 = tpu.memref_slice %arg10[%dma_wait3A_734, %dma_wait3A_735] : memref<125x128xf32, #tpu.memory_space<vmem>> -> memref<32x128xf32, #tpu.memory_space<vmem>>
      %dma_wait3A_737 = arith.constant 64 : i32
      %dma_wait3A_738 = tpu.memref_slice %arg5[%dma_wait3A_733, %dma_wait3A_737] : memref<10x125xi32, #tpu.memory_space<vmem>> -> memref<1x32xi32, #tpu.memory_space<vmem>>
      %dma_wait3A_739 = tpu.memref_squeeze %dma_wait3A_738 : memref<1x32xi32, #tpu.memory_space<vmem>> -> memref<32xi32, #tpu.memory_space<vmem>>
      %dma_wait3A_740 = arith.constant 0 : i32
      %dma_wait3A_741 = arith.constant 0 : i32
      %dma_wait3A_742 = tpu.memref_slice %arg2[%dma_wait3A_740, %dma_wait3A_741] : memref<10000x128xf32, #tpu.memory_space<hbm>> -> memref<10000x128xf32, #tpu.memory_space<hbm>>
      tpu.wait_indirect_dma semaphore(%arg14 : memref<!tpu.dma_semaphore, #tpu.memory_space<semaphore_mem>>) src(%dma_wait3A_742 : memref<10000x128xf32, #tpu.memory_space<hbm>>) dst(%dma_wait3A_736 : memref<32x128xf32, #tpu.memory_space<vmem>>)
      %dma_wait3A_743 = arith.constant 7 : i32
      %dma_wait3A_744 = arith.constant 96 : i32
      %dma_wait3A_745 = arith.constant 0 : i32
      %dma_wait3A_746 = tpu.memref_slice %arg10[%dma_wait3A_744, %dma_wait3A_745] : memref<125x128xf32, #tpu.memory_space<vmem>> -> memref<29x128xf32, #tpu.memory_space<vmem>>
      %dma_wait3A_747 = arith.constant 96 : i32
      %dma_wait3A_748 = tpu.memref_slice %arg5[%dma_wait3A_743, %dma_wait3A_747] : memref<10x125xi32, #tpu.memory_space<vmem>> -> memref<1x29xi32, #tpu.memory_space<vmem>>
      %dma_wait3A_749 = tpu.memref_squeeze %dma_wait3A_748 : memref<1x29xi32, #tpu.memory_space<vmem>> -> memref<29xi32, #tpu.memory_space<vmem>>
      %dma_wait3A_750 = arith.constant 0 : i32
      %dma_wait3A_751 = arith.constant 0 : i32
      %dma_wait3A_752 = tpu.memref_slice %arg2[%dma_wait3A_750, %dma_wait3A_751] : memref<10000x128xf32, #tpu.memory_space<hbm>> -> memref<10000x128xf32, #tpu.memory_space<hbm>>
      tpu.wait_indirect_dma semaphore(%arg14 : memref<!tpu.dma_semaphore, #tpu.memory_space<semaphore_mem>>) src(%dma_wait3A_752 : memref<10000x128xf32, #tpu.memory_space<hbm>>) dst(%dma_wait3A_746 : memref<29x128xf32, #tpu.memory_space<vmem>>)
      %dma_start3A_753 = arith.constant 7 : i32
      %dma_start3A_754 = arith.constant 0 : i32
      %dma_start3A_755 = tpu.memref_slice %arg6[%dma_start3A_753, %dma_start3A_754] : memref<10x125xi32, #tpu.memory_space<vmem>> -> memref<1x125xi32, #tpu.memory_space<vmem>>
      %dma_start3A_756 = tpu.memref_squeeze %dma_start3A_755 : memref<1x125xi32, #tpu.memory_space<vmem>> -> memref<125xi32, #tpu.memory_space<vmem>>
      %dma_start3A_757 = arith.constant 0 : i32
      %dma_start3A_758 = arith.constant 0 : i32
      %dma_start3A_759 = tpu.memref_slice %arg12[%dma_start3A_757, %dma_start3A_758] : memref<10240x128xf32, #tpu.memory_space<vmem_shared>> -> memref<10240x128xf32, #tpu.memory_space<vmem_shared>>
      tpu.enqueue_indirect_dma source(%arg10 : memref<125x128xf32, #tpu.memory_space<vmem>>) target(%dma_start3A_759 : memref<10240x128xf32, #tpu.memory_space<vmem_shared>>) offsets(%dma_start3A_756 : memref<125xi32, #tpu.memory_space<vmem>>) semaphore(%arg15 : memref<!tpu.dma_semaphore, #tpu.memory_space<semaphore_mem>>) {add = true}
      %dma_wait3A_760 = arith.constant 7 : i32
      %dma_wait3A_761 = arith.constant 0 : i32
      %dma_wait3A_762 = tpu.memref_slice %arg6[%dma_wait3A_760, %dma_wait3A_761] : memref<10x125xi32, #tpu.memory_space<vmem>> -> memref<1x125xi32, #tpu.memory_space<vmem>>
      %dma_wait3A_763 = tpu.memref_squeeze %dma_wait3A_762 : memref<1x125xi32, #tpu.memory_space<vmem>> -> memref<125xi32, #tpu.memory_space<vmem>>
      %dma_wait3A_764 = arith.constant 0 : i32
      %dma_wait3A_765 = arith.constant 0 : i32
      %dma_wait3A_766 = tpu.memref_slice %arg12[%dma_wait3A_764, %dma_wait3A_765] : memref<10240x128xf32, #tpu.memory_space<vmem_shared>> -> memref<10240x128xf32, #tpu.memory_space<vmem_shared>>
      tpu.wait_indirect_dma semaphore(%arg15 : memref<!tpu.dma_semaphore, #tpu.memory_space<semaphore_mem>>) src(%arg10 : memref<125x128xf32, #tpu.memory_space<vmem>>) dst(%dma_wait3A_766 : memref<10240x128xf32, #tpu.memory_space<vmem_shared>>)
      %add3A_767 = arith.constant 9 : i32
      %add3A_768 = arith.addi %mul3A_266, %add3A_767 : i32
      %lt3A_769 = arith.constant 80 : i32
      %lt3A_770 = arith.cmpi slt, %add3A_768, %lt3A_769 : i32
      %convert_element_type3A_771 = arith.extui %lt3A_770 : i1 to i32
      %cond3A_772 = arith.constant 0 : i32
      %cond3A_773 = arith.cmpi ne, %convert_element_type3A_771, %cond3A_772 : i32
      scf.if %cond3A_773 {
        %dma_start3A_1543 = arith.constant 9 : i32
        %dma_start3A_1544 = arith.constant 0 : i32
        %dma_start3A_1545 = arith.constant 0 : i32
        %dma_start3A_1546 = tpu.memref_slice %arg10[%dma_start3A_1544, %dma_start3A_1545] : memref<125x128xf32, #tpu.memory_space<vmem>> -> memref<32x128xf32, #tpu.memory_space<vmem>>
        %dma_start3A_1547 = arith.constant 0 : i32
        %dma_start3A_1548 = tpu.memref_slice %arg5[%dma_start3A_1543, %dma_start3A_1547] : memref<10x125xi32, #tpu.memory_space<vmem>> -> memref<1x32xi32, #tpu.memory_space<vmem>>
        %dma_start3A_1549 = tpu.memref_squeeze %dma_start3A_1548 : memref<1x32xi32, #tpu.memory_space<vmem>> -> memref<32xi32, #tpu.memory_space<vmem>>
        %dma_start3A_1550 = arith.constant 0 : i32
        %dma_start3A_1551 = arith.constant 0 : i32
        %dma_start3A_1552 = tpu.memref_slice %arg2[%dma_start3A_1550, %dma_start3A_1551] : memref<10000x128xf32, #tpu.memory_space<hbm>> -> memref<10000x128xf32, #tpu.memory_space<hbm>>
        tpu.enqueue_indirect_dma source(%dma_start3A_1552 : memref<10000x128xf32, #tpu.memory_space<hbm>>) target(%dma_start3A_1546 : memref<32x128xf32, #tpu.memory_space<vmem>>) offsets(%dma_start3A_1549 : memref<32xi32, #tpu.memory_space<vmem>>) semaphore(%arg14 : memref<!tpu.dma_semaphore, #tpu.memory_space<semaphore_mem>>)
        %dma_start3A_1553 = arith.constant 9 : i32
        %dma_start3A_1554 = arith.constant 32 : i32
        %dma_start3A_1555 = arith.constant 0 : i32
        %dma_start3A_1556 = tpu.memref_slice %arg10[%dma_start3A_1554, %dma_start3A_1555] : memref<125x128xf32, #tpu.memory_space<vmem>> -> memref<32x128xf32, #tpu.memory_space<vmem>>
        %dma_start3A_1557 = arith.constant 32 : i32
        %dma_start3A_1558 = tpu.memref_slice %arg5[%dma_start3A_1553, %dma_start3A_1557] : memref<10x125xi32, #tpu.memory_space<vmem>> -> memref<1x32xi32, #tpu.memory_space<vmem>>
        %dma_start3A_1559 = tpu.memref_squeeze %dma_start3A_1558 : memref<1x32xi32, #tpu.memory_space<vmem>> -> memref<32xi32, #tpu.memory_space<vmem>>
        %dma_start3A_1560 = arith.constant 0 : i32
        %dma_start3A_1561 = arith.constant 0 : i32
        %dma_start3A_1562 = tpu.memref_slice %arg2[%dma_start3A_1560, %dma_start3A_1561] : memref<10000x128xf32, #tpu.memory_space<hbm>> -> memref<10000x128xf32, #tpu.memory_space<hbm>>
        tpu.enqueue_indirect_dma source(%dma_start3A_1562 : memref<10000x128xf32, #tpu.memory_space<hbm>>) target(%dma_start3A_1556 : memref<32x128xf32, #tpu.memory_space<vmem>>) offsets(%dma_start3A_1559 : memref<32xi32, #tpu.memory_space<vmem>>) semaphore(%arg14 : memref<!tpu.dma_semaphore, #tpu.memory_space<semaphore_mem>>)
        %dma_start3A_1563 = arith.constant 9 : i32
        %dma_start3A_1564 = arith.constant 64 : i32
        %dma_start3A_1565 = arith.constant 0 : i32
        %dma_start3A_1566 = tpu.memref_slice %arg10[%dma_start3A_1564, %dma_start3A_1565] : memref<125x128xf32, #tpu.memory_space<vmem>> -> memref<32x128xf32, #tpu.memory_space<vmem>>
        %dma_start3A_1567 = arith.constant 64 : i32
        %dma_start3A_1568 = tpu.memref_slice %arg5[%dma_start3A_1563, %dma_start3A_1567] : memref<10x125xi32, #tpu.memory_space<vmem>> -> memref<1x32xi32, #tpu.memory_space<vmem>>
        %dma_start3A_1569 = tpu.memref_squeeze %dma_start3A_1568 : memref<1x32xi32, #tpu.memory_space<vmem>> -> memref<32xi32, #tpu.memory_space<vmem>>
        %dma_start3A_1570 = arith.constant 0 : i32
        %dma_start3A_1571 = arith.constant 0 : i32
        %dma_start3A_1572 = tpu.memref_slice %arg2[%dma_start3A_1570, %dma_start3A_1571] : memref<10000x128xf32, #tpu.memory_space<hbm>> -> memref<10000x128xf32, #tpu.memory_space<hbm>>
        tpu.enqueue_indirect_dma source(%dma_start3A_1572 : memref<10000x128xf32, #tpu.memory_space<hbm>>) target(%dma_start3A_1566 : memref<32x128xf32, #tpu.memory_space<vmem>>) offsets(%dma_start3A_1569 : memref<32xi32, #tpu.memory_space<vmem>>) semaphore(%arg14 : memref<!tpu.dma_semaphore, #tpu.memory_space<semaphore_mem>>)
        %dma_start3A_1573 = arith.constant 9 : i32
        %dma_start3A_1574 = arith.constant 96 : i32
        %dma_start3A_1575 = arith.constant 0 : i32
        %dma_start3A_1576 = tpu.memref_slice %arg10[%dma_start3A_1574, %dma_start3A_1575] : memref<125x128xf32, #tpu.memory_space<vmem>> -> memref<29x128xf32, #tpu.memory_space<vmem>>
        %dma_start3A_1577 = arith.constant 96 : i32
        %dma_start3A_1578 = tpu.memref_slice %arg5[%dma_start3A_1573, %dma_start3A_1577] : memref<10x125xi32, #tpu.memory_space<vmem>> -> memref<1x29xi32, #tpu.memory_space<vmem>>
        %dma_start3A_1579 = tpu.memref_squeeze %dma_start3A_1578 : memref<1x29xi32, #tpu.memory_space<vmem>> -> memref<29xi32, #tpu.memory_space<vmem>>
        %dma_start3A_1580 = arith.constant 0 : i32
        %dma_start3A_1581 = arith.constant 0 : i32
        %dma_start3A_1582 = tpu.memref_slice %arg2[%dma_start3A_1580, %dma_start3A_1581] : memref<10000x128xf32, #tpu.memory_space<hbm>> -> memref<10000x128xf32, #tpu.memory_space<hbm>>
        tpu.enqueue_indirect_dma source(%dma_start3A_1582 : memref<10000x128xf32, #tpu.memory_space<hbm>>) target(%dma_start3A_1576 : memref<29x128xf32, #tpu.memory_space<vmem>>) offsets(%dma_start3A_1579 : memref<29xi32, #tpu.memory_space<vmem>>) semaphore(%arg14 : memref<!tpu.dma_semaphore, #tpu.memory_space<semaphore_mem>>)
      } else {
      }
      %dma_wait3A_774 = arith.constant 8 : i32
      %dma_wait3A_775 = arith.constant 0 : i32
      %dma_wait3A_776 = arith.constant 0 : i32
      %dma_wait3A_777 = tpu.memref_slice %arg9[%dma_wait3A_775, %dma_wait3A_776] : memref<125x128xf32, #tpu.memory_space<vmem>> -> memref<32x128xf32, #tpu.memory_space<vmem>>
      %dma_wait3A_778 = arith.constant 0 : i32
      %dma_wait3A_779 = tpu.memref_slice %arg5[%dma_wait3A_774, %dma_wait3A_778] : memref<10x125xi32, #tpu.memory_space<vmem>> -> memref<1x32xi32, #tpu.memory_space<vmem>>
      %dma_wait3A_780 = tpu.memref_squeeze %dma_wait3A_779 : memref<1x32xi32, #tpu.memory_space<vmem>> -> memref<32xi32, #tpu.memory_space<vmem>>
      %dma_wait3A_781 = arith.constant 0 : i32
      %dma_wait3A_782 = arith.constant 0 : i32
      %dma_wait3A_783 = tpu.memref_slice %arg2[%dma_wait3A_781, %dma_wait3A_782] : memref<10000x128xf32, #tpu.memory_space<hbm>> -> memref<10000x128xf32, #tpu.memory_space<hbm>>
      tpu.wait_indirect_dma semaphore(%arg13 : memref<!tpu.dma_semaphore, #tpu.memory_space<semaphore_mem>>) src(%dma_wait3A_783 : memref<10000x128xf32, #tpu.memory_space<hbm>>) dst(%dma_wait3A_777 : memref<32x128xf32, #tpu.memory_space<vmem>>)
      %dma_wait3A_784 = arith.constant 8 : i32
      %dma_wait3A_785 = arith.constant 32 : i32
      %dma_wait3A_786 = arith.constant 0 : i32
      %dma_wait3A_787 = tpu.memref_slice %arg9[%dma_wait3A_785, %dma_wait3A_786] : memref<125x128xf32, #tpu.memory_space<vmem>> -> memref<32x128xf32, #tpu.memory_space<vmem>>
      %dma_wait3A_788 = arith.constant 32 : i32
      %dma_wait3A_789 = tpu.memref_slice %arg5[%dma_wait3A_784, %dma_wait3A_788] : memref<10x125xi32, #tpu.memory_space<vmem>> -> memref<1x32xi32, #tpu.memory_space<vmem>>
      %dma_wait3A_790 = tpu.memref_squeeze %dma_wait3A_789 : memref<1x32xi32, #tpu.memory_space<vmem>> -> memref<32xi32, #tpu.memory_space<vmem>>
      %dma_wait3A_791 = arith.constant 0 : i32
      %dma_wait3A_792 = arith.constant 0 : i32
      %dma_wait3A_793 = tpu.memref_slice %arg2[%dma_wait3A_791, %dma_wait3A_792] : memref<10000x128xf32, #tpu.memory_space<hbm>> -> memref<10000x128xf32, #tpu.memory_space<hbm>>
      tpu.wait_indirect_dma semaphore(%arg13 : memref<!tpu.dma_semaphore, #tpu.memory_space<semaphore_mem>>) src(%dma_wait3A_793 : memref<10000x128xf32, #tpu.memory_space<hbm>>) dst(%dma_wait3A_787 : memref<32x128xf32, #tpu.memory_space<vmem>>)
      %dma_wait3A_794 = arith.constant 8 : i32
      %dma_wait3A_795 = arith.constant 64 : i32
      %dma_wait3A_796 = arith.constant 0 : i32
      %dma_wait3A_797 = tpu.memref_slice %arg9[%dma_wait3A_795, %dma_wait3A_796] : memref<125x128xf32, #tpu.memory_space<vmem>> -> memref<32x128xf32, #tpu.memory_space<vmem>>
      %dma_wait3A_798 = arith.constant 64 : i32
      %dma_wait3A_799 = tpu.memref_slice %arg5[%dma_wait3A_794, %dma_wait3A_798] : memref<10x125xi32, #tpu.memory_space<vmem>> -> memref<1x32xi32, #tpu.memory_space<vmem>>
      %dma_wait3A_800 = tpu.memref_squeeze %dma_wait3A_799 : memref<1x32xi32, #tpu.memory_space<vmem>> -> memref<32xi32, #tpu.memory_space<vmem>>
      %dma_wait3A_801 = arith.constant 0 : i32
      %dma_wait3A_802 = arith.constant 0 : i32
      %dma_wait3A_803 = tpu.memref_slice %arg2[%dma_wait3A_801, %dma_wait3A_802] : memref<10000x128xf32, #tpu.memory_space<hbm>> -> memref<10000x128xf32, #tpu.memory_space<hbm>>
      tpu.wait_indirect_dma semaphore(%arg13 : memref<!tpu.dma_semaphore, #tpu.memory_space<semaphore_mem>>) src(%dma_wait3A_803 : memref<10000x128xf32, #tpu.memory_space<hbm>>) dst(%dma_wait3A_797 : memref<32x128xf32, #tpu.memory_space<vmem>>)
      %dma_wait3A_804 = arith.constant 8 : i32
      %dma_wait3A_805 = arith.constant 96 : i32
      %dma_wait3A_806 = arith.constant 0 : i32
      %dma_wait3A_807 = tpu.memref_slice %arg9[%dma_wait3A_805, %dma_wait3A_806] : memref<125x128xf32, #tpu.memory_space<vmem>> -> memref<29x128xf32, #tpu.memory_space<vmem>>
      %dma_wait3A_808 = arith.constant 96 : i32
      %dma_wait3A_809 = tpu.memref_slice %arg5[%dma_wait3A_804, %dma_wait3A_808] : memref<10x125xi32, #tpu.memory_space<vmem>> -> memref<1x29xi32, #tpu.memory_space<vmem>>
      %dma_wait3A_810 = tpu.memref_squeeze %dma_wait3A_809 : memref<1x29xi32, #tpu.memory_space<vmem>> -> memref<29xi32, #tpu.memory_space<vmem>>
      %dma_wait3A_811 = arith.constant 0 : i32
      %dma_wait3A_812 = arith.constant 0 : i32
      %dma_wait3A_813 = tpu.memref_slice %arg2[%dma_wait3A_811, %dma_wait3A_812] : memref<10000x128xf32, #tpu.memory_space<hbm>> -> memref<10000x128xf32, #tpu.memory_space<hbm>>
      tpu.wait_indirect_dma semaphore(%arg13 : memref<!tpu.dma_semaphore, #tpu.memory_space<semaphore_mem>>) src(%dma_wait3A_813 : memref<10000x128xf32, #tpu.memory_space<hbm>>) dst(%dma_wait3A_807 : memref<29x128xf32, #tpu.memory_space<vmem>>)
      %dma_start3A_814 = arith.constant 8 : i32
      %dma_start3A_815 = arith.constant 0 : i32
      %dma_start3A_816 = tpu.memref_slice %arg6[%dma_start3A_814, %dma_start3A_815] : memref<10x125xi32, #tpu.memory_space<vmem>> -> memref<1x125xi32, #tpu.memory_space<vmem>>
      %dma_start3A_817 = tpu.memref_squeeze %dma_start3A_816 : memref<1x125xi32, #tpu.memory_space<vmem>> -> memref<125xi32, #tpu.memory_space<vmem>>
      %dma_start3A_818 = arith.constant 0 : i32
      %dma_start3A_819 = arith.constant 0 : i32
      %dma_start3A_820 = tpu.memref_slice %arg12[%dma_start3A_818, %dma_start3A_819] : memref<10240x128xf32, #tpu.memory_space<vmem_shared>> -> memref<10240x128xf32, #tpu.memory_space<vmem_shared>>
      tpu.enqueue_indirect_dma source(%arg9 : memref<125x128xf32, #tpu.memory_space<vmem>>) target(%dma_start3A_820 : memref<10240x128xf32, #tpu.memory_space<vmem_shared>>) offsets(%dma_start3A_817 : memref<125xi32, #tpu.memory_space<vmem>>) semaphore(%arg15 : memref<!tpu.dma_semaphore, #tpu.memory_space<semaphore_mem>>) {add = true}
      %dma_wait3A_821 = arith.constant 8 : i32
      %dma_wait3A_822 = arith.constant 0 : i32
      %dma_wait3A_823 = tpu.memref_slice %arg6[%dma_wait3A_821, %dma_wait3A_822] : memref<10x125xi32, #tpu.memory_space<vmem>> -> memref<1x125xi32, #tpu.memory_space<vmem>>
      %dma_wait3A_824 = tpu.memref_squeeze %dma_wait3A_823 : memref<1x125xi32, #tpu.memory_space<vmem>> -> memref<125xi32, #tpu.memory_space<vmem>>
      %dma_wait3A_825 = arith.constant 0 : i32
      %dma_wait3A_826 = arith.constant 0 : i32
      %dma_wait3A_827 = tpu.memref_slice %arg12[%dma_wait3A_825, %dma_wait3A_826] : memref<10240x128xf32, #tpu.memory_space<vmem_shared>> -> memref<10240x128xf32, #tpu.memory_space<vmem_shared>>
      tpu.wait_indirect_dma semaphore(%arg15 : memref<!tpu.dma_semaphore, #tpu.memory_space<semaphore_mem>>) src(%arg9 : memref<125x128xf32, #tpu.memory_space<vmem>>) dst(%dma_wait3A_827 : memref<10240x128xf32, #tpu.memory_space<vmem_shared>>)
      %mul3A_828 = arith.constant 2 : i32
      %mul3A_829 = arith.muli %mul3A_828, %scan3A_263 : i32
      %add3A_830 = arith.constant 1 : i32
      %add3A_831 = arith.addi %mul3A_829, %add3A_830 : i32
      %dma_wait3A_832 = arith.constant 0 : i32
      %dma_wait3A_833 = arith.constant 0 : i32
      %dma_wait3A_834 = arith.constant 0 : i32
      %dma_wait3A_835 = tpu.memref_slice %arg3[%dma_wait3A_832, %arg0, %arg1, %add3A_831, %dma_wait3A_833, %dma_wait3A_834] : memref<2x2x16x8x10x125xi32, #tpu.memory_space<hbm>> -> memref<1x1x1x1x10x125xi32, #tpu.memory_space<hbm>>
      %dma_wait3A_836 = tpu.memref_squeeze %dma_wait3A_835 : memref<1x1x1x1x10x125xi32, #tpu.memory_space<hbm>> -> memref<10x125xi32, #tpu.memory_space<hbm>>
      %dma_wait3A_837 = arith.constant 0 : i32
      %dma_wait3A_838 = arith.constant 0 : i32
      %dma_wait3A_839 = tpu.memref_slice %arg3[%dma_wait3A_832, %arg0, %arg1, %add3A_831, %dma_wait3A_837, %dma_wait3A_838] : memref<2x2x16x8x10x125xi32, #tpu.memory_space<hbm>> -> memref<1x1x1x1x10x125xi32, #tpu.memory_space<hbm>>
      %dma_wait3A_840 = tpu.memref_squeeze %dma_wait3A_839 : memref<1x1x1x1x10x125xi32, #tpu.memory_space<hbm>> -> memref<10x125xi32, #tpu.memory_space<hbm>>
      tpu.wait_dma2 semaphore(%arg17 : memref<!tpu.dma_semaphore, #tpu.memory_space<semaphore_mem>>) src(%dma_wait3A_840 : memref<10x125xi32, #tpu.memory_space<hbm>>) dst(%arg7 : memref<10x125xi32, #tpu.memory_space<vmem>>)
      %dma_wait3A_841 = arith.constant 1 : i32
      %dma_wait3A_842 = arith.constant 0 : i32
      %dma_wait3A_843 = arith.constant 0 : i32
      %dma_wait3A_844 = tpu.memref_slice %arg3[%dma_wait3A_841, %arg0, %arg1, %add3A_831, %dma_wait3A_842, %dma_wait3A_843] : memref<2x2x16x8x10x125xi32, #tpu.memory_space<hbm>> -> memref<1x1x1x1x10x125xi32, #tpu.memory_space<hbm>>
      %dma_wait3A_845 = tpu.memref_squeeze %dma_wait3A_844 : memref<1x1x1x1x10x125xi32, #tpu.memory_space<hbm>> -> memref<10x125xi32, #tpu.memory_space<hbm>>
      %dma_wait3A_846 = arith.constant 0 : i32
      %dma_wait3A_847 = arith.constant 0 : i32
      %dma_wait3A_848 = tpu.memref_slice %arg3[%dma_wait3A_841, %arg0, %arg1, %add3A_831, %dma_wait3A_846, %dma_wait3A_847] : memref<2x2x16x8x10x125xi32, #tpu.memory_space<hbm>> -> memref<1x1x1x1x10x125xi32, #tpu.memory_space<hbm>>
      %dma_wait3A_849 = tpu.memref_squeeze %dma_wait3A_848 : memref<1x1x1x1x10x125xi32, #tpu.memory_space<hbm>> -> memref<10x125xi32, #tpu.memory_space<hbm>>
      tpu.wait_dma2 semaphore(%arg17 : memref<!tpu.dma_semaphore, #tpu.memory_space<semaphore_mem>>) src(%dma_wait3A_849 : memref<10x125xi32, #tpu.memory_space<hbm>>) dst(%arg8 : memref<10x125xi32, #tpu.memory_space<vmem>>)
      %add3A_850 = arith.constant 10 : i32
      %add3A_851 = arith.addi %mul3A_266, %add3A_850 : i32
      %lt3A_852 = arith.constant 80 : i32
      %lt3A_853 = arith.cmpi slt, %add3A_851, %lt3A_852 : i32
      %convert_element_type3A_854 = arith.extui %lt3A_853 : i1 to i32
      %cond3A_855 = arith.constant 0 : i32
      %cond3A_856 = arith.cmpi ne, %convert_element_type3A_854, %cond3A_855 : i32
      scf.if %cond3A_856 {
        %dma_start3A_1543 = arith.constant 0 : i32
        %dma_start3A_1544 = arith.constant 0 : i32
        %dma_start3A_1545 = arith.constant 0 : i32
        %dma_start3A_1546 = tpu.memref_slice %arg9[%dma_start3A_1544, %dma_start3A_1545] : memref<125x128xf32, #tpu.memory_space<vmem>> -> memref<32x128xf32, #tpu.memory_space<vmem>>
        %dma_start3A_1547 = arith.constant 0 : i32
        %dma_start3A_1548 = tpu.memref_slice %arg7[%dma_start3A_1543, %dma_start3A_1547] : memref<10x125xi32, #tpu.memory_space<vmem>> -> memref<1x32xi32, #tpu.memory_space<vmem>>
        %dma_start3A_1549 = tpu.memref_squeeze %dma_start3A_1548 : memref<1x32xi32, #tpu.memory_space<vmem>> -> memref<32xi32, #tpu.memory_space<vmem>>
        %dma_start3A_1550 = arith.constant 0 : i32
        %dma_start3A_1551 = arith.constant 0 : i32
        %dma_start3A_1552 = tpu.memref_slice %arg2[%dma_start3A_1550, %dma_start3A_1551] : memref<10000x128xf32, #tpu.memory_space<hbm>> -> memref<10000x128xf32, #tpu.memory_space<hbm>>
        tpu.enqueue_indirect_dma source(%dma_start3A_1552 : memref<10000x128xf32, #tpu.memory_space<hbm>>) target(%dma_start3A_1546 : memref<32x128xf32, #tpu.memory_space<vmem>>) offsets(%dma_start3A_1549 : memref<32xi32, #tpu.memory_space<vmem>>) semaphore(%arg13 : memref<!tpu.dma_semaphore, #tpu.memory_space<semaphore_mem>>)
        %dma_start3A_1553 = arith.constant 0 : i32
        %dma_start3A_1554 = arith.constant 32 : i32
        %dma_start3A_1555 = arith.constant 0 : i32
        %dma_start3A_1556 = tpu.memref_slice %arg9[%dma_start3A_1554, %dma_start3A_1555] : memref<125x128xf32, #tpu.memory_space<vmem>> -> memref<32x128xf32, #tpu.memory_space<vmem>>
        %dma_start3A_1557 = arith.constant 32 : i32
        %dma_start3A_1558 = tpu.memref_slice %arg7[%dma_start3A_1553, %dma_start3A_1557] : memref<10x125xi32, #tpu.memory_space<vmem>> -> memref<1x32xi32, #tpu.memory_space<vmem>>
        %dma_start3A_1559 = tpu.memref_squeeze %dma_start3A_1558 : memref<1x32xi32, #tpu.memory_space<vmem>> -> memref<32xi32, #tpu.memory_space<vmem>>
        %dma_start3A_1560 = arith.constant 0 : i32
        %dma_start3A_1561 = arith.constant 0 : i32
        %dma_start3A_1562 = tpu.memref_slice %arg2[%dma_start3A_1560, %dma_start3A_1561] : memref<10000x128xf32, #tpu.memory_space<hbm>> -> memref<10000x128xf32, #tpu.memory_space<hbm>>
        tpu.enqueue_indirect_dma source(%dma_start3A_1562 : memref<10000x128xf32, #tpu.memory_space<hbm>>) target(%dma_start3A_1556 : memref<32x128xf32, #tpu.memory_space<vmem>>) offsets(%dma_start3A_1559 : memref<32xi32, #tpu.memory_space<vmem>>) semaphore(%arg13 : memref<!tpu.dma_semaphore, #tpu.memory_space<semaphore_mem>>)
        %dma_start3A_1563 = arith.constant 0 : i32
        %dma_start3A_1564 = arith.constant 64 : i32
        %dma_start3A_1565 = arith.constant 0 : i32
        %dma_start3A_1566 = tpu.memref_slice %arg9[%dma_start3A_1564, %dma_start3A_1565] : memref<125x128xf32, #tpu.memory_space<vmem>> -> memref<32x128xf32, #tpu.memory_space<vmem>>
        %dma_start3A_1567 = arith.constant 64 : i32
        %dma_start3A_1568 = tpu.memref_slice %arg7[%dma_start3A_1563, %dma_start3A_1567] : memref<10x125xi32, #tpu.memory_space<vmem>> -> memref<1x32xi32, #tpu.memory_space<vmem>>
        %dma_start3A_1569 = tpu.memref_squeeze %dma_start3A_1568 : memref<1x32xi32, #tpu.memory_space<vmem>> -> memref<32xi32, #tpu.memory_space<vmem>>
        %dma_start3A_1570 = arith.constant 0 : i32
        %dma_start3A_1571 = arith.constant 0 : i32
        %dma_start3A_1572 = tpu.memref_slice %arg2[%dma_start3A_1570, %dma_start3A_1571] : memref<10000x128xf32, #tpu.memory_space<hbm>> -> memref<10000x128xf32, #tpu.memory_space<hbm>>
        tpu.enqueue_indirect_dma source(%dma_start3A_1572 : memref<10000x128xf32, #tpu.memory_space<hbm>>) target(%dma_start3A_1566 : memref<32x128xf32, #tpu.memory_space<vmem>>) offsets(%dma_start3A_1569 : memref<32xi32, #tpu.memory_space<vmem>>) semaphore(%arg13 : memref<!tpu.dma_semaphore, #tpu.memory_space<semaphore_mem>>)
        %dma_start3A_1573 = arith.constant 0 : i32
        %dma_start3A_1574 = arith.constant 96 : i32
        %dma_start3A_1575 = arith.constant 0 : i32
        %dma_start3A_1576 = tpu.memref_slice %arg9[%dma_start3A_1574, %dma_start3A_1575] : memref<125x128xf32, #tpu.memory_space<vmem>> -> memref<29x128xf32, #tpu.memory_space<vmem>>
        %dma_start3A_1577 = arith.constant 96 : i32
        %dma_start3A_1578 = tpu.memref_slice %arg7[%dma_start3A_1573, %dma_start3A_1577] : memref<10x125xi32, #tpu.memory_space<vmem>> -> memref<1x29xi32, #tpu.memory_space<vmem>>
        %dma_start3A_1579 = tpu.memref_squeeze %dma_start3A_1578 : memref<1x29xi32, #tpu.memory_space<vmem>> -> memref<29xi32, #tpu.memory_space<vmem>>
        %dma_start3A_1580 = arith.constant 0 : i32
        %dma_start3A_1581 = arith.constant 0 : i32
        %dma_start3A_1582 = tpu.memref_slice %arg2[%dma_start3A_1580, %dma_start3A_1581] : memref<10000x128xf32, #tpu.memory_space<hbm>> -> memref<10000x128xf32, #tpu.memory_space<hbm>>
        tpu.enqueue_indirect_dma source(%dma_start3A_1582 : memref<10000x128xf32, #tpu.memory_space<hbm>>) target(%dma_start3A_1576 : memref<29x128xf32, #tpu.memory_space<vmem>>) offsets(%dma_start3A_1579 : memref<29xi32, #tpu.memory_space<vmem>>) semaphore(%arg13 : memref<!tpu.dma_semaphore, #tpu.memory_space<semaphore_mem>>)
      } else {
      }
      %dma_wait3A_857 = arith.constant 9 : i32
      %dma_wait3A_858 = arith.constant 0 : i32
      %dma_wait3A_859 = arith.constant 0 : i32
      %dma_wait3A_860 = tpu.memref_slice %arg10[%dma_wait3A_858, %dma_wait3A_859] : memref<125x128xf32, #tpu.memory_space<vmem>> -> memref<32x128xf32, #tpu.memory_space<vmem>>
      %dma_wait3A_861 = arith.constant 0 : i32
      %dma_wait3A_862 = tpu.memref_slice %arg5[%dma_wait3A_857, %dma_wait3A_861] : memref<10x125xi32, #tpu.memory_space<vmem>> -> memref<1x32xi32, #tpu.memory_space<vmem>>
      %dma_wait3A_863 = tpu.memref_squeeze %dma_wait3A_862 : memref<1x32xi32, #tpu.memory_space<vmem>> -> memref<32xi32, #tpu.memory_space<vmem>>
      %dma_wait3A_864 = arith.constant 0 : i32
      %dma_wait3A_865 = arith.constant 0 : i32
      %dma_wait3A_866 = tpu.memref_slice %arg2[%dma_wait3A_864, %dma_wait3A_865] : memref<10000x128xf32, #tpu.memory_space<hbm>> -> memref<10000x128xf32, #tpu.memory_space<hbm>>
      tpu.wait_indirect_dma semaphore(%arg14 : memref<!tpu.dma_semaphore, #tpu.memory_space<semaphore_mem>>) src(%dma_wait3A_866 : memref<10000x128xf32, #tpu.memory_space<hbm>>) dst(%dma_wait3A_860 : memref<32x128xf32, #tpu.memory_space<vmem>>)
      %dma_wait3A_867 = arith.constant 9 : i32
      %dma_wait3A_868 = arith.constant 32 : i32
      %dma_wait3A_869 = arith.constant 0 : i32
      %dma_wait3A_870 = tpu.memref_slice %arg10[%dma_wait3A_868, %dma_wait3A_869] : memref<125x128xf32, #tpu.memory_space<vmem>> -> memref<32x128xf32, #tpu.memory_space<vmem>>
      %dma_wait3A_871 = arith.constant 32 : i32
      %dma_wait3A_872 = tpu.memref_slice %arg5[%dma_wait3A_867, %dma_wait3A_871] : memref<10x125xi32, #tpu.memory_space<vmem>> -> memref<1x32xi32, #tpu.memory_space<vmem>>
      %dma_wait3A_873 = tpu.memref_squeeze %dma_wait3A_872 : memref<1x32xi32, #tpu.memory_space<vmem>> -> memref<32xi32, #tpu.memory_space<vmem>>
      %dma_wait3A_874 = arith.constant 0 : i32
      %dma_wait3A_875 = arith.constant 0 : i32
      %dma_wait3A_876 = tpu.memref_slice %arg2[%dma_wait3A_874, %dma_wait3A_875] : memref<10000x128xf32, #tpu.memory_space<hbm>> -> memref<10000x128xf32, #tpu.memory_space<hbm>>
      tpu.wait_indirect_dma semaphore(%arg14 : memref<!tpu.dma_semaphore, #tpu.memory_space<semaphore_mem>>) src(%dma_wait3A_876 : memref<10000x128xf32, #tpu.memory_space<hbm>>) dst(%dma_wait3A_870 : memref<32x128xf32, #tpu.memory_space<vmem>>)
      %dma_wait3A_877 = arith.constant 9 : i32
      %dma_wait3A_878 = arith.constant 64 : i32
      %dma_wait3A_879 = arith.constant 0 : i32
      %dma_wait3A_880 = tpu.memref_slice %arg10[%dma_wait3A_878, %dma_wait3A_879] : memref<125x128xf32, #tpu.memory_space<vmem>> -> memref<32x128xf32, #tpu.memory_space<vmem>>
      %dma_wait3A_881 = arith.constant 64 : i32
      %dma_wait3A_882 = tpu.memref_slice %arg5[%dma_wait3A_877, %dma_wait3A_881] : memref<10x125xi32, #tpu.memory_space<vmem>> -> memref<1x32xi32, #tpu.memory_space<vmem>>
      %dma_wait3A_883 = tpu.memref_squeeze %dma_wait3A_882 : memref<1x32xi32, #tpu.memory_space<vmem>> -> memref<32xi32, #tpu.memory_space<vmem>>
      %dma_wait3A_884 = arith.constant 0 : i32
      %dma_wait3A_885 = arith.constant 0 : i32
      %dma_wait3A_886 = tpu.memref_slice %arg2[%dma_wait3A_884, %dma_wait3A_885] : memref<10000x128xf32, #tpu.memory_space<hbm>> -> memref<10000x128xf32, #tpu.memory_space<hbm>>
      tpu.wait_indirect_dma semaphore(%arg14 : memref<!tpu.dma_semaphore, #tpu.memory_space<semaphore_mem>>) src(%dma_wait3A_886 : memref<10000x128xf32, #tpu.memory_space<hbm>>) dst(%dma_wait3A_880 : memref<32x128xf32, #tpu.memory_space<vmem>>)
      %dma_wait3A_887 = arith.constant 9 : i32
      %dma_wait3A_888 = arith.constant 96 : i32
      %dma_wait3A_889 = arith.constant 0 : i32
      %dma_wait3A_890 = tpu.memref_slice %arg10[%dma_wait3A_888, %dma_wait3A_889] : memref<125x128xf32, #tpu.memory_space<vmem>> -> memref<29x128xf32, #tpu.memory_space<vmem>>
      %dma_wait3A_891 = arith.constant 96 : i32
      %dma_wait3A_892 = tpu.memref_slice %arg5[%dma_wait3A_887, %dma_wait3A_891] : memref<10x125xi32, #tpu.memory_space<vmem>> -> memref<1x29xi32, #tpu.memory_space<vmem>>
      %dma_wait3A_893 = tpu.memref_squeeze %dma_wait3A_892 : memref<1x29xi32, #tpu.memory_space<vmem>> -> memref<29xi32, #tpu.memory_space<vmem>>
      %dma_wait3A_894 = arith.constant 0 : i32
      %dma_wait3A_895 = arith.constant 0 : i32
      %dma_wait3A_896 = tpu.memref_slice %arg2[%dma_wait3A_894, %dma_wait3A_895] : memref<10000x128xf32, #tpu.memory_space<hbm>> -> memref<10000x128xf32, #tpu.memory_space<hbm>>
      tpu.wait_indirect_dma semaphore(%arg14 : memref<!tpu.dma_semaphore, #tpu.memory_space<semaphore_mem>>) src(%dma_wait3A_896 : memref<10000x128xf32, #tpu.memory_space<hbm>>) dst(%dma_wait3A_890 : memref<29x128xf32, #tpu.memory_space<vmem>>)
      %dma_start3A_897 = arith.constant 9 : i32
      %dma_start3A_898 = arith.constant 0 : i32
      %dma_start3A_899 = tpu.memref_slice %arg6[%dma_start3A_897, %dma_start3A_898] : memref<10x125xi32, #tpu.memory_space<vmem>> -> memref<1x125xi32, #tpu.memory_space<vmem>>
      %dma_start3A_900 = tpu.memref_squeeze %dma_start3A_899 : memref<1x125xi32, #tpu.memory_space<vmem>> -> memref<125xi32, #tpu.memory_space<vmem>>
      %dma_start3A_901 = arith.constant 0 : i32
      %dma_start3A_902 = arith.constant 0 : i32
      %dma_start3A_903 = tpu.memref_slice %arg12[%dma_start3A_901, %dma_start3A_902] : memref<10240x128xf32, #tpu.memory_space<vmem_shared>> -> memref<10240x128xf32, #tpu.memory_space<vmem_shared>>
      tpu.enqueue_indirect_dma source(%arg10 : memref<125x128xf32, #tpu.memory_space<vmem>>) target(%dma_start3A_903 : memref<10240x128xf32, #tpu.memory_space<vmem_shared>>) offsets(%dma_start3A_900 : memref<125xi32, #tpu.memory_space<vmem>>) semaphore(%arg15 : memref<!tpu.dma_semaphore, #tpu.memory_space<semaphore_mem>>) {add = true}
      %dma_wait3A_904 = arith.constant 9 : i32
      %dma_wait3A_905 = arith.constant 0 : i32
      %dma_wait3A_906 = tpu.memref_slice %arg6[%dma_wait3A_904, %dma_wait3A_905] : memref<10x125xi32, #tpu.memory_space<vmem>> -> memref<1x125xi32, #tpu.memory_space<vmem>>
      %dma_wait3A_907 = tpu.memref_squeeze %dma_wait3A_906 : memref<1x125xi32, #tpu.memory_space<vmem>> -> memref<125xi32, #tpu.memory_space<vmem>>
      %dma_wait3A_908 = arith.constant 0 : i32
      %dma_wait3A_909 = arith.constant 0 : i32
      %dma_wait3A_910 = tpu.memref_slice %arg12[%dma_wait3A_908, %dma_wait3A_909] : memref<10240x128xf32, #tpu.memory_space<vmem_shared>> -> memref<10240x128xf32, #tpu.memory_space<vmem_shared>>
      tpu.wait_indirect_dma semaphore(%arg15 : memref<!tpu.dma_semaphore, #tpu.memory_space<semaphore_mem>>) src(%arg10 : memref<125x128xf32, #tpu.memory_space<vmem>>) dst(%dma_wait3A_910 : memref<10240x128xf32, #tpu.memory_space<vmem_shared>>)
      %add3A_911 = arith.constant 11 : i32
      %add3A_912 = arith.addi %mul3A_266, %add3A_911 : i32
      %lt3A_913 = arith.constant 80 : i32
      %lt3A_914 = arith.cmpi slt, %add3A_912, %lt3A_913 : i32
      %convert_element_type3A_915 = arith.extui %lt3A_914 : i1 to i32
      %cond3A_916 = arith.constant 0 : i32
      %cond3A_917 = arith.cmpi ne, %convert_element_type3A_915, %cond3A_916 : i32
      scf.if %cond3A_917 {
        %dma_start3A_1543 = arith.constant 1 : i32
        %dma_start3A_1544 = arith.constant 0 : i32
        %dma_start3A_1545 = arith.constant 0 : i32
        %dma_start3A_1546 = tpu.memref_slice %arg10[%dma_start3A_1544, %dma_start3A_1545] : memref<125x128xf32, #tpu.memory_space<vmem>> -> memref<32x128xf32, #tpu.memory_space<vmem>>
        %dma_start3A_1547 = arith.constant 0 : i32
        %dma_start3A_1548 = tpu.memref_slice %arg7[%dma_start3A_1543, %dma_start3A_1547] : memref<10x125xi32, #tpu.memory_space<vmem>> -> memref<1x32xi32, #tpu.memory_space<vmem>>
        %dma_start3A_1549 = tpu.memref_squeeze %dma_start3A_1548 : memref<1x32xi32, #tpu.memory_space<vmem>> -> memref<32xi32, #tpu.memory_space<vmem>>
        %dma_start3A_1550 = arith.constant 0 : i32
        %dma_start3A_1551 = arith.constant 0 : i32
        %dma_start3A_1552 = tpu.memref_slice %arg2[%dma_start3A_1550, %dma_start3A_1551] : memref<10000x128xf32, #tpu.memory_space<hbm>> -> memref<10000x128xf32, #tpu.memory_space<hbm>>
        tpu.enqueue_indirect_dma source(%dma_start3A_1552 : memref<10000x128xf32, #tpu.memory_space<hbm>>) target(%dma_start3A_1546 : memref<32x128xf32, #tpu.memory_space<vmem>>) offsets(%dma_start3A_1549 : memref<32xi32, #tpu.memory_space<vmem>>) semaphore(%arg14 : memref<!tpu.dma_semaphore, #tpu.memory_space<semaphore_mem>>)
        %dma_start3A_1553 = arith.constant 1 : i32
        %dma_start3A_1554 = arith.constant 32 : i32
        %dma_start3A_1555 = arith.constant 0 : i32
        %dma_start3A_1556 = tpu.memref_slice %arg10[%dma_start3A_1554, %dma_start3A_1555] : memref<125x128xf32, #tpu.memory_space<vmem>> -> memref<32x128xf32, #tpu.memory_space<vmem>>
        %dma_start3A_1557 = arith.constant 32 : i32
        %dma_start3A_1558 = tpu.memref_slice %arg7[%dma_start3A_1553, %dma_start3A_1557] : memref<10x125xi32, #tpu.memory_space<vmem>> -> memref<1x32xi32, #tpu.memory_space<vmem>>
        %dma_start3A_1559 = tpu.memref_squeeze %dma_start3A_1558 : memref<1x32xi32, #tpu.memory_space<vmem>> -> memref<32xi32, #tpu.memory_space<vmem>>
        %dma_start3A_1560 = arith.constant 0 : i32
        %dma_start3A_1561 = arith.constant 0 : i32
        %dma_start3A_1562 = tpu.memref_slice %arg2[%dma_start3A_1560, %dma_start3A_1561] : memref<10000x128xf32, #tpu.memory_space<hbm>> -> memref<10000x128xf32, #tpu.memory_space<hbm>>
        tpu.enqueue_indirect_dma source(%dma_start3A_1562 : memref<10000x128xf32, #tpu.memory_space<hbm>>) target(%dma_start3A_1556 : memref<32x128xf32, #tpu.memory_space<vmem>>) offsets(%dma_start3A_1559 : memref<32xi32, #tpu.memory_space<vmem>>) semaphore(%arg14 : memref<!tpu.dma_semaphore, #tpu.memory_space<semaphore_mem>>)
        %dma_start3A_1563 = arith.constant 1 : i32
        %dma_start3A_1564 = arith.constant 64 : i32
        %dma_start3A_1565 = arith.constant 0 : i32
        %dma_start3A_1566 = tpu.memref_slice %arg10[%dma_start3A_1564, %dma_start3A_1565] : memref<125x128xf32, #tpu.memory_space<vmem>> -> memref<32x128xf32, #tpu.memory_space<vmem>>
        %dma_start3A_1567 = arith.constant 64 : i32
        %dma_start3A_1568 = tpu.memref_slice %arg7[%dma_start3A_1563, %dma_start3A_1567] : memref<10x125xi32, #tpu.memory_space<vmem>> -> memref<1x32xi32, #tpu.memory_space<vmem>>
        %dma_start3A_1569 = tpu.memref_squeeze %dma_start3A_1568 : memref<1x32xi32, #tpu.memory_space<vmem>> -> memref<32xi32, #tpu.memory_space<vmem>>
        %dma_start3A_1570 = arith.constant 0 : i32
        %dma_start3A_1571 = arith.constant 0 : i32
        %dma_start3A_1572 = tpu.memref_slice %arg2[%dma_start3A_1570, %dma_start3A_1571] : memref<10000x128xf32, #tpu.memory_space<hbm>> -> memref<10000x128xf32, #tpu.memory_space<hbm>>
        tpu.enqueue_indirect_dma source(%dma_start3A_1572 : memref<10000x128xf32, #tpu.memory_space<hbm>>) target(%dma_start3A_1566 : memref<32x128xf32, #tpu.memory_space<vmem>>) offsets(%dma_start3A_1569 : memref<32xi32, #tpu.memory_space<vmem>>) semaphore(%arg14 : memref<!tpu.dma_semaphore, #tpu.memory_space<semaphore_mem>>)
        %dma_start3A_1573 = arith.constant 1 : i32
        %dma_start3A_1574 = arith.constant 96 : i32
        %dma_start3A_1575 = arith.constant 0 : i32
        %dma_start3A_1576 = tpu.memref_slice %arg10[%dma_start3A_1574, %dma_start3A_1575] : memref<125x128xf32, #tpu.memory_space<vmem>> -> memref<29x128xf32, #tpu.memory_space<vmem>>
        %dma_start3A_1577 = arith.constant 96 : i32
        %dma_start3A_1578 = tpu.memref_slice %arg7[%dma_start3A_1573, %dma_start3A_1577] : memref<10x125xi32, #tpu.memory_space<vmem>> -> memref<1x29xi32, #tpu.memory_space<vmem>>
        %dma_start3A_1579 = tpu.memref_squeeze %dma_start3A_1578 : memref<1x29xi32, #tpu.memory_space<vmem>> -> memref<29xi32, #tpu.memory_space<vmem>>
        %dma_start3A_1580 = arith.constant 0 : i32
        %dma_start3A_1581 = arith.constant 0 : i32
        %dma_start3A_1582 = tpu.memref_slice %arg2[%dma_start3A_1580, %dma_start3A_1581] : memref<10000x128xf32, #tpu.memory_space<hbm>> -> memref<10000x128xf32, #tpu.memory_space<hbm>>
        tpu.enqueue_indirect_dma source(%dma_start3A_1582 : memref<10000x128xf32, #tpu.memory_space<hbm>>) target(%dma_start3A_1576 : memref<29x128xf32, #tpu.memory_space<vmem>>) offsets(%dma_start3A_1579 : memref<29xi32, #tpu.memory_space<vmem>>) semaphore(%arg14 : memref<!tpu.dma_semaphore, #tpu.memory_space<semaphore_mem>>)
      } else {
      }
      %dma_wait3A_918 = arith.constant 0 : i32
      %dma_wait3A_919 = arith.constant 0 : i32
      %dma_wait3A_920 = arith.constant 0 : i32
      %dma_wait3A_921 = tpu.memref_slice %arg9[%dma_wait3A_919, %dma_wait3A_920] : memref<125x128xf32, #tpu.memory_space<vmem>> -> memref<32x128xf32, #tpu.memory_space<vmem>>
      %dma_wait3A_922 = arith.constant 0 : i32
      %dma_wait3A_923 = tpu.memref_slice %arg7[%dma_wait3A_918, %dma_wait3A_922] : memref<10x125xi32, #tpu.memory_space<vmem>> -> memref<1x32xi32, #tpu.memory_space<vmem>>
      %dma_wait3A_924 = tpu.memref_squeeze %dma_wait3A_923 : memref<1x32xi32, #tpu.memory_space<vmem>> -> memref<32xi32, #tpu.memory_space<vmem>>
      %dma_wait3A_925 = arith.constant 0 : i32
      %dma_wait3A_926 = arith.constant 0 : i32
      %dma_wait3A_927 = tpu.memref_slice %arg2[%dma_wait3A_925, %dma_wait3A_926] : memref<10000x128xf32, #tpu.memory_space<hbm>> -> memref<10000x128xf32, #tpu.memory_space<hbm>>
      tpu.wait_indirect_dma semaphore(%arg13 : memref<!tpu.dma_semaphore, #tpu.memory_space<semaphore_mem>>) src(%dma_wait3A_927 : memref<10000x128xf32, #tpu.memory_space<hbm>>) dst(%dma_wait3A_921 : memref<32x128xf32, #tpu.memory_space<vmem>>)
      %dma_wait3A_928 = arith.constant 0 : i32
      %dma_wait3A_929 = arith.constant 32 : i32
      %dma_wait3A_930 = arith.constant 0 : i32
      %dma_wait3A_931 = tpu.memref_slice %arg9[%dma_wait3A_929, %dma_wait3A_930] : memref<125x128xf32, #tpu.memory_space<vmem>> -> memref<32x128xf32, #tpu.memory_space<vmem>>
      %dma_wait3A_932 = arith.constant 32 : i32
      %dma_wait3A_933 = tpu.memref_slice %arg7[%dma_wait3A_928, %dma_wait3A_932] : memref<10x125xi32, #tpu.memory_space<vmem>> -> memref<1x32xi32, #tpu.memory_space<vmem>>
      %dma_wait3A_934 = tpu.memref_squeeze %dma_wait3A_933 : memref<1x32xi32, #tpu.memory_space<vmem>> -> memref<32xi32, #tpu.memory_space<vmem>>
      %dma_wait3A_935 = arith.constant 0 : i32
      %dma_wait3A_936 = arith.constant 0 : i32
      %dma_wait3A_937 = tpu.memref_slice %arg2[%dma_wait3A_935, %dma_wait3A_936] : memref<10000x128xf32, #tpu.memory_space<hbm>> -> memref<10000x128xf32, #tpu.memory_space<hbm>>
      tpu.wait_indirect_dma semaphore(%arg13 : memref<!tpu.dma_semaphore, #tpu.memory_space<semaphore_mem>>) src(%dma_wait3A_937 : memref<10000x128xf32, #tpu.memory_space<hbm>>) dst(%dma_wait3A_931 : memref<32x128xf32, #tpu.memory_space<vmem>>)
      %dma_wait3A_938 = arith.constant 0 : i32
      %dma_wait3A_939 = arith.constant 64 : i32
      %dma_wait3A_940 = arith.constant 0 : i32
      %dma_wait3A_941 = tpu.memref_slice %arg9[%dma_wait3A_939, %dma_wait3A_940] : memref<125x128xf32, #tpu.memory_space<vmem>> -> memref<32x128xf32, #tpu.memory_space<vmem>>
      %dma_wait3A_942 = arith.constant 64 : i32
      %dma_wait3A_943 = tpu.memref_slice %arg7[%dma_wait3A_938, %dma_wait3A_942] : memref<10x125xi32, #tpu.memory_space<vmem>> -> memref<1x32xi32, #tpu.memory_space<vmem>>
      %dma_wait3A_944 = tpu.memref_squeeze %dma_wait3A_943 : memref<1x32xi32, #tpu.memory_space<vmem>> -> memref<32xi32, #tpu.memory_space<vmem>>
      %dma_wait3A_945 = arith.constant 0 : i32
      %dma_wait3A_946 = arith.constant 0 : i32
      %dma_wait3A_947 = tpu.memref_slice %arg2[%dma_wait3A_945, %dma_wait3A_946] : memref<10000x128xf32, #tpu.memory_space<hbm>> -> memref<10000x128xf32, #tpu.memory_space<hbm>>
      tpu.wait_indirect_dma semaphore(%arg13 : memref<!tpu.dma_semaphore, #tpu.memory_space<semaphore_mem>>) src(%dma_wait3A_947 : memref<10000x128xf32, #tpu.memory_space<hbm>>) dst(%dma_wait3A_941 : memref<32x128xf32, #tpu.memory_space<vmem>>)
      %dma_wait3A_948 = arith.constant 0 : i32
      %dma_wait3A_949 = arith.constant 96 : i32
      %dma_wait3A_950 = arith.constant 0 : i32
      %dma_wait3A_951 = tpu.memref_slice %arg9[%dma_wait3A_949, %dma_wait3A_950] : memref<125x128xf32, #tpu.memory_space<vmem>> -> memref<29x128xf32, #tpu.memory_space<vmem>>
      %dma_wait3A_952 = arith.constant 96 : i32
      %dma_wait3A_953 = tpu.memref_slice %arg7[%dma_wait3A_948, %dma_wait3A_952] : memref<10x125xi32, #tpu.memory_space<vmem>> -> memref<1x29xi32, #tpu.memory_space<vmem>>
      %dma_wait3A_954 = tpu.memref_squeeze %dma_wait3A_953 : memref<1x29xi32, #tpu.memory_space<vmem>> -> memref<29xi32, #tpu.memory_space<vmem>>
      %dma_wait3A_955 = arith.constant 0 : i32
      %dma_wait3A_956 = arith.constant 0 : i32
      %dma_wait3A_957 = tpu.memref_slice %arg2[%dma_wait3A_955, %dma_wait3A_956] : memref<10000x128xf32, #tpu.memory_space<hbm>> -> memref<10000x128xf32, #tpu.memory_space<hbm>>
      tpu.wait_indirect_dma semaphore(%arg13 : memref<!tpu.dma_semaphore, #tpu.memory_space<semaphore_mem>>) src(%dma_wait3A_957 : memref<10000x128xf32, #tpu.memory_space<hbm>>) dst(%dma_wait3A_951 : memref<29x128xf32, #tpu.memory_space<vmem>>)
      %dma_start3A_958 = arith.constant 0 : i32
      %dma_start3A_959 = arith.constant 0 : i32
      %dma_start3A_960 = tpu.memref_slice %arg8[%dma_start3A_958, %dma_start3A_959] : memref<10x125xi32, #tpu.memory_space<vmem>> -> memref<1x125xi32, #tpu.memory_space<vmem>>
      %dma_start3A_961 = tpu.memref_squeeze %dma_start3A_960 : memref<1x125xi32, #tpu.memory_space<vmem>> -> memref<125xi32, #tpu.memory_space<vmem>>
      %dma_start3A_962 = arith.constant 0 : i32
      %dma_start3A_963 = arith.constant 0 : i32
      %dma_start3A_964 = tpu.memref_slice %arg12[%dma_start3A_962, %dma_start3A_963] : memref<10240x128xf32, #tpu.memory_space<vmem_shared>> -> memref<10240x128xf32, #tpu.memory_space<vmem_shared>>
      tpu.enqueue_indirect_dma source(%arg9 : memref<125x128xf32, #tpu.memory_space<vmem>>) target(%dma_start3A_964 : memref<10240x128xf32, #tpu.memory_space<vmem_shared>>) offsets(%dma_start3A_961 : memref<125xi32, #tpu.memory_space<vmem>>) semaphore(%arg15 : memref<!tpu.dma_semaphore, #tpu.memory_space<semaphore_mem>>) {add = true}
      %dma_wait3A_965 = arith.constant 0 : i32
      %dma_wait3A_966 = arith.constant 0 : i32
      %dma_wait3A_967 = tpu.memref_slice %arg8[%dma_wait3A_965, %dma_wait3A_966] : memref<10x125xi32, #tpu.memory_space<vmem>> -> memref<1x125xi32, #tpu.memory_space<vmem>>
      %dma_wait3A_968 = tpu.memref_squeeze %dma_wait3A_967 : memref<1x125xi32, #tpu.memory_space<vmem>> -> memref<125xi32, #tpu.memory_space<vmem>>
      %dma_wait3A_969 = arith.constant 0 : i32
      %dma_wait3A_970 = arith.constant 0 : i32
      %dma_wait3A_971 = tpu.memref_slice %arg12[%dma_wait3A_969, %dma_wait3A_970] : memref<10240x128xf32, #tpu.memory_space<vmem_shared>> -> memref<10240x128xf32, #tpu.memory_space<vmem_shared>>
      tpu.wait_indirect_dma semaphore(%arg15 : memref<!tpu.dma_semaphore, #tpu.memory_space<semaphore_mem>>) src(%arg9 : memref<125x128xf32, #tpu.memory_space<vmem>>) dst(%dma_wait3A_971 : memref<10240x128xf32, #tpu.memory_space<vmem_shared>>)
      %add3A_972 = arith.constant 12 : i32
      %add3A_973 = arith.addi %mul3A_266, %add3A_972 : i32
      %lt3A_974 = arith.constant 80 : i32
      %lt3A_975 = arith.cmpi slt, %add3A_973, %lt3A_974 : i32
      %convert_element_type3A_976 = arith.extui %lt3A_975 : i1 to i32
      %cond3A_977 = arith.constant 0 : i32
      %cond3A_978 = arith.cmpi ne, %convert_element_type3A_976, %cond3A_977 : i32
      scf.if %cond3A_978 {
        %dma_start3A_1543 = arith.constant 2 : i32
        %dma_start3A_1544 = arith.constant 0 : i32
        %dma_start3A_1545 = arith.constant 0 : i32
        %dma_start3A_1546 = tpu.memref_slice %arg9[%dma_start3A_1544, %dma_start3A_1545] : memref<125x128xf32, #tpu.memory_space<vmem>> -> memref<32x128xf32, #tpu.memory_space<vmem>>
        %dma_start3A_1547 = arith.constant 0 : i32
        %dma_start3A_1548 = tpu.memref_slice %arg7[%dma_start3A_1543, %dma_start3A_1547] : memref<10x125xi32, #tpu.memory_space<vmem>> -> memref<1x32xi32, #tpu.memory_space<vmem>>
        %dma_start3A_1549 = tpu.memref_squeeze %dma_start3A_1548 : memref<1x32xi32, #tpu.memory_space<vmem>> -> memref<32xi32, #tpu.memory_space<vmem>>
        %dma_start3A_1550 = arith.constant 0 : i32
        %dma_start3A_1551 = arith.constant 0 : i32
        %dma_start3A_1552 = tpu.memref_slice %arg2[%dma_start3A_1550, %dma_start3A_1551] : memref<10000x128xf32, #tpu.memory_space<hbm>> -> memref<10000x128xf32, #tpu.memory_space<hbm>>
        tpu.enqueue_indirect_dma source(%dma_start3A_1552 : memref<10000x128xf32, #tpu.memory_space<hbm>>) target(%dma_start3A_1546 : memref<32x128xf32, #tpu.memory_space<vmem>>) offsets(%dma_start3A_1549 : memref<32xi32, #tpu.memory_space<vmem>>) semaphore(%arg13 : memref<!tpu.dma_semaphore, #tpu.memory_space<semaphore_mem>>)
        %dma_start3A_1553 = arith.constant 2 : i32
        %dma_start3A_1554 = arith.constant 32 : i32
        %dma_start3A_1555 = arith.constant 0 : i32
        %dma_start3A_1556 = tpu.memref_slice %arg9[%dma_start3A_1554, %dma_start3A_1555] : memref<125x128xf32, #tpu.memory_space<vmem>> -> memref<32x128xf32, #tpu.memory_space<vmem>>
        %dma_start3A_1557 = arith.constant 32 : i32
        %dma_start3A_1558 = tpu.memref_slice %arg7[%dma_start3A_1553, %dma_start3A_1557] : memref<10x125xi32, #tpu.memory_space<vmem>> -> memref<1x32xi32, #tpu.memory_space<vmem>>
        %dma_start3A_1559 = tpu.memref_squeeze %dma_start3A_1558 : memref<1x32xi32, #tpu.memory_space<vmem>> -> memref<32xi32, #tpu.memory_space<vmem>>
        %dma_start3A_1560 = arith.constant 0 : i32
        %dma_start3A_1561 = arith.constant 0 : i32
        %dma_start3A_1562 = tpu.memref_slice %arg2[%dma_start3A_1560, %dma_start3A_1561] : memref<10000x128xf32, #tpu.memory_space<hbm>> -> memref<10000x128xf32, #tpu.memory_space<hbm>>
        tpu.enqueue_indirect_dma source(%dma_start3A_1562 : memref<10000x128xf32, #tpu.memory_space<hbm>>) target(%dma_start3A_1556 : memref<32x128xf32, #tpu.memory_space<vmem>>) offsets(%dma_start3A_1559 : memref<32xi32, #tpu.memory_space<vmem>>) semaphore(%arg13 : memref<!tpu.dma_semaphore, #tpu.memory_space<semaphore_mem>>)
        %dma_start3A_1563 = arith.constant 2 : i32
        %dma_start3A_1564 = arith.constant 64 : i32
        %dma_start3A_1565 = arith.constant 0 : i32
        %dma_start3A_1566 = tpu.memref_slice %arg9[%dma_start3A_1564, %dma_start3A_1565] : memref<125x128xf32, #tpu.memory_space<vmem>> -> memref<32x128xf32, #tpu.memory_space<vmem>>
        %dma_start3A_1567 = arith.constant 64 : i32
        %dma_start3A_1568 = tpu.memref_slice %arg7[%dma_start3A_1563, %dma_start3A_1567] : memref<10x125xi32, #tpu.memory_space<vmem>> -> memref<1x32xi32, #tpu.memory_space<vmem>>
        %dma_start3A_1569 = tpu.memref_squeeze %dma_start3A_1568 : memref<1x32xi32, #tpu.memory_space<vmem>> -> memref<32xi32, #tpu.memory_space<vmem>>
        %dma_start3A_1570 = arith.constant 0 : i32
        %dma_start3A_1571 = arith.constant 0 : i32
        %dma_start3A_1572 = tpu.memref_slice %arg2[%dma_start3A_1570, %dma_start3A_1571] : memref<10000x128xf32, #tpu.memory_space<hbm>> -> memref<10000x128xf32, #tpu.memory_space<hbm>>
        tpu.enqueue_indirect_dma source(%dma_start3A_1572 : memref<10000x128xf32, #tpu.memory_space<hbm>>) target(%dma_start3A_1566 : memref<32x128xf32, #tpu.memory_space<vmem>>) offsets(%dma_start3A_1569 : memref<32xi32, #tpu.memory_space<vmem>>) semaphore(%arg13 : memref<!tpu.dma_semaphore, #tpu.memory_space<semaphore_mem>>)
        %dma_start3A_1573 = arith.constant 2 : i32
        %dma_start3A_1574 = arith.constant 96 : i32
        %dma_start3A_1575 = arith.constant 0 : i32
        %dma_start3A_1576 = tpu.memref_slice %arg9[%dma_start3A_1574, %dma_start3A_1575] : memref<125x128xf32, #tpu.memory_space<vmem>> -> memref<29x128xf32, #tpu.memory_space<vmem>>
        %dma_start3A_1577 = arith.constant 96 : i32
        %dma_start3A_1578 = tpu.memref_slice %arg7[%dma_start3A_1573, %dma_start3A_1577] : memref<10x125xi32, #tpu.memory_space<vmem>> -> memref<1x29xi32, #tpu.memory_space<vmem>>
        %dma_start3A_1579 = tpu.memref_squeeze %dma_start3A_1578 : memref<1x29xi32, #tpu.memory_space<vmem>> -> memref<29xi32, #tpu.memory_space<vmem>>
        %dma_start3A_1580 = arith.constant 0 : i32
        %dma_start3A_1581 = arith.constant 0 : i32
        %dma_start3A_1582 = tpu.memref_slice %arg2[%dma_start3A_1580, %dma_start3A_1581] : memref<10000x128xf32, #tpu.memory_space<hbm>> -> memref<10000x128xf32, #tpu.memory_space<hbm>>
        tpu.enqueue_indirect_dma source(%dma_start3A_1582 : memref<10000x128xf32, #tpu.memory_space<hbm>>) target(%dma_start3A_1576 : memref<29x128xf32, #tpu.memory_space<vmem>>) offsets(%dma_start3A_1579 : memref<29xi32, #tpu.memory_space<vmem>>) semaphore(%arg13 : memref<!tpu.dma_semaphore, #tpu.memory_space<semaphore_mem>>)
      } else {
      }
      %dma_wait3A_979 = arith.constant 1 : i32
      %dma_wait3A_980 = arith.constant 0 : i32
      %dma_wait3A_981 = arith.constant 0 : i32
      %dma_wait3A_982 = tpu.memref_slice %arg10[%dma_wait3A_980, %dma_wait3A_981] : memref<125x128xf32, #tpu.memory_space<vmem>> -> memref<32x128xf32, #tpu.memory_space<vmem>>
      %dma_wait3A_983 = arith.constant 0 : i32
      %dma_wait3A_984 = tpu.memref_slice %arg7[%dma_wait3A_979, %dma_wait3A_983] : memref<10x125xi32, #tpu.memory_space<vmem>> -> memref<1x32xi32, #tpu.memory_space<vmem>>
      %dma_wait3A_985 = tpu.memref_squeeze %dma_wait3A_984 : memref<1x32xi32, #tpu.memory_space<vmem>> -> memref<32xi32, #tpu.memory_space<vmem>>
      %dma_wait3A_986 = arith.constant 0 : i32
      %dma_wait3A_987 = arith.constant 0 : i32
      %dma_wait3A_988 = tpu.memref_slice %arg2[%dma_wait3A_986, %dma_wait3A_987] : memref<10000x128xf32, #tpu.memory_space<hbm>> -> memref<10000x128xf32, #tpu.memory_space<hbm>>
      tpu.wait_indirect_dma semaphore(%arg14 : memref<!tpu.dma_semaphore, #tpu.memory_space<semaphore_mem>>) src(%dma_wait3A_988 : memref<10000x128xf32, #tpu.memory_space<hbm>>) dst(%dma_wait3A_982 : memref<32x128xf32, #tpu.memory_space<vmem>>)
      %dma_wait3A_989 = arith.constant 1 : i32
      %dma_wait3A_990 = arith.constant 32 : i32
      %dma_wait3A_991 = arith.constant 0 : i32
      %dma_wait3A_992 = tpu.memref_slice %arg10[%dma_wait3A_990, %dma_wait3A_991] : memref<125x128xf32, #tpu.memory_space<vmem>> -> memref<32x128xf32, #tpu.memory_space<vmem>>
      %dma_wait3A_993 = arith.constant 32 : i32
      %dma_wait3A_994 = tpu.memref_slice %arg7[%dma_wait3A_989, %dma_wait3A_993] : memref<10x125xi32, #tpu.memory_space<vmem>> -> memref<1x32xi32, #tpu.memory_space<vmem>>
      %dma_wait3A_995 = tpu.memref_squeeze %dma_wait3A_994 : memref<1x32xi32, #tpu.memory_space<vmem>> -> memref<32xi32, #tpu.memory_space<vmem>>
      %dma_wait3A_996 = arith.constant 0 : i32
      %dma_wait3A_997 = arith.constant 0 : i32
      %dma_wait3A_998 = tpu.memref_slice %arg2[%dma_wait3A_996, %dma_wait3A_997] : memref<10000x128xf32, #tpu.memory_space<hbm>> -> memref<10000x128xf32, #tpu.memory_space<hbm>>
      tpu.wait_indirect_dma semaphore(%arg14 : memref<!tpu.dma_semaphore, #tpu.memory_space<semaphore_mem>>) src(%dma_wait3A_998 : memref<10000x128xf32, #tpu.memory_space<hbm>>) dst(%dma_wait3A_992 : memref<32x128xf32, #tpu.memory_space<vmem>>)
      %dma_wait3A_999 = arith.constant 1 : i32
      %dma_wait3A_1000 = arith.constant 64 : i32
      %dma_wait3A_1001 = arith.constant 0 : i32
      %dma_wait3A_1002 = tpu.memref_slice %arg10[%dma_wait3A_1000, %dma_wait3A_1001] : memref<125x128xf32, #tpu.memory_space<vmem>> -> memref<32x128xf32, #tpu.memory_space<vmem>>
      %dma_wait3A_1003 = arith.constant 64 : i32
      %dma_wait3A_1004 = tpu.memref_slice %arg7[%dma_wait3A_999, %dma_wait3A_1003] : memref<10x125xi32, #tpu.memory_space<vmem>> -> memref<1x32xi32, #tpu.memory_space<vmem>>
      %dma_wait3A_1005 = tpu.memref_squeeze %dma_wait3A_1004 : memref<1x32xi32, #tpu.memory_space<vmem>> -> memref<32xi32, #tpu.memory_space<vmem>>
      %dma_wait3A_1006 = arith.constant 0 : i32
      %dma_wait3A_1007 = arith.constant 0 : i32
      %dma_wait3A_1008 = tpu.memref_slice %arg2[%dma_wait3A_1006, %dma_wait3A_1007] : memref<10000x128xf32, #tpu.memory_space<hbm>> -> memref<10000x128xf32, #tpu.memory_space<hbm>>
      tpu.wait_indirect_dma semaphore(%arg14 : memref<!tpu.dma_semaphore, #tpu.memory_space<semaphore_mem>>) src(%dma_wait3A_1008 : memref<10000x128xf32, #tpu.memory_space<hbm>>) dst(%dma_wait3A_1002 : memref<32x128xf32, #tpu.memory_space<vmem>>)
      %dma_wait3A_1009 = arith.constant 1 : i32
      %dma_wait3A_1010 = arith.constant 96 : i32
      %dma_wait3A_1011 = arith.constant 0 : i32
      %dma_wait3A_1012 = tpu.memref_slice %arg10[%dma_wait3A_1010, %dma_wait3A_1011] : memref<125x128xf32, #tpu.memory_space<vmem>> -> memref<29x128xf32, #tpu.memory_space<vmem>>
      %dma_wait3A_1013 = arith.constant 96 : i32
      %dma_wait3A_1014 = tpu.memref_slice %arg7[%dma_wait3A_1009, %dma_wait3A_1013] : memref<10x125xi32, #tpu.memory_space<vmem>> -> memref<1x29xi32, #tpu.memory_space<vmem>>
      %dma_wait3A_1015 = tpu.memref_squeeze %dma_wait3A_1014 : memref<1x29xi32, #tpu.memory_space<vmem>> -> memref<29xi32, #tpu.memory_space<vmem>>
      %dma_wait3A_1016 = arith.constant 0 : i32
      %dma_wait3A_1017 = arith.constant 0 : i32
      %dma_wait3A_1018 = tpu.memref_slice %arg2[%dma_wait3A_1016, %dma_wait3A_1017] : memref<10000x128xf32, #tpu.memory_space<hbm>> -> memref<10000x128xf32, #tpu.memory_space<hbm>>
      tpu.wait_indirect_dma semaphore(%arg14 : memref<!tpu.dma_semaphore, #tpu.memory_space<semaphore_mem>>) src(%dma_wait3A_1018 : memref<10000x128xf32, #tpu.memory_space<hbm>>) dst(%dma_wait3A_1012 : memref<29x128xf32, #tpu.memory_space<vmem>>)
      %dma_start3A_1019 = arith.constant 1 : i32
      %dma_start3A_1020 = arith.constant 0 : i32
      %dma_start3A_1021 = tpu.memref_slice %arg8[%dma_start3A_1019, %dma_start3A_1020] : memref<10x125xi32, #tpu.memory_space<vmem>> -> memref<1x125xi32, #tpu.memory_space<vmem>>
      %dma_start3A_1022 = tpu.memref_squeeze %dma_start3A_1021 : memref<1x125xi32, #tpu.memory_space<vmem>> -> memref<125xi32, #tpu.memory_space<vmem>>
      %dma_start3A_1023 = arith.constant 0 : i32
      %dma_start3A_1024 = arith.constant 0 : i32
      %dma_start3A_1025 = tpu.memref_slice %arg12[%dma_start3A_1023, %dma_start3A_1024] : memref<10240x128xf32, #tpu.memory_space<vmem_shared>> -> memref<10240x128xf32, #tpu.memory_space<vmem_shared>>
      tpu.enqueue_indirect_dma source(%arg10 : memref<125x128xf32, #tpu.memory_space<vmem>>) target(%dma_start3A_1025 : memref<10240x128xf32, #tpu.memory_space<vmem_shared>>) offsets(%dma_start3A_1022 : memref<125xi32, #tpu.memory_space<vmem>>) semaphore(%arg15 : memref<!tpu.dma_semaphore, #tpu.memory_space<semaphore_mem>>) {add = true}
      %dma_wait3A_1026 = arith.constant 1 : i32
      %dma_wait3A_1027 = arith.constant 0 : i32
      %dma_wait3A_1028 = tpu.memref_slice %arg8[%dma_wait3A_1026, %dma_wait3A_1027] : memref<10x125xi32, #tpu.memory_space<vmem>> -> memref<1x125xi32, #tpu.memory_space<vmem>>
      %dma_wait3A_1029 = tpu.memref_squeeze %dma_wait3A_1028 : memref<1x125xi32, #tpu.memory_space<vmem>> -> memref<125xi32, #tpu.memory_space<vmem>>
      %dma_wait3A_1030 = arith.constant 0 : i32
      %dma_wait3A_1031 = arith.constant 0 : i32
      %dma_wait3A_1032 = tpu.memref_slice %arg12[%dma_wait3A_1030, %dma_wait3A_1031] : memref<10240x128xf32, #tpu.memory_space<vmem_shared>> -> memref<10240x128xf32, #tpu.memory_space<vmem_shared>>
      tpu.wait_indirect_dma semaphore(%arg15 : memref<!tpu.dma_semaphore, #tpu.memory_space<semaphore_mem>>) src(%arg10 : memref<125x128xf32, #tpu.memory_space<vmem>>) dst(%dma_wait3A_1032 : memref<10240x128xf32, #tpu.memory_space<vmem_shared>>)
      %add3A_1033 = arith.constant 13 : i32
      %add3A_1034 = arith.addi %mul3A_266, %add3A_1033 : i32
      %lt3A_1035 = arith.constant 80 : i32
      %lt3A_1036 = arith.cmpi slt, %add3A_1034, %lt3A_1035 : i32
      %convert_element_type3A_1037 = arith.extui %lt3A_1036 : i1 to i32
      %cond3A_1038 = arith.constant 0 : i32
      %cond3A_1039 = arith.cmpi ne, %convert_element_type3A_1037, %cond3A_1038 : i32
      scf.if %cond3A_1039 {
        %dma_start3A_1543 = arith.constant 3 : i32
        %dma_start3A_1544 = arith.constant 0 : i32
        %dma_start3A_1545 = arith.constant 0 : i32
        %dma_start3A_1546 = tpu.memref_slice %arg10[%dma_start3A_1544, %dma_start3A_1545] : memref<125x128xf32, #tpu.memory_space<vmem>> -> memref<32x128xf32, #tpu.memory_space<vmem>>
        %dma_start3A_1547 = arith.constant 0 : i32
        %dma_start3A_1548 = tpu.memref_slice %arg7[%dma_start3A_1543, %dma_start3A_1547] : memref<10x125xi32, #tpu.memory_space<vmem>> -> memref<1x32xi32, #tpu.memory_space<vmem>>
        %dma_start3A_1549 = tpu.memref_squeeze %dma_start3A_1548 : memref<1x32xi32, #tpu.memory_space<vmem>> -> memref<32xi32, #tpu.memory_space<vmem>>
        %dma_start3A_1550 = arith.constant 0 : i32
        %dma_start3A_1551 = arith.constant 0 : i32
        %dma_start3A_1552 = tpu.memref_slice %arg2[%dma_start3A_1550, %dma_start3A_1551] : memref<10000x128xf32, #tpu.memory_space<hbm>> -> memref<10000x128xf32, #tpu.memory_space<hbm>>
        tpu.enqueue_indirect_dma source(%dma_start3A_1552 : memref<10000x128xf32, #tpu.memory_space<hbm>>) target(%dma_start3A_1546 : memref<32x128xf32, #tpu.memory_space<vmem>>) offsets(%dma_start3A_1549 : memref<32xi32, #tpu.memory_space<vmem>>) semaphore(%arg14 : memref<!tpu.dma_semaphore, #tpu.memory_space<semaphore_mem>>)
        %dma_start3A_1553 = arith.constant 3 : i32
        %dma_start3A_1554 = arith.constant 32 : i32
        %dma_start3A_1555 = arith.constant 0 : i32
        %dma_start3A_1556 = tpu.memref_slice %arg10[%dma_start3A_1554, %dma_start3A_1555] : memref<125x128xf32, #tpu.memory_space<vmem>> -> memref<32x128xf32, #tpu.memory_space<vmem>>
        %dma_start3A_1557 = arith.constant 32 : i32
        %dma_start3A_1558 = tpu.memref_slice %arg7[%dma_start3A_1553, %dma_start3A_1557] : memref<10x125xi32, #tpu.memory_space<vmem>> -> memref<1x32xi32, #tpu.memory_space<vmem>>
        %dma_start3A_1559 = tpu.memref_squeeze %dma_start3A_1558 : memref<1x32xi32, #tpu.memory_space<vmem>> -> memref<32xi32, #tpu.memory_space<vmem>>
        %dma_start3A_1560 = arith.constant 0 : i32
        %dma_start3A_1561 = arith.constant 0 : i32
        %dma_start3A_1562 = tpu.memref_slice %arg2[%dma_start3A_1560, %dma_start3A_1561] : memref<10000x128xf32, #tpu.memory_space<hbm>> -> memref<10000x128xf32, #tpu.memory_space<hbm>>
        tpu.enqueue_indirect_dma source(%dma_start3A_1562 : memref<10000x128xf32, #tpu.memory_space<hbm>>) target(%dma_start3A_1556 : memref<32x128xf32, #tpu.memory_space<vmem>>) offsets(%dma_start3A_1559 : memref<32xi32, #tpu.memory_space<vmem>>) semaphore(%arg14 : memref<!tpu.dma_semaphore, #tpu.memory_space<semaphore_mem>>)
        %dma_start3A_1563 = arith.constant 3 : i32
        %dma_start3A_1564 = arith.constant 64 : i32
        %dma_start3A_1565 = arith.constant 0 : i32
        %dma_start3A_1566 = tpu.memref_slice %arg10[%dma_start3A_1564, %dma_start3A_1565] : memref<125x128xf32, #tpu.memory_space<vmem>> -> memref<32x128xf32, #tpu.memory_space<vmem>>
        %dma_start3A_1567 = arith.constant 64 : i32
        %dma_start3A_1568 = tpu.memref_slice %arg7[%dma_start3A_1563, %dma_start3A_1567] : memref<10x125xi32, #tpu.memory_space<vmem>> -> memref<1x32xi32, #tpu.memory_space<vmem>>
        %dma_start3A_1569 = tpu.memref_squeeze %dma_start3A_1568 : memref<1x32xi32, #tpu.memory_space<vmem>> -> memref<32xi32, #tpu.memory_space<vmem>>
        %dma_start3A_1570 = arith.constant 0 : i32
        %dma_start3A_1571 = arith.constant 0 : i32
        %dma_start3A_1572 = tpu.memref_slice %arg2[%dma_start3A_1570, %dma_start3A_1571] : memref<10000x128xf32, #tpu.memory_space<hbm>> -> memref<10000x128xf32, #tpu.memory_space<hbm>>
        tpu.enqueue_indirect_dma source(%dma_start3A_1572 : memref<10000x128xf32, #tpu.memory_space<hbm>>) target(%dma_start3A_1566 : memref<32x128xf32, #tpu.memory_space<vmem>>) offsets(%dma_start3A_1569 : memref<32xi32, #tpu.memory_space<vmem>>) semaphore(%arg14 : memref<!tpu.dma_semaphore, #tpu.memory_space<semaphore_mem>>)
        %dma_start3A_1573 = arith.constant 3 : i32
        %dma_start3A_1574 = arith.constant 96 : i32
        %dma_start3A_1575 = arith.constant 0 : i32
        %dma_start3A_1576 = tpu.memref_slice %arg10[%dma_start3A_1574, %dma_start3A_1575] : memref<125x128xf32, #tpu.memory_space<vmem>> -> memref<29x128xf32, #tpu.memory_space<vmem>>
        %dma_start3A_1577 = arith.constant 96 : i32
        %dma_start3A_1578 = tpu.memref_slice %arg7[%dma_start3A_1573, %dma_start3A_1577] : memref<10x125xi32, #tpu.memory_space<vmem>> -> memref<1x29xi32, #tpu.memory_space<vmem>>
        %dma_start3A_1579 = tpu.memref_squeeze %dma_start3A_1578 : memref<1x29xi32, #tpu.memory_space<vmem>> -> memref<29xi32, #tpu.memory_space<vmem>>
        %dma_start3A_1580 = arith.constant 0 : i32
        %dma_start3A_1581 = arith.constant 0 : i32
        %dma_start3A_1582 = tpu.memref_slice %arg2[%dma_start3A_1580, %dma_start3A_1581] : memref<10000x128xf32, #tpu.memory_space<hbm>> -> memref<10000x128xf32, #tpu.memory_space<hbm>>
        tpu.enqueue_indirect_dma source(%dma_start3A_1582 : memref<10000x128xf32, #tpu.memory_space<hbm>>) target(%dma_start3A_1576 : memref<29x128xf32, #tpu.memory_space<vmem>>) offsets(%dma_start3A_1579 : memref<29xi32, #tpu.memory_space<vmem>>) semaphore(%arg14 : memref<!tpu.dma_semaphore, #tpu.memory_space<semaphore_mem>>)
      } else {
      }
      %add3A_1040 = arith.constant 20 : i32
      %add3A_1041 = arith.addi %mul3A_266, %add3A_1040 : i32
      %lt3A_1042 = arith.constant 80 : i32
      %lt3A_1043 = arith.cmpi slt, %add3A_1041, %lt3A_1042 : i32
      %convert_element_type3A_1044 = arith.extui %lt3A_1043 : i1 to i32
      %cond3A_1045 = arith.constant 0 : i32
      %cond3A_1046 = arith.cmpi ne, %convert_element_type3A_1044, %cond3A_1045 : i32
      scf.if %cond3A_1046 {
        %mul3A_1543 = arith.constant 2 : i32
        %mul3A_1544 = arith.muli %mul3A_1543, %scan3A_263 : i32
        %add3A_1545 = arith.constant 2 : i32
        %add3A_1546 = arith.addi %mul3A_1544, %add3A_1545 : i32
        %dma_start3A_1547 = arith.constant 0 : i32
        %dma_start3A_1548 = arith.constant 0 : i32
        %dma_start3A_1549 = arith.constant 0 : i32
        %dma_start3A_1550 = tpu.memref_slice %arg3[%dma_start3A_1547, %arg0, %arg1, %add3A_1546, %dma_start3A_1548, %dma_start3A_1549] : memref<2x2x16x8x10x125xi32, #tpu.memory_space<hbm>> -> memref<1x1x1x1x10x125xi32, #tpu.memory_space<hbm>>
        %dma_start3A_1551 = tpu.memref_squeeze %dma_start3A_1550 : memref<1x1x1x1x10x125xi32, #tpu.memory_space<hbm>> -> memref<10x125xi32, #tpu.memory_space<hbm>>
        %dma_start3A_1552 = arith.constant 0 : i32
        %dma_start3A_1553 = arith.constant 0 : i32
        %dma_start3A_1554 = tpu.memref_slice %arg3[%dma_start3A_1547, %arg0, %arg1, %add3A_1546, %dma_start3A_1552, %dma_start3A_1553] : memref<2x2x16x8x10x125xi32, #tpu.memory_space<hbm>> -> memref<1x1x1x1x10x125xi32, #tpu.memory_space<hbm>>
        %dma_start3A_1555 = tpu.memref_squeeze %dma_start3A_1554 : memref<1x1x1x1x10x125xi32, #tpu.memory_space<hbm>> -> memref<10x125xi32, #tpu.memory_space<hbm>>
        tpu.enqueue_dma source(%dma_start3A_1555 : memref<10x125xi32, #tpu.memory_space<hbm>>) target(%arg5 : memref<10x125xi32, #tpu.memory_space<vmem>>) target_semaphore(%arg16 : memref<!tpu.dma_semaphore, #tpu.memory_space<semaphore_mem>>)
        %dma_start3A_1556 = arith.constant 1 : i32
        %dma_start3A_1557 = arith.constant 0 : i32
        %dma_start3A_1558 = arith.constant 0 : i32
        %dma_start3A_1559 = tpu.memref_slice %arg3[%dma_start3A_1556, %arg0, %arg1, %add3A_1546, %dma_start3A_1557, %dma_start3A_1558] : memref<2x2x16x8x10x125xi32, #tpu.memory_space<hbm>> -> memref<1x1x1x1x10x125xi32, #tpu.memory_space<hbm>>
        %dma_start3A_1560 = tpu.memref_squeeze %dma_start3A_1559 : memref<1x1x1x1x10x125xi32, #tpu.memory_space<hbm>> -> memref<10x125xi32, #tpu.memory_space<hbm>>
        %dma_start3A_1561 = arith.constant 0 : i32
        %dma_start3A_1562 = arith.constant 0 : i32
        %dma_start3A_1563 = tpu.memref_slice %arg3[%dma_start3A_1556, %arg0, %arg1, %add3A_1546, %dma_start3A_1561, %dma_start3A_1562] : memref<2x2x16x8x10x125xi32, #tpu.memory_space<hbm>> -> memref<1x1x1x1x10x125xi32, #tpu.memory_space<hbm>>
        %dma_start3A_1564 = tpu.memref_squeeze %dma_start3A_1563 : memref<1x1x1x1x10x125xi32, #tpu.memory_space<hbm>> -> memref<10x125xi32, #tpu.memory_space<hbm>>
        tpu.enqueue_dma source(%dma_start3A_1564 : memref<10x125xi32, #tpu.memory_space<hbm>>) target(%arg6 : memref<10x125xi32, #tpu.memory_space<vmem>>) target_semaphore(%arg16 : memref<!tpu.dma_semaphore, #tpu.memory_space<semaphore_mem>>)
      } else {
      }
      %dma_wait3A_1047 = arith.constant 2 : i32
      %dma_wait3A_1048 = arith.constant 0 : i32
      %dma_wait3A_1049 = arith.constant 0 : i32
      %dma_wait3A_1050 = tpu.memref_slice %arg9[%dma_wait3A_1048, %dma_wait3A_1049] : memref<125x128xf32, #tpu.memory_space<vmem>> -> memref<32x128xf32, #tpu.memory_space<vmem>>
      %dma_wait3A_1051 = arith.constant 0 : i32
      %dma_wait3A_1052 = tpu.memref_slice %arg7[%dma_wait3A_1047, %dma_wait3A_1051] : memref<10x125xi32, #tpu.memory_space<vmem>> -> memref<1x32xi32, #tpu.memory_space<vmem>>
      %dma_wait3A_1053 = tpu.memref_squeeze %dma_wait3A_1052 : memref<1x32xi32, #tpu.memory_space<vmem>> -> memref<32xi32, #tpu.memory_space<vmem>>
      %dma_wait3A_1054 = arith.constant 0 : i32
      %dma_wait3A_1055 = arith.constant 0 : i32
      %dma_wait3A_1056 = tpu.memref_slice %arg2[%dma_wait3A_1054, %dma_wait3A_1055] : memref<10000x128xf32, #tpu.memory_space<hbm>> -> memref<10000x128xf32, #tpu.memory_space<hbm>>
      tpu.wait_indirect_dma semaphore(%arg13 : memref<!tpu.dma_semaphore, #tpu.memory_space<semaphore_mem>>) src(%dma_wait3A_1056 : memref<10000x128xf32, #tpu.memory_space<hbm>>) dst(%dma_wait3A_1050 : memref<32x128xf32, #tpu.memory_space<vmem>>)
      %dma_wait3A_1057 = arith.constant 2 : i32
      %dma_wait3A_1058 = arith.constant 32 : i32
      %dma_wait3A_1059 = arith.constant 0 : i32
      %dma_wait3A_1060 = tpu.memref_slice %arg9[%dma_wait3A_1058, %dma_wait3A_1059] : memref<125x128xf32, #tpu.memory_space<vmem>> -> memref<32x128xf32, #tpu.memory_space<vmem>>
      %dma_wait3A_1061 = arith.constant 32 : i32
      %dma_wait3A_1062 = tpu.memref_slice %arg7[%dma_wait3A_1057, %dma_wait3A_1061] : memref<10x125xi32, #tpu.memory_space<vmem>> -> memref<1x32xi32, #tpu.memory_space<vmem>>
      %dma_wait3A_1063 = tpu.memref_squeeze %dma_wait3A_1062 : memref<1x32xi32, #tpu.memory_space<vmem>> -> memref<32xi32, #tpu.memory_space<vmem>>
      %dma_wait3A_1064 = arith.constant 0 : i32
      %dma_wait3A_1065 = arith.constant 0 : i32
      %dma_wait3A_1066 = tpu.memref_slice %arg2[%dma_wait3A_1064, %dma_wait3A_1065] : memref<10000x128xf32, #tpu.memory_space<hbm>> -> memref<10000x128xf32, #tpu.memory_space<hbm>>
      tpu.wait_indirect_dma semaphore(%arg13 : memref<!tpu.dma_semaphore, #tpu.memory_space<semaphore_mem>>) src(%dma_wait3A_1066 : memref<10000x128xf32, #tpu.memory_space<hbm>>) dst(%dma_wait3A_1060 : memref<32x128xf32, #tpu.memory_space<vmem>>)
      %dma_wait3A_1067 = arith.constant 2 : i32
      %dma_wait3A_1068 = arith.constant 64 : i32
      %dma_wait3A_1069 = arith.constant 0 : i32
      %dma_wait3A_1070 = tpu.memref_slice %arg9[%dma_wait3A_1068, %dma_wait3A_1069] : memref<125x128xf32, #tpu.memory_space<vmem>> -> memref<32x128xf32, #tpu.memory_space<vmem>>
      %dma_wait3A_1071 = arith.constant 64 : i32
      %dma_wait3A_1072 = tpu.memref_slice %arg7[%dma_wait3A_1067, %dma_wait3A_1071] : memref<10x125xi32, #tpu.memory_space<vmem>> -> memref<1x32xi32, #tpu.memory_space<vmem>>
      %dma_wait3A_1073 = tpu.memref_squeeze %dma_wait3A_1072 : memref<1x32xi32, #tpu.memory_space<vmem>> -> memref<32xi32, #tpu.memory_space<vmem>>
      %dma_wait3A_1074 = arith.constant 0 : i32
      %dma_wait3A_1075 = arith.constant 0 : i32
      %dma_wait3A_1076 = tpu.memref_slice %arg2[%dma_wait3A_1074, %dma_wait3A_1075] : memref<10000x128xf32, #tpu.memory_space<hbm>> -> memref<10000x128xf32, #tpu.memory_space<hbm>>
      tpu.wait_indirect_dma semaphore(%arg13 : memref<!tpu.dma_semaphore, #tpu.memory_space<semaphore_mem>>) src(%dma_wait3A_1076 : memref<10000x128xf32, #tpu.memory_space<hbm>>) dst(%dma_wait3A_1070 : memref<32x128xf32, #tpu.memory_space<vmem>>)
      %dma_wait3A_1077 = arith.constant 2 : i32
      %dma_wait3A_1078 = arith.constant 96 : i32
      %dma_wait3A_1079 = arith.constant 0 : i32
      %dma_wait3A_1080 = tpu.memref_slice %arg9[%dma_wait3A_1078, %dma_wait3A_1079] : memref<125x128xf32, #tpu.memory_space<vmem>> -> memref<29x128xf32, #tpu.memory_space<vmem>>
      %dma_wait3A_1081 = arith.constant 96 : i32
      %dma_wait3A_1082 = tpu.memref_slice %arg7[%dma_wait3A_1077, %dma_wait3A_1081] : memref<10x125xi32, #tpu.memory_space<vmem>> -> memref<1x29xi32, #tpu.memory_space<vmem>>
      %dma_wait3A_1083 = tpu.memref_squeeze %dma_wait3A_1082 : memref<1x29xi32, #tpu.memory_space<vmem>> -> memref<29xi32, #tpu.memory_space<vmem>>
      %dma_wait3A_1084 = arith.constant 0 : i32
      %dma_wait3A_1085 = arith.constant 0 : i32
      %dma_wait3A_1086 = tpu.memref_slice %arg2[%dma_wait3A_1084, %dma_wait3A_1085] : memref<10000x128xf32, #tpu.memory_space<hbm>> -> memref<10000x128xf32, #tpu.memory_space<hbm>>
      tpu.wait_indirect_dma semaphore(%arg13 : memref<!tpu.dma_semaphore, #tpu.memory_space<semaphore_mem>>) src(%dma_wait3A_1086 : memref<10000x128xf32, #tpu.memory_space<hbm>>) dst(%dma_wait3A_1080 : memref<29x128xf32, #tpu.memory_space<vmem>>)
      %dma_start3A_1087 = arith.constant 2 : i32
      %dma_start3A_1088 = arith.constant 0 : i32
      %dma_start3A_1089 = tpu.memref_slice %arg8[%dma_start3A_1087, %dma_start3A_1088] : memref<10x125xi32, #tpu.memory_space<vmem>> -> memref<1x125xi32, #tpu.memory_space<vmem>>
      %dma_start3A_1090 = tpu.memref_squeeze %dma_start3A_1089 : memref<1x125xi32, #tpu.memory_space<vmem>> -> memref<125xi32, #tpu.memory_space<vmem>>
      %dma_start3A_1091 = arith.constant 0 : i32
      %dma_start3A_1092 = arith.constant 0 : i32
      %dma_start3A_1093 = tpu.memref_slice %arg12[%dma_start3A_1091, %dma_start3A_1092] : memref<10240x128xf32, #tpu.memory_space<vmem_shared>> -> memref<10240x128xf32, #tpu.memory_space<vmem_shared>>
      tpu.enqueue_indirect_dma source(%arg9 : memref<125x128xf32, #tpu.memory_space<vmem>>) target(%dma_start3A_1093 : memref<10240x128xf32, #tpu.memory_space<vmem_shared>>) offsets(%dma_start3A_1090 : memref<125xi32, #tpu.memory_space<vmem>>) semaphore(%arg15 : memref<!tpu.dma_semaphore, #tpu.memory_space<semaphore_mem>>) {add = true}
      %dma_wait3A_1094 = arith.constant 2 : i32
      %dma_wait3A_1095 = arith.constant 0 : i32
      %dma_wait3A_1096 = tpu.memref_slice %arg8[%dma_wait3A_1094, %dma_wait3A_1095] : memref<10x125xi32, #tpu.memory_space<vmem>> -> memref<1x125xi32, #tpu.memory_space<vmem>>
      %dma_wait3A_1097 = tpu.memref_squeeze %dma_wait3A_1096 : memref<1x125xi32, #tpu.memory_space<vmem>> -> memref<125xi32, #tpu.memory_space<vmem>>
      %dma_wait3A_1098 = arith.constant 0 : i32
      %dma_wait3A_1099 = arith.constant 0 : i32
      %dma_wait3A_1100 = tpu.memref_slice %arg12[%dma_wait3A_1098, %dma_wait3A_1099] : memref<10240x128xf32, #tpu.memory_space<vmem_shared>> -> memref<10240x128xf32, #tpu.memory_space<vmem_shared>>
      tpu.wait_indirect_dma semaphore(%arg15 : memref<!tpu.dma_semaphore, #tpu.memory_space<semaphore_mem>>) src(%arg9 : memref<125x128xf32, #tpu.memory_space<vmem>>) dst(%dma_wait3A_1100 : memref<10240x128xf32, #tpu.memory_space<vmem_shared>>)
      %add3A_1101 = arith.constant 14 : i32
      %add3A_1102 = arith.addi %mul3A_266, %add3A_1101 : i32
      %lt3A_1103 = arith.constant 80 : i32
      %lt3A_1104 = arith.cmpi slt, %add3A_1102, %lt3A_1103 : i32
      %convert_element_type3A_1105 = arith.extui %lt3A_1104 : i1 to i32
      %cond3A_1106 = arith.constant 0 : i32
      %cond3A_1107 = arith.cmpi ne, %convert_element_type3A_1105, %cond3A_1106 : i32
      scf.if %cond3A_1107 {
        %dma_start3A_1543 = arith.constant 4 : i32
        %dma_start3A_1544 = arith.constant 0 : i32
        %dma_start3A_1545 = arith.constant 0 : i32
        %dma_start3A_1546 = tpu.memref_slice %arg9[%dma_start3A_1544, %dma_start3A_1545] : memref<125x128xf32, #tpu.memory_space<vmem>> -> memref<32x128xf32, #tpu.memory_space<vmem>>
        %dma_start3A_1547 = arith.constant 0 : i32
        %dma_start3A_1548 = tpu.memref_slice %arg7[%dma_start3A_1543, %dma_start3A_1547] : memref<10x125xi32, #tpu.memory_space<vmem>> -> memref<1x32xi32, #tpu.memory_space<vmem>>
        %dma_start3A_1549 = tpu.memref_squeeze %dma_start3A_1548 : memref<1x32xi32, #tpu.memory_space<vmem>> -> memref<32xi32, #tpu.memory_space<vmem>>
        %dma_start3A_1550 = arith.constant 0 : i32
        %dma_start3A_1551 = arith.constant 0 : i32
        %dma_start3A_1552 = tpu.memref_slice %arg2[%dma_start3A_1550, %dma_start3A_1551] : memref<10000x128xf32, #tpu.memory_space<hbm>> -> memref<10000x128xf32, #tpu.memory_space<hbm>>
        tpu.enqueue_indirect_dma source(%dma_start3A_1552 : memref<10000x128xf32, #tpu.memory_space<hbm>>) target(%dma_start3A_1546 : memref<32x128xf32, #tpu.memory_space<vmem>>) offsets(%dma_start3A_1549 : memref<32xi32, #tpu.memory_space<vmem>>) semaphore(%arg13 : memref<!tpu.dma_semaphore, #tpu.memory_space<semaphore_mem>>)
        %dma_start3A_1553 = arith.constant 4 : i32
        %dma_start3A_1554 = arith.constant 32 : i32
        %dma_start3A_1555 = arith.constant 0 : i32
        %dma_start3A_1556 = tpu.memref_slice %arg9[%dma_start3A_1554, %dma_start3A_1555] : memref<125x128xf32, #tpu.memory_space<vmem>> -> memref<32x128xf32, #tpu.memory_space<vmem>>
        %dma_start3A_1557 = arith.constant 32 : i32
        %dma_start3A_1558 = tpu.memref_slice %arg7[%dma_start3A_1553, %dma_start3A_1557] : memref<10x125xi32, #tpu.memory_space<vmem>> -> memref<1x32xi32, #tpu.memory_space<vmem>>
        %dma_start3A_1559 = tpu.memref_squeeze %dma_start3A_1558 : memref<1x32xi32, #tpu.memory_space<vmem>> -> memref<32xi32, #tpu.memory_space<vmem>>
        %dma_start3A_1560 = arith.constant 0 : i32
        %dma_start3A_1561 = arith.constant 0 : i32
        %dma_start3A_1562 = tpu.memref_slice %arg2[%dma_start3A_1560, %dma_start3A_1561] : memref<10000x128xf32, #tpu.memory_space<hbm>> -> memref<10000x128xf32, #tpu.memory_space<hbm>>
        tpu.enqueue_indirect_dma source(%dma_start3A_1562 : memref<10000x128xf32, #tpu.memory_space<hbm>>) target(%dma_start3A_1556 : memref<32x128xf32, #tpu.memory_space<vmem>>) offsets(%dma_start3A_1559 : memref<32xi32, #tpu.memory_space<vmem>>) semaphore(%arg13 : memref<!tpu.dma_semaphore, #tpu.memory_space<semaphore_mem>>)
        %dma_start3A_1563 = arith.constant 4 : i32
        %dma_start3A_1564 = arith.constant 64 : i32
        %dma_start3A_1565 = arith.constant 0 : i32
        %dma_start3A_1566 = tpu.memref_slice %arg9[%dma_start3A_1564, %dma_start3A_1565] : memref<125x128xf32, #tpu.memory_space<vmem>> -> memref<32x128xf32, #tpu.memory_space<vmem>>
        %dma_start3A_1567 = arith.constant 64 : i32
        %dma_start3A_1568 = tpu.memref_slice %arg7[%dma_start3A_1563, %dma_start3A_1567] : memref<10x125xi32, #tpu.memory_space<vmem>> -> memref<1x32xi32, #tpu.memory_space<vmem>>
        %dma_start3A_1569 = tpu.memref_squeeze %dma_start3A_1568 : memref<1x32xi32, #tpu.memory_space<vmem>> -> memref<32xi32, #tpu.memory_space<vmem>>
        %dma_start3A_1570 = arith.constant 0 : i32
        %dma_start3A_1571 = arith.constant 0 : i32
        %dma_start3A_1572 = tpu.memref_slice %arg2[%dma_start3A_1570, %dma_start3A_1571] : memref<10000x128xf32, #tpu.memory_space<hbm>> -> memref<10000x128xf32, #tpu.memory_space<hbm>>
        tpu.enqueue_indirect_dma source(%dma_start3A_1572 : memref<10000x128xf32, #tpu.memory_space<hbm>>) target(%dma_start3A_1566 : memref<32x128xf32, #tpu.memory_space<vmem>>) offsets(%dma_start3A_1569 : memref<32xi32, #tpu.memory_space<vmem>>) semaphore(%arg13 : memref<!tpu.dma_semaphore, #tpu.memory_space<semaphore_mem>>)
        %dma_start3A_1573 = arith.constant 4 : i32
        %dma_start3A_1574 = arith.constant 96 : i32
        %dma_start3A_1575 = arith.constant 0 : i32
        %dma_start3A_1576 = tpu.memref_slice %arg9[%dma_start3A_1574, %dma_start3A_1575] : memref<125x128xf32, #tpu.memory_space<vmem>> -> memref<29x128xf32, #tpu.memory_space<vmem>>
        %dma_start3A_1577 = arith.constant 96 : i32
        %dma_start3A_1578 = tpu.memref_slice %arg7[%dma_start3A_1573, %dma_start3A_1577] : memref<10x125xi32, #tpu.memory_space<vmem>> -> memref<1x29xi32, #tpu.memory_space<vmem>>
        %dma_start3A_1579 = tpu.memref_squeeze %dma_start3A_1578 : memref<1x29xi32, #tpu.memory_space<vmem>> -> memref<29xi32, #tpu.memory_space<vmem>>
        %dma_start3A_1580 = arith.constant 0 : i32
        %dma_start3A_1581 = arith.constant 0 : i32
        %dma_start3A_1582 = tpu.memref_slice %arg2[%dma_start3A_1580, %dma_start3A_1581] : memref<10000x128xf32, #tpu.memory_space<hbm>> -> memref<10000x128xf32, #tpu.memory_space<hbm>>
        tpu.enqueue_indirect_dma source(%dma_start3A_1582 : memref<10000x128xf32, #tpu.memory_space<hbm>>) target(%dma_start3A_1576 : memref<29x128xf32, #tpu.memory_space<vmem>>) offsets(%dma_start3A_1579 : memref<29xi32, #tpu.memory_space<vmem>>) semaphore(%arg13 : memref<!tpu.dma_semaphore, #tpu.memory_space<semaphore_mem>>)
      } else {
      }
      %dma_wait3A_1108 = arith.constant 3 : i32
      %dma_wait3A_1109 = arith.constant 0 : i32
      %dma_wait3A_1110 = arith.constant 0 : i32
      %dma_wait3A_1111 = tpu.memref_slice %arg10[%dma_wait3A_1109, %dma_wait3A_1110] : memref<125x128xf32, #tpu.memory_space<vmem>> -> memref<32x128xf32, #tpu.memory_space<vmem>>
      %dma_wait3A_1112 = arith.constant 0 : i32
      %dma_wait3A_1113 = tpu.memref_slice %arg7[%dma_wait3A_1108, %dma_wait3A_1112] : memref<10x125xi32, #tpu.memory_space<vmem>> -> memref<1x32xi32, #tpu.memory_space<vmem>>
      %dma_wait3A_1114 = tpu.memref_squeeze %dma_wait3A_1113 : memref<1x32xi32, #tpu.memory_space<vmem>> -> memref<32xi32, #tpu.memory_space<vmem>>
      %dma_wait3A_1115 = arith.constant 0 : i32
      %dma_wait3A_1116 = arith.constant 0 : i32
      %dma_wait3A_1117 = tpu.memref_slice %arg2[%dma_wait3A_1115, %dma_wait3A_1116] : memref<10000x128xf32, #tpu.memory_space<hbm>> -> memref<10000x128xf32, #tpu.memory_space<hbm>>
      tpu.wait_indirect_dma semaphore(%arg14 : memref<!tpu.dma_semaphore, #tpu.memory_space<semaphore_mem>>) src(%dma_wait3A_1117 : memref<10000x128xf32, #tpu.memory_space<hbm>>) dst(%dma_wait3A_1111 : memref<32x128xf32, #tpu.memory_space<vmem>>)
      %dma_wait3A_1118 = arith.constant 3 : i32
      %dma_wait3A_1119 = arith.constant 32 : i32
      %dma_wait3A_1120 = arith.constant 0 : i32
      %dma_wait3A_1121 = tpu.memref_slice %arg10[%dma_wait3A_1119, %dma_wait3A_1120] : memref<125x128xf32, #tpu.memory_space<vmem>> -> memref<32x128xf32, #tpu.memory_space<vmem>>
      %dma_wait3A_1122 = arith.constant 32 : i32
      %dma_wait3A_1123 = tpu.memref_slice %arg7[%dma_wait3A_1118, %dma_wait3A_1122] : memref<10x125xi32, #tpu.memory_space<vmem>> -> memref<1x32xi32, #tpu.memory_space<vmem>>
      %dma_wait3A_1124 = tpu.memref_squeeze %dma_wait3A_1123 : memref<1x32xi32, #tpu.memory_space<vmem>> -> memref<32xi32, #tpu.memory_space<vmem>>
      %dma_wait3A_1125 = arith.constant 0 : i32
      %dma_wait3A_1126 = arith.constant 0 : i32
      %dma_wait3A_1127 = tpu.memref_slice %arg2[%dma_wait3A_1125, %dma_wait3A_1126] : memref<10000x128xf32, #tpu.memory_space<hbm>> -> memref<10000x128xf32, #tpu.memory_space<hbm>>
      tpu.wait_indirect_dma semaphore(%arg14 : memref<!tpu.dma_semaphore, #tpu.memory_space<semaphore_mem>>) src(%dma_wait3A_1127 : memref<10000x128xf32, #tpu.memory_space<hbm>>) dst(%dma_wait3A_1121 : memref<32x128xf32, #tpu.memory_space<vmem>>)
      %dma_wait3A_1128 = arith.constant 3 : i32
      %dma_wait3A_1129 = arith.constant 64 : i32
      %dma_wait3A_1130 = arith.constant 0 : i32
      %dma_wait3A_1131 = tpu.memref_slice %arg10[%dma_wait3A_1129, %dma_wait3A_1130] : memref<125x128xf32, #tpu.memory_space<vmem>> -> memref<32x128xf32, #tpu.memory_space<vmem>>
      %dma_wait3A_1132 = arith.constant 64 : i32
      %dma_wait3A_1133 = tpu.memref_slice %arg7[%dma_wait3A_1128, %dma_wait3A_1132] : memref<10x125xi32, #tpu.memory_space<vmem>> -> memref<1x32xi32, #tpu.memory_space<vmem>>
      %dma_wait3A_1134 = tpu.memref_squeeze %dma_wait3A_1133 : memref<1x32xi32, #tpu.memory_space<vmem>> -> memref<32xi32, #tpu.memory_space<vmem>>
      %dma_wait3A_1135 = arith.constant 0 : i32
      %dma_wait3A_1136 = arith.constant 0 : i32
      %dma_wait3A_1137 = tpu.memref_slice %arg2[%dma_wait3A_1135, %dma_wait3A_1136] : memref<10000x128xf32, #tpu.memory_space<hbm>> -> memref<10000x128xf32, #tpu.memory_space<hbm>>
      tpu.wait_indirect_dma semaphore(%arg14 : memref<!tpu.dma_semaphore, #tpu.memory_space<semaphore_mem>>) src(%dma_wait3A_1137 : memref<10000x128xf32, #tpu.memory_space<hbm>>) dst(%dma_wait3A_1131 : memref<32x128xf32, #tpu.memory_space<vmem>>)
      %dma_wait3A_1138 = arith.constant 3 : i32
      %dma_wait3A_1139 = arith.constant 96 : i32
      %dma_wait3A_1140 = arith.constant 0 : i32
      %dma_wait3A_1141 = tpu.memref_slice %arg10[%dma_wait3A_1139, %dma_wait3A_1140] : memref<125x128xf32, #tpu.memory_space<vmem>> -> memref<29x128xf32, #tpu.memory_space<vmem>>
      %dma_wait3A_1142 = arith.constant 96 : i32
      %dma_wait3A_1143 = tpu.memref_slice %arg7[%dma_wait3A_1138, %dma_wait3A_1142] : memref<10x125xi32, #tpu.memory_space<vmem>> -> memref<1x29xi32, #tpu.memory_space<vmem>>
      %dma_wait3A_1144 = tpu.memref_squeeze %dma_wait3A_1143 : memref<1x29xi32, #tpu.memory_space<vmem>> -> memref<29xi32, #tpu.memory_space<vmem>>
      %dma_wait3A_1145 = arith.constant 0 : i32
      %dma_wait3A_1146 = arith.constant 0 : i32
      %dma_wait3A_1147 = tpu.memref_slice %arg2[%dma_wait3A_1145, %dma_wait3A_1146] : memref<10000x128xf32, #tpu.memory_space<hbm>> -> memref<10000x128xf32, #tpu.memory_space<hbm>>
      tpu.wait_indirect_dma semaphore(%arg14 : memref<!tpu.dma_semaphore, #tpu.memory_space<semaphore_mem>>) src(%dma_wait3A_1147 : memref<10000x128xf32, #tpu.memory_space<hbm>>) dst(%dma_wait3A_1141 : memref<29x128xf32, #tpu.memory_space<vmem>>)
      %dma_start3A_1148 = arith.constant 3 : i32
      %dma_start3A_1149 = arith.constant 0 : i32
      %dma_start3A_1150 = tpu.memref_slice %arg8[%dma_start3A_1148, %dma_start3A_1149] : memref<10x125xi32, #tpu.memory_space<vmem>> -> memref<1x125xi32, #tpu.memory_space<vmem>>
      %dma_start3A_1151 = tpu.memref_squeeze %dma_start3A_1150 : memref<1x125xi32, #tpu.memory_space<vmem>> -> memref<125xi32, #tpu.memory_space<vmem>>
      %dma_start3A_1152 = arith.constant 0 : i32
      %dma_start3A_1153 = arith.constant 0 : i32
      %dma_start3A_1154 = tpu.memref_slice %arg12[%dma_start3A_1152, %dma_start3A_1153] : memref<10240x128xf32, #tpu.memory_space<vmem_shared>> -> memref<10240x128xf32, #tpu.memory_space<vmem_shared>>
      tpu.enqueue_indirect_dma source(%arg10 : memref<125x128xf32, #tpu.memory_space<vmem>>) target(%dma_start3A_1154 : memref<10240x128xf32, #tpu.memory_space<vmem_shared>>) offsets(%dma_start3A_1151 : memref<125xi32, #tpu.memory_space<vmem>>) semaphore(%arg15 : memref<!tpu.dma_semaphore, #tpu.memory_space<semaphore_mem>>) {add = true}
      %dma_wait3A_1155 = arith.constant 3 : i32
      %dma_wait3A_1156 = arith.constant 0 : i32
      %dma_wait3A_1157 = tpu.memref_slice %arg8[%dma_wait3A_1155, %dma_wait3A_1156] : memref<10x125xi32, #tpu.memory_space<vmem>> -> memref<1x125xi32, #tpu.memory_space<vmem>>
      %dma_wait3A_1158 = tpu.memref_squeeze %dma_wait3A_1157 : memref<1x125xi32, #tpu.memory_space<vmem>> -> memref<125xi32, #tpu.memory_space<vmem>>
      %dma_wait3A_1159 = arith.constant 0 : i32
      %dma_wait3A_1160 = arith.constant 0 : i32
      %dma_wait3A_1161 = tpu.memref_slice %arg12[%dma_wait3A_1159, %dma_wait3A_1160] : memref<10240x128xf32, #tpu.memory_space<vmem_shared>> -> memref<10240x128xf32, #tpu.memory_space<vmem_shared>>
      tpu.wait_indirect_dma semaphore(%arg15 : memref<!tpu.dma_semaphore, #tpu.memory_space<semaphore_mem>>) src(%arg10 : memref<125x128xf32, #tpu.memory_space<vmem>>) dst(%dma_wait3A_1161 : memref<10240x128xf32, #tpu.memory_space<vmem_shared>>)
      %add3A_1162 = arith.constant 15 : i32
      %add3A_1163 = arith.addi %mul3A_266, %add3A_1162 : i32
      %lt3A_1164 = arith.constant 80 : i32
      %lt3A_1165 = arith.cmpi slt, %add3A_1163, %lt3A_1164 : i32
      %convert_element_type3A_1166 = arith.extui %lt3A_1165 : i1 to i32
      %cond3A_1167 = arith.constant 0 : i32
      %cond3A_1168 = arith.cmpi ne, %convert_element_type3A_1166, %cond3A_1167 : i32
      scf.if %cond3A_1168 {
        %dma_start3A_1543 = arith.constant 5 : i32
        %dma_start3A_1544 = arith.constant 0 : i32
        %dma_start3A_1545 = arith.constant 0 : i32
        %dma_start3A_1546 = tpu.memref_slice %arg10[%dma_start3A_1544, %dma_start3A_1545] : memref<125x128xf32, #tpu.memory_space<vmem>> -> memref<32x128xf32, #tpu.memory_space<vmem>>
        %dma_start3A_1547 = arith.constant 0 : i32
        %dma_start3A_1548 = tpu.memref_slice %arg7[%dma_start3A_1543, %dma_start3A_1547] : memref<10x125xi32, #tpu.memory_space<vmem>> -> memref<1x32xi32, #tpu.memory_space<vmem>>
        %dma_start3A_1549 = tpu.memref_squeeze %dma_start3A_1548 : memref<1x32xi32, #tpu.memory_space<vmem>> -> memref<32xi32, #tpu.memory_space<vmem>>
        %dma_start3A_1550 = arith.constant 0 : i32
        %dma_start3A_1551 = arith.constant 0 : i32
        %dma_start3A_1552 = tpu.memref_slice %arg2[%dma_start3A_1550, %dma_start3A_1551] : memref<10000x128xf32, #tpu.memory_space<hbm>> -> memref<10000x128xf32, #tpu.memory_space<hbm>>
        tpu.enqueue_indirect_dma source(%dma_start3A_1552 : memref<10000x128xf32, #tpu.memory_space<hbm>>) target(%dma_start3A_1546 : memref<32x128xf32, #tpu.memory_space<vmem>>) offsets(%dma_start3A_1549 : memref<32xi32, #tpu.memory_space<vmem>>) semaphore(%arg14 : memref<!tpu.dma_semaphore, #tpu.memory_space<semaphore_mem>>)
        %dma_start3A_1553 = arith.constant 5 : i32
        %dma_start3A_1554 = arith.constant 32 : i32
        %dma_start3A_1555 = arith.constant 0 : i32
        %dma_start3A_1556 = tpu.memref_slice %arg10[%dma_start3A_1554, %dma_start3A_1555] : memref<125x128xf32, #tpu.memory_space<vmem>> -> memref<32x128xf32, #tpu.memory_space<vmem>>
        %dma_start3A_1557 = arith.constant 32 : i32
        %dma_start3A_1558 = tpu.memref_slice %arg7[%dma_start3A_1553, %dma_start3A_1557] : memref<10x125xi32, #tpu.memory_space<vmem>> -> memref<1x32xi32, #tpu.memory_space<vmem>>
        %dma_start3A_1559 = tpu.memref_squeeze %dma_start3A_1558 : memref<1x32xi32, #tpu.memory_space<vmem>> -> memref<32xi32, #tpu.memory_space<vmem>>
        %dma_start3A_1560 = arith.constant 0 : i32
        %dma_start3A_1561 = arith.constant 0 : i32
        %dma_start3A_1562 = tpu.memref_slice %arg2[%dma_start3A_1560, %dma_start3A_1561] : memref<10000x128xf32, #tpu.memory_space<hbm>> -> memref<10000x128xf32, #tpu.memory_space<hbm>>
        tpu.enqueue_indirect_dma source(%dma_start3A_1562 : memref<10000x128xf32, #tpu.memory_space<hbm>>) target(%dma_start3A_1556 : memref<32x128xf32, #tpu.memory_space<vmem>>) offsets(%dma_start3A_1559 : memref<32xi32, #tpu.memory_space<vmem>>) semaphore(%arg14 : memref<!tpu.dma_semaphore, #tpu.memory_space<semaphore_mem>>)
        %dma_start3A_1563 = arith.constant 5 : i32
        %dma_start3A_1564 = arith.constant 64 : i32
        %dma_start3A_1565 = arith.constant 0 : i32
        %dma_start3A_1566 = tpu.memref_slice %arg10[%dma_start3A_1564, %dma_start3A_1565] : memref<125x128xf32, #tpu.memory_space<vmem>> -> memref<32x128xf32, #tpu.memory_space<vmem>>
        %dma_start3A_1567 = arith.constant 64 : i32
        %dma_start3A_1568 = tpu.memref_slice %arg7[%dma_start3A_1563, %dma_start3A_1567] : memref<10x125xi32, #tpu.memory_space<vmem>> -> memref<1x32xi32, #tpu.memory_space<vmem>>
        %dma_start3A_1569 = tpu.memref_squeeze %dma_start3A_1568 : memref<1x32xi32, #tpu.memory_space<vmem>> -> memref<32xi32, #tpu.memory_space<vmem>>
        %dma_start3A_1570 = arith.constant 0 : i32
        %dma_start3A_1571 = arith.constant 0 : i32
        %dma_start3A_1572 = tpu.memref_slice %arg2[%dma_start3A_1570, %dma_start3A_1571] : memref<10000x128xf32, #tpu.memory_space<hbm>> -> memref<10000x128xf32, #tpu.memory_space<hbm>>
        tpu.enqueue_indirect_dma source(%dma_start3A_1572 : memref<10000x128xf32, #tpu.memory_space<hbm>>) target(%dma_start3A_1566 : memref<32x128xf32, #tpu.memory_space<vmem>>) offsets(%dma_start3A_1569 : memref<32xi32, #tpu.memory_space<vmem>>) semaphore(%arg14 : memref<!tpu.dma_semaphore, #tpu.memory_space<semaphore_mem>>)
        %dma_start3A_1573 = arith.constant 5 : i32
        %dma_start3A_1574 = arith.constant 96 : i32
        %dma_start3A_1575 = arith.constant 0 : i32
        %dma_start3A_1576 = tpu.memref_slice %arg10[%dma_start3A_1574, %dma_start3A_1575] : memref<125x128xf32, #tpu.memory_space<vmem>> -> memref<29x128xf32, #tpu.memory_space<vmem>>
        %dma_start3A_1577 = arith.constant 96 : i32
        %dma_start3A_1578 = tpu.memref_slice %arg7[%dma_start3A_1573, %dma_start3A_1577] : memref<10x125xi32, #tpu.memory_space<vmem>> -> memref<1x29xi32, #tpu.memory_space<vmem>>
        %dma_start3A_1579 = tpu.memref_squeeze %dma_start3A_1578 : memref<1x29xi32, #tpu.memory_space<vmem>> -> memref<29xi32, #tpu.memory_space<vmem>>
        %dma_start3A_1580 = arith.constant 0 : i32
        %dma_start3A_1581 = arith.constant 0 : i32
        %dma_start3A_1582 = tpu.memref_slice %arg2[%dma_start3A_1580, %dma_start3A_1581] : memref<10000x128xf32, #tpu.memory_space<hbm>> -> memref<10000x128xf32, #tpu.memory_space<hbm>>
        tpu.enqueue_indirect_dma source(%dma_start3A_1582 : memref<10000x128xf32, #tpu.memory_space<hbm>>) target(%dma_start3A_1576 : memref<29x128xf32, #tpu.memory_space<vmem>>) offsets(%dma_start3A_1579 : memref<29xi32, #tpu.memory_space<vmem>>) semaphore(%arg14 : memref<!tpu.dma_semaphore, #tpu.memory_space<semaphore_mem>>)
      } else {
      }
      %dma_wait3A_1169 = arith.constant 4 : i32
      %dma_wait3A_1170 = arith.constant 0 : i32
      %dma_wait3A_1171 = arith.constant 0 : i32
      %dma_wait3A_1172 = tpu.memref_slice %arg9[%dma_wait3A_1170, %dma_wait3A_1171] : memref<125x128xf32, #tpu.memory_space<vmem>> -> memref<32x128xf32, #tpu.memory_space<vmem>>
      %dma_wait3A_1173 = arith.constant 0 : i32
      %dma_wait3A_1174 = tpu.memref_slice %arg7[%dma_wait3A_1169, %dma_wait3A_1173] : memref<10x125xi32, #tpu.memory_space<vmem>> -> memref<1x32xi32, #tpu.memory_space<vmem>>
      %dma_wait3A_1175 = tpu.memref_squeeze %dma_wait3A_1174 : memref<1x32xi32, #tpu.memory_space<vmem>> -> memref<32xi32, #tpu.memory_space<vmem>>
      %dma_wait3A_1176 = arith.constant 0 : i32
      %dma_wait3A_1177 = arith.constant 0 : i32
      %dma_wait3A_1178 = tpu.memref_slice %arg2[%dma_wait3A_1176, %dma_wait3A_1177] : memref<10000x128xf32, #tpu.memory_space<hbm>> -> memref<10000x128xf32, #tpu.memory_space<hbm>>
      tpu.wait_indirect_dma semaphore(%arg13 : memref<!tpu.dma_semaphore, #tpu.memory_space<semaphore_mem>>) src(%dma_wait3A_1178 : memref<10000x128xf32, #tpu.memory_space<hbm>>) dst(%dma_wait3A_1172 : memref<32x128xf32, #tpu.memory_space<vmem>>)
      %dma_wait3A_1179 = arith.constant 4 : i32
      %dma_wait3A_1180 = arith.constant 32 : i32
      %dma_wait3A_1181 = arith.constant 0 : i32
      %dma_wait3A_1182 = tpu.memref_slice %arg9[%dma_wait3A_1180, %dma_wait3A_1181] : memref<125x128xf32, #tpu.memory_space<vmem>> -> memref<32x128xf32, #tpu.memory_space<vmem>>
      %dma_wait3A_1183 = arith.constant 32 : i32
      %dma_wait3A_1184 = tpu.memref_slice %arg7[%dma_wait3A_1179, %dma_wait3A_1183] : memref<10x125xi32, #tpu.memory_space<vmem>> -> memref<1x32xi32, #tpu.memory_space<vmem>>
      %dma_wait3A_1185 = tpu.memref_squeeze %dma_wait3A_1184 : memref<1x32xi32, #tpu.memory_space<vmem>> -> memref<32xi32, #tpu.memory_space<vmem>>
      %dma_wait3A_1186 = arith.constant 0 : i32
      %dma_wait3A_1187 = arith.constant 0 : i32
      %dma_wait3A_1188 = tpu.memref_slice %arg2[%dma_wait3A_1186, %dma_wait3A_1187] : memref<10000x128xf32, #tpu.memory_space<hbm>> -> memref<10000x128xf32, #tpu.memory_space<hbm>>
      tpu.wait_indirect_dma semaphore(%arg13 : memref<!tpu.dma_semaphore, #tpu.memory_space<semaphore_mem>>) src(%dma_wait3A_1188 : memref<10000x128xf32, #tpu.memory_space<hbm>>) dst(%dma_wait3A_1182 : memref<32x128xf32, #tpu.memory_space<vmem>>)
      %dma_wait3A_1189 = arith.constant 4 : i32
      %dma_wait3A_1190 = arith.constant 64 : i32
      %dma_wait3A_1191 = arith.constant 0 : i32
      %dma_wait3A_1192 = tpu.memref_slice %arg9[%dma_wait3A_1190, %dma_wait3A_1191] : memref<125x128xf32, #tpu.memory_space<vmem>> -> memref<32x128xf32, #tpu.memory_space<vmem>>
      %dma_wait3A_1193 = arith.constant 64 : i32
      %dma_wait3A_1194 = tpu.memref_slice %arg7[%dma_wait3A_1189, %dma_wait3A_1193] : memref<10x125xi32, #tpu.memory_space<vmem>> -> memref<1x32xi32, #tpu.memory_space<vmem>>
      %dma_wait3A_1195 = tpu.memref_squeeze %dma_wait3A_1194 : memref<1x32xi32, #tpu.memory_space<vmem>> -> memref<32xi32, #tpu.memory_space<vmem>>
      %dma_wait3A_1196 = arith.constant 0 : i32
      %dma_wait3A_1197 = arith.constant 0 : i32
      %dma_wait3A_1198 = tpu.memref_slice %arg2[%dma_wait3A_1196, %dma_wait3A_1197] : memref<10000x128xf32, #tpu.memory_space<hbm>> -> memref<10000x128xf32, #tpu.memory_space<hbm>>
      tpu.wait_indirect_dma semaphore(%arg13 : memref<!tpu.dma_semaphore, #tpu.memory_space<semaphore_mem>>) src(%dma_wait3A_1198 : memref<10000x128xf32, #tpu.memory_space<hbm>>) dst(%dma_wait3A_1192 : memref<32x128xf32, #tpu.memory_space<vmem>>)
      %dma_wait3A_1199 = arith.constant 4 : i32
      %dma_wait3A_1200 = arith.constant 96 : i32
      %dma_wait3A_1201 = arith.constant 0 : i32
      %dma_wait3A_1202 = tpu.memref_slice %arg9[%dma_wait3A_1200, %dma_wait3A_1201] : memref<125x128xf32, #tpu.memory_space<vmem>> -> memref<29x128xf32, #tpu.memory_space<vmem>>
      %dma_wait3A_1203 = arith.constant 96 : i32
      %dma_wait3A_1204 = tpu.memref_slice %arg7[%dma_wait3A_1199, %dma_wait3A_1203] : memref<10x125xi32, #tpu.memory_space<vmem>> -> memref<1x29xi32, #tpu.memory_space<vmem>>
      %dma_wait3A_1205 = tpu.memref_squeeze %dma_wait3A_1204 : memref<1x29xi32, #tpu.memory_space<vmem>> -> memref<29xi32, #tpu.memory_space<vmem>>
      %dma_wait3A_1206 = arith.constant 0 : i32
      %dma_wait3A_1207 = arith.constant 0 : i32
      %dma_wait3A_1208 = tpu.memref_slice %arg2[%dma_wait3A_1206, %dma_wait3A_1207] : memref<10000x128xf32, #tpu.memory_space<hbm>> -> memref<10000x128xf32, #tpu.memory_space<hbm>>
      tpu.wait_indirect_dma semaphore(%arg13 : memref<!tpu.dma_semaphore, #tpu.memory_space<semaphore_mem>>) src(%dma_wait3A_1208 : memref<10000x128xf32, #tpu.memory_space<hbm>>) dst(%dma_wait3A_1202 : memref<29x128xf32, #tpu.memory_space<vmem>>)
      %dma_start3A_1209 = arith.constant 4 : i32
      %dma_start3A_1210 = arith.constant 0 : i32
      %dma_start3A_1211 = tpu.memref_slice %arg8[%dma_start3A_1209, %dma_start3A_1210] : memref<10x125xi32, #tpu.memory_space<vmem>> -> memref<1x125xi32, #tpu.memory_space<vmem>>
      %dma_start3A_1212 = tpu.memref_squeeze %dma_start3A_1211 : memref<1x125xi32, #tpu.memory_space<vmem>> -> memref<125xi32, #tpu.memory_space<vmem>>
      %dma_start3A_1213 = arith.constant 0 : i32
      %dma_start3A_1214 = arith.constant 0 : i32
      %dma_start3A_1215 = tpu.memref_slice %arg12[%dma_start3A_1213, %dma_start3A_1214] : memref<10240x128xf32, #tpu.memory_space<vmem_shared>> -> memref<10240x128xf32, #tpu.memory_space<vmem_shared>>
      tpu.enqueue_indirect_dma source(%arg9 : memref<125x128xf32, #tpu.memory_space<vmem>>) target(%dma_start3A_1215 : memref<10240x128xf32, #tpu.memory_space<vmem_shared>>) offsets(%dma_start3A_1212 : memref<125xi32, #tpu.memory_space<vmem>>) semaphore(%arg15 : memref<!tpu.dma_semaphore, #tpu.memory_space<semaphore_mem>>) {add = true}
      %dma_wait3A_1216 = arith.constant 4 : i32
      %dma_wait3A_1217 = arith.constant 0 : i32
      %dma_wait3A_1218 = tpu.memref_slice %arg8[%dma_wait3A_1216, %dma_wait3A_1217] : memref<10x125xi32, #tpu.memory_space<vmem>> -> memref<1x125xi32, #tpu.memory_space<vmem>>
      %dma_wait3A_1219 = tpu.memref_squeeze %dma_wait3A_1218 : memref<1x125xi32, #tpu.memory_space<vmem>> -> memref<125xi32, #tpu.memory_space<vmem>>
      %dma_wait3A_1220 = arith.constant 0 : i32
      %dma_wait3A_1221 = arith.constant 0 : i32
      %dma_wait3A_1222 = tpu.memref_slice %arg12[%dma_wait3A_1220, %dma_wait3A_1221] : memref<10240x128xf32, #tpu.memory_space<vmem_shared>> -> memref<10240x128xf32, #tpu.memory_space<vmem_shared>>
      tpu.wait_indirect_dma semaphore(%arg15 : memref<!tpu.dma_semaphore, #tpu.memory_space<semaphore_mem>>) src(%arg9 : memref<125x128xf32, #tpu.memory_space<vmem>>) dst(%dma_wait3A_1222 : memref<10240x128xf32, #tpu.memory_space<vmem_shared>>)
      %add3A_1223 = arith.constant 16 : i32
      %add3A_1224 = arith.addi %mul3A_266, %add3A_1223 : i32
      %lt3A_1225 = arith.constant 80 : i32
      %lt3A_1226 = arith.cmpi slt, %add3A_1224, %lt3A_1225 : i32
      %convert_element_type3A_1227 = arith.extui %lt3A_1226 : i1 to i32
      %cond3A_1228 = arith.constant 0 : i32
      %cond3A_1229 = arith.cmpi ne, %convert_element_type3A_1227, %cond3A_1228 : i32
      scf.if %cond3A_1229 {
        %dma_start3A_1543 = arith.constant 6 : i32
        %dma_start3A_1544 = arith.constant 0 : i32
        %dma_start3A_1545 = arith.constant 0 : i32
        %dma_start3A_1546 = tpu.memref_slice %arg9[%dma_start3A_1544, %dma_start3A_1545] : memref<125x128xf32, #tpu.memory_space<vmem>> -> memref<32x128xf32, #tpu.memory_space<vmem>>
        %dma_start3A_1547 = arith.constant 0 : i32
        %dma_start3A_1548 = tpu.memref_slice %arg7[%dma_start3A_1543, %dma_start3A_1547] : memref<10x125xi32, #tpu.memory_space<vmem>> -> memref<1x32xi32, #tpu.memory_space<vmem>>
        %dma_start3A_1549 = tpu.memref_squeeze %dma_start3A_1548 : memref<1x32xi32, #tpu.memory_space<vmem>> -> memref<32xi32, #tpu.memory_space<vmem>>
        %dma_start3A_1550 = arith.constant 0 : i32
        %dma_start3A_1551 = arith.constant 0 : i32
        %dma_start3A_1552 = tpu.memref_slice %arg2[%dma_start3A_1550, %dma_start3A_1551] : memref<10000x128xf32, #tpu.memory_space<hbm>> -> memref<10000x128xf32, #tpu.memory_space<hbm>>
        tpu.enqueue_indirect_dma source(%dma_start3A_1552 : memref<10000x128xf32, #tpu.memory_space<hbm>>) target(%dma_start3A_1546 : memref<32x128xf32, #tpu.memory_space<vmem>>) offsets(%dma_start3A_1549 : memref<32xi32, #tpu.memory_space<vmem>>) semaphore(%arg13 : memref<!tpu.dma_semaphore, #tpu.memory_space<semaphore_mem>>)
        %dma_start3A_1553 = arith.constant 6 : i32
        %dma_start3A_1554 = arith.constant 32 : i32
        %dma_start3A_1555 = arith.constant 0 : i32
        %dma_start3A_1556 = tpu.memref_slice %arg9[%dma_start3A_1554, %dma_start3A_1555] : memref<125x128xf32, #tpu.memory_space<vmem>> -> memref<32x128xf32, #tpu.memory_space<vmem>>
        %dma_start3A_1557 = arith.constant 32 : i32
        %dma_start3A_1558 = tpu.memref_slice %arg7[%dma_start3A_1553, %dma_start3A_1557] : memref<10x125xi32, #tpu.memory_space<vmem>> -> memref<1x32xi32, #tpu.memory_space<vmem>>
        %dma_start3A_1559 = tpu.memref_squeeze %dma_start3A_1558 : memref<1x32xi32, #tpu.memory_space<vmem>> -> memref<32xi32, #tpu.memory_space<vmem>>
        %dma_start3A_1560 = arith.constant 0 : i32
        %dma_start3A_1561 = arith.constant 0 : i32
        %dma_start3A_1562 = tpu.memref_slice %arg2[%dma_start3A_1560, %dma_start3A_1561] : memref<10000x128xf32, #tpu.memory_space<hbm>> -> memref<10000x128xf32, #tpu.memory_space<hbm>>
        tpu.enqueue_indirect_dma source(%dma_start3A_1562 : memref<10000x128xf32, #tpu.memory_space<hbm>>) target(%dma_start3A_1556 : memref<32x128xf32, #tpu.memory_space<vmem>>) offsets(%dma_start3A_1559 : memref<32xi32, #tpu.memory_space<vmem>>) semaphore(%arg13 : memref<!tpu.dma_semaphore, #tpu.memory_space<semaphore_mem>>)
        %dma_start3A_1563 = arith.constant 6 : i32
        %dma_start3A_1564 = arith.constant 64 : i32
        %dma_start3A_1565 = arith.constant 0 : i32
        %dma_start3A_1566 = tpu.memref_slice %arg9[%dma_start3A_1564, %dma_start3A_1565] : memref<125x128xf32, #tpu.memory_space<vmem>> -> memref<32x128xf32, #tpu.memory_space<vmem>>
        %dma_start3A_1567 = arith.constant 64 : i32
        %dma_start3A_1568 = tpu.memref_slice %arg7[%dma_start3A_1563, %dma_start3A_1567] : memref<10x125xi32, #tpu.memory_space<vmem>> -> memref<1x32xi32, #tpu.memory_space<vmem>>
        %dma_start3A_1569 = tpu.memref_squeeze %dma_start3A_1568 : memref<1x32xi32, #tpu.memory_space<vmem>> -> memref<32xi32, #tpu.memory_space<vmem>>
        %dma_start3A_1570 = arith.constant 0 : i32
        %dma_start3A_1571 = arith.constant 0 : i32
        %dma_start3A_1572 = tpu.memref_slice %arg2[%dma_start3A_1570, %dma_start3A_1571] : memref<10000x128xf32, #tpu.memory_space<hbm>> -> memref<10000x128xf32, #tpu.memory_space<hbm>>
        tpu.enqueue_indirect_dma source(%dma_start3A_1572 : memref<10000x128xf32, #tpu.memory_space<hbm>>) target(%dma_start3A_1566 : memref<32x128xf32, #tpu.memory_space<vmem>>) offsets(%dma_start3A_1569 : memref<32xi32, #tpu.memory_space<vmem>>) semaphore(%arg13 : memref<!tpu.dma_semaphore, #tpu.memory_space<semaphore_mem>>)
        %dma_start3A_1573 = arith.constant 6 : i32
        %dma_start3A_1574 = arith.constant 96 : i32
        %dma_start3A_1575 = arith.constant 0 : i32
        %dma_start3A_1576 = tpu.memref_slice %arg9[%dma_start3A_1574, %dma_start3A_1575] : memref<125x128xf32, #tpu.memory_space<vmem>> -> memref<29x128xf32, #tpu.memory_space<vmem>>
        %dma_start3A_1577 = arith.constant 96 : i32
        %dma_start3A_1578 = tpu.memref_slice %arg7[%dma_start3A_1573, %dma_start3A_1577] : memref<10x125xi32, #tpu.memory_space<vmem>> -> memref<1x29xi32, #tpu.memory_space<vmem>>
        %dma_start3A_1579 = tpu.memref_squeeze %dma_start3A_1578 : memref<1x29xi32, #tpu.memory_space<vmem>> -> memref<29xi32, #tpu.memory_space<vmem>>
        %dma_start3A_1580 = arith.constant 0 : i32
        %dma_start3A_1581 = arith.constant 0 : i32
        %dma_start3A_1582 = tpu.memref_slice %arg2[%dma_start3A_1580, %dma_start3A_1581] : memref<10000x128xf32, #tpu.memory_space<hbm>> -> memref<10000x128xf32, #tpu.memory_space<hbm>>
        tpu.enqueue_indirect_dma source(%dma_start3A_1582 : memref<10000x128xf32, #tpu.memory_space<hbm>>) target(%dma_start3A_1576 : memref<29x128xf32, #tpu.memory_space<vmem>>) offsets(%dma_start3A_1579 : memref<29xi32, #tpu.memory_space<vmem>>) semaphore(%arg13 : memref<!tpu.dma_semaphore, #tpu.memory_space<semaphore_mem>>)
      } else {
      }
      %dma_wait3A_1230 = arith.constant 5 : i32
      %dma_wait3A_1231 = arith.constant 0 : i32
      %dma_wait3A_1232 = arith.constant 0 : i32
      %dma_wait3A_1233 = tpu.memref_slice %arg10[%dma_wait3A_1231, %dma_wait3A_1232] : memref<125x128xf32, #tpu.memory_space<vmem>> -> memref<32x128xf32, #tpu.memory_space<vmem>>
      %dma_wait3A_1234 = arith.constant 0 : i32
      %dma_wait3A_1235 = tpu.memref_slice %arg7[%dma_wait3A_1230, %dma_wait3A_1234] : memref<10x125xi32, #tpu.memory_space<vmem>> -> memref<1x32xi32, #tpu.memory_space<vmem>>
      %dma_wait3A_1236 = tpu.memref_squeeze %dma_wait3A_1235 : memref<1x32xi32, #tpu.memory_space<vmem>> -> memref<32xi32, #tpu.memory_space<vmem>>
      %dma_wait3A_1237 = arith.constant 0 : i32
      %dma_wait3A_1238 = arith.constant 0 : i32
      %dma_wait3A_1239 = tpu.memref_slice %arg2[%dma_wait3A_1237, %dma_wait3A_1238] : memref<10000x128xf32, #tpu.memory_space<hbm>> -> memref<10000x128xf32, #tpu.memory_space<hbm>>
      tpu.wait_indirect_dma semaphore(%arg14 : memref<!tpu.dma_semaphore, #tpu.memory_space<semaphore_mem>>) src(%dma_wait3A_1239 : memref<10000x128xf32, #tpu.memory_space<hbm>>) dst(%dma_wait3A_1233 : memref<32x128xf32, #tpu.memory_space<vmem>>)
      %dma_wait3A_1240 = arith.constant 5 : i32
      %dma_wait3A_1241 = arith.constant 32 : i32
      %dma_wait3A_1242 = arith.constant 0 : i32
      %dma_wait3A_1243 = tpu.memref_slice %arg10[%dma_wait3A_1241, %dma_wait3A_1242] : memref<125x128xf32, #tpu.memory_space<vmem>> -> memref<32x128xf32, #tpu.memory_space<vmem>>
      %dma_wait3A_1244 = arith.constant 32 : i32
      %dma_wait3A_1245 = tpu.memref_slice %arg7[%dma_wait3A_1240, %dma_wait3A_1244] : memref<10x125xi32, #tpu.memory_space<vmem>> -> memref<1x32xi32, #tpu.memory_space<vmem>>
      %dma_wait3A_1246 = tpu.memref_squeeze %dma_wait3A_1245 : memref<1x32xi32, #tpu.memory_space<vmem>> -> memref<32xi32, #tpu.memory_space<vmem>>
      %dma_wait3A_1247 = arith.constant 0 : i32
      %dma_wait3A_1248 = arith.constant 0 : i32
      %dma_wait3A_1249 = tpu.memref_slice %arg2[%dma_wait3A_1247, %dma_wait3A_1248] : memref<10000x128xf32, #tpu.memory_space<hbm>> -> memref<10000x128xf32, #tpu.memory_space<hbm>>
      tpu.wait_indirect_dma semaphore(%arg14 : memref<!tpu.dma_semaphore, #tpu.memory_space<semaphore_mem>>) src(%dma_wait3A_1249 : memref<10000x128xf32, #tpu.memory_space<hbm>>) dst(%dma_wait3A_1243 : memref<32x128xf32, #tpu.memory_space<vmem>>)
      %dma_wait3A_1250 = arith.constant 5 : i32
      %dma_wait3A_1251 = arith.constant 64 : i32
      %dma_wait3A_1252 = arith.constant 0 : i32
      %dma_wait3A_1253 = tpu.memref_slice %arg10[%dma_wait3A_1251, %dma_wait3A_1252] : memref<125x128xf32, #tpu.memory_space<vmem>> -> memref<32x128xf32, #tpu.memory_space<vmem>>
      %dma_wait3A_1254 = arith.constant 64 : i32
      %dma_wait3A_1255 = tpu.memref_slice %arg7[%dma_wait3A_1250, %dma_wait3A_1254] : memref<10x125xi32, #tpu.memory_space<vmem>> -> memref<1x32xi32, #tpu.memory_space<vmem>>
      %dma_wait3A_1256 = tpu.memref_squeeze %dma_wait3A_1255 : memref<1x32xi32, #tpu.memory_space<vmem>> -> memref<32xi32, #tpu.memory_space<vmem>>
      %dma_wait3A_1257 = arith.constant 0 : i32
      %dma_wait3A_1258 = arith.constant 0 : i32
      %dma_wait3A_1259 = tpu.memref_slice %arg2[%dma_wait3A_1257, %dma_wait3A_1258] : memref<10000x128xf32, #tpu.memory_space<hbm>> -> memref<10000x128xf32, #tpu.memory_space<hbm>>
      tpu.wait_indirect_dma semaphore(%arg14 : memref<!tpu.dma_semaphore, #tpu.memory_space<semaphore_mem>>) src(%dma_wait3A_1259 : memref<10000x128xf32, #tpu.memory_space<hbm>>) dst(%dma_wait3A_1253 : memref<32x128xf32, #tpu.memory_space<vmem>>)
      %dma_wait3A_1260 = arith.constant 5 : i32
      %dma_wait3A_1261 = arith.constant 96 : i32
      %dma_wait3A_1262 = arith.constant 0 : i32
      %dma_wait3A_1263 = tpu.memref_slice %arg10[%dma_wait3A_1261, %dma_wait3A_1262] : memref<125x128xf32, #tpu.memory_space<vmem>> -> memref<29x128xf32, #tpu.memory_space<vmem>>
      %dma_wait3A_1264 = arith.constant 96 : i32
      %dma_wait3A_1265 = tpu.memref_slice %arg7[%dma_wait3A_1260, %dma_wait3A_1264] : memref<10x125xi32, #tpu.memory_space<vmem>> -> memref<1x29xi32, #tpu.memory_space<vmem>>
      %dma_wait3A_1266 = tpu.memref_squeeze %dma_wait3A_1265 : memref<1x29xi32, #tpu.memory_space<vmem>> -> memref<29xi32, #tpu.memory_space<vmem>>
      %dma_wait3A_1267 = arith.constant 0 : i32
      %dma_wait3A_1268 = arith.constant 0 : i32
      %dma_wait3A_1269 = tpu.memref_slice %arg2[%dma_wait3A_1267, %dma_wait3A_1268] : memref<10000x128xf32, #tpu.memory_space<hbm>> -> memref<10000x128xf32, #tpu.memory_space<hbm>>
      tpu.wait_indirect_dma semaphore(%arg14 : memref<!tpu.dma_semaphore, #tpu.memory_space<semaphore_mem>>) src(%dma_wait3A_1269 : memref<10000x128xf32, #tpu.memory_space<hbm>>) dst(%dma_wait3A_1263 : memref<29x128xf32, #tpu.memory_space<vmem>>)
      %dma_start3A_1270 = arith.constant 5 : i32
      %dma_start3A_1271 = arith.constant 0 : i32
      %dma_start3A_1272 = tpu.memref_slice %arg8[%dma_start3A_1270, %dma_start3A_1271] : memref<10x125xi32, #tpu.memory_space<vmem>> -> memref<1x125xi32, #tpu.memory_space<vmem>>
      %dma_start3A_1273 = tpu.memref_squeeze %dma_start3A_1272 : memref<1x125xi32, #tpu.memory_space<vmem>> -> memref<125xi32, #tpu.memory_space<vmem>>
      %dma_start3A_1274 = arith.constant 0 : i32
      %dma_start3A_1275 = arith.constant 0 : i32
      %dma_start3A_1276 = tpu.memref_slice %arg12[%dma_start3A_1274, %dma_start3A_1275] : memref<10240x128xf32, #tpu.memory_space<vmem_shared>> -> memref<10240x128xf32, #tpu.memory_space<vmem_shared>>
      tpu.enqueue_indirect_dma source(%arg10 : memref<125x128xf32, #tpu.memory_space<vmem>>) target(%dma_start3A_1276 : memref<10240x128xf32, #tpu.memory_space<vmem_shared>>) offsets(%dma_start3A_1273 : memref<125xi32, #tpu.memory_space<vmem>>) semaphore(%arg15 : memref<!tpu.dma_semaphore, #tpu.memory_space<semaphore_mem>>) {add = true}
      %dma_wait3A_1277 = arith.constant 5 : i32
      %dma_wait3A_1278 = arith.constant 0 : i32
      %dma_wait3A_1279 = tpu.memref_slice %arg8[%dma_wait3A_1277, %dma_wait3A_1278] : memref<10x125xi32, #tpu.memory_space<vmem>> -> memref<1x125xi32, #tpu.memory_space<vmem>>
      %dma_wait3A_1280 = tpu.memref_squeeze %dma_wait3A_1279 : memref<1x125xi32, #tpu.memory_space<vmem>> -> memref<125xi32, #tpu.memory_space<vmem>>
      %dma_wait3A_1281 = arith.constant 0 : i32
      %dma_wait3A_1282 = arith.constant 0 : i32
      %dma_wait3A_1283 = tpu.memref_slice %arg12[%dma_wait3A_1281, %dma_wait3A_1282] : memref<10240x128xf32, #tpu.memory_space<vmem_shared>> -> memref<10240x128xf32, #tpu.memory_space<vmem_shared>>
      tpu.wait_indirect_dma semaphore(%arg15 : memref<!tpu.dma_semaphore, #tpu.memory_space<semaphore_mem>>) src(%arg10 : memref<125x128xf32, #tpu.memory_space<vmem>>) dst(%dma_wait3A_1283 : memref<10240x128xf32, #tpu.memory_space<vmem_shared>>)
      %add3A_1284 = arith.constant 17 : i32
      %add3A_1285 = arith.addi %mul3A_266, %add3A_1284 : i32
      %lt3A_1286 = arith.constant 80 : i32
      %lt3A_1287 = arith.cmpi slt, %add3A_1285, %lt3A_1286 : i32
      %convert_element_type3A_1288 = arith.extui %lt3A_1287 : i1 to i32
      %cond3A_1289 = arith.constant 0 : i32
      %cond3A_1290 = arith.cmpi ne, %convert_element_type3A_1288, %cond3A_1289 : i32
      scf.if %cond3A_1290 {
        %dma_start3A_1543 = arith.constant 7 : i32
        %dma_start3A_1544 = arith.constant 0 : i32
        %dma_start3A_1545 = arith.constant 0 : i32
        %dma_start3A_1546 = tpu.memref_slice %arg10[%dma_start3A_1544, %dma_start3A_1545] : memref<125x128xf32, #tpu.memory_space<vmem>> -> memref<32x128xf32, #tpu.memory_space<vmem>>
        %dma_start3A_1547 = arith.constant 0 : i32
        %dma_start3A_1548 = tpu.memref_slice %arg7[%dma_start3A_1543, %dma_start3A_1547] : memref<10x125xi32, #tpu.memory_space<vmem>> -> memref<1x32xi32, #tpu.memory_space<vmem>>
        %dma_start3A_1549 = tpu.memref_squeeze %dma_start3A_1548 : memref<1x32xi32, #tpu.memory_space<vmem>> -> memref<32xi32, #tpu.memory_space<vmem>>
        %dma_start3A_1550 = arith.constant 0 : i32
        %dma_start3A_1551 = arith.constant 0 : i32
        %dma_start3A_1552 = tpu.memref_slice %arg2[%dma_start3A_1550, %dma_start3A_1551] : memref<10000x128xf32, #tpu.memory_space<hbm>> -> memref<10000x128xf32, #tpu.memory_space<hbm>>
        tpu.enqueue_indirect_dma source(%dma_start3A_1552 : memref<10000x128xf32, #tpu.memory_space<hbm>>) target(%dma_start3A_1546 : memref<32x128xf32, #tpu.memory_space<vmem>>) offsets(%dma_start3A_1549 : memref<32xi32, #tpu.memory_space<vmem>>) semaphore(%arg14 : memref<!tpu.dma_semaphore, #tpu.memory_space<semaphore_mem>>)
        %dma_start3A_1553 = arith.constant 7 : i32
        %dma_start3A_1554 = arith.constant 32 : i32
        %dma_start3A_1555 = arith.constant 0 : i32
        %dma_start3A_1556 = tpu.memref_slice %arg10[%dma_start3A_1554, %dma_start3A_1555] : memref<125x128xf32, #tpu.memory_space<vmem>> -> memref<32x128xf32, #tpu.memory_space<vmem>>
        %dma_start3A_1557 = arith.constant 32 : i32
        %dma_start3A_1558 = tpu.memref_slice %arg7[%dma_start3A_1553, %dma_start3A_1557] : memref<10x125xi32, #tpu.memory_space<vmem>> -> memref<1x32xi32, #tpu.memory_space<vmem>>
        %dma_start3A_1559 = tpu.memref_squeeze %dma_start3A_1558 : memref<1x32xi32, #tpu.memory_space<vmem>> -> memref<32xi32, #tpu.memory_space<vmem>>
        %dma_start3A_1560 = arith.constant 0 : i32
        %dma_start3A_1561 = arith.constant 0 : i32
        %dma_start3A_1562 = tpu.memref_slice %arg2[%dma_start3A_1560, %dma_start3A_1561] : memref<10000x128xf32, #tpu.memory_space<hbm>> -> memref<10000x128xf32, #tpu.memory_space<hbm>>
        tpu.enqueue_indirect_dma source(%dma_start3A_1562 : memref<10000x128xf32, #tpu.memory_space<hbm>>) target(%dma_start3A_1556 : memref<32x128xf32, #tpu.memory_space<vmem>>) offsets(%dma_start3A_1559 : memref<32xi32, #tpu.memory_space<vmem>>) semaphore(%arg14 : memref<!tpu.dma_semaphore, #tpu.memory_space<semaphore_mem>>)
        %dma_start3A_1563 = arith.constant 7 : i32
        %dma_start3A_1564 = arith.constant 64 : i32
        %dma_start3A_1565 = arith.constant 0 : i32
        %dma_start3A_1566 = tpu.memref_slice %arg10[%dma_start3A_1564, %dma_start3A_1565] : memref<125x128xf32, #tpu.memory_space<vmem>> -> memref<32x128xf32, #tpu.memory_space<vmem>>
        %dma_start3A_1567 = arith.constant 64 : i32
        %dma_start3A_1568 = tpu.memref_slice %arg7[%dma_start3A_1563, %dma_start3A_1567] : memref<10x125xi32, #tpu.memory_space<vmem>> -> memref<1x32xi32, #tpu.memory_space<vmem>>
        %dma_start3A_1569 = tpu.memref_squeeze %dma_start3A_1568 : memref<1x32xi32, #tpu.memory_space<vmem>> -> memref<32xi32, #tpu.memory_space<vmem>>
        %dma_start3A_1570 = arith.constant 0 : i32
        %dma_start3A_1571 = arith.constant 0 : i32
        %dma_start3A_1572 = tpu.memref_slice %arg2[%dma_start3A_1570, %dma_start3A_1571] : memref<10000x128xf32, #tpu.memory_space<hbm>> -> memref<10000x128xf32, #tpu.memory_space<hbm>>
        tpu.enqueue_indirect_dma source(%dma_start3A_1572 : memref<10000x128xf32, #tpu.memory_space<hbm>>) target(%dma_start3A_1566 : memref<32x128xf32, #tpu.memory_space<vmem>>) offsets(%dma_start3A_1569 : memref<32xi32, #tpu.memory_space<vmem>>) semaphore(%arg14 : memref<!tpu.dma_semaphore, #tpu.memory_space<semaphore_mem>>)
        %dma_start3A_1573 = arith.constant 7 : i32
        %dma_start3A_1574 = arith.constant 96 : i32
        %dma_start3A_1575 = arith.constant 0 : i32
        %dma_start3A_1576 = tpu.memref_slice %arg10[%dma_start3A_1574, %dma_start3A_1575] : memref<125x128xf32, #tpu.memory_space<vmem>> -> memref<29x128xf32, #tpu.memory_space<vmem>>
        %dma_start3A_1577 = arith.constant 96 : i32
        %dma_start3A_1578 = tpu.memref_slice %arg7[%dma_start3A_1573, %dma_start3A_1577] : memref<10x125xi32, #tpu.memory_space<vmem>> -> memref<1x29xi32, #tpu.memory_space<vmem>>
        %dma_start3A_1579 = tpu.memref_squeeze %dma_start3A_1578 : memref<1x29xi32, #tpu.memory_space<vmem>> -> memref<29xi32, #tpu.memory_space<vmem>>
        %dma_start3A_1580 = arith.constant 0 : i32
        %dma_start3A_1581 = arith.constant 0 : i32
        %dma_start3A_1582 = tpu.memref_slice %arg2[%dma_start3A_1580, %dma_start3A_1581] : memref<10000x128xf32, #tpu.memory_space<hbm>> -> memref<10000x128xf32, #tpu.memory_space<hbm>>
        tpu.enqueue_indirect_dma source(%dma_start3A_1582 : memref<10000x128xf32, #tpu.memory_space<hbm>>) target(%dma_start3A_1576 : memref<29x128xf32, #tpu.memory_space<vmem>>) offsets(%dma_start3A_1579 : memref<29xi32, #tpu.memory_space<vmem>>) semaphore(%arg14 : memref<!tpu.dma_semaphore, #tpu.memory_space<semaphore_mem>>)
      } else {
      }
      %dma_wait3A_1291 = arith.constant 6 : i32
      %dma_wait3A_1292 = arith.constant 0 : i32
      %dma_wait3A_1293 = arith.constant 0 : i32
      %dma_wait3A_1294 = tpu.memref_slice %arg9[%dma_wait3A_1292, %dma_wait3A_1293] : memref<125x128xf32, #tpu.memory_space<vmem>> -> memref<32x128xf32, #tpu.memory_space<vmem>>
      %dma_wait3A_1295 = arith.constant 0 : i32
      %dma_wait3A_1296 = tpu.memref_slice %arg7[%dma_wait3A_1291, %dma_wait3A_1295] : memref<10x125xi32, #tpu.memory_space<vmem>> -> memref<1x32xi32, #tpu.memory_space<vmem>>
      %dma_wait3A_1297 = tpu.memref_squeeze %dma_wait3A_1296 : memref<1x32xi32, #tpu.memory_space<vmem>> -> memref<32xi32, #tpu.memory_space<vmem>>
      %dma_wait3A_1298 = arith.constant 0 : i32
      %dma_wait3A_1299 = arith.constant 0 : i32
      %dma_wait3A_1300 = tpu.memref_slice %arg2[%dma_wait3A_1298, %dma_wait3A_1299] : memref<10000x128xf32, #tpu.memory_space<hbm>> -> memref<10000x128xf32, #tpu.memory_space<hbm>>
      tpu.wait_indirect_dma semaphore(%arg13 : memref<!tpu.dma_semaphore, #tpu.memory_space<semaphore_mem>>) src(%dma_wait3A_1300 : memref<10000x128xf32, #tpu.memory_space<hbm>>) dst(%dma_wait3A_1294 : memref<32x128xf32, #tpu.memory_space<vmem>>)
      %dma_wait3A_1301 = arith.constant 6 : i32
      %dma_wait3A_1302 = arith.constant 32 : i32
      %dma_wait3A_1303 = arith.constant 0 : i32
      %dma_wait3A_1304 = tpu.memref_slice %arg9[%dma_wait3A_1302, %dma_wait3A_1303] : memref<125x128xf32, #tpu.memory_space<vmem>> -> memref<32x128xf32, #tpu.memory_space<vmem>>
      %dma_wait3A_1305 = arith.constant 32 : i32
      %dma_wait3A_1306 = tpu.memref_slice %arg7[%dma_wait3A_1301, %dma_wait3A_1305] : memref<10x125xi32, #tpu.memory_space<vmem>> -> memref<1x32xi32, #tpu.memory_space<vmem>>
      %dma_wait3A_1307 = tpu.memref_squeeze %dma_wait3A_1306 : memref<1x32xi32, #tpu.memory_space<vmem>> -> memref<32xi32, #tpu.memory_space<vmem>>
      %dma_wait3A_1308 = arith.constant 0 : i32
      %dma_wait3A_1309 = arith.constant 0 : i32
      %dma_wait3A_1310 = tpu.memref_slice %arg2[%dma_wait3A_1308, %dma_wait3A_1309] : memref<10000x128xf32, #tpu.memory_space<hbm>> -> memref<10000x128xf32, #tpu.memory_space<hbm>>
      tpu.wait_indirect_dma semaphore(%arg13 : memref<!tpu.dma_semaphore, #tpu.memory_space<semaphore_mem>>) src(%dma_wait3A_1310 : memref<10000x128xf32, #tpu.memory_space<hbm>>) dst(%dma_wait3A_1304 : memref<32x128xf32, #tpu.memory_space<vmem>>)
      %dma_wait3A_1311 = arith.constant 6 : i32
      %dma_wait3A_1312 = arith.constant 64 : i32
      %dma_wait3A_1313 = arith.constant 0 : i32
      %dma_wait3A_1314 = tpu.memref_slice %arg9[%dma_wait3A_1312, %dma_wait3A_1313] : memref<125x128xf32, #tpu.memory_space<vmem>> -> memref<32x128xf32, #tpu.memory_space<vmem>>
      %dma_wait3A_1315 = arith.constant 64 : i32
      %dma_wait3A_1316 = tpu.memref_slice %arg7[%dma_wait3A_1311, %dma_wait3A_1315] : memref<10x125xi32, #tpu.memory_space<vmem>> -> memref<1x32xi32, #tpu.memory_space<vmem>>
      %dma_wait3A_1317 = tpu.memref_squeeze %dma_wait3A_1316 : memref<1x32xi32, #tpu.memory_space<vmem>> -> memref<32xi32, #tpu.memory_space<vmem>>
      %dma_wait3A_1318 = arith.constant 0 : i32
      %dma_wait3A_1319 = arith.constant 0 : i32
      %dma_wait3A_1320 = tpu.memref_slice %arg2[%dma_wait3A_1318, %dma_wait3A_1319] : memref<10000x128xf32, #tpu.memory_space<hbm>> -> memref<10000x128xf32, #tpu.memory_space<hbm>>
      tpu.wait_indirect_dma semaphore(%arg13 : memref<!tpu.dma_semaphore, #tpu.memory_space<semaphore_mem>>) src(%dma_wait3A_1320 : memref<10000x128xf32, #tpu.memory_space<hbm>>) dst(%dma_wait3A_1314 : memref<32x128xf32, #tpu.memory_space<vmem>>)
      %dma_wait3A_1321 = arith.constant 6 : i32
      %dma_wait3A_1322 = arith.constant 96 : i32
      %dma_wait3A_1323 = arith.constant 0 : i32
      %dma_wait3A_1324 = tpu.memref_slice %arg9[%dma_wait3A_1322, %dma_wait3A_1323] : memref<125x128xf32, #tpu.memory_space<vmem>> -> memref<29x128xf32, #tpu.memory_space<vmem>>
      %dma_wait3A_1325 = arith.constant 96 : i32
      %dma_wait3A_1326 = tpu.memref_slice %arg7[%dma_wait3A_1321, %dma_wait3A_1325] : memref<10x125xi32, #tpu.memory_space<vmem>> -> memref<1x29xi32, #tpu.memory_space<vmem>>
      %dma_wait3A_1327 = tpu.memref_squeeze %dma_wait3A_1326 : memref<1x29xi32, #tpu.memory_space<vmem>> -> memref<29xi32, #tpu.memory_space<vmem>>
      %dma_wait3A_1328 = arith.constant 0 : i32
      %dma_wait3A_1329 = arith.constant 0 : i32
      %dma_wait3A_1330 = tpu.memref_slice %arg2[%dma_wait3A_1328, %dma_wait3A_1329] : memref<10000x128xf32, #tpu.memory_space<hbm>> -> memref<10000x128xf32, #tpu.memory_space<hbm>>
      tpu.wait_indirect_dma semaphore(%arg13 : memref<!tpu.dma_semaphore, #tpu.memory_space<semaphore_mem>>) src(%dma_wait3A_1330 : memref<10000x128xf32, #tpu.memory_space<hbm>>) dst(%dma_wait3A_1324 : memref<29x128xf32, #tpu.memory_space<vmem>>)
      %dma_start3A_1331 = arith.constant 6 : i32
      %dma_start3A_1332 = arith.constant 0 : i32
      %dma_start3A_1333 = tpu.memref_slice %arg8[%dma_start3A_1331, %dma_start3A_1332] : memref<10x125xi32, #tpu.memory_space<vmem>> -> memref<1x125xi32, #tpu.memory_space<vmem>>
      %dma_start3A_1334 = tpu.memref_squeeze %dma_start3A_1333 : memref<1x125xi32, #tpu.memory_space<vmem>> -> memref<125xi32, #tpu.memory_space<vmem>>
      %dma_start3A_1335 = arith.constant 0 : i32
      %dma_start3A_1336 = arith.constant 0 : i32
      %dma_start3A_1337 = tpu.memref_slice %arg12[%dma_start3A_1335, %dma_start3A_1336] : memref<10240x128xf32, #tpu.memory_space<vmem_shared>> -> memref<10240x128xf32, #tpu.memory_space<vmem_shared>>
      tpu.enqueue_indirect_dma source(%arg9 : memref<125x128xf32, #tpu.memory_space<vmem>>) target(%dma_start3A_1337 : memref<10240x128xf32, #tpu.memory_space<vmem_shared>>) offsets(%dma_start3A_1334 : memref<125xi32, #tpu.memory_space<vmem>>) semaphore(%arg15 : memref<!tpu.dma_semaphore, #tpu.memory_space<semaphore_mem>>) {add = true}
      %dma_wait3A_1338 = arith.constant 6 : i32
      %dma_wait3A_1339 = arith.constant 0 : i32
      %dma_wait3A_1340 = tpu.memref_slice %arg8[%dma_wait3A_1338, %dma_wait3A_1339] : memref<10x125xi32, #tpu.memory_space<vmem>> -> memref<1x125xi32, #tpu.memory_space<vmem>>
      %dma_wait3A_1341 = tpu.memref_squeeze %dma_wait3A_1340 : memref<1x125xi32, #tpu.memory_space<vmem>> -> memref<125xi32, #tpu.memory_space<vmem>>
      %dma_wait3A_1342 = arith.constant 0 : i32
      %dma_wait3A_1343 = arith.constant 0 : i32
      %dma_wait3A_1344 = tpu.memref_slice %arg12[%dma_wait3A_1342, %dma_wait3A_1343] : memref<10240x128xf32, #tpu.memory_space<vmem_shared>> -> memref<10240x128xf32, #tpu.memory_space<vmem_shared>>
      tpu.wait_indirect_dma semaphore(%arg15 : memref<!tpu.dma_semaphore, #tpu.memory_space<semaphore_mem>>) src(%arg9 : memref<125x128xf32, #tpu.memory_space<vmem>>) dst(%dma_wait3A_1344 : memref<10240x128xf32, #tpu.memory_space<vmem_shared>>)
      %add3A_1345 = arith.constant 18 : i32
      %add3A_1346 = arith.addi %mul3A_266, %add3A_1345 : i32
      %lt3A_1347 = arith.constant 80 : i32
      %lt3A_1348 = arith.cmpi slt, %add3A_1346, %lt3A_1347 : i32
      %convert_element_type3A_1349 = arith.extui %lt3A_1348 : i1 to i32
      %cond3A_1350 = arith.constant 0 : i32
      %cond3A_1351 = arith.cmpi ne, %convert_element_type3A_1349, %cond3A_1350 : i32
      scf.if %cond3A_1351 {
        %dma_start3A_1543 = arith.constant 8 : i32
        %dma_start3A_1544 = arith.constant 0 : i32
        %dma_start3A_1545 = arith.constant 0 : i32
        %dma_start3A_1546 = tpu.memref_slice %arg9[%dma_start3A_1544, %dma_start3A_1545] : memref<125x128xf32, #tpu.memory_space<vmem>> -> memref<32x128xf32, #tpu.memory_space<vmem>>
        %dma_start3A_1547 = arith.constant 0 : i32
        %dma_start3A_1548 = tpu.memref_slice %arg7[%dma_start3A_1543, %dma_start3A_1547] : memref<10x125xi32, #tpu.memory_space<vmem>> -> memref<1x32xi32, #tpu.memory_space<vmem>>
        %dma_start3A_1549 = tpu.memref_squeeze %dma_start3A_1548 : memref<1x32xi32, #tpu.memory_space<vmem>> -> memref<32xi32, #tpu.memory_space<vmem>>
        %dma_start3A_1550 = arith.constant 0 : i32
        %dma_start3A_1551 = arith.constant 0 : i32
        %dma_start3A_1552 = tpu.memref_slice %arg2[%dma_start3A_1550, %dma_start3A_1551] : memref<10000x128xf32, #tpu.memory_space<hbm>> -> memref<10000x128xf32, #tpu.memory_space<hbm>>
        tpu.enqueue_indirect_dma source(%dma_start3A_1552 : memref<10000x128xf32, #tpu.memory_space<hbm>>) target(%dma_start3A_1546 : memref<32x128xf32, #tpu.memory_space<vmem>>) offsets(%dma_start3A_1549 : memref<32xi32, #tpu.memory_space<vmem>>) semaphore(%arg13 : memref<!tpu.dma_semaphore, #tpu.memory_space<semaphore_mem>>)
        %dma_start3A_1553 = arith.constant 8 : i32
        %dma_start3A_1554 = arith.constant 32 : i32
        %dma_start3A_1555 = arith.constant 0 : i32
        %dma_start3A_1556 = tpu.memref_slice %arg9[%dma_start3A_1554, %dma_start3A_1555] : memref<125x128xf32, #tpu.memory_space<vmem>> -> memref<32x128xf32, #tpu.memory_space<vmem>>
        %dma_start3A_1557 = arith.constant 32 : i32
        %dma_start3A_1558 = tpu.memref_slice %arg7[%dma_start3A_1553, %dma_start3A_1557] : memref<10x125xi32, #tpu.memory_space<vmem>> -> memref<1x32xi32, #tpu.memory_space<vmem>>
        %dma_start3A_1559 = tpu.memref_squeeze %dma_start3A_1558 : memref<1x32xi32, #tpu.memory_space<vmem>> -> memref<32xi32, #tpu.memory_space<vmem>>
        %dma_start3A_1560 = arith.constant 0 : i32
        %dma_start3A_1561 = arith.constant 0 : i32
        %dma_start3A_1562 = tpu.memref_slice %arg2[%dma_start3A_1560, %dma_start3A_1561] : memref<10000x128xf32, #tpu.memory_space<hbm>> -> memref<10000x128xf32, #tpu.memory_space<hbm>>
        tpu.enqueue_indirect_dma source(%dma_start3A_1562 : memref<10000x128xf32, #tpu.memory_space<hbm>>) target(%dma_start3A_1556 : memref<32x128xf32, #tpu.memory_space<vmem>>) offsets(%dma_start3A_1559 : memref<32xi32, #tpu.memory_space<vmem>>) semaphore(%arg13 : memref<!tpu.dma_semaphore, #tpu.memory_space<semaphore_mem>>)
        %dma_start3A_1563 = arith.constant 8 : i32
        %dma_start3A_1564 = arith.constant 64 : i32
        %dma_start3A_1565 = arith.constant 0 : i32
        %dma_start3A_1566 = tpu.memref_slice %arg9[%dma_start3A_1564, %dma_start3A_1565] : memref<125x128xf32, #tpu.memory_space<vmem>> -> memref<32x128xf32, #tpu.memory_space<vmem>>
        %dma_start3A_1567 = arith.constant 64 : i32
        %dma_start3A_1568 = tpu.memref_slice %arg7[%dma_start3A_1563, %dma_start3A_1567] : memref<10x125xi32, #tpu.memory_space<vmem>> -> memref<1x32xi32, #tpu.memory_space<vmem>>
        %dma_start3A_1569 = tpu.memref_squeeze %dma_start3A_1568 : memref<1x32xi32, #tpu.memory_space<vmem>> -> memref<32xi32, #tpu.memory_space<vmem>>
        %dma_start3A_1570 = arith.constant 0 : i32
        %dma_start3A_1571 = arith.constant 0 : i32
        %dma_start3A_1572 = tpu.memref_slice %arg2[%dma_start3A_1570, %dma_start3A_1571] : memref<10000x128xf32, #tpu.memory_space<hbm>> -> memref<10000x128xf32, #tpu.memory_space<hbm>>
        tpu.enqueue_indirect_dma source(%dma_start3A_1572 : memref<10000x128xf32, #tpu.memory_space<hbm>>) target(%dma_start3A_1566 : memref<32x128xf32, #tpu.memory_space<vmem>>) offsets(%dma_start3A_1569 : memref<32xi32, #tpu.memory_space<vmem>>) semaphore(%arg13 : memref<!tpu.dma_semaphore, #tpu.memory_space<semaphore_mem>>)
        %dma_start3A_1573 = arith.constant 8 : i32
        %dma_start3A_1574 = arith.constant 96 : i32
        %dma_start3A_1575 = arith.constant 0 : i32
        %dma_start3A_1576 = tpu.memref_slice %arg9[%dma_start3A_1574, %dma_start3A_1575] : memref<125x128xf32, #tpu.memory_space<vmem>> -> memref<29x128xf32, #tpu.memory_space<vmem>>
        %dma_start3A_1577 = arith.constant 96 : i32
        %dma_start3A_1578 = tpu.memref_slice %arg7[%dma_start3A_1573, %dma_start3A_1577] : memref<10x125xi32, #tpu.memory_space<vmem>> -> memref<1x29xi32, #tpu.memory_space<vmem>>
        %dma_start3A_1579 = tpu.memref_squeeze %dma_start3A_1578 : memref<1x29xi32, #tpu.memory_space<vmem>> -> memref<29xi32, #tpu.memory_space<vmem>>
        %dma_start3A_1580 = arith.constant 0 : i32
        %dma_start3A_1581 = arith.constant 0 : i32
        %dma_start3A_1582 = tpu.memref_slice %arg2[%dma_start3A_1580, %dma_start3A_1581] : memref<10000x128xf32, #tpu.memory_space<hbm>> -> memref<10000x128xf32, #tpu.memory_space<hbm>>
        tpu.enqueue_indirect_dma source(%dma_start3A_1582 : memref<10000x128xf32, #tpu.memory_space<hbm>>) target(%dma_start3A_1576 : memref<29x128xf32, #tpu.memory_space<vmem>>) offsets(%dma_start3A_1579 : memref<29xi32, #tpu.memory_space<vmem>>) semaphore(%arg13 : memref<!tpu.dma_semaphore, #tpu.memory_space<semaphore_mem>>)
      } else {
      }
      %dma_wait3A_1352 = arith.constant 7 : i32
      %dma_wait3A_1353 = arith.constant 0 : i32
      %dma_wait3A_1354 = arith.constant 0 : i32
      %dma_wait3A_1355 = tpu.memref_slice %arg10[%dma_wait3A_1353, %dma_wait3A_1354] : memref<125x128xf32, #tpu.memory_space<vmem>> -> memref<32x128xf32, #tpu.memory_space<vmem>>
      %dma_wait3A_1356 = arith.constant 0 : i32
      %dma_wait3A_1357 = tpu.memref_slice %arg7[%dma_wait3A_1352, %dma_wait3A_1356] : memref<10x125xi32, #tpu.memory_space<vmem>> -> memref<1x32xi32, #tpu.memory_space<vmem>>
      %dma_wait3A_1358 = tpu.memref_squeeze %dma_wait3A_1357 : memref<1x32xi32, #tpu.memory_space<vmem>> -> memref<32xi32, #tpu.memory_space<vmem>>
      %dma_wait3A_1359 = arith.constant 0 : i32
      %dma_wait3A_1360 = arith.constant 0 : i32
      %dma_wait3A_1361 = tpu.memref_slice %arg2[%dma_wait3A_1359, %dma_wait3A_1360] : memref<10000x128xf32, #tpu.memory_space<hbm>> -> memref<10000x128xf32, #tpu.memory_space<hbm>>
      tpu.wait_indirect_dma semaphore(%arg14 : memref<!tpu.dma_semaphore, #tpu.memory_space<semaphore_mem>>) src(%dma_wait3A_1361 : memref<10000x128xf32, #tpu.memory_space<hbm>>) dst(%dma_wait3A_1355 : memref<32x128xf32, #tpu.memory_space<vmem>>)
      %dma_wait3A_1362 = arith.constant 7 : i32
      %dma_wait3A_1363 = arith.constant 32 : i32
      %dma_wait3A_1364 = arith.constant 0 : i32
      %dma_wait3A_1365 = tpu.memref_slice %arg10[%dma_wait3A_1363, %dma_wait3A_1364] : memref<125x128xf32, #tpu.memory_space<vmem>> -> memref<32x128xf32, #tpu.memory_space<vmem>>
      %dma_wait3A_1366 = arith.constant 32 : i32
      %dma_wait3A_1367 = tpu.memref_slice %arg7[%dma_wait3A_1362, %dma_wait3A_1366] : memref<10x125xi32, #tpu.memory_space<vmem>> -> memref<1x32xi32, #tpu.memory_space<vmem>>
      %dma_wait3A_1368 = tpu.memref_squeeze %dma_wait3A_1367 : memref<1x32xi32, #tpu.memory_space<vmem>> -> memref<32xi32, #tpu.memory_space<vmem>>
      %dma_wait3A_1369 = arith.constant 0 : i32
      %dma_wait3A_1370 = arith.constant 0 : i32
      %dma_wait3A_1371 = tpu.memref_slice %arg2[%dma_wait3A_1369, %dma_wait3A_1370] : memref<10000x128xf32, #tpu.memory_space<hbm>> -> memref<10000x128xf32, #tpu.memory_space<hbm>>
      tpu.wait_indirect_dma semaphore(%arg14 : memref<!tpu.dma_semaphore, #tpu.memory_space<semaphore_mem>>) src(%dma_wait3A_1371 : memref<10000x128xf32, #tpu.memory_space<hbm>>) dst(%dma_wait3A_1365 : memref<32x128xf32, #tpu.memory_space<vmem>>)
      %dma_wait3A_1372 = arith.constant 7 : i32
      %dma_wait3A_1373 = arith.constant 64 : i32
      %dma_wait3A_1374 = arith.constant 0 : i32
      %dma_wait3A_1375 = tpu.memref_slice %arg10[%dma_wait3A_1373, %dma_wait3A_1374] : memref<125x128xf32, #tpu.memory_space<vmem>> -> memref<32x128xf32, #tpu.memory_space<vmem>>
      %dma_wait3A_1376 = arith.constant 64 : i32
      %dma_wait3A_1377 = tpu.memref_slice %arg7[%dma_wait3A_1372, %dma_wait3A_1376] : memref<10x125xi32, #tpu.memory_space<vmem>> -> memref<1x32xi32, #tpu.memory_space<vmem>>
      %dma_wait3A_1378 = tpu.memref_squeeze %dma_wait3A_1377 : memref<1x32xi32, #tpu.memory_space<vmem>> -> memref<32xi32, #tpu.memory_space<vmem>>
      %dma_wait3A_1379 = arith.constant 0 : i32
      %dma_wait3A_1380 = arith.constant 0 : i32
      %dma_wait3A_1381 = tpu.memref_slice %arg2[%dma_wait3A_1379, %dma_wait3A_1380] : memref<10000x128xf32, #tpu.memory_space<hbm>> -> memref<10000x128xf32, #tpu.memory_space<hbm>>
      tpu.wait_indirect_dma semaphore(%arg14 : memref<!tpu.dma_semaphore, #tpu.memory_space<semaphore_mem>>) src(%dma_wait3A_1381 : memref<10000x128xf32, #tpu.memory_space<hbm>>) dst(%dma_wait3A_1375 : memref<32x128xf32, #tpu.memory_space<vmem>>)
      %dma_wait3A_1382 = arith.constant 7 : i32
      %dma_wait3A_1383 = arith.constant 96 : i32
      %dma_wait3A_1384 = arith.constant 0 : i32
      %dma_wait3A_1385 = tpu.memref_slice %arg10[%dma_wait3A_1383, %dma_wait3A_1384] : memref<125x128xf32, #tpu.memory_space<vmem>> -> memref<29x128xf32, #tpu.memory_space<vmem>>
      %dma_wait3A_1386 = arith.constant 96 : i32
      %dma_wait3A_1387 = tpu.memref_slice %arg7[%dma_wait3A_1382, %dma_wait3A_1386] : memref<10x125xi32, #tpu.memory_space<vmem>> -> memref<1x29xi32, #tpu.memory_space<vmem>>
      %dma_wait3A_1388 = tpu.memref_squeeze %dma_wait3A_1387 : memref<1x29xi32, #tpu.memory_space<vmem>> -> memref<29xi32, #tpu.memory_space<vmem>>
      %dma_wait3A_1389 = arith.constant 0 : i32
      %dma_wait3A_1390 = arith.constant 0 : i32
      %dma_wait3A_1391 = tpu.memref_slice %arg2[%dma_wait3A_1389, %dma_wait3A_1390] : memref<10000x128xf32, #tpu.memory_space<hbm>> -> memref<10000x128xf32, #tpu.memory_space<hbm>>
      tpu.wait_indirect_dma semaphore(%arg14 : memref<!tpu.dma_semaphore, #tpu.memory_space<semaphore_mem>>) src(%dma_wait3A_1391 : memref<10000x128xf32, #tpu.memory_space<hbm>>) dst(%dma_wait3A_1385 : memref<29x128xf32, #tpu.memory_space<vmem>>)
      %dma_start3A_1392 = arith.constant 7 : i32
      %dma_start3A_1393 = arith.constant 0 : i32
      %dma_start3A_1394 = tpu.memref_slice %arg8[%dma_start3A_1392, %dma_start3A_1393] : memref<10x125xi32, #tpu.memory_space<vmem>> -> memref<1x125xi32, #tpu.memory_space<vmem>>
      %dma_start3A_1395 = tpu.memref_squeeze %dma_start3A_1394 : memref<1x125xi32, #tpu.memory_space<vmem>> -> memref<125xi32, #tpu.memory_space<vmem>>
      %dma_start3A_1396 = arith.constant 0 : i32
      %dma_start3A_1397 = arith.constant 0 : i32
      %dma_start3A_1398 = tpu.memref_slice %arg12[%dma_start3A_1396, %dma_start3A_1397] : memref<10240x128xf32, #tpu.memory_space<vmem_shared>> -> memref<10240x128xf32, #tpu.memory_space<vmem_shared>>
      tpu.enqueue_indirect_dma source(%arg10 : memref<125x128xf32, #tpu.memory_space<vmem>>) target(%dma_start3A_1398 : memref<10240x128xf32, #tpu.memory_space<vmem_shared>>) offsets(%dma_start3A_1395 : memref<125xi32, #tpu.memory_space<vmem>>) semaphore(%arg15 : memref<!tpu.dma_semaphore, #tpu.memory_space<semaphore_mem>>) {add = true}
      %dma_wait3A_1399 = arith.constant 7 : i32
      %dma_wait3A_1400 = arith.constant 0 : i32
      %dma_wait3A_1401 = tpu.memref_slice %arg8[%dma_wait3A_1399, %dma_wait3A_1400] : memref<10x125xi32, #tpu.memory_space<vmem>> -> memref<1x125xi32, #tpu.memory_space<vmem>>
      %dma_wait3A_1402 = tpu.memref_squeeze %dma_wait3A_1401 : memref<1x125xi32, #tpu.memory_space<vmem>> -> memref<125xi32, #tpu.memory_space<vmem>>
      %dma_wait3A_1403 = arith.constant 0 : i32
      %dma_wait3A_1404 = arith.constant 0 : i32
      %dma_wait3A_1405 = tpu.memref_slice %arg12[%dma_wait3A_1403, %dma_wait3A_1404] : memref<10240x128xf32, #tpu.memory_space<vmem_shared>> -> memref<10240x128xf32, #tpu.memory_space<vmem_shared>>
      tpu.wait_indirect_dma semaphore(%arg15 : memref<!tpu.dma_semaphore, #tpu.memory_space<semaphore_mem>>) src(%arg10 : memref<125x128xf32, #tpu.memory_space<vmem>>) dst(%dma_wait3A_1405 : memref<10240x128xf32, #tpu.memory_space<vmem_shared>>)
      %add3A_1406 = arith.constant 19 : i32
      %add3A_1407 = arith.addi %mul3A_266, %add3A_1406 : i32
      %lt3A_1408 = arith.constant 80 : i32
      %lt3A_1409 = arith.cmpi slt, %add3A_1407, %lt3A_1408 : i32
      %convert_element_type3A_1410 = arith.extui %lt3A_1409 : i1 to i32
      %cond3A_1411 = arith.constant 0 : i32
      %cond3A_1412 = arith.cmpi ne, %convert_element_type3A_1410, %cond3A_1411 : i32
      scf.if %cond3A_1412 {
        %dma_start3A_1543 = arith.constant 9 : i32
        %dma_start3A_1544 = arith.constant 0 : i32
        %dma_start3A_1545 = arith.constant 0 : i32
        %dma_start3A_1546 = tpu.memref_slice %arg10[%dma_start3A_1544, %dma_start3A_1545] : memref<125x128xf32, #tpu.memory_space<vmem>> -> memref<32x128xf32, #tpu.memory_space<vmem>>
        %dma_start3A_1547 = arith.constant 0 : i32
        %dma_start3A_1548 = tpu.memref_slice %arg7[%dma_start3A_1543, %dma_start3A_1547] : memref<10x125xi32, #tpu.memory_space<vmem>> -> memref<1x32xi32, #tpu.memory_space<vmem>>
        %dma_start3A_1549 = tpu.memref_squeeze %dma_start3A_1548 : memref<1x32xi32, #tpu.memory_space<vmem>> -> memref<32xi32, #tpu.memory_space<vmem>>
        %dma_start3A_1550 = arith.constant 0 : i32
        %dma_start3A_1551 = arith.constant 0 : i32
        %dma_start3A_1552 = tpu.memref_slice %arg2[%dma_start3A_1550, %dma_start3A_1551] : memref<10000x128xf32, #tpu.memory_space<hbm>> -> memref<10000x128xf32, #tpu.memory_space<hbm>>
        tpu.enqueue_indirect_dma source(%dma_start3A_1552 : memref<10000x128xf32, #tpu.memory_space<hbm>>) target(%dma_start3A_1546 : memref<32x128xf32, #tpu.memory_space<vmem>>) offsets(%dma_start3A_1549 : memref<32xi32, #tpu.memory_space<vmem>>) semaphore(%arg14 : memref<!tpu.dma_semaphore, #tpu.memory_space<semaphore_mem>>)
        %dma_start3A_1553 = arith.constant 9 : i32
        %dma_start3A_1554 = arith.constant 32 : i32
        %dma_start3A_1555 = arith.constant 0 : i32
        %dma_start3A_1556 = tpu.memref_slice %arg10[%dma_start3A_1554, %dma_start3A_1555] : memref<125x128xf32, #tpu.memory_space<vmem>> -> memref<32x128xf32, #tpu.memory_space<vmem>>
        %dma_start3A_1557 = arith.constant 32 : i32
        %dma_start3A_1558 = tpu.memref_slice %arg7[%dma_start3A_1553, %dma_start3A_1557] : memref<10x125xi32, #tpu.memory_space<vmem>> -> memref<1x32xi32, #tpu.memory_space<vmem>>
        %dma_start3A_1559 = tpu.memref_squeeze %dma_start3A_1558 : memref<1x32xi32, #tpu.memory_space<vmem>> -> memref<32xi32, #tpu.memory_space<vmem>>
        %dma_start3A_1560 = arith.constant 0 : i32
        %dma_start3A_1561 = arith.constant 0 : i32
        %dma_start3A_1562 = tpu.memref_slice %arg2[%dma_start3A_1560, %dma_start3A_1561] : memref<10000x128xf32, #tpu.memory_space<hbm>> -> memref<10000x128xf32, #tpu.memory_space<hbm>>
        tpu.enqueue_indirect_dma source(%dma_start3A_1562 : memref<10000x128xf32, #tpu.memory_space<hbm>>) target(%dma_start3A_1556 : memref<32x128xf32, #tpu.memory_space<vmem>>) offsets(%dma_start3A_1559 : memref<32xi32, #tpu.memory_space<vmem>>) semaphore(%arg14 : memref<!tpu.dma_semaphore, #tpu.memory_space<semaphore_mem>>)
        %dma_start3A_1563 = arith.constant 9 : i32
        %dma_start3A_1564 = arith.constant 64 : i32
        %dma_start3A_1565 = arith.constant 0 : i32
        %dma_start3A_1566 = tpu.memref_slice %arg10[%dma_start3A_1564, %dma_start3A_1565] : memref<125x128xf32, #tpu.memory_space<vmem>> -> memref<32x128xf32, #tpu.memory_space<vmem>>
        %dma_start3A_1567 = arith.constant 64 : i32
        %dma_start3A_1568 = tpu.memref_slice %arg7[%dma_start3A_1563, %dma_start3A_1567] : memref<10x125xi32, #tpu.memory_space<vmem>> -> memref<1x32xi32, #tpu.memory_space<vmem>>
        %dma_start3A_1569 = tpu.memref_squeeze %dma_start3A_1568 : memref<1x32xi32, #tpu.memory_space<vmem>> -> memref<32xi32, #tpu.memory_space<vmem>>
        %dma_start3A_1570 = arith.constant 0 : i32
        %dma_start3A_1571 = arith.constant 0 : i32
        %dma_start3A_1572 = tpu.memref_slice %arg2[%dma_start3A_1570, %dma_start3A_1571] : memref<10000x128xf32, #tpu.memory_space<hbm>> -> memref<10000x128xf32, #tpu.memory_space<hbm>>
        tpu.enqueue_indirect_dma source(%dma_start3A_1572 : memref<10000x128xf32, #tpu.memory_space<hbm>>) target(%dma_start3A_1566 : memref<32x128xf32, #tpu.memory_space<vmem>>) offsets(%dma_start3A_1569 : memref<32xi32, #tpu.memory_space<vmem>>) semaphore(%arg14 : memref<!tpu.dma_semaphore, #tpu.memory_space<semaphore_mem>>)
        %dma_start3A_1573 = arith.constant 9 : i32
        %dma_start3A_1574 = arith.constant 96 : i32
        %dma_start3A_1575 = arith.constant 0 : i32
        %dma_start3A_1576 = tpu.memref_slice %arg10[%dma_start3A_1574, %dma_start3A_1575] : memref<125x128xf32, #tpu.memory_space<vmem>> -> memref<29x128xf32, #tpu.memory_space<vmem>>
        %dma_start3A_1577 = arith.constant 96 : i32
        %dma_start3A_1578 = tpu.memref_slice %arg7[%dma_start3A_1573, %dma_start3A_1577] : memref<10x125xi32, #tpu.memory_space<vmem>> -> memref<1x29xi32, #tpu.memory_space<vmem>>
        %dma_start3A_1579 = tpu.memref_squeeze %dma_start3A_1578 : memref<1x29xi32, #tpu.memory_space<vmem>> -> memref<29xi32, #tpu.memory_space<vmem>>
        %dma_start3A_1580 = arith.constant 0 : i32
        %dma_start3A_1581 = arith.constant 0 : i32
        %dma_start3A_1582 = tpu.memref_slice %arg2[%dma_start3A_1580, %dma_start3A_1581] : memref<10000x128xf32, #tpu.memory_space<hbm>> -> memref<10000x128xf32, #tpu.memory_space<hbm>>
        tpu.enqueue_indirect_dma source(%dma_start3A_1582 : memref<10000x128xf32, #tpu.memory_space<hbm>>) target(%dma_start3A_1576 : memref<29x128xf32, #tpu.memory_space<vmem>>) offsets(%dma_start3A_1579 : memref<29xi32, #tpu.memory_space<vmem>>) semaphore(%arg14 : memref<!tpu.dma_semaphore, #tpu.memory_space<semaphore_mem>>)
      } else {
      }
      %dma_wait3A_1413 = arith.constant 8 : i32
      %dma_wait3A_1414 = arith.constant 0 : i32
      %dma_wait3A_1415 = arith.constant 0 : i32
      %dma_wait3A_1416 = tpu.memref_slice %arg9[%dma_wait3A_1414, %dma_wait3A_1415] : memref<125x128xf32, #tpu.memory_space<vmem>> -> memref<32x128xf32, #tpu.memory_space<vmem>>
      %dma_wait3A_1417 = arith.constant 0 : i32
      %dma_wait3A_1418 = tpu.memref_slice %arg7[%dma_wait3A_1413, %dma_wait3A_1417] : memref<10x125xi32, #tpu.memory_space<vmem>> -> memref<1x32xi32, #tpu.memory_space<vmem>>
      %dma_wait3A_1419 = tpu.memref_squeeze %dma_wait3A_1418 : memref<1x32xi32, #tpu.memory_space<vmem>> -> memref<32xi32, #tpu.memory_space<vmem>>
      %dma_wait3A_1420 = arith.constant 0 : i32
      %dma_wait3A_1421 = arith.constant 0 : i32
      %dma_wait3A_1422 = tpu.memref_slice %arg2[%dma_wait3A_1420, %dma_wait3A_1421] : memref<10000x128xf32, #tpu.memory_space<hbm>> -> memref<10000x128xf32, #tpu.memory_space<hbm>>
      tpu.wait_indirect_dma semaphore(%arg13 : memref<!tpu.dma_semaphore, #tpu.memory_space<semaphore_mem>>) src(%dma_wait3A_1422 : memref<10000x128xf32, #tpu.memory_space<hbm>>) dst(%dma_wait3A_1416 : memref<32x128xf32, #tpu.memory_space<vmem>>)
      %dma_wait3A_1423 = arith.constant 8 : i32
      %dma_wait3A_1424 = arith.constant 32 : i32
      %dma_wait3A_1425 = arith.constant 0 : i32
      %dma_wait3A_1426 = tpu.memref_slice %arg9[%dma_wait3A_1424, %dma_wait3A_1425] : memref<125x128xf32, #tpu.memory_space<vmem>> -> memref<32x128xf32, #tpu.memory_space<vmem>>
      %dma_wait3A_1427 = arith.constant 32 : i32
      %dma_wait3A_1428 = tpu.memref_slice %arg7[%dma_wait3A_1423, %dma_wait3A_1427] : memref<10x125xi32, #tpu.memory_space<vmem>> -> memref<1x32xi32, #tpu.memory_space<vmem>>
      %dma_wait3A_1429 = tpu.memref_squeeze %dma_wait3A_1428 : memref<1x32xi32, #tpu.memory_space<vmem>> -> memref<32xi32, #tpu.memory_space<vmem>>
      %dma_wait3A_1430 = arith.constant 0 : i32
      %dma_wait3A_1431 = arith.constant 0 : i32
      %dma_wait3A_1432 = tpu.memref_slice %arg2[%dma_wait3A_1430, %dma_wait3A_1431] : memref<10000x128xf32, #tpu.memory_space<hbm>> -> memref<10000x128xf32, #tpu.memory_space<hbm>>
      tpu.wait_indirect_dma semaphore(%arg13 : memref<!tpu.dma_semaphore, #tpu.memory_space<semaphore_mem>>) src(%dma_wait3A_1432 : memref<10000x128xf32, #tpu.memory_space<hbm>>) dst(%dma_wait3A_1426 : memref<32x128xf32, #tpu.memory_space<vmem>>)
      %dma_wait3A_1433 = arith.constant 8 : i32
      %dma_wait3A_1434 = arith.constant 64 : i32
      %dma_wait3A_1435 = arith.constant 0 : i32
      %dma_wait3A_1436 = tpu.memref_slice %arg9[%dma_wait3A_1434, %dma_wait3A_1435] : memref<125x128xf32, #tpu.memory_space<vmem>> -> memref<32x128xf32, #tpu.memory_space<vmem>>
      %dma_wait3A_1437 = arith.constant 64 : i32
      %dma_wait3A_1438 = tpu.memref_slice %arg7[%dma_wait3A_1433, %dma_wait3A_1437] : memref<10x125xi32, #tpu.memory_space<vmem>> -> memref<1x32xi32, #tpu.memory_space<vmem>>
      %dma_wait3A_1439 = tpu.memref_squeeze %dma_wait3A_1438 : memref<1x32xi32, #tpu.memory_space<vmem>> -> memref<32xi32, #tpu.memory_space<vmem>>
      %dma_wait3A_1440 = arith.constant 0 : i32
      %dma_wait3A_1441 = arith.constant 0 : i32
      %dma_wait3A_1442 = tpu.memref_slice %arg2[%dma_wait3A_1440, %dma_wait3A_1441] : memref<10000x128xf32, #tpu.memory_space<hbm>> -> memref<10000x128xf32, #tpu.memory_space<hbm>>
      tpu.wait_indirect_dma semaphore(%arg13 : memref<!tpu.dma_semaphore, #tpu.memory_space<semaphore_mem>>) src(%dma_wait3A_1442 : memref<10000x128xf32, #tpu.memory_space<hbm>>) dst(%dma_wait3A_1436 : memref<32x128xf32, #tpu.memory_space<vmem>>)
      %dma_wait3A_1443 = arith.constant 8 : i32
      %dma_wait3A_1444 = arith.constant 96 : i32
      %dma_wait3A_1445 = arith.constant 0 : i32
      %dma_wait3A_1446 = tpu.memref_slice %arg9[%dma_wait3A_1444, %dma_wait3A_1445] : memref<125x128xf32, #tpu.memory_space<vmem>> -> memref<29x128xf32, #tpu.memory_space<vmem>>
      %dma_wait3A_1447 = arith.constant 96 : i32
      %dma_wait3A_1448 = tpu.memref_slice %arg7[%dma_wait3A_1443, %dma_wait3A_1447] : memref<10x125xi32, #tpu.memory_space<vmem>> -> memref<1x29xi32, #tpu.memory_space<vmem>>
      %dma_wait3A_1449 = tpu.memref_squeeze %dma_wait3A_1448 : memref<1x29xi32, #tpu.memory_space<vmem>> -> memref<29xi32, #tpu.memory_space<vmem>>
      %dma_wait3A_1450 = arith.constant 0 : i32
      %dma_wait3A_1451 = arith.constant 0 : i32
      %dma_wait3A_1452 = tpu.memref_slice %arg2[%dma_wait3A_1450, %dma_wait3A_1451] : memref<10000x128xf32, #tpu.memory_space<hbm>> -> memref<10000x128xf32, #tpu.memory_space<hbm>>
      tpu.wait_indirect_dma semaphore(%arg13 : memref<!tpu.dma_semaphore, #tpu.memory_space<semaphore_mem>>) src(%dma_wait3A_1452 : memref<10000x128xf32, #tpu.memory_space<hbm>>) dst(%dma_wait3A_1446 : memref<29x128xf32, #tpu.memory_space<vmem>>)
      %dma_start3A_1453 = arith.constant 8 : i32
      %dma_start3A_1454 = arith.constant 0 : i32
      %dma_start3A_1455 = tpu.memref_slice %arg8[%dma_start3A_1453, %dma_start3A_1454] : memref<10x125xi32, #tpu.memory_space<vmem>> -> memref<1x125xi32, #tpu.memory_space<vmem>>
      %dma_start3A_1456 = tpu.memref_squeeze %dma_start3A_1455 : memref<1x125xi32, #tpu.memory_space<vmem>> -> memref<125xi32, #tpu.memory_space<vmem>>
      %dma_start3A_1457 = arith.constant 0 : i32
      %dma_start3A_1458 = arith.constant 0 : i32
      %dma_start3A_1459 = tpu.memref_slice %arg12[%dma_start3A_1457, %dma_start3A_1458] : memref<10240x128xf32, #tpu.memory_space<vmem_shared>> -> memref<10240x128xf32, #tpu.memory_space<vmem_shared>>
      tpu.enqueue_indirect_dma source(%arg9 : memref<125x128xf32, #tpu.memory_space<vmem>>) target(%dma_start3A_1459 : memref<10240x128xf32, #tpu.memory_space<vmem_shared>>) offsets(%dma_start3A_1456 : memref<125xi32, #tpu.memory_space<vmem>>) semaphore(%arg15 : memref<!tpu.dma_semaphore, #tpu.memory_space<semaphore_mem>>) {add = true}
      %dma_wait3A_1460 = arith.constant 8 : i32
      %dma_wait3A_1461 = arith.constant 0 : i32
      %dma_wait3A_1462 = tpu.memref_slice %arg8[%dma_wait3A_1460, %dma_wait3A_1461] : memref<10x125xi32, #tpu.memory_space<vmem>> -> memref<1x125xi32, #tpu.memory_space<vmem>>
      %dma_wait3A_1463 = tpu.memref_squeeze %dma_wait3A_1462 : memref<1x125xi32, #tpu.memory_space<vmem>> -> memref<125xi32, #tpu.memory_space<vmem>>
      %dma_wait3A_1464 = arith.constant 0 : i32
      %dma_wait3A_1465 = arith.constant 0 : i32
      %dma_wait3A_1466 = tpu.memref_slice %arg12[%dma_wait3A_1464, %dma_wait3A_1465] : memref<10240x128xf32, #tpu.memory_space<vmem_shared>> -> memref<10240x128xf32, #tpu.memory_space<vmem_shared>>
      tpu.wait_indirect_dma semaphore(%arg15 : memref<!tpu.dma_semaphore, #tpu.memory_space<semaphore_mem>>) src(%arg9 : memref<125x128xf32, #tpu.memory_space<vmem>>) dst(%dma_wait3A_1466 : memref<10240x128xf32, #tpu.memory_space<vmem_shared>>)
      %add3A_1467 = arith.constant 20 : i32
      %add3A_1468 = arith.addi %mul3A_266, %add3A_1467 : i32
      %lt3A_1469 = arith.constant 80 : i32
      %lt3A_1470 = arith.cmpi slt, %add3A_1468, %lt3A_1469 : i32
      %convert_element_type3A_1471 = arith.extui %lt3A_1470 : i1 to i32
      %cond3A_1472 = arith.constant 0 : i32
      %cond3A_1473 = arith.cmpi ne, %convert_element_type3A_1471, %cond3A_1472 : i32
      scf.if %cond3A_1473 {
        %mul3A_1543 = arith.constant 2 : i32
        %mul3A_1544 = arith.muli %mul3A_1543, %scan3A_263 : i32
        %add3A_1545 = arith.constant 2 : i32
        %add3A_1546 = arith.addi %mul3A_1544, %add3A_1545 : i32
        %dma_wait3A_1547 = arith.constant 0 : i32
        %dma_wait3A_1548 = arith.constant 0 : i32
        %dma_wait3A_1549 = arith.constant 0 : i32
        %dma_wait3A_1550 = tpu.memref_slice %arg3[%dma_wait3A_1547, %arg0, %arg1, %add3A_1546, %dma_wait3A_1548, %dma_wait3A_1549] : memref<2x2x16x8x10x125xi32, #tpu.memory_space<hbm>> -> memref<1x1x1x1x10x125xi32, #tpu.memory_space<hbm>>
        %dma_wait3A_1551 = tpu.memref_squeeze %dma_wait3A_1550 : memref<1x1x1x1x10x125xi32, #tpu.memory_space<hbm>> -> memref<10x125xi32, #tpu.memory_space<hbm>>
        %dma_wait3A_1552 = arith.constant 0 : i32
        %dma_wait3A_1553 = arith.constant 0 : i32
        %dma_wait3A_1554 = tpu.memref_slice %arg3[%dma_wait3A_1547, %arg0, %arg1, %add3A_1546, %dma_wait3A_1552, %dma_wait3A_1553] : memref<2x2x16x8x10x125xi32, #tpu.memory_space<hbm>> -> memref<1x1x1x1x10x125xi32, #tpu.memory_space<hbm>>
        %dma_wait3A_1555 = tpu.memref_squeeze %dma_wait3A_1554 : memref<1x1x1x1x10x125xi32, #tpu.memory_space<hbm>> -> memref<10x125xi32, #tpu.memory_space<hbm>>
        tpu.wait_dma2 semaphore(%arg16 : memref<!tpu.dma_semaphore, #tpu.memory_space<semaphore_mem>>) src(%dma_wait3A_1555 : memref<10x125xi32, #tpu.memory_space<hbm>>) dst(%arg5 : memref<10x125xi32, #tpu.memory_space<vmem>>)
        %dma_wait3A_1556 = arith.constant 1 : i32
        %dma_wait3A_1557 = arith.constant 0 : i32
        %dma_wait3A_1558 = arith.constant 0 : i32
        %dma_wait3A_1559 = tpu.memref_slice %arg3[%dma_wait3A_1556, %arg0, %arg1, %add3A_1546, %dma_wait3A_1557, %dma_wait3A_1558] : memref<2x2x16x8x10x125xi32, #tpu.memory_space<hbm>> -> memref<1x1x1x1x10x125xi32, #tpu.memory_space<hbm>>
        %dma_wait3A_1560 = tpu.memref_squeeze %dma_wait3A_1559 : memref<1x1x1x1x10x125xi32, #tpu.memory_space<hbm>> -> memref<10x125xi32, #tpu.memory_space<hbm>>
        %dma_wait3A_1561 = arith.constant 0 : i32
        %dma_wait3A_1562 = arith.constant 0 : i32
        %dma_wait3A_1563 = tpu.memref_slice %arg3[%dma_wait3A_1556, %arg0, %arg1, %add3A_1546, %dma_wait3A_1561, %dma_wait3A_1562] : memref<2x2x16x8x10x125xi32, #tpu.memory_space<hbm>> -> memref<1x1x1x1x10x125xi32, #tpu.memory_space<hbm>>
        %dma_wait3A_1564 = tpu.memref_squeeze %dma_wait3A_1563 : memref<1x1x1x1x10x125xi32, #tpu.memory_space<hbm>> -> memref<10x125xi32, #tpu.memory_space<hbm>>
        tpu.wait_dma2 semaphore(%arg16 : memref<!tpu.dma_semaphore, #tpu.memory_space<semaphore_mem>>) src(%dma_wait3A_1564 : memref<10x125xi32, #tpu.memory_space<hbm>>) dst(%arg6 : memref<10x125xi32, #tpu.memory_space<vmem>>)
      } else {
      }
      %add3A_1474 = arith.constant 20 : i32
      %add3A_1475 = arith.addi %mul3A_266, %add3A_1474 : i32
      %lt3A_1476 = arith.constant 80 : i32
      %lt3A_1477 = arith.cmpi slt, %add3A_1475, %lt3A_1476 : i32
      %convert_element_type3A_1478 = arith.extui %lt3A_1477 : i1 to i32
      %cond3A_1479 = arith.constant 0 : i32
      %cond3A_1480 = arith.cmpi ne, %convert_element_type3A_1478, %cond3A_1479 : i32
      scf.if %cond3A_1480 {
        %dma_start3A_1543 = arith.constant 0 : i32
        %dma_start3A_1544 = arith.constant 0 : i32
        %dma_start3A_1545 = arith.constant 0 : i32
        %dma_start3A_1546 = tpu.memref_slice %arg9[%dma_start3A_1544, %dma_start3A_1545] : memref<125x128xf32, #tpu.memory_space<vmem>> -> memref<32x128xf32, #tpu.memory_space<vmem>>
        %dma_start3A_1547 = arith.constant 0 : i32
        %dma_start3A_1548 = tpu.memref_slice %arg5[%dma_start3A_1543, %dma_start3A_1547] : memref<10x125xi32, #tpu.memory_space<vmem>> -> memref<1x32xi32, #tpu.memory_space<vmem>>
        %dma_start3A_1549 = tpu.memref_squeeze %dma_start3A_1548 : memref<1x32xi32, #tpu.memory_space<vmem>> -> memref<32xi32, #tpu.memory_space<vmem>>
        %dma_start3A_1550 = arith.constant 0 : i32
        %dma_start3A_1551 = arith.constant 0 : i32
        %dma_start3A_1552 = tpu.memref_slice %arg2[%dma_start3A_1550, %dma_start3A_1551] : memref<10000x128xf32, #tpu.memory_space<hbm>> -> memref<10000x128xf32, #tpu.memory_space<hbm>>
        tpu.enqueue_indirect_dma source(%dma_start3A_1552 : memref<10000x128xf32, #tpu.memory_space<hbm>>) target(%dma_start3A_1546 : memref<32x128xf32, #tpu.memory_space<vmem>>) offsets(%dma_start3A_1549 : memref<32xi32, #tpu.memory_space<vmem>>) semaphore(%arg13 : memref<!tpu.dma_semaphore, #tpu.memory_space<semaphore_mem>>)
        %dma_start3A_1553 = arith.constant 0 : i32
        %dma_start3A_1554 = arith.constant 32 : i32
        %dma_start3A_1555 = arith.constant 0 : i32
        %dma_start3A_1556 = tpu.memref_slice %arg9[%dma_start3A_1554, %dma_start3A_1555] : memref<125x128xf32, #tpu.memory_space<vmem>> -> memref<32x128xf32, #tpu.memory_space<vmem>>
        %dma_start3A_1557 = arith.constant 32 : i32
        %dma_start3A_1558 = tpu.memref_slice %arg5[%dma_start3A_1553, %dma_start3A_1557] : memref<10x125xi32, #tpu.memory_space<vmem>> -> memref<1x32xi32, #tpu.memory_space<vmem>>
        %dma_start3A_1559 = tpu.memref_squeeze %dma_start3A_1558 : memref<1x32xi32, #tpu.memory_space<vmem>> -> memref<32xi32, #tpu.memory_space<vmem>>
        %dma_start3A_1560 = arith.constant 0 : i32
        %dma_start3A_1561 = arith.constant 0 : i32
        %dma_start3A_1562 = tpu.memref_slice %arg2[%dma_start3A_1560, %dma_start3A_1561] : memref<10000x128xf32, #tpu.memory_space<hbm>> -> memref<10000x128xf32, #tpu.memory_space<hbm>>
        tpu.enqueue_indirect_dma source(%dma_start3A_1562 : memref<10000x128xf32, #tpu.memory_space<hbm>>) target(%dma_start3A_1556 : memref<32x128xf32, #tpu.memory_space<vmem>>) offsets(%dma_start3A_1559 : memref<32xi32, #tpu.memory_space<vmem>>) semaphore(%arg13 : memref<!tpu.dma_semaphore, #tpu.memory_space<semaphore_mem>>)
        %dma_start3A_1563 = arith.constant 0 : i32
        %dma_start3A_1564 = arith.constant 64 : i32
        %dma_start3A_1565 = arith.constant 0 : i32
        %dma_start3A_1566 = tpu.memref_slice %arg9[%dma_start3A_1564, %dma_start3A_1565] : memref<125x128xf32, #tpu.memory_space<vmem>> -> memref<32x128xf32, #tpu.memory_space<vmem>>
        %dma_start3A_1567 = arith.constant 64 : i32
        %dma_start3A_1568 = tpu.memref_slice %arg5[%dma_start3A_1563, %dma_start3A_1567] : memref<10x125xi32, #tpu.memory_space<vmem>> -> memref<1x32xi32, #tpu.memory_space<vmem>>
        %dma_start3A_1569 = tpu.memref_squeeze %dma_start3A_1568 : memref<1x32xi32, #tpu.memory_space<vmem>> -> memref<32xi32, #tpu.memory_space<vmem>>
        %dma_start3A_1570 = arith.constant 0 : i32
        %dma_start3A_1571 = arith.constant 0 : i32
        %dma_start3A_1572 = tpu.memref_slice %arg2[%dma_start3A_1570, %dma_start3A_1571] : memref<10000x128xf32, #tpu.memory_space<hbm>> -> memref<10000x128xf32, #tpu.memory_space<hbm>>
        tpu.enqueue_indirect_dma source(%dma_start3A_1572 : memref<10000x128xf32, #tpu.memory_space<hbm>>) target(%dma_start3A_1566 : memref<32x128xf32, #tpu.memory_space<vmem>>) offsets(%dma_start3A_1569 : memref<32xi32, #tpu.memory_space<vmem>>) semaphore(%arg13 : memref<!tpu.dma_semaphore, #tpu.memory_space<semaphore_mem>>)
        %dma_start3A_1573 = arith.constant 0 : i32
        %dma_start3A_1574 = arith.constant 96 : i32
        %dma_start3A_1575 = arith.constant 0 : i32
        %dma_start3A_1576 = tpu.memref_slice %arg9[%dma_start3A_1574, %dma_start3A_1575] : memref<125x128xf32, #tpu.memory_space<vmem>> -> memref<29x128xf32, #tpu.memory_space<vmem>>
        %dma_start3A_1577 = arith.constant 96 : i32
        %dma_start3A_1578 = tpu.memref_slice %arg5[%dma_start3A_1573, %dma_start3A_1577] : memref<10x125xi32, #tpu.memory_space<vmem>> -> memref<1x29xi32, #tpu.memory_space<vmem>>
        %dma_start3A_1579 = tpu.memref_squeeze %dma_start3A_1578 : memref<1x29xi32, #tpu.memory_space<vmem>> -> memref<29xi32, #tpu.memory_space<vmem>>
        %dma_start3A_1580 = arith.constant 0 : i32
        %dma_start3A_1581 = arith.constant 0 : i32
        %dma_start3A_1582 = tpu.memref_slice %arg2[%dma_start3A_1580, %dma_start3A_1581] : memref<10000x128xf32, #tpu.memory_space<hbm>> -> memref<10000x128xf32, #tpu.memory_space<hbm>>
        tpu.enqueue_indirect_dma source(%dma_start3A_1582 : memref<10000x128xf32, #tpu.memory_space<hbm>>) target(%dma_start3A_1576 : memref<29x128xf32, #tpu.memory_space<vmem>>) offsets(%dma_start3A_1579 : memref<29xi32, #tpu.memory_space<vmem>>) semaphore(%arg13 : memref<!tpu.dma_semaphore, #tpu.memory_space<semaphore_mem>>)
      } else {
      }
      %dma_wait3A_1481 = arith.constant 9 : i32
      %dma_wait3A_1482 = arith.constant 0 : i32
      %dma_wait3A_1483 = arith.constant 0 : i32
      %dma_wait3A_1484 = tpu.memref_slice %arg10[%dma_wait3A_1482, %dma_wait3A_1483] : memref<125x128xf32, #tpu.memory_space<vmem>> -> memref<32x128xf32, #tpu.memory_space<vmem>>
      %dma_wait3A_1485 = arith.constant 0 : i32
      %dma_wait3A_1486 = tpu.memref_slice %arg7[%dma_wait3A_1481, %dma_wait3A_1485] : memref<10x125xi32, #tpu.memory_space<vmem>> -> memref<1x32xi32, #tpu.memory_space<vmem>>
      %dma_wait3A_1487 = tpu.memref_squeeze %dma_wait3A_1486 : memref<1x32xi32, #tpu.memory_space<vmem>> -> memref<32xi32, #tpu.memory_space<vmem>>
      %dma_wait3A_1488 = arith.constant 0 : i32
      %dma_wait3A_1489 = arith.constant 0 : i32
      %dma_wait3A_1490 = tpu.memref_slice %arg2[%dma_wait3A_1488, %dma_wait3A_1489] : memref<10000x128xf32, #tpu.memory_space<hbm>> -> memref<10000x128xf32, #tpu.memory_space<hbm>>
      tpu.wait_indirect_dma semaphore(%arg14 : memref<!tpu.dma_semaphore, #tpu.memory_space<semaphore_mem>>) src(%dma_wait3A_1490 : memref<10000x128xf32, #tpu.memory_space<hbm>>) dst(%dma_wait3A_1484 : memref<32x128xf32, #tpu.memory_space<vmem>>)
      %dma_wait3A_1491 = arith.constant 9 : i32
      %dma_wait3A_1492 = arith.constant 32 : i32
      %dma_wait3A_1493 = arith.constant 0 : i32
      %dma_wait3A_1494 = tpu.memref_slice %arg10[%dma_wait3A_1492, %dma_wait3A_1493] : memref<125x128xf32, #tpu.memory_space<vmem>> -> memref<32x128xf32, #tpu.memory_space<vmem>>
      %dma_wait3A_1495 = arith.constant 32 : i32
      %dma_wait3A_1496 = tpu.memref_slice %arg7[%dma_wait3A_1491, %dma_wait3A_1495] : memref<10x125xi32, #tpu.memory_space<vmem>> -> memref<1x32xi32, #tpu.memory_space<vmem>>
      %dma_wait3A_1497 = tpu.memref_squeeze %dma_wait3A_1496 : memref<1x32xi32, #tpu.memory_space<vmem>> -> memref<32xi32, #tpu.memory_space<vmem>>
      %dma_wait3A_1498 = arith.constant 0 : i32
      %dma_wait3A_1499 = arith.constant 0 : i32
      %dma_wait3A_1500 = tpu.memref_slice %arg2[%dma_wait3A_1498, %dma_wait3A_1499] : memref<10000x128xf32, #tpu.memory_space<hbm>> -> memref<10000x128xf32, #tpu.memory_space<hbm>>
      tpu.wait_indirect_dma semaphore(%arg14 : memref<!tpu.dma_semaphore, #tpu.memory_space<semaphore_mem>>) src(%dma_wait3A_1500 : memref<10000x128xf32, #tpu.memory_space<hbm>>) dst(%dma_wait3A_1494 : memref<32x128xf32, #tpu.memory_space<vmem>>)
      %dma_wait3A_1501 = arith.constant 9 : i32
      %dma_wait3A_1502 = arith.constant 64 : i32
      %dma_wait3A_1503 = arith.constant 0 : i32
      %dma_wait3A_1504 = tpu.memref_slice %arg10[%dma_wait3A_1502, %dma_wait3A_1503] : memref<125x128xf32, #tpu.memory_space<vmem>> -> memref<32x128xf32, #tpu.memory_space<vmem>>
      %dma_wait3A_1505 = arith.constant 64 : i32
      %dma_wait3A_1506 = tpu.memref_slice %arg7[%dma_wait3A_1501, %dma_wait3A_1505] : memref<10x125xi32, #tpu.memory_space<vmem>> -> memref<1x32xi32, #tpu.memory_space<vmem>>
      %dma_wait3A_1507 = tpu.memref_squeeze %dma_wait3A_1506 : memref<1x32xi32, #tpu.memory_space<vmem>> -> memref<32xi32, #tpu.memory_space<vmem>>
      %dma_wait3A_1508 = arith.constant 0 : i32
      %dma_wait3A_1509 = arith.constant 0 : i32
      %dma_wait3A_1510 = tpu.memref_slice %arg2[%dma_wait3A_1508, %dma_wait3A_1509] : memref<10000x128xf32, #tpu.memory_space<hbm>> -> memref<10000x128xf32, #tpu.memory_space<hbm>>
      tpu.wait_indirect_dma semaphore(%arg14 : memref<!tpu.dma_semaphore, #tpu.memory_space<semaphore_mem>>) src(%dma_wait3A_1510 : memref<10000x128xf32, #tpu.memory_space<hbm>>) dst(%dma_wait3A_1504 : memref<32x128xf32, #tpu.memory_space<vmem>>)
      %dma_wait3A_1511 = arith.constant 9 : i32
      %dma_wait3A_1512 = arith.constant 96 : i32
      %dma_wait3A_1513 = arith.constant 0 : i32
      %dma_wait3A_1514 = tpu.memref_slice %arg10[%dma_wait3A_1512, %dma_wait3A_1513] : memref<125x128xf32, #tpu.memory_space<vmem>> -> memref<29x128xf32, #tpu.memory_space<vmem>>
      %dma_wait3A_1515 = arith.constant 96 : i32
      %dma_wait3A_1516 = tpu.memref_slice %arg7[%dma_wait3A_1511, %dma_wait3A_1515] : memref<10x125xi32, #tpu.memory_space<vmem>> -> memref<1x29xi32, #tpu.memory_space<vmem>>
      %dma_wait3A_1517 = tpu.memref_squeeze %dma_wait3A_1516 : memref<1x29xi32, #tpu.memory_space<vmem>> -> memref<29xi32, #tpu.memory_space<vmem>>
      %dma_wait3A_1518 = arith.constant 0 : i32
      %dma_wait3A_1519 = arith.constant 0 : i32
      %dma_wait3A_1520 = tpu.memref_slice %arg2[%dma_wait3A_1518, %dma_wait3A_1519] : memref<10000x128xf32, #tpu.memory_space<hbm>> -> memref<10000x128xf32, #tpu.memory_space<hbm>>
      tpu.wait_indirect_dma semaphore(%arg14 : memref<!tpu.dma_semaphore, #tpu.memory_space<semaphore_mem>>) src(%dma_wait3A_1520 : memref<10000x128xf32, #tpu.memory_space<hbm>>) dst(%dma_wait3A_1514 : memref<29x128xf32, #tpu.memory_space<vmem>>)
      %dma_start3A_1521 = arith.constant 9 : i32
      %dma_start3A_1522 = arith.constant 0 : i32
      %dma_start3A_1523 = tpu.memref_slice %arg8[%dma_start3A_1521, %dma_start3A_1522] : memref<10x125xi32, #tpu.memory_space<vmem>> -> memref<1x125xi32, #tpu.memory_space<vmem>>
      %dma_start3A_1524 = tpu.memref_squeeze %dma_start3A_1523 : memref<1x125xi32, #tpu.memory_space<vmem>> -> memref<125xi32, #tpu.memory_space<vmem>>
      %dma_start3A_1525 = arith.constant 0 : i32
      %dma_start3A_1526 = arith.constant 0 : i32
      %dma_start3A_1527 = tpu.memref_slice %arg12[%dma_start3A_1525, %dma_start3A_1526] : memref<10240x128xf32, #tpu.memory_space<vmem_shared>> -> memref<10240x128xf32, #tpu.memory_space<vmem_shared>>
      tpu.enqueue_indirect_dma source(%arg10 : memref<125x128xf32, #tpu.memory_space<vmem>>) target(%dma_start3A_1527 : memref<10240x128xf32, #tpu.memory_space<vmem_shared>>) offsets(%dma_start3A_1524 : memref<125xi32, #tpu.memory_space<vmem>>) semaphore(%arg15 : memref<!tpu.dma_semaphore, #tpu.memory_space<semaphore_mem>>) {add = true}
      %dma_wait3A_1528 = arith.constant 9 : i32
      %dma_wait3A_1529 = arith.constant 0 : i32
      %dma_wait3A_1530 = tpu.memref_slice %arg8[%dma_wait3A_1528, %dma_wait3A_1529] : memref<10x125xi32, #tpu.memory_space<vmem>> -> memref<1x125xi32, #tpu.memory_space<vmem>>
      %dma_wait3A_1531 = tpu.memref_squeeze %dma_wait3A_1530 : memref<1x125xi32, #tpu.memory_space<vmem>> -> memref<125xi32, #tpu.memory_space<vmem>>
      %dma_wait3A_1532 = arith.constant 0 : i32
      %dma_wait3A_1533 = arith.constant 0 : i32
      %dma_wait3A_1534 = tpu.memref_slice %arg12[%dma_wait3A_1532, %dma_wait3A_1533] : memref<10240x128xf32, #tpu.memory_space<vmem_shared>> -> memref<10240x128xf32, #tpu.memory_space<vmem_shared>>
      tpu.wait_indirect_dma semaphore(%arg15 : memref<!tpu.dma_semaphore, #tpu.memory_space<semaphore_mem>>) src(%arg10 : memref<125x128xf32, #tpu.memory_space<vmem>>) dst(%dma_wait3A_1534 : memref<10240x128xf32, #tpu.memory_space<vmem_shared>>)
      %add3A_1535 = arith.constant 21 : i32
      %add3A_1536 = arith.addi %mul3A_266, %add3A_1535 : i32
      %lt3A_1537 = arith.constant 80 : i32
      %lt3A_1538 = arith.cmpi slt, %add3A_1536, %lt3A_1537 : i32
      %convert_element_type3A_1539 = arith.extui %lt3A_1538 : i1 to i32
      %cond3A_1540 = arith.constant 0 : i32
      %cond3A_1541 = arith.cmpi ne, %convert_element_type3A_1539, %cond3A_1540 : i32
      scf.if %cond3A_1541 {
        %dma_start3A_1543 = arith.constant 1 : i32
        %dma_start3A_1544 = arith.constant 0 : i32
        %dma_start3A_1545 = arith.constant 0 : i32
        %dma_start3A_1546 = tpu.memref_slice %arg10[%dma_start3A_1544, %dma_start3A_1545] : memref<125x128xf32, #tpu.memory_space<vmem>> -> memref<32x128xf32, #tpu.memory_space<vmem>>
        %dma_start3A_1547 = arith.constant 0 : i32
        %dma_start3A_1548 = tpu.memref_slice %arg5[%dma_start3A_1543, %dma_start3A_1547] : memref<10x125xi32, #tpu.memory_space<vmem>> -> memref<1x32xi32, #tpu.memory_space<vmem>>
        %dma_start3A_1549 = tpu.memref_squeeze %dma_start3A_1548 : memref<1x32xi32, #tpu.memory_space<vmem>> -> memref<32xi32, #tpu.memory_space<vmem>>
        %dma_start3A_1550 = arith.constant 0 : i32
        %dma_start3A_1551 = arith.constant 0 : i32
        %dma_start3A_1552 = tpu.memref_slice %arg2[%dma_start3A_1550, %dma_start3A_1551] : memref<10000x128xf32, #tpu.memory_space<hbm>> -> memref<10000x128xf32, #tpu.memory_space<hbm>>
        tpu.enqueue_indirect_dma source(%dma_start3A_1552 : memref<10000x128xf32, #tpu.memory_space<hbm>>) target(%dma_start3A_1546 : memref<32x128xf32, #tpu.memory_space<vmem>>) offsets(%dma_start3A_1549 : memref<32xi32, #tpu.memory_space<vmem>>) semaphore(%arg14 : memref<!tpu.dma_semaphore, #tpu.memory_space<semaphore_mem>>)
        %dma_start3A_1553 = arith.constant 1 : i32
        %dma_start3A_1554 = arith.constant 32 : i32
        %dma_start3A_1555 = arith.constant 0 : i32
        %dma_start3A_1556 = tpu.memref_slice %arg10[%dma_start3A_1554, %dma_start3A_1555] : memref<125x128xf32, #tpu.memory_space<vmem>> -> memref<32x128xf32, #tpu.memory_space<vmem>>
        %dma_start3A_1557 = arith.constant 32 : i32
        %dma_start3A_1558 = tpu.memref_slice %arg5[%dma_start3A_1553, %dma_start3A_1557] : memref<10x125xi32, #tpu.memory_space<vmem>> -> memref<1x32xi32, #tpu.memory_space<vmem>>
        %dma_start3A_1559 = tpu.memref_squeeze %dma_start3A_1558 : memref<1x32xi32, #tpu.memory_space<vmem>> -> memref<32xi32, #tpu.memory_space<vmem>>
        %dma_start3A_1560 = arith.constant 0 : i32
        %dma_start3A_1561 = arith.constant 0 : i32
        %dma_start3A_1562 = tpu.memref_slice %arg2[%dma_start3A_1560, %dma_start3A_1561] : memref<10000x128xf32, #tpu.memory_space<hbm>> -> memref<10000x128xf32, #tpu.memory_space<hbm>>
        tpu.enqueue_indirect_dma source(%dma_start3A_1562 : memref<10000x128xf32, #tpu.memory_space<hbm>>) target(%dma_start3A_1556 : memref<32x128xf32, #tpu.memory_space<vmem>>) offsets(%dma_start3A_1559 : memref<32xi32, #tpu.memory_space<vmem>>) semaphore(%arg14 : memref<!tpu.dma_semaphore, #tpu.memory_space<semaphore_mem>>)
        %dma_start3A_1563 = arith.constant 1 : i32
        %dma_start3A_1564 = arith.constant 64 : i32
        %dma_start3A_1565 = arith.constant 0 : i32
        %dma_start3A_1566 = tpu.memref_slice %arg10[%dma_start3A_1564, %dma_start3A_1565] : memref<125x128xf32, #tpu.memory_space<vmem>> -> memref<32x128xf32, #tpu.memory_space<vmem>>
        %dma_start3A_1567 = arith.constant 64 : i32
        %dma_start3A_1568 = tpu.memref_slice %arg5[%dma_start3A_1563, %dma_start3A_1567] : memref<10x125xi32, #tpu.memory_space<vmem>> -> memref<1x32xi32, #tpu.memory_space<vmem>>
        %dma_start3A_1569 = tpu.memref_squeeze %dma_start3A_1568 : memref<1x32xi32, #tpu.memory_space<vmem>> -> memref<32xi32, #tpu.memory_space<vmem>>
        %dma_start3A_1570 = arith.constant 0 : i32
        %dma_start3A_1571 = arith.constant 0 : i32
        %dma_start3A_1572 = tpu.memref_slice %arg2[%dma_start3A_1570, %dma_start3A_1571] : memref<10000x128xf32, #tpu.memory_space<hbm>> -> memref<10000x128xf32, #tpu.memory_space<hbm>>
        tpu.enqueue_indirect_dma source(%dma_start3A_1572 : memref<10000x128xf32, #tpu.memory_space<hbm>>) target(%dma_start3A_1566 : memref<32x128xf32, #tpu.memory_space<vmem>>) offsets(%dma_start3A_1569 : memref<32xi32, #tpu.memory_space<vmem>>) semaphore(%arg14 : memref<!tpu.dma_semaphore, #tpu.memory_space<semaphore_mem>>)
        %dma_start3A_1573 = arith.constant 1 : i32
        %dma_start3A_1574 = arith.constant 96 : i32
        %dma_start3A_1575 = arith.constant 0 : i32
        %dma_start3A_1576 = tpu.memref_slice %arg10[%dma_start3A_1574, %dma_start3A_1575] : memref<125x128xf32, #tpu.memory_space<vmem>> -> memref<29x128xf32, #tpu.memory_space<vmem>>
        %dma_start3A_1577 = arith.constant 96 : i32
        %dma_start3A_1578 = tpu.memref_slice %arg5[%dma_start3A_1573, %dma_start3A_1577] : memref<10x125xi32, #tpu.memory_space<vmem>> -> memref<1x29xi32, #tpu.memory_space<vmem>>
        %dma_start3A_1579 = tpu.memref_squeeze %dma_start3A_1578 : memref<1x29xi32, #tpu.memory_space<vmem>> -> memref<29xi32, #tpu.memory_space<vmem>>
        %dma_start3A_1580 = arith.constant 0 : i32
        %dma_start3A_1581 = arith.constant 0 : i32
        %dma_start3A_1582 = tpu.memref_slice %arg2[%dma_start3A_1580, %dma_start3A_1581] : memref<10000x128xf32, #tpu.memory_space<hbm>> -> memref<10000x128xf32, #tpu.memory_space<hbm>>
        tpu.enqueue_indirect_dma source(%dma_start3A_1582 : memref<10000x128xf32, #tpu.memory_space<hbm>>) target(%dma_start3A_1576 : memref<29x128xf32, #tpu.memory_space<vmem>>) offsets(%dma_start3A_1579 : memref<29xi32, #tpu.memory_space<vmem>>) semaphore(%arg14 : memref<!tpu.dma_semaphore, #tpu.memory_space<semaphore_mem>>)
      } else {
      }
      %scan3A_1542 = arith.constant 0 : i32
      scf.yield %scan3A_1542 : i32
    }
    %scan3A_251 = arith.constant 4 : i32
    %barrier3A_252 = arith.constant 0 : index
    tpu.barrier barrier_id(%barrier3A_252)
    %dma_start3A_253 = arith.constant 0 : i32
    %dma_start3A_254 = tpu.memref_slice %arg4[%arg0, %mul3A_0, %dma_start3A_253] : memref<2x10240x128xf32, #tpu.memory_space<hbm>> -> memref<1x640x128xf32, #tpu.memory_space<hbm>>
    %dma_start3A_255 = tpu.memref_squeeze %dma_start3A_254 : memref<1x640x128xf32, #tpu.memory_space<hbm>> -> memref<640x128xf32, #tpu.memory_space<hbm>>
    %dma_start3A_256 = arith.constant 0 : i32
    %dma_start3A_257 = tpu.memref_slice %arg12[%mul3A_0, %dma_start3A_256] : memref<10240x128xf32, #tpu.memory_space<vmem_shared>> -> memref<640x128xf32, #tpu.memory_space<vmem_shared>>
    tpu.enqueue_dma source(%dma_start3A_257 : memref<640x128xf32, #tpu.memory_space<vmem_shared>>) target(%dma_start3A_255 : memref<640x128xf32, #tpu.memory_space<hbm>>) target_semaphore(%arg18 : memref<!tpu.dma_semaphore, #tpu.memory_space<semaphore_mem>>)
    %dma_wait3A_258 = arith.constant 0 : i32
    %dma_wait3A_259 = tpu.memref_slice %arg4[%arg0, %mul3A_0, %dma_wait3A_258] : memref<2x10240x128xf32, #tpu.memory_space<hbm>> -> memref<1x640x128xf32, #tpu.memory_space<hbm>>
    %dma_wait3A_260 = tpu.memref_squeeze %dma_wait3A_259 : memref<1x640x128xf32, #tpu.memory_space<hbm>> -> memref<640x128xf32, #tpu.memory_space<hbm>>
    %dma_wait3A_261 = arith.constant 0 : i32
    %dma_wait3A_262 = tpu.memref_slice %arg12[%mul3A_0, %dma_wait3A_261] : memref<10240x128xf32, #tpu.memory_space<vmem_shared>> -> memref<640x128xf32, #tpu.memory_space<vmem_shared>>
    tpu.wait_dma2 semaphore(%arg18 : memref<!tpu.dma_semaphore, #tpu.memory_space<semaphore_mem>>) src(%dma_wait3A_262 : memref<640x128xf32, #tpu.memory_space<vmem_shared>>) dst(%dma_wait3A_260 : memref<640x128xf32, #tpu.memory_space<hbm>>)
    return
  }
}

</mosaic_0001>

<sc_bundles>
// kernel: _sc_aggregate.3.cloned.1.call-start
scs
__scs_entry_jumppad:
0x0: {  	(pc) =	sbr.rel $0x88, $3  }
0x1: {  	(tag) =	ssettag $0x0;
	lr =	simm.s32 $0x1  }
0x2: {  	[smem:$0x3F9F] =	sst lr;
	_ =	strace $0xD0000000  }
0x3: {  	_ = 	snop  }
0x4: {  	_ = 	snop  }
0x5: {  	_ = 	snop  }
0x6: {  	_ = 	snop  }
0x7: {  	_ = 	snop  }
__scs_overlays_trampoline_lowered:
0x8: {  	[smem:$0x3FAE] =	sst s0  }
0x9: {  	[smem:$0x3FAF] =	sst s1  }
0xa: {  	[smem:$0x3FB0] =	sst s2  }
0xb: {  	[smem:$0x3FB1] =	sst s3  }
0xc: {  	[smem:$0x3FB2] =	sst s4  }
0xd: {  	[smem:$0x3FB3] =	sst s5  }
0xe: {  	[smem:$0x3FB4] =	sst s6  }
0xf: {  	[smem:$0x3FB5] =	sst s7  }
0x10: {  	[smem:$0x3FB6] =	sst s8  }
0x11: {  	[smem:$0x3FB7] =	sst s9;
	s0 =	simm.s32 @!p0 $0x0  }
0x12: {  	s1 =	sld [smem:$0x3F9D];
	s0 =	simm.s32 @p0 $0x1  }
0x13: {  	[smem:$0x3FB8] =	sst s0;
	s0 =	simm.s32 @!p1 $0x0  }
0x14: {  	s2 =	sld [smem:$0x3F9C];
	s0 =	simm.s32 @p1 $0x1  }
0x15: {  	[smem:$0x3FB9] =	sst s0;
	s0 =	simm.s32 @!p2 $0x0  }
0x16: {  	s3 =	sld [smem:$0x3FDB];
	s0 =	simm.s32 @p2 $0x1  }
0x17: {  	s4 =	simm.s32 $0x1BF5;
	[smem:$0x3FBB] =	sst s0  }
0x18: {  	s0 =	sld [smem:$0x3F9E];
	_ =	swait.ge [sflag:s4], $0x0  }
0x19: {  	s7 =	sld [smem:$0x3F9F]  }
0x1a: {  	s8 =	sadd.s32 $0xFFFFE003, lr  }
0x1b: {  	s9 =	sadd.s32 $0xFFFFFEF7, lr;
	s5 =	simm.s32 $0xFFFFFFFF;
	p2 =	slt.u32 s8, $0xFFFFF086  }
0x1c: {  	p1 =	slt.u32 s9, $0xF7A;
	s5 =	simm.s32 @!p2 $0x0  }
0x1d: {  	s5 =	simm.s32 @p1 $0x1;
	p0 =	seq.s32 s7, s2  }
0x1e: {  	s7 =	smul.u32 @!p0 $0xF7A, s2;
	p2 =	seq.s32 @!p0 s5, $0x0  }
0x1f: {  	s9 =	smul.u32 $0xF7A, s1;
	s8 =	simm.s32 @!p0 $0x1BF5;
	p2 =	por !p2, p0  }
0x20: {  	[sflag:s8] =	ssyncset.s32 @!p0 $0xFFFFF086;
	s6 =	sadd.s32 @!p0 s3, s7;
	s7 =	simm.s32 @!p0 $0x108  }
0x21: {  	s3 =	sadd.s32 s3, s9;
	s6 =	sadd.s32 @!p0 $0x88, s6;
	s7 =	simm.s32 @p2 $0x1082  }
0x22: {  	[simem:s7], [sflag:s8] =	dma.local @!p0 [hbm:s6], $0xF7A  }
0x23: {  	s9 =	sor.u32 $0xD0000000, s2;
	s6 =	simm.s32 $0x108;
	_ =	swait.ge @!p0 [sflag:s8], $0x0  }
0x24: {  	s3 =	sadd.s32 $0x88, s3;
	s6 =	simm.s32 @!p1 $0x1082;
	[sflag:s4] =	ssyncset.s32 $0xFFFFF086  }
0x25: {  	[simem:s6], [sflag:s4] =	dma.local [hbm:s3], $0xF7A  }
0x26: {  	[smem:$0x3F9F] =	sst s1;
	(tag) =	ssettag s2;
	_ =	strace s9  }
0x27: {  	s1 =	sld [smem:$0x3FAF]  }
0x28: {  	s2 =	sld [smem:$0x3FB0]  }
0x29: {  	s4 =	sld [smem:$0x3FB2]  }
0x2a: {  	p0 =	seq.s32 s5, $0x0;
	s5 =	sld [smem:$0x3FB3]  }
0x2b: {  	s6 =	sld [smem:$0x3FB4]  }
0x2c: {  	s7 =	sld [smem:$0x3FB5]  }
0x2d: {  	s3 =	simm.s32 $0x108;
	s8 =	sld [smem:$0x3FB6]  }
0x2e: {  	s3 =	simm.s32 @!p0 $0x1082;
	s9 =	sld [smem:$0x3FB7]  }
0x2f: {  	lr =	sadd.s32 s0, s3;
	s0 =	sld [smem:$0x3FAE]  }
0x30: {  	s3 =	sld [smem:$0x3FB1]  }
0x31: {  	[smem:$0x3FBA] =	sst s10  }
0x32: {  	s10 =	sld [smem:$0x3FB8];
	_ =	sdelay $0x3  }
0x33: {  	p0 =	seq.s32 s10, $0x1;
	s10 =	sld [smem:$0x3FBA];
	_ =	sdelay $0x3  }
0x34: {  	[smem:$0x3FBA] =	sst s10  }
0x35: {  	s10 =	sld [smem:$0x3FB9];
	_ =	sdelay $0x3  }
0x36: {  	p1 =	seq.s32 s10, $0x1;
	s10 =	sld [smem:$0x3FBA];
	_ =	sdelay $0x3  }
0x37: {  	[smem:$0x3FBA] =	sst s10  }
0x38: {  	s10 =	sld [smem:$0x3FBB]  }
0x39: {  	_ = 	snop;
	(pc) =	sbr.ind lr, $3  }
0x3a: {  	_ = 	snop  }
0x3b: {  	_ = 	snop  }
0x3c: {  	p2 =	seq.s32 s10, $0x1;
	s10 =	sld [smem:$0x3FBA]  }
0x3d: {  	_ =	shalt  }
0x3e: {  	_ =	shalt  }
0x3f: {  	_ =	shalt  }
0x40: {  	_ =	shalt  }
0x41: {  	_ =	shalt  }
0x42: {  	_ =	shalt  }
0x43: {  	_ =	shalt  }
0x44: {  	_ =	shalt  }
0x45: {  	_ =	shalt  }
0x46: {  	_ =	shalt  }
0x47: {  	_ =	shalt  }
0x48: {  	_ =	shalt  }
0x49: {  	_ =	shalt  }
0x4a: {  	_ =	shalt  }
0x4b: {  	_ =	shalt  }
0x4c: {  	_ =	shalt  }
0x4d: {  	_ =	shalt  }
0x4e: {  	_ =	shalt  }
0x4f: {  	_ =	shalt  }
0x50: {  	_ =	shalt  }
0x51: {  	_ =	shalt  }
0x52: {  	_ =	shalt  }
0x53: {  	_ =	shalt  }
0x54: {  	_ =	shalt  }
0x55: {  	_ =	shalt  }
0x56: {  	_ =	shalt  }
0x57: {  	_ =	shalt  }
0x58: {  	_ =	shalt  }
0x59: {  	_ =	shalt  }
0x5a: {  	_ =	shalt  }
0x5b: {  	_ =	shalt  }
0x5c: {  	_ =	shalt  }
0x5d: {  	_ =	shalt  }
0x5e: {  	_ =	shalt  }
0x5f: {  	_ =	shalt  }
0x60: {  	_ =	shalt  }
0x61: {  	_ =	shalt  }
0x62: {  	_ =	shalt  }
0x63: {  	_ =	shalt  }
0x64: {  	_ =	shalt  }
0x65: {  	_ =	shalt  }
0x66: {  	_ =	shalt  }
0x67: {  	_ =	shalt  }
0x68: {  	_ =	shalt  }
0x69: {  	_ =	shalt  }
0x6a: {  	_ =	shalt  }
0x6b: {  	_ =	shalt  }
0x6c: {  	_ =	shalt  }
0x6d: {  	_ =	shalt  }
0x6e: {  	_ =	shalt  }
0x6f: {  	_ =	shalt  }
0x70: {  	_ =	shalt  }
0x71: {  	_ =	shalt  }
0x72: {  	_ =	shalt  }
0x73: {  	_ =	shalt  }
0x74: {  	_ =	shalt  }
0x75: {  	_ =	shalt  }
0x76: {  	_ =	shalt  }
0x77: {  	_ =	shalt  }
0x78: {  	_ =	shalt  }
0x79: {  	_ =	shalt  }
0x7a: {  	_ =	shalt  }
0x7b: {  	_ =	shalt  }
0x7c: {  	_ =	shalt  }
0x7d: {  	_ =	shalt  }
0x7e: {  	_ =	shalt  }
0x7f: {  	_ =	shalt  }
0x80: {  	_ =	shalt  }
0x81: {  	_ =	shalt  }
0x82: {  	_ =	shalt  }
0x83: {  	_ =	shalt  }
0x84: {  	_ =	shalt  }
0x85: {  	_ =	shalt  }
0x86: {  	_ =	shalt  }
0x87: {  	_ =	shalt  }
.Lfunc_end0:
.L_simem_size_0:
called_computation_lowered:
.L_overlay_start_0:
0x88: {  	s2 =	sld [smem:$0x3FD9]  }
0x89: {  	s3 =	sld [smem:$0x3FFE];
	_ =	sdelay $0x1  }
0x8a: {  	s1 =	srdreg.scid  }
0x8b: {  	s0 =	sand.u32 $0x1, s1  }
0x8c: {  	s17 =	sshll.u32 s0, $0xA;
	s2 =	sadd.s32 s3, s2  }
0x8d: {  	s2 =	sadd.s32 s2, s17  }
0x8e: {  	[smem:$0x3FC6] =	sst s2  }
0x8f: {  	_ = 	snop  }
0x90: {  	s2 =	sld [smem:$0x3FC9]  }
0x91: {  	s18 =	sld [smem:$0x3FD0];
	(tm) =	ssettm $0x1  }
0x92: {  	s4 =	sld [smem:$0x3FFB];
	_ =	sdelay $0x3  }
0x93: {  	_ =	strace s4  }
0x94: {  	s4 =	sld [smem:$0x3FFC];
	_ =	sdelay $0x3  }
0x95: {  	_ =	strace s4  }
0x96: {  	s4 =	sld [smem:$0x3FFD];
	_ =	sdelay $0x3  }
0x97: {  	_ =	strace s4  }
0x98: {  	_ =	strace $0x8FFFFFFF  }
0x99: {  	s19 =	sld [smem:$0x3FDB];
	_ =	sdelay $0x1  }
0x9a: {  	s5 =	simm.s32 $_scs_section_size  }
0x9b: {  	s6 =	simm.s32 $_size__tile_overlayer_lowered;
	s7 =	simm.s32 $_tile_overlayer_lowered  }
0x9c: {  	s22 =	simm.s32 $0x1BFF;
	s21 =	sshll.u32 s7, $0x1;
	s4 =	sadd.s32 s5, s19  }
0x9d: {  	s8 =	simm.s32 $0x0;
	s20 =	sshll.u32 s6, $0x1;
	s6 =	sadd.s32 s21, s4  }
0x9e: {  	[timem:s8], [sflag:s22] =	dma.local [hbm:s6], s20  }
0x9f: {  	_ =	swait.ge [sflag:s22], s20  }
0xa0: {  	s5 =	ssub.s32 $0x0, s20;
	[sflag:s22] =	ssyncset.done $0x0  }
0xa1: {  	[sflag:s22] =	ssyncadd.s32 s5;
	_ =	sdelay $0x1  }
0xa2: {  	s23 =	simm.s32 $0x1B8B  }
0xa3: {  	_ =	swait.ge [sflag:s23], $0x1  }
0xa4: {  	[sflag:s23] =	ssyncset.done $0x0  }
0xa5: {  	s25 =	simm.s32 $0x1B8E;
	s24 =	sld [smem:$0x3FFE];
	[sflag:s23] =	ssyncadd.s32 $0xFFFFFFFF  }
0xa6: {  	s26 =	simm.s32 $execute0_lowered;
	[smem:$0x3FD2] =	sst s25  }
0xa7: {  	s6 =	sshll.u32 s26, $0x1;
	_ =	strace $0x80000046;
	[dreg:$0x1] =	wrdreg $0xFFFFFFFF  }
0xa8: {  	s28 =	simm.s32 $_size_execute0_lowered;
	s4 =	sadd.s32 s4, s6;
	[dreg:$0x0] =	wrdreg $0x0  }
0xa9: {  	s6 =	sshll.u32 s28, $0x1;
	[dreg:$0x2] =	wrdreg s4  }
0xaa: {  	[dreg:$0x3] =	wrdreg s6  }
0xab: {  	[dreg:$0x4] =	wrdreg $0xC0  }
0xac: {  	_ =	task [dreg:s8], $0x5FFFF  }
0xad: {  	[dreg:$0x1] =	wrdreg $0xFFFFFFFF  }
0xae: {  	[dreg:$0x0] =	wrdreg $0x60  }
0xaf: {  	[dreg:$0x2] =	wrdreg s2  }
0xb0: {  	[dreg:$0x3] =	wrdreg s24  }
0xb1: {  	[dreg:$0x4] =	wrdreg s18  }
0xb2: {  	[dreg:$0x5] =	wrdreg $0xC0000  }
0xb3: {  	[dreg:$0x6] =	wrdreg $0x9  }
0xb4: {  	_ =	task.clear_ibuf [dreg:s8], $0x7FFFF;
	_ =	strace $0x90000046  }
0xb5: {  	s29 =	simm.s32 $0x9;
	_ =	strace $0x80000048  }
0xb6: {  	_ =	swait.ge [sflag:s29], $0x1  }
0xb7: {  	[sflag:s29] =	ssyncadd.s32 $0xFFFFFFFF  }
0xb8: {  	_ =	strace $0x90000048  }
0xb9: {  	_ =	sfence  }
0xba: {  	s30 =	sld [smem:$0x0];
	_ =	sdelay $0x2  }
0xbb: {  	s31 =	sshll.u32 s1, $0xD;
	s1 =	sshrl.u32 s1, $0x2  }
0xbc: {  	s3 =	sand.u32 $0x4000, s31;
	s1 =	sadd.s32 s1, s30  }
0xbd: {  	s0 =	sor.u32 s3, s0;
	s1 =	sshll.u32 s1, $0x11  }
0xbe: {  	s0 =	sor.u32 s1, s0  }
0xbf: {  	s0 =	sadd.s32 $0x8F2B, s0  }
0xc0: {  	[sflag:s0] =	ssyncadd.remote.s32 $0x1  }
0xc1: {  	_ =	sfence.sel $0xFFFF  }
0xc2: {  	[dreg:$0x0] =	wrdreg $0xFFFFFFFF;
	(pc) =	sbr.abs _section_cstart, $3  }
0xc3: {  	[dreg:$0x1] =	wrdreg $0xFFFFFFFF  }
0xc4: {  	_ =	task.clear_ibuf [dreg:s8], $0x2FFFF;
	_ =	strace $0x9FFFFFFF  }
0xc5: {  	(tm) =	ssettm $0x7FFFFFFF  }
tec
execute0_lowered:
.L_overlay_start_1:
0x0: {  	(tag) =	ssettag $0x1  }
0x1: {  	s1 =	rddreg [dreg:$0x0]  }
0x2: {  	s0 =	rddreg [dreg:$0x1]  }
0x3: {  	s2 =	rddreg [dreg:$0x2]  }
0x4: {  	s3 =	rddreg [dreg:$0x3];
	s5 =	srdreg.scid  }
0x5: {  	s4 =	simm.s32 $0x0;
	s11 =	stileid.u32;
	s28 =	simm.s32 $0x3000  }
0x6: {  	s30 =	simm.s32 $0x4000;
	s31 =	simm.s32 $0x1D;
	s29 =	simm.s32 $0x5000  }
0x7: {  	s12 =	simm.s32 $0x9000;
	s6 =	sand.u32 $0x1, s5;
	[smem:$0x7FF] =	sst s4  }
0x8: {  	s7 =	sshll.u32 s11, $0xE;
	s8 =	smul.u32 $0x50000, s11;
	s0 =	sadd.s32 $0x400, s0  }
0x9: {  	s18 =	smul.u32 $0x14000, s11;
	s11 =	simm.s32 $0x0;
	s5 =	sshll.u32 s6, $0x12  }
0xa: {  	_ =	strace $0x80000047;
	s9 =	ssub.s32 $0x2, s6;
	s6 =	smul.u32 $0x140000, s6  }
0xb: {  	s7 =	sor.u32 s7, s5;
	s10 =	sshrl.u32 s9, $0x1;
	s8 =	sshrl.u32 s8, $0x2  }
0xc: {  	s5 =	sshrl.u32 s7, $0x3;
	s9 =	ssub.s32 s9, s10;
	s14 =	sadd.s32 s8, s3  }
0xd: {  	s6 =	sadd.s32 s18, s6;
	s23 =	sor.u32 $0x81000, s7;
	s7 =	sor.u32 $0x1000, s7  }
0xe: {  	s18 =	simm.s32 $0x14E0;
	s8 =	sadd.s32 $0x2000, s14;
	[dreg:$0x6] =	wrdreg s14  }
0xf: {  	s5 =	sadd.s32 s5, s0;
	s15 =	sadd.s32 $0x4000, s14;
	[dreg:$0x7] =	wrdreg s8  }
0x10: {  	s16 =	sadd.s32 $0x6000, s14;
	s17 =	sadd.s32 $0x8000, s14;
	[dreg:$0x8] =	wrdreg s15  }
0x11: {  	s19 =	sadd.s32 $0xA000, s14;
	s20 =	sadd.s32 $0xC000, s14;
	[dreg:$0x9] =	wrdreg s16  }
0x12: {  	s21 =	sadd.s32 $0xE000, s14;
	s22 =	sadd.s32 $0x10000, s14;
	[dreg:$0xa] =	wrdreg s17  }
0x13: {  	s10 =	sadd.s32 $0x12000, s14;
	s6 =	sshrl.u32 s6, $0x3;
	[dreg:$0xb] =	wrdreg s19  }
0x14: {  	s24 =	sshrl.u32 s23, $0x3;
	s25 =	sshrl.u32 s7, $0x3;
	[dreg:$0xc] =	wrdreg s20  }
0x15: {  	s26 =	smax.u32 s9, $0x1;
	s14 =	simm.s32 $0x7D;
	[dreg:$0xd] =	wrdreg s21  }
0x16: {  	s23 =	simm.s32 $0x1800;
	s7 =	simm.s32 $0x1C00;
	[dreg:$0xe] =	wrdreg s22  }
0x17: {  	s13 =	sadd.s32 $0x10000, s5;
	[dreg:$0xf] =	wrdreg s10;
	s2 =	sadd.s32 s2, s6  }
0x18: {  	[dreg:$0x11] =	wrdreg s26;
	s19 =	sadd.s32 s24, s0;
	s20 =	sadd.s32 s25, s0  }
.Ltmp0:
0x19: {  	s25 =	simm.s32 $0x20;
	s26 =	simm.s32 $0x2000;
	(pc) =	sbr.rel .LBB2_1-.Ltmp0, $4  }
0x1a: {  	s8 =	simm.s32 $0x7000;
	s10 =	simm.s32 $0x8000;
	s15 =	simm.s32 $0x3  }
0x1b: {  	s24 =	simm.s32 $0x2;
	s21 =	simm.s32 $0x1000;
	s22 =	simm.s32 $0x5  }
0x1c: {  	s17 =	simm.s32 $0x14C0;
	s0 =	simm.s32 $0x1C80;
	[dreg:$0x5] =	wrdreg s13  }
0x1d: {  	v0 =	vimm.f32 $0.0e+00;
	[dreg:$0x10] =	wrdreg s2;
	s2 =	simm.s32 $0x6000;
	s13 =	simm.s32 $0x1  }
.LBB2_6:
0x1e: {  	s6 =	stileid.u32;
	[bflag:$0x0] =	sbarrier.arrive $0xFFFF  }
0x1f: {  	s6 =	sshll.u32 s6, $0x6;
	s9 =	rddreg [dreg:$0x6]  }
0x20: {  	s11 =	rddreg [dreg:$0x10];
	s6 =	sor.u32 $0x1C06, s6;
	s9 =	sshrl.u32 s9, $0x3  }
0x21: {  	[hbm:s11], [sflag:s6] =	dma.local [spmem:s9], $0x2800  }
0x22: {  	s9 =	simm.s32 $0x6  }
0x23: {  	_ =	swait.ge [sflag:s9], $0x2800  }
0x24: {  	s6 =	rddreg [dreg:$0x12]  }
0x25: {  	s16 =	rddreg [dreg:$0x11];
	s11 =	sadd.s32 $0x1, s6  }
0x26: {  	p0 =	sne.s32 s11, s16  }
.Ltmp1:
0x27: {  	_ = 	snop;
	(pc) =	sbr.rel @!p0 .LBB2_7-.Ltmp1, $3  }
0x28: {  	_ =	sdelay $0x1  }
0x29: {  	[sflag:s9] =	ssyncset.done $0x0  }
0x2a: {  	[sflag:s9] =	ssyncadd.s32 $0xFFFFD800  }
.LBB2_1:
0x2b: {  	[tilespmem:s4], [sflag:$0x4] =	stream.linear.gather [hbm4b:s5+s4], $0x500, $0x38;
	v63 =	vld [tilespmem:$0x0]  }
0x2c: {  	s6 =	rddreg [dreg:$0x5];
	s9 =	simm.s32 $0x800  }
0x2d: {  	[tilespmem:s9], [sflag:$0x4] =	stream.linear.gather [hbm4b:s6+s4], $0x500, $0x38;
	v63 =	vld [tilespmem:$0x0]  }
0x2e: {  	s9 =	sand.u32 $0x7E00, s4  }
0x2f: {  	[dreg:$0x12] =	wrdreg s11;
	s11 =	sand.u32 $0x70, s4;
	s16 =	sshrl.u32 s9, $0x2  }
0x30: {  	s6 =	simm.s32 $0x40;
	s9 =	simm.s32 $0x0;
	s11 =	sor.u32 s11, s16  }
.LBB2_2:
0x31: {  	p0 =	sne.s32 s6, $0x7FC0  }
0x32: {  	[tilespmem:s11+$0xA000] =	vst v0;
	s9 =	sadd.s32 $0x10, s9;
	s11 =	smov.u32 s6;
	s6 =	sadd.s32 $0x40, s6  }
.Ltmp2:
0x33: {  	(pc) =	sbr.rel @p0 .LBB2_2-.Ltmp2, $4  }
0x34: {  	_ = 	snop  }
0x35: {  	s11 =	sand.u32 $0x7E00, s11  }
0x36: {  	s16 =	sand.u32 $0x70, s9;
	s11 =	sshrl.u32 s11, $0x2  }
0x37: {  	s11 =	sor.u32 s16, s11  }
0x38: {  	[tilespmem:s11+$0xA000] =	vst v0;
	s6 =	rddreg [dreg:$0x6];
	s9 =	simm.s32 $0xA000  }
0x39: {  	[spmem:s6] =	stream.linear.scatter [tilespmem:s9], [sflag:$0x6], $0x2000, $0x38;
	v63 =	vld [tilespmem:$0x0]  }
0x3a: {  	s11 =	rddreg [dreg:$0x7]  }
0x3b: {  	[spmem:s11] =	stream.linear.scatter [tilespmem:s9], [sflag:$0x6], $0x2000, $0x38;
	v63 =	vld [tilespmem:$0x0]  }
0x3c: {  	s16 =	rddreg [dreg:$0x8]  }
0x3d: {  	[spmem:s16] =	stream.linear.scatter [tilespmem:s9], [sflag:$0x6], $0x2000, $0x38;
	v63 =	vld [tilespmem:$0x0]  }
0x3e: {  	s11 =	rddreg [dreg:$0x9]  }
0x3f: {  	[spmem:s11] =	stream.linear.scatter [tilespmem:s9], [sflag:$0x6], $0x2000, $0x38;
	v63 =	vld [tilespmem:$0x0]  }
0x40: {  	s16 =	rddreg [dreg:$0xa]  }
0x41: {  	[spmem:s16] =	stream.linear.scatter [tilespmem:s9], [sflag:$0x6], $0x2000, $0x38;
	v63 =	vld [tilespmem:$0x0]  }
0x42: {  	s11 =	rddreg [dreg:$0xb]  }
0x43: {  	[spmem:s11] =	stream.linear.scatter [tilespmem:s9], [sflag:$0x6], $0x2000, $0x38;
	v63 =	vld [tilespmem:$0x0]  }
0x44: {  	s16 =	rddreg [dreg:$0xc]  }
0x45: {  	[spmem:s16] =	stream.linear.scatter [tilespmem:s9], [sflag:$0x6], $0x2000, $0x38;
	v63 =	vld [tilespmem:$0x0]  }
0x46: {  	s11 =	rddreg [dreg:$0xd]  }
0x47: {  	[spmem:s11] =	stream.linear.scatter [tilespmem:s9], [sflag:$0x6], $0x2000, $0x38;
	v63 =	vld [tilespmem:$0x0]  }
0x48: {  	s16 =	rddreg [dreg:$0xe]  }
0x49: {  	[spmem:s16] =	stream.linear.scatter [tilespmem:s9], [sflag:$0x6], $0x2000, $0x38;
	v63 =	vld [tilespmem:$0x0]  }
0x4a: {  	s11 =	rddreg [dreg:$0xf];
	s16 =	simm.s32 $0x6  }
0x4b: {  	[spmem:s11] =	stream.linear.scatter [tilespmem:s9], [sflag:$0x6], $0x2000, $0x38;
	v63 =	vld [tilespmem:$0x0]  }
0x4c: {  	_ =	swait.ge [sflag:s16], $0x2000  }
0x4d: {  	[sflag:s16] =	ssyncset.done $0x0  }
0x4e: {  	[sflag:s16] =	ssyncadd.s32 $0xFFFFE000  }
0x4f: {  	_ =	swait.ge [sflag:s16], $0x2000  }
0x50: {  	[sflag:s16] =	ssyncset.done $0x0  }
0x51: {  	[sflag:s16] =	ssyncadd.s32 $0xFFFFE000  }
0x52: {  	_ =	swait.ge [sflag:s16], $0x2000  }
0x53: {  	[sflag:s16] =	ssyncset.done $0x0  }
0x54: {  	[sflag:s16] =	ssyncadd.s32 $0xFFFFE000  }
0x55: {  	_ =	swait.ge [sflag:s16], $0x2000  }
0x56: {  	[sflag:s16] =	ssyncset.done $0x0  }
0x57: {  	[sflag:s16] =	ssyncadd.s32 $0xFFFFE000  }
0x58: {  	_ =	swait.ge [sflag:s16], $0x2000  }
0x59: {  	[sflag:s16] =	ssyncset.done $0x0  }
0x5a: {  	[sflag:s16] =	ssyncadd.s32 $0xFFFFE000  }
0x5b: {  	_ =	swait.ge [sflag:s16], $0x2000  }
0x5c: {  	[sflag:s16] =	ssyncset.done $0x0  }
0x5d: {  	[sflag:s16] =	ssyncadd.s32 $0xFFFFE000  }
0x5e: {  	_ =	swait.ge [sflag:s16], $0x2000  }
0x5f: {  	[sflag:s16] =	ssyncset.done $0x0  }
0x60: {  	[sflag:s16] =	ssyncadd.s32 $0xFFFFE000  }
0x61: {  	_ =	swait.ge [sflag:s16], $0x2000  }
0x62: {  	[sflag:s16] =	ssyncset.done $0x0  }
0x63: {  	[sflag:s16] =	ssyncadd.s32 $0xFFFFE000  }
0x64: {  	_ =	swait.ge [sflag:s16], $0x2000  }
0x65: {  	[sflag:s16] =	ssyncset.done $0x0  }
0x66: {  	[sflag:s16] =	ssyncadd.s32 $0xFFFFE000  }
0x67: {  	_ =	swait.ge [sflag:s16], $0x2000  }
0x68: {  	[sflag:s16] =	ssyncset.done $0x0  }
0x69: {  	s9 =	simm.s32 $0x4;
	[sflag:s16] =	ssyncadd.s32 $0xFFFFE000  }
0x6a: {  	_ =	swait.ge [sflag:s9], $0x500  }
0x6b: {  	[sflag:s9] =	ssyncset.done $0x0  }
0x6c: {  	[sflag:s9] =	ssyncadd.s32 $0xFFFFFB00  }
0x6d: {  	_ =	swait.ge [sflag:s9], $0x500  }
0x6e: {  	[sflag:s9] =	ssyncset.done $0x0  }
0x6f: {  	s6 =	simm.s32 $0x0;
	[sflag:s9] =	ssyncadd.s32 $0xFFFFFB00  }
0x70: {  	[tilespmem:s26], [sflag:$0x1] =	stream.indirect.gather [hbm4b:s1+s25], $0x80, s6, s25, $0xb8;
	v63 =	vld [tilespmem:$0x0]  }
0x71: {  	_ = 	snop  }
0x72: {  	[tilespmem:s28], [sflag:$0x1] =	stream.indirect.gather [hbm4b:s1+s25], $0x80, s25, s25, $0xb8;
	v63 =	vld [tilespmem:$0x0]  }
0x73: {  	s11 =	simm.s32 $0x40  }
0x74: {  	[tilespmem:s30], [sflag:$0x1] =	stream.indirect.gather [hbm4b:s1+s25], $0x80, s11, s25, $0xb8;
	v63 =	vld [tilespmem:$0x0]  }
0x75: {  	s16 =	simm.s32 $0x60  }
0x76: {  	[tilespmem:s29], [sflag:$0x1] =	stream.indirect.gather [hbm4b:s1+s31], $0x80, s16, s31, $0xb8;
	v63 =	vld [tilespmem:$0x0]  }
0x77: {  	s11 =	simm.s32 $0x80  }
0x78: {  	[tilespmem:s2], [sflag:$0x2] =	stream.indirect.gather [hbm4b:s1+s25], $0x80, s11, s25, $0xb8;
	v63 =	vld [tilespmem:$0x0]  }
0x79: {  	s16 =	simm.s32 $0xA0  }
0x7a: {  	[tilespmem:s8], [sflag:$0x2] =	stream.indirect.gather [hbm4b:s1+s25], $0x80, s16, s25, $0xb8;
	v63 =	vld [tilespmem:$0x0]  }
0x7b: {  	s11 =	simm.s32 $0xC0  }
0x7c: {  	[tilespmem:s10], [sflag:$0x2] =	stream.indirect.gather [hbm4b:s1+s25], $0x80, s11, s25, $0xb8;
	v63 =	vld [tilespmem:$0x0]  }
0x7d: {  	s16 =	simm.s32 $0xE0  }
0x7e: {  	[tilespmem:s12], [sflag:$0x2] =	stream.indirect.gather [hbm4b:s1+s31], $0x80, s16, s31, $0xb8;
	v63 =	vld [tilespmem:$0x0]  }
0x7f: {  	[bflag:$0x0] =	sbarrier.arrive $0xFFFF  }
.LBB2_4:
0x80: {  	_ =	swait.ge [sflag:s13], $0x1000  }
0x81: {  	[sflag:s13] =	ssyncset.done $0x0  }
0x82: {  	[sflag:s13] =	ssyncadd.s32 $0xFFFFF000  }
0x83: {  	_ =	swait.ge [sflag:s13], $0x1000  }
0x84: {  	[sflag:s13] =	ssyncset.done $0x0  }
0x85: {  	[sflag:s13] =	ssyncadd.s32 $0xFFFFF000  }
0x86: {  	_ =	swait.ge [sflag:s13], $0x1000  }
0x87: {  	[sflag:s13] =	ssyncset.done $0x0  }
0x88: {  	[sflag:s13] =	ssyncadd.s32 $0xFFFFF000  }
0x89: {  	_ =	swait.ge [sflag:s13], $0xE80  }
0x8a: {  	[sflag:s13] =	ssyncset.done $0x0  }
0x8b: {  	s9 =	simm.s32 $0x800;
	[sflag:s13] =	ssyncadd.s32 $0xFFFFF180  }
0x8c: {  	[spmem:s3] =	stream.indirect.scatter.add.f32 [tilespmem:s26], [sflag:$0x3], $0x80, s9, s14, $0xb8;
	v63 =	vld [tilespmem:$0x0]  }
0x8d: {  	_ =	swait.ge [sflag:s15], $0x3E80  }
0x8e: {  	[sflag:s15] =	ssyncset.done $0x0  }
0x8f: {  	s11 =	simm.s32 $0x100;
	[sflag:s15] =	ssyncadd.s32 $0xFFFFC180  }
0x90: {  	[tilespmem:s26], [sflag:$0x1] =	stream.indirect.gather [hbm4b:s1+s25], $0x80, s11, s25, $0xb8;
	v63 =	vld [tilespmem:$0x0]  }
0x91: {  	s16 =	simm.s32 $0x120  }
0x92: {  	[tilespmem:s28], [sflag:$0x1] =	stream.indirect.gather [hbm4b:s1+s25], $0x80, s16, s25, $0xb8;
	v63 =	vld [tilespmem:$0x0]  }
0x93: {  	s11 =	simm.s32 $0x140  }
0x94: {  	[tilespmem:s30], [sflag:$0x1] =	stream.indirect.gather [hbm4b:s1+s25], $0x80, s11, s25, $0xb8;
	v63 =	vld [tilespmem:$0x0]  }
0x95: {  	s16 =	simm.s32 $0x160  }
0x96: {  	[tilespmem:s29], [sflag:$0x1] =	stream.indirect.gather [hbm4b:s1+s31], $0x80, s16, s31, $0xb8;
	v63 =	vld [tilespmem:$0x0]  }
0x97: {  	_ =	swait.ge [sflag:s24], $0x1000  }
0x98: {  	[sflag:s24] =	ssyncset.done $0x0  }
0x99: {  	[sflag:s24] =	ssyncadd.s32 $0xFFFFF000  }
0x9a: {  	_ =	swait.ge [sflag:s24], $0x1000  }
0x9b: {  	[sflag:s24] =	ssyncset.done $0x0  }
0x9c: {  	[sflag:s24] =	ssyncadd.s32 $0xFFFFF000  }
0x9d: {  	_ =	swait.ge [sflag:s24], $0x1000  }
0x9e: {  	[sflag:s24] =	ssyncset.done $0x0  }
0x9f: {  	[sflag:s24] =	ssyncadd.s32 $0xFFFFF000  }
0xa0: {  	_ =	swait.ge [sflag:s24], $0xE80  }
0xa1: {  	[sflag:s24] =	ssyncset.done $0x0  }
0xa2: {  	s11 =	simm.s32 $0x880;
	[sflag:s24] =	ssyncadd.s32 $0xFFFFF180  }
0xa3: {  	[spmem:s3] =	stream.indirect.scatter.add.f32 [tilespmem:s2], [sflag:$0x3], $0x80, s11, s14, $0xb8;
	v63 =	vld [tilespmem:$0x0]  }
0xa4: {  	_ =	swait.ge [sflag:s15], $0x3E80  }
0xa5: {  	[sflag:s15] =	ssyncset.done $0x0  }
0xa6: {  	s16 =	simm.s32 $0x180;
	[sflag:s15] =	ssyncadd.s32 $0xFFFFC180  }
0xa7: {  	[tilespmem:s2], [sflag:$0x2] =	stream.indirect.gather [hbm4b:s1+s25], $0x80, s16, s25, $0xb8;
	v63 =	vld [tilespmem:$0x0]  }
0xa8: {  	s11 =	simm.s32 $0x1A0  }
0xa9: {  	[tilespmem:s8], [sflag:$0x2] =	stream.indirect.gather [hbm4b:s1+s25], $0x80, s11, s25, $0xb8;
	v63 =	vld [tilespmem:$0x0]  }
0xaa: {  	s16 =	simm.s32 $0x1C0  }
0xab: {  	[tilespmem:s10], [sflag:$0x2] =	stream.indirect.gather [hbm4b:s1+s25], $0x80, s16, s25, $0xb8;
	v63 =	vld [tilespmem:$0x0]  }
0xac: {  	s11 =	simm.s32 $0x1E0;
	s16 =	sadd.s32 s6, s5  }
0xad: {  	[tilespmem:s12], [sflag:$0x2] =	stream.indirect.gather [hbm4b:s1+s31], $0x80, s11, s31, $0xb8;
	v63 =	vld [tilespmem:$0x0]  }
0xae: {  	s11 =	sadd.s32 $0x100, s16  }
0xaf: {  	[tilespmem:s21], [sflag:$0x5] =	stream.linear.gather [hbm4b:s11+s4], $0x500, $0x38;
	v63 =	vld [tilespmem:$0x0]  }
0xb0: {  	s9 =	sadd.s32 $0x10100, s16  }
0xb1: {  	[tilespmem:s23], [sflag:$0x5] =	stream.linear.gather [hbm4b:s9+s4], $0x500, $0x38;
	v63 =	vld [tilespmem:$0x0]  }
0xb2: {  	_ =	swait.ge [sflag:s13], $0x1000  }
0xb3: {  	[sflag:s13] =	ssyncset.done $0x0  }
0xb4: {  	[sflag:s13] =	ssyncadd.s32 $0xFFFFF000  }
0xb5: {  	_ =	swait.ge [sflag:s13], $0x1000  }
0xb6: {  	[sflag:s13] =	ssyncset.done $0x0  }
0xb7: {  	[sflag:s13] =	ssyncadd.s32 $0xFFFFF000  }
0xb8: {  	_ =	swait.ge [sflag:s13], $0x1000  }
0xb9: {  	[sflag:s13] =	ssyncset.done $0x0  }
0xba: {  	[sflag:s13] =	ssyncadd.s32 $0xFFFFF000  }
0xbb: {  	_ =	swait.ge [sflag:s13], $0xE80  }
0xbc: {  	[sflag:s13] =	ssyncset.done $0x0  }
0xbd: {  	s16 =	simm.s32 $0x900;
	[sflag:s13] =	ssyncadd.s32 $0xFFFFF180  }
0xbe: {  	[spmem:s3] =	stream.indirect.scatter.add.f32 [tilespmem:s26], [sflag:$0x3], $0x80, s16, s14, $0xb8;
	v63 =	vld [tilespmem:$0x0]  }
0xbf: {  	_ =	swait.ge [sflag:s15], $0x3E80  }
0xc0: {  	[sflag:s15] =	ssyncset.done $0x0  }
0xc1: {  	s11 =	simm.s32 $0x200;
	[sflag:s15] =	ssyncadd.s32 $0xFFFFC180  }
0xc2: {  	[tilespmem:s26], [sflag:$0x1] =	stream.indirect.gather [hbm4b:s1+s25], $0x80, s11, s25, $0xb8;
	v63 =	vld [tilespmem:$0x0]  }
0xc3: {  	s16 =	simm.s32 $0x220  }
0xc4: {  	[tilespmem:s28], [sflag:$0x1] =	stream.indirect.gather [hbm4b:s1+s25], $0x80, s16, s25, $0xb8;
	v63 =	vld [tilespmem:$0x0]  }
0xc5: {  	s11 =	simm.s32 $0x240  }
0xc6: {  	[tilespmem:s30], [sflag:$0x1] =	stream.indirect.gather [hbm4b:s1+s25], $0x80, s11, s25, $0xb8;
	v63 =	vld [tilespmem:$0x0]  }
0xc7: {  	s16 =	simm.s32 $0x260  }
0xc8: {  	[tilespmem:s29], [sflag:$0x1] =	stream.indirect.gather [hbm4b:s1+s31], $0x80, s16, s31, $0xb8;
	v63 =	vld [tilespmem:$0x0]  }
0xc9: {  	_ =	swait.ge [sflag:s24], $0x1000  }
0xca: {  	[sflag:s24] =	ssyncset.done $0x0  }
0xcb: {  	[sflag:s24] =	ssyncadd.s32 $0xFFFFF000  }
0xcc: {  	_ =	swait.ge [sflag:s24], $0x1000  }
0xcd: {  	[sflag:s24] =	ssyncset.done $0x0  }
0xce: {  	[sflag:s24] =	ssyncadd.s32 $0xFFFFF000  }
0xcf: {  	_ =	swait.ge [sflag:s24], $0x1000  }
0xd0: {  	[sflag:s24] =	ssyncset.done $0x0  }
0xd1: {  	[sflag:s24] =	ssyncadd.s32 $0xFFFFF000  }
0xd2: {  	_ =	swait.ge [sflag:s24], $0xE80  }
0xd3: {  	[sflag:s24] =	ssyncset.done $0x0  }
0xd4: {  	s11 =	simm.s32 $0x980;
	[sflag:s24] =	ssyncadd.s32 $0xFFFFF180  }
0xd5: {  	[spmem:s3] =	stream.indirect.scatter.add.f32 [tilespmem:s2], [sflag:$0x3], $0x80, s11, s14, $0xb8;
	v63 =	vld [tilespmem:$0x0]  }
0xd6: {  	_ =	swait.ge [sflag:s15], $0x3E80  }
0xd7: {  	[sflag:s15] =	ssyncset.done $0x0  }
0xd8: {  	s16 =	simm.s32 $0x280;
	[sflag:s15] =	ssyncadd.s32 $0xFFFFC180  }
0xd9: {  	[tilespmem:s2], [sflag:$0x2] =	stream.indirect.gather [hbm4b:s1+s25], $0x80, s16, s25, $0xb8;
	v63 =	vld [tilespmem:$0x0]  }
0xda: {  	s11 =	simm.s32 $0x2A0  }
0xdb: {  	[tilespmem:s8], [sflag:$0x2] =	stream.indirect.gather [hbm4b:s1+s25], $0x80, s11, s25, $0xb8;
	v63 =	vld [tilespmem:$0x0]  }
0xdc: {  	s16 =	simm.s32 $0x2C0  }
0xdd: {  	[tilespmem:s10], [sflag:$0x2] =	stream.indirect.gather [hbm4b:s1+s25], $0x80, s16, s25, $0xb8;
	v63 =	vld [tilespmem:$0x0]  }
0xde: {  	s11 =	simm.s32 $0x2E0  }
0xdf: {  	[tilespmem:s12], [sflag:$0x2] =	stream.indirect.gather [hbm4b:s1+s31], $0x80, s11, s31, $0xb8;
	v63 =	vld [tilespmem:$0x0]  }
0xe0: {  	_ =	swait.ge [sflag:s13], $0x1000  }
0xe1: {  	[sflag:s13] =	ssyncset.done $0x0  }
0xe2: {  	[sflag:s13] =	ssyncadd.s32 $0xFFFFF000  }
0xe3: {  	_ =	swait.ge [sflag:s13], $0x1000  }
0xe4: {  	[sflag:s13] =	ssyncset.done $0x0  }
0xe5: {  	[sflag:s13] =	ssyncadd.s32 $0xFFFFF000  }
0xe6: {  	_ =	swait.ge [sflag:s13], $0x1000  }
0xe7: {  	[sflag:s13] =	ssyncset.done $0x0  }
0xe8: {  	[sflag:s13] =	ssyncadd.s32 $0xFFFFF000  }
0xe9: {  	_ =	swait.ge [sflag:s13], $0xE80  }
0xea: {  	[sflag:s13] =	ssyncset.done $0x0  }
0xeb: {  	s16 =	simm.s32 $0xA00;
	[sflag:s13] =	ssyncadd.s32 $0xFFFFF180  }
0xec: {  	[spmem:s3] =	stream.indirect.scatter.add.f32 [tilespmem:s26], [sflag:$0x3], $0x80, s16, s14, $0xb8;
	v63 =	vld [tilespmem:$0x0]  }
0xed: {  	_ =	swait.ge [sflag:s15], $0x3E80  }
0xee: {  	[sflag:s15] =	ssyncset.done $0x0  }
0xef: {  	s11 =	simm.s32 $0x300;
	[sflag:s15] =	ssyncadd.s32 $0xFFFFC180  }
0xf0: {  	[tilespmem:s26], [sflag:$0x1] =	stream.indirect.gather [hbm4b:s1+s25], $0x80, s11, s25, $0xb8;
	v63 =	vld [tilespmem:$0x0]  }
0xf1: {  	s16 =	simm.s32 $0x320  }
0xf2: {  	[tilespmem:s28], [sflag:$0x1] =	stream.indirect.gather [hbm4b:s1+s25], $0x80, s16, s25, $0xb8;
	v63 =	vld [tilespmem:$0x0]  }
0xf3: {  	s11 =	simm.s32 $0x340  }
0xf4: {  	[tilespmem:s30], [sflag:$0x1] =	stream.indirect.gather [hbm4b:s1+s25], $0x80, s11, s25, $0xb8;
	v63 =	vld [tilespmem:$0x0]  }
0xf5: {  	s16 =	simm.s32 $0x360  }
0xf6: {  	[tilespmem:s29], [sflag:$0x1] =	stream.indirect.gather [hbm4b:s1+s31], $0x80, s16, s31, $0xb8;
	v63 =	vld [tilespmem:$0x0]  }
0xf7: {  	_ =	swait.ge [sflag:s24], $0x1000  }
0xf8: {  	[sflag:s24] =	ssyncset.done $0x0  }
0xf9: {  	[sflag:s24] =	ssyncadd.s32 $0xFFFFF000  }
0xfa: {  	_ =	swait.ge [sflag:s24], $0x1000  }
0xfb: {  	[sflag:s24] =	ssyncset.done $0x0  }
0xfc: {  	[sflag:s24] =	ssyncadd.s32 $0xFFFFF000  }
0xfd: {  	_ =	swait.ge [sflag:s24], $0x1000  }
0xfe: {  	[sflag:s24] =	ssyncset.done $0x0  }
0xff: {  	[sflag:s24] =	ssyncadd.s32 $0xFFFFF000  }
0x100: {  	_ =	swait.ge [sflag:s24], $0xE80  }
0x101: {  	[sflag:s24] =	ssyncset.done $0x0  }
0x102: {  	s11 =	simm.s32 $0xA80;
	[sflag:s24] =	ssyncadd.s32 $0xFFFFF180  }
0x103: {  	[spmem:s3] =	stream.indirect.scatter.add.f32 [tilespmem:s2], [sflag:$0x3], $0x80, s11, s14, $0xb8;
	v63 =	vld [tilespmem:$0x0]  }
0x104: {  	_ =	swait.ge [sflag:s15], $0x3E80  }
0x105: {  	[sflag:s15] =	ssyncset.done $0x0  }
0x106: {  	s16 =	simm.s32 $0x380;
	[sflag:s15] =	ssyncadd.s32 $0xFFFFC180  }
0x107: {  	[tilespmem:s2], [sflag:$0x2] =	stream.indirect.gather [hbm4b:s1+s25], $0x80, s16, s25, $0xb8;
	v63 =	vld [tilespmem:$0x0]  }
0x108: {  	s11 =	simm.s32 $0x3A0  }
0x109: {  	[tilespmem:s8], [sflag:$0x2] =	stream.indirect.gather [hbm4b:s1+s25], $0x80, s11, s25, $0xb8;
	v63 =	vld [tilespmem:$0x0]  }
0x10a: {  	s16 =	simm.s32 $0x3C0  }
0x10b: {  	[tilespmem:s10], [sflag:$0x2] =	stream.indirect.gather [hbm4b:s1+s25], $0x80, s16, s25, $0xb8;
	v63 =	vld [tilespmem:$0x0]  }
0x10c: {  	s11 =	simm.s32 $0x3E0  }
0x10d: {  	[tilespmem:s12], [sflag:$0x2] =	stream.indirect.gather [hbm4b:s1+s31], $0x80, s11, s31, $0xb8;
	v63 =	vld [tilespmem:$0x0]  }
0x10e: {  	_ =	swait.ge [sflag:s13], $0x1000  }
0x10f: {  	[sflag:s13] =	ssyncset.done $0x0  }
0x110: {  	[sflag:s13] =	ssyncadd.s32 $0xFFFFF000  }
0x111: {  	_ =	swait.ge [sflag:s13], $0x1000  }
0x112: {  	[sflag:s13] =	ssyncset.done $0x0  }
0x113: {  	[sflag:s13] =	ssyncadd.s32 $0xFFFFF000  }
0x114: {  	_ =	swait.ge [sflag:s13], $0x1000  }
0x115: {  	[sflag:s13] =	ssyncset.done $0x0  }
0x116: {  	[sflag:s13] =	ssyncadd.s32 $0xFFFFF000  }
0x117: {  	_ =	swait.ge [sflag:s13], $0xE80  }
0x118: {  	[sflag:s13] =	ssyncset.done $0x0  }
0x119: {  	s16 =	simm.s32 $0xB00;
	[sflag:s13] =	ssyncadd.s32 $0xFFFFF180  }
0x11a: {  	[spmem:s3] =	stream.indirect.scatter.add.f32 [tilespmem:s26], [sflag:$0x3], $0x80, s16, s14, $0xb8;
	v63 =	vld [tilespmem:$0x0]  }
0x11b: {  	_ =	swait.ge [sflag:s15], $0x3E80  }
0x11c: {  	[sflag:s15] =	ssyncset.done $0x0  }
0x11d: {  	s11 =	simm.s32 $0x400;
	[sflag:s15] =	ssyncadd.s32 $0xFFFFC180  }
0x11e: {  	[tilespmem:s26], [sflag:$0x1] =	stream.indirect.gather [hbm4b:s1+s25], $0x80, s11, s25, $0xb8;
	v63 =	vld [tilespmem:$0x0]  }
0x11f: {  	s16 =	simm.s32 $0x420  }
0x120: {  	[tilespmem:s28], [sflag:$0x1] =	stream.indirect.gather [hbm4b:s1+s25], $0x80, s16, s25, $0xb8;
	v63 =	vld [tilespmem:$0x0]  }
0x121: {  	s11 =	simm.s32 $0x440  }
0x122: {  	[tilespmem:s30], [sflag:$0x1] =	stream.indirect.gather [hbm4b:s1+s25], $0x80, s11, s25, $0xb8;
	v63 =	vld [tilespmem:$0x0]  }
0x123: {  	s16 =	simm.s32 $0x460  }
0x124: {  	[tilespmem:s29], [sflag:$0x1] =	stream.indirect.gather [hbm4b:s1+s31], $0x80, s16, s31, $0xb8;
	v63 =	vld [tilespmem:$0x0]  }
0x125: {  	_ =	swait.ge [sflag:s24], $0x1000  }
0x126: {  	[sflag:s24] =	ssyncset.done $0x0  }
0x127: {  	[sflag:s24] =	ssyncadd.s32 $0xFFFFF000  }
0x128: {  	_ =	swait.ge [sflag:s24], $0x1000  }
0x129: {  	[sflag:s24] =	ssyncset.done $0x0  }
0x12a: {  	[sflag:s24] =	ssyncadd.s32 $0xFFFFF000  }
0x12b: {  	_ =	swait.ge [sflag:s24], $0x1000  }
0x12c: {  	[sflag:s24] =	ssyncset.done $0x0  }
0x12d: {  	[sflag:s24] =	ssyncadd.s32 $0xFFFFF000  }
0x12e: {  	_ =	swait.ge [sflag:s24], $0xE80  }
0x12f: {  	[sflag:s24] =	ssyncset.done $0x0  }
0x130: {  	s11 =	simm.s32 $0xB80;
	[sflag:s24] =	ssyncadd.s32 $0xFFFFF180  }
0x131: {  	[spmem:s3] =	stream.indirect.scatter.add.f32 [tilespmem:s2], [sflag:$0x3], $0x80, s11, s14, $0xb8;
	v63 =	vld [tilespmem:$0x0]  }
0x132: {  	_ =	swait.ge [sflag:s15], $0x3E80  }
0x133: {  	[sflag:s15] =	ssyncset.done $0x0  }
0x134: {  	s16 =	simm.s32 $0x480;
	[sflag:s15] =	ssyncadd.s32 $0xFFFFC180  }
0x135: {  	[tilespmem:s2], [sflag:$0x2] =	stream.indirect.gather [hbm4b:s1+s25], $0x80, s16, s25, $0xb8;
	v63 =	vld [tilespmem:$0x0]  }
0x136: {  	s11 =	simm.s32 $0x4A0  }
0x137: {  	[tilespmem:s8], [sflag:$0x2] =	stream.indirect.gather [hbm4b:s1+s25], $0x80, s11, s25, $0xb8;
	v63 =	vld [tilespmem:$0x0]  }
0x138: {  	s16 =	simm.s32 $0x4C0  }
0x139: {  	[tilespmem:s10], [sflag:$0x2] =	stream.indirect.gather [hbm4b:s1+s25], $0x80, s16, s25, $0xb8;
	v63 =	vld [tilespmem:$0x0]  }
0x13a: {  	s11 =	simm.s32 $0x4E0  }
0x13b: {  	[tilespmem:s12], [sflag:$0x2] =	stream.indirect.gather [hbm4b:s1+s31], $0x80, s11, s31, $0xb8;
	v63 =	vld [tilespmem:$0x0]  }
0x13c: {  	_ =	swait.ge [sflag:s13], $0x1000  }
0x13d: {  	[sflag:s13] =	ssyncset.done $0x0  }
0x13e: {  	[sflag:s13] =	ssyncadd.s32 $0xFFFFF000  }
0x13f: {  	_ =	swait.ge [sflag:s13], $0x1000  }
0x140: {  	[sflag:s13] =	ssyncset.done $0x0  }
0x141: {  	[sflag:s13] =	ssyncadd.s32 $0xFFFFF000  }
0x142: {  	_ =	swait.ge [sflag:s13], $0x1000  }
0x143: {  	[sflag:s13] =	ssyncset.done $0x0  }
0x144: {  	[sflag:s13] =	ssyncadd.s32 $0xFFFFF000  }
0x145: {  	_ =	swait.ge [sflag:s13], $0xE80  }
0x146: {  	[sflag:s13] =	ssyncset.done $0x0  }
0x147: {  	s16 =	simm.s32 $0xC00;
	[sflag:s13] =	ssyncadd.s32 $0xFFFFF180  }
0x148: {  	[spmem:s3] =	stream.indirect.scatter.add.f32 [tilespmem:s26], [sflag:$0x3], $0x80, s16, s14, $0xb8;
	v63 =	vld [tilespmem:$0x0]  }
0x149: {  	_ =	swait.ge [sflag:s15], $0x3E80  }
0x14a: {  	[sflag:s15] =	ssyncset.done $0x0  }
0x14b: {  	[sflag:s15] =	ssyncadd.s32 $0xFFFFC180  }
0x14c: {  	_ =	swait.ge [sflag:s22], $0x500  }
0x14d: {  	[sflag:s22] =	ssyncset.done $0x0  }
0x14e: {  	[sflag:s22] =	ssyncadd.s32 $0xFFFFFB00  }
0x14f: {  	_ =	swait.ge [sflag:s22], $0x500  }
0x150: {  	[sflag:s22] =	ssyncset.done $0x0  }
0x151: {  	[sflag:s22] =	ssyncadd.s32 $0xFFFFFB00  }
0x152: {  	[tilespmem:s26], [sflag:$0x1] =	stream.indirect.gather [hbm4b:s1+s25], $0x80, s21, s25, $0xb8;
	v63 =	vld [tilespmem:$0x0]  }
0x153: {  	s11 =	simm.s32 $0x1020  }
0x154: {  	[tilespmem:s28], [sflag:$0x1] =	stream.indirect.gather [hbm4b:s1+s25], $0x80, s11, s25, $0xb8;
	v63 =	vld [tilespmem:$0x0]  }
0x155: {  	s16 =	simm.s32 $0x1040  }
0x156: {  	[tilespmem:s30], [sflag:$0x1] =	stream.indirect.gather [hbm4b:s1+s25], $0x80, s16, s25, $0xb8;
	v63 =	vld [tilespmem:$0x0]  }
0x157: {  	s11 =	simm.s32 $0x1060  }
0x158: {  	[tilespmem:s29], [sflag:$0x1] =	stream.indirect.gather [hbm4b:s1+s31], $0x80, s11, s31, $0xb8;
	v63 =	vld [tilespmem:$0x0]  }
0x159: {  	_ =	swait.ge [sflag:s24], $0x1000  }
0x15a: {  	[sflag:s24] =	ssyncset.done $0x0  }
0x15b: {  	[sflag:s24] =	ssyncadd.s32 $0xFFFFF000  }
0x15c: {  	_ =	swait.ge [sflag:s24], $0x1000  }
0x15d: {  	[sflag:s24] =	ssyncset.done $0x0  }
0x15e: {  	[sflag:s24] =	ssyncadd.s32 $0xFFFFF000  }
0x15f: {  	_ =	swait.ge [sflag:s24], $0x1000  }
0x160: {  	[sflag:s24] =	ssyncset.done $0x0  }
0x161: {  	[sflag:s24] =	ssyncadd.s32 $0xFFFFF000  }
0x162: {  	_ =	swait.ge [sflag:s24], $0xE80  }
0x163: {  	[sflag:s24] =	ssyncset.done $0x0  }
0x164: {  	s16 =	simm.s32 $0xC80;
	[sflag:s24] =	ssyncadd.s32 $0xFFFFF180  }
0x165: {  	[spmem:s3] =	stream.indirect.scatter.add.f32 [tilespmem:s2], [sflag:$0x3], $0x80, s16, s14, $0xb8;
	v63 =	vld [tilespmem:$0x0]  }
0x166: {  	_ =	swait.ge [sflag:s15], $0x3E80  }
0x167: {  	[sflag:s15] =	ssyncset.done $0x0  }
0x168: {  	s11 =	simm.s32 $0x1080;
	[sflag:s15] =	ssyncadd.s32 $0xFFFFC180  }
0x169: {  	[tilespmem:s2], [sflag:$0x2] =	stream.indirect.gather [hbm4b:s1+s25], $0x80, s11, s25, $0xb8;
	v63 =	vld [tilespmem:$0x0]  }
0x16a: {  	s16 =	simm.s32 $0x10A0  }
0x16b: {  	[tilespmem:s8], [sflag:$0x2] =	stream.indirect.gather [hbm4b:s1+s25], $0x80, s16, s25, $0xb8;
	v63 =	vld [tilespmem:$0x0]  }
0x16c: {  	s11 =	simm.s32 $0x10C0  }
0x16d: {  	[tilespmem:s10], [sflag:$0x2] =	stream.indirect.gather [hbm4b:s1+s25], $0x80, s11, s25, $0xb8;
	v63 =	vld [tilespmem:$0x0]  }
0x16e: {  	s16 =	simm.s32 $0x10E0  }
0x16f: {  	[tilespmem:s12], [sflag:$0x2] =	stream.indirect.gather [hbm4b:s1+s31], $0x80, s16, s31, $0xb8;
	v63 =	vld [tilespmem:$0x0]  }
0x170: {  	_ =	swait.ge [sflag:s13], $0x1000  }
0x171: {  	[sflag:s13] =	ssyncset.done $0x0  }
0x172: {  	[sflag:s13] =	ssyncadd.s32 $0xFFFFF000  }
0x173: {  	_ =	swait.ge [sflag:s13], $0x1000  }
0x174: {  	[sflag:s13] =	ssyncset.done $0x0  }
0x175: {  	[sflag:s13] =	ssyncadd.s32 $0xFFFFF000  }
0x176: {  	_ =	swait.ge [sflag:s13], $0x1000  }
0x177: {  	[sflag:s13] =	ssyncset.done $0x0  }
0x178: {  	[sflag:s13] =	ssyncadd.s32 $0xFFFFF000  }
0x179: {  	_ =	swait.ge [sflag:s13], $0xE80  }
0x17a: {  	[sflag:s13] =	ssyncset.done $0x0  }
0x17b: {  	[sflag:s13] =	ssyncadd.s32 $0xFFFFF180  }
0x17c: {  	[spmem:s3] =	stream.indirect.scatter.add.f32 [tilespmem:s26], [sflag:$0x3], $0x80, s23, s14, $0xb8;
	v63 =	vld [tilespmem:$0x0]  }
0x17d: {  	_ =	swait.ge [sflag:s15], $0x3E80  }
0x17e: {  	[sflag:s15] =	ssyncset.done $0x0  }
0x17f: {  	s11 =	simm.s32 $0x1100;
	[sflag:s15] =	ssyncadd.s32 $0xFFFFC180  }
0x180: {  	[tilespmem:s26], [sflag:$0x1] =	stream.indirect.gather [hbm4b:s1+s25], $0x80, s11, s25, $0xb8;
	v63 =	vld [tilespmem:$0x0]  }
0x181: {  	s16 =	simm.s32 $0x1120  }
0x182: {  	[tilespmem:s28], [sflag:$0x1] =	stream.indirect.gather [hbm4b:s1+s25], $0x80, s16, s25, $0xb8;
	v63 =	vld [tilespmem:$0x0]  }
0x183: {  	s11 =	simm.s32 $0x1140  }
0x184: {  	[tilespmem:s30], [sflag:$0x1] =	stream.indirect.gather [hbm4b:s1+s25], $0x80, s11, s25, $0xb8;
	v63 =	vld [tilespmem:$0x0]  }
0x185: {  	s16 =	simm.s32 $0x1160  }
0x186: {  	[tilespmem:s29], [sflag:$0x1] =	stream.indirect.gather [hbm4b:s1+s31], $0x80, s16, s31, $0xb8;
	v63 =	vld [tilespmem:$0x0]  }
0x187: {  	_ =	swait.ge [sflag:s24], $0x1000  }
0x188: {  	[sflag:s24] =	ssyncset.done $0x0  }
0x189: {  	[sflag:s24] =	ssyncadd.s32 $0xFFFFF000  }
0x18a: {  	_ =	swait.ge [sflag:s24], $0x1000  }
0x18b: {  	[sflag:s24] =	ssyncset.done $0x0  }
0x18c: {  	[sflag:s24] =	ssyncadd.s32 $0xFFFFF000  }
0x18d: {  	_ =	swait.ge [sflag:s24], $0x1000  }
0x18e: {  	[sflag:s24] =	ssyncset.done $0x0  }
0x18f: {  	[sflag:s24] =	ssyncadd.s32 $0xFFFFF000  }
0x190: {  	_ =	swait.ge [sflag:s24], $0xE80  }
0x191: {  	[sflag:s24] =	ssyncset.done $0x0  }
0x192: {  	s11 =	simm.s32 $0x1880;
	[sflag:s24] =	ssyncadd.s32 $0xFFFFF180  }
0x193: {  	[spmem:s3] =	stream.indirect.scatter.add.f32 [tilespmem:s2], [sflag:$0x3], $0x80, s11, s14, $0xb8;
	v63 =	vld [tilespmem:$0x0]  }
0x194: {  	_ =	swait.ge [sflag:s15], $0x3E80  }
0x195: {  	[sflag:s15] =	ssyncset.done $0x0  }
0x196: {  	s16 =	simm.s32 $0x1180;
	[sflag:s15] =	ssyncadd.s32 $0xFFFFC180  }
0x197: {  	[tilespmem:s2], [sflag:$0x2] =	stream.indirect.gather [hbm4b:s1+s25], $0x80, s16, s25, $0xb8;
	v63 =	vld [tilespmem:$0x0]  }
0x198: {  	s11 =	simm.s32 $0x11A0  }
0x199: {  	[tilespmem:s8], [sflag:$0x2] =	stream.indirect.gather [hbm4b:s1+s25], $0x80, s11, s25, $0xb8;
	v63 =	vld [tilespmem:$0x0]  }
0x19a: {  	s16 =	simm.s32 $0x11C0  }
0x19b: {  	[tilespmem:s10], [sflag:$0x2] =	stream.indirect.gather [hbm4b:s1+s25], $0x80, s16, s25, $0xb8;
	v63 =	vld [tilespmem:$0x0]  }
0x19c: {  	p0 =	seq.s32 s6, $0x600;
	s11 =	simm.s32 $0x11E0  }
0x19d: {  	[tilespmem:s12], [sflag:$0x2] =	stream.indirect.gather [hbm4b:s1+s31], $0x80, s11, s31, $0xb8;
	v63 =	vld [tilespmem:$0x0]  }
0x19e: {  	s9 =	simm.s32 @!p0 $0x0;
	s11 =	sadd.s32 @!p0 s6, s20  }
0x19f: {  	[tilespmem:s9], [sflag:$0x4] =	stream.linear.gather @!p0 [hbm4b:s11+s9], $0x500, $0x38;
	v63 =	vld [tilespmem:$0x0]  }
0x1a0: {  	s16 =	simm.s32 @!p0 $0x800;
	s11 =	sadd.s32 @!p0 s6, s19  }
0x1a1: {  	[tilespmem:s16], [sflag:$0x4] =	stream.linear.gather @!p0 [hbm4b:s11+s9], $0x500, $0x38;
	v63 =	vld [tilespmem:$0x0]  }
0x1a2: {  	_ =	swait.ge [sflag:s13], $0x1000  }
0x1a3: {  	[sflag:s13] =	ssyncset.done $0x0  }
0x1a4: {  	[sflag:s13] =	ssyncadd.s32 $0xFFFFF000  }
0x1a5: {  	_ =	swait.ge [sflag:s13], $0x1000  }
0x1a6: {  	[sflag:s13] =	ssyncset.done $0x0  }
0x1a7: {  	[sflag:s13] =	ssyncadd.s32 $0xFFFFF000  }
0x1a8: {  	_ =	swait.ge [sflag:s13], $0x1000  }
0x1a9: {  	[sflag:s13] =	ssyncset.done $0x0  }
0x1aa: {  	[sflag:s13] =	ssyncadd.s32 $0xFFFFF000  }
0x1ab: {  	_ =	swait.ge [sflag:s13], $0xE80  }
0x1ac: {  	[sflag:s13] =	ssyncset.done $0x0  }
0x1ad: {  	s16 =	simm.s32 $0x1900;
	[sflag:s13] =	ssyncadd.s32 $0xFFFFF180  }
0x1ae: {  	[spmem:s3] =	stream.indirect.scatter.add.f32 [tilespmem:s26], [sflag:$0x3], $0x80, s16, s14, $0xb8;
	v63 =	vld [tilespmem:$0x0]  }
0x1af: {  	_ =	swait.ge [sflag:s15], $0x3E80  }
0x1b0: {  	[sflag:s15] =	ssyncset.done $0x0  }
0x1b1: {  	s16 =	simm.s32 $0x1200;
	[sflag:s15] =	ssyncadd.s32 $0xFFFFC180  }
0x1b2: {  	[tilespmem:s26], [sflag:$0x1] =	stream.indirect.gather [hbm4b:s1+s25], $0x80, s16, s25, $0xb8;
	v63 =	vld [tilespmem:$0x0]  }
0x1b3: {  	s16 =	simm.s32 $0x1220  }
0x1b4: {  	[tilespmem:s28], [sflag:$0x1] =	stream.indirect.gather [hbm4b:s1+s25], $0x80, s16, s25, $0xb8;
	v63 =	vld [tilespmem:$0x0]  }
0x1b5: {  	s16 =	simm.s32 $0x1240  }
0x1b6: {  	[tilespmem:s30], [sflag:$0x1] =	stream.indirect.gather [hbm4b:s1+s25], $0x80, s16, s25, $0xb8;
	v63 =	vld [tilespmem:$0x0]  }
0x1b7: {  	s16 =	simm.s32 $0x1260  }
0x1b8: {  	[tilespmem:s29], [sflag:$0x1] =	stream.indirect.gather [hbm4b:s1+s31], $0x80, s16, s31, $0xb8;
	v63 =	vld [tilespmem:$0x0]  }
0x1b9: {  	_ =	swait.ge [sflag:s24], $0x1000  }
0x1ba: {  	[sflag:s24] =	ssyncset.done $0x0  }
0x1bb: {  	[sflag:s24] =	ssyncadd.s32 $0xFFFFF000  }
0x1bc: {  	_ =	swait.ge [sflag:s24], $0x1000  }
0x1bd: {  	[sflag:s24] =	ssyncset.done $0x0  }
0x1be: {  	[sflag:s24] =	ssyncadd.s32 $0xFFFFF000  }
0x1bf: {  	_ =	swait.ge [sflag:s24], $0x1000  }
0x1c0: {  	[sflag:s24] =	ssyncset.done $0x0  }
0x1c1: {  	[sflag:s24] =	ssyncadd.s32 $0xFFFFF000  }
0x1c2: {  	_ =	swait.ge [sflag:s24], $0xE80  }
0x1c3: {  	[sflag:s24] =	ssyncset.done $0x0  }
0x1c4: {  	s16 =	simm.s32 $0x1980;
	[sflag:s24] =	ssyncadd.s32 $0xFFFFF180  }
0x1c5: {  	[spmem:s3] =	stream.indirect.scatter.add.f32 [tilespmem:s2], [sflag:$0x3], $0x80, s16, s14, $0xb8;
	v63 =	vld [tilespmem:$0x0]  }
0x1c6: {  	_ =	swait.ge [sflag:s15], $0x3E80  }
0x1c7: {  	[sflag:s15] =	ssyncset.done $0x0  }
0x1c8: {  	s16 =	simm.s32 $0x1280;
	[sflag:s15] =	ssyncadd.s32 $0xFFFFC180  }
0x1c9: {  	[tilespmem:s2], [sflag:$0x2] =	stream.indirect.gather [hbm4b:s1+s25], $0x80, s16, s25, $0xb8;
	v63 =	vld [tilespmem:$0x0]  }
0x1ca: {  	s16 =	simm.s32 $0x12A0  }
0x1cb: {  	[tilespmem:s8], [sflag:$0x2] =	stream.indirect.gather [hbm4b:s1+s25], $0x80, s16, s25, $0xb8;
	v63 =	vld [tilespmem:$0x0]  }
0x1cc: {  	s16 =	simm.s32 $0x12C0  }
0x1cd: {  	[tilespmem:s10], [sflag:$0x2] =	stream.indirect.gather [hbm4b:s1+s25], $0x80, s16, s25, $0xb8;
	v63 =	vld [tilespmem:$0x0]  }
0x1ce: {  	s16 =	simm.s32 $0x12E0  }
0x1cf: {  	[tilespmem:s12], [sflag:$0x2] =	stream.indirect.gather [hbm4b:s1+s31], $0x80, s16, s31, $0xb8;
	v63 =	vld [tilespmem:$0x0]  }
0x1d0: {  	_ =	swait.ge [sflag:s13], $0x1000  }
0x1d1: {  	[sflag:s13] =	ssyncset.done $0x0  }
0x1d2: {  	[sflag:s13] =	ssyncadd.s32 $0xFFFFF000  }
0x1d3: {  	_ =	swait.ge [sflag:s13], $0x1000  }
0x1d4: {  	[sflag:s13] =	ssyncset.done $0x0  }
0x1d5: {  	[sflag:s13] =	ssyncadd.s32 $0xFFFFF000  }
0x1d6: {  	_ =	swait.ge [sflag:s13], $0x1000  }
0x1d7: {  	[sflag:s13] =	ssyncset.done $0x0  }
0x1d8: {  	[sflag:s13] =	ssyncadd.s32 $0xFFFFF000  }
0x1d9: {  	_ =	swait.ge [sflag:s13], $0xE80  }
0x1da: {  	[sflag:s13] =	ssyncset.done $0x0  }
0x1db: {  	s16 =	simm.s32 $0x1A00;
	[sflag:s13] =	ssyncadd.s32 $0xFFFFF180  }
0x1dc: {  	[spmem:s3] =	stream.indirect.scatter.add.f32 [tilespmem:s26], [sflag:$0x3], $0x80, s16, s14, $0xb8;
	v63 =	vld [tilespmem:$0x0]  }
0x1dd: {  	_ =	swait.ge [sflag:s15], $0x3E80  }
0x1de: {  	[sflag:s15] =	ssyncset.done $0x0  }
0x1df: {  	s16 =	simm.s32 $0x1300;
	[sflag:s15] =	ssyncadd.s32 $0xFFFFC180  }
0x1e0: {  	[tilespmem:s26], [sflag:$0x1] =	stream.indirect.gather [hbm4b:s1+s25], $0x80, s16, s25, $0xb8;
	v63 =	vld [tilespmem:$0x0]  }
0x1e1: {  	s16 =	simm.s32 $0x1320  }
0x1e2: {  	[tilespmem:s28], [sflag:$0x1] =	stream.indirect.gather [hbm4b:s1+s25], $0x80, s16, s25, $0xb8;
	v63 =	vld [tilespmem:$0x0]  }
0x1e3: {  	s16 =	simm.s32 $0x1340  }
0x1e4: {  	[tilespmem:s30], [sflag:$0x1] =	stream.indirect.gather [hbm4b:s1+s25], $0x80, s16, s25, $0xb8;
	v63 =	vld [tilespmem:$0x0]  }
0x1e5: {  	s16 =	simm.s32 $0x1360  }
0x1e6: {  	[tilespmem:s29], [sflag:$0x1] =	stream.indirect.gather [hbm4b:s1+s31], $0x80, s16, s31, $0xb8;
	v63 =	vld [tilespmem:$0x0]  }
0x1e7: {  	_ =	swait.ge [sflag:s24], $0x1000  }
0x1e8: {  	[sflag:s24] =	ssyncset.done $0x0  }
0x1e9: {  	[sflag:s24] =	ssyncadd.s32 $0xFFFFF000  }
0x1ea: {  	_ =	swait.ge [sflag:s24], $0x1000  }
0x1eb: {  	[sflag:s24] =	ssyncset.done $0x0  }
0x1ec: {  	[sflag:s24] =	ssyncadd.s32 $0xFFFFF000  }
0x1ed: {  	_ =	swait.ge [sflag:s24], $0x1000  }
0x1ee: {  	[sflag:s24] =	ssyncset.done $0x0  }
0x1ef: {  	[sflag:s24] =	ssyncadd.s32 $0xFFFFF000  }
0x1f0: {  	_ =	swait.ge [sflag:s24], $0xE80  }
0x1f1: {  	[sflag:s24] =	ssyncset.done $0x0  }
0x1f2: {  	s16 =	simm.s32 $0x1A80;
	[sflag:s24] =	ssyncadd.s32 $0xFFFFF180  }
0x1f3: {  	[spmem:s3] =	stream.indirect.scatter.add.f32 [tilespmem:s2], [sflag:$0x3], $0x80, s16, s14, $0xb8;
	v63 =	vld [tilespmem:$0x0]  }
0x1f4: {  	_ =	swait.ge [sflag:s15], $0x3E80  }
0x1f5: {  	[sflag:s15] =	ssyncset.done $0x0  }
0x1f6: {  	s16 =	simm.s32 $0x1380;
	[sflag:s15] =	ssyncadd.s32 $0xFFFFC180  }
0x1f7: {  	[tilespmem:s2], [sflag:$0x2] =	stream.indirect.gather [hbm4b:s1+s25], $0x80, s16, s25, $0xb8;
	v63 =	vld [tilespmem:$0x0]  }
0x1f8: {  	s16 =	simm.s32 $0x13A0  }
0x1f9: {  	[tilespmem:s8], [sflag:$0x2] =	stream.indirect.gather [hbm4b:s1+s25], $0x80, s16, s25, $0xb8;
	v63 =	vld [tilespmem:$0x0]  }
0x1fa: {  	s16 =	simm.s32 $0x13C0  }
0x1fb: {  	[tilespmem:s10], [sflag:$0x2] =	stream.indirect.gather [hbm4b:s1+s25], $0x80, s16, s25, $0xb8;
	v63 =	vld [tilespmem:$0x0]  }
0x1fc: {  	s16 =	simm.s32 $0x13E0  }
0x1fd: {  	[tilespmem:s12], [sflag:$0x2] =	stream.indirect.gather [hbm4b:s1+s31], $0x80, s16, s31, $0xb8;
	v63 =	vld [tilespmem:$0x0]  }
0x1fe: {  	_ =	swait.ge [sflag:s13], $0x1000  }
0x1ff: {  	[sflag:s13] =	ssyncset.done $0x0  }
0x200: {  	[sflag:s13] =	ssyncadd.s32 $0xFFFFF000  }
0x201: {  	_ =	swait.ge [sflag:s13], $0x1000  }
0x202: {  	[sflag:s13] =	ssyncset.done $0x0  }
0x203: {  	[sflag:s13] =	ssyncadd.s32 $0xFFFFF000  }
0x204: {  	_ =	swait.ge [sflag:s13], $0x1000  }
0x205: {  	[sflag:s13] =	ssyncset.done $0x0  }
0x206: {  	[sflag:s13] =	ssyncadd.s32 $0xFFFFF000  }
0x207: {  	_ =	swait.ge [sflag:s13], $0xE80  }
0x208: {  	[sflag:s13] =	ssyncset.done $0x0  }
0x209: {  	s16 =	simm.s32 $0x1B00;
	[sflag:s13] =	ssyncadd.s32 $0xFFFFF180  }
0x20a: {  	[spmem:s3] =	stream.indirect.scatter.add.f32 [tilespmem:s26], [sflag:$0x3], $0x80, s16, s14, $0xb8;
	v63 =	vld [tilespmem:$0x0]  }
0x20b: {  	_ =	swait.ge [sflag:s15], $0x3E80  }
0x20c: {  	[sflag:s15] =	ssyncset.done $0x0  }
0x20d: {  	s16 =	simm.s32 $0x1400;
	[sflag:s15] =	ssyncadd.s32 $0xFFFFC180  }
0x20e: {  	[tilespmem:s26], [sflag:$0x1] =	stream.indirect.gather [hbm4b:s1+s25], $0x80, s16, s25, $0xb8;
	v63 =	vld [tilespmem:$0x0]  }
0x20f: {  	s16 =	simm.s32 $0x1420  }
0x210: {  	[tilespmem:s28], [sflag:$0x1] =	stream.indirect.gather [hbm4b:s1+s25], $0x80, s16, s25, $0xb8;
	v63 =	vld [tilespmem:$0x0]  }
0x211: {  	s16 =	simm.s32 $0x1440  }
0x212: {  	[tilespmem:s30], [sflag:$0x1] =	stream.indirect.gather [hbm4b:s1+s25], $0x80, s16, s25, $0xb8;
	v63 =	vld [tilespmem:$0x0]  }
0x213: {  	s16 =	simm.s32 $0x1460  }
0x214: {  	[tilespmem:s29], [sflag:$0x1] =	stream.indirect.gather [hbm4b:s1+s31], $0x80, s16, s31, $0xb8;
	v63 =	vld [tilespmem:$0x0]  }
0x215: {  	_ =	swait.ge [sflag:s24], $0x1000  }
0x216: {  	[sflag:s24] =	ssyncset.done $0x0  }
0x217: {  	[sflag:s24] =	ssyncadd.s32 $0xFFFFF000  }
0x218: {  	_ =	swait.ge [sflag:s24], $0x1000  }
0x219: {  	[sflag:s24] =	ssyncset.done $0x0  }
0x21a: {  	[sflag:s24] =	ssyncadd.s32 $0xFFFFF000  }
0x21b: {  	_ =	swait.ge [sflag:s24], $0x1000  }
0x21c: {  	[sflag:s24] =	ssyncset.done $0x0  }
0x21d: {  	[sflag:s24] =	ssyncadd.s32 $0xFFFFF000  }
0x21e: {  	_ =	swait.ge [sflag:s24], $0xE80  }
0x21f: {  	[sflag:s24] =	ssyncset.done $0x0  }
0x220: {  	s16 =	simm.s32 $0x1B80;
	[sflag:s24] =	ssyncadd.s32 $0xFFFFF180  }
0x221: {  	[spmem:s3] =	stream.indirect.scatter.add.f32 [tilespmem:s2], [sflag:$0x3], $0x80, s16, s14, $0xb8;
	v63 =	vld [tilespmem:$0x0]  }
0x222: {  	_ =	swait.ge [sflag:s15], $0x3E80  }
0x223: {  	[sflag:s15] =	ssyncset.done $0x0  }
0x224: {  	s16 =	simm.s32 $0x1480;
	[sflag:s15] =	ssyncadd.s32 $0xFFFFC180  }
0x225: {  	[tilespmem:s2], [sflag:$0x2] =	stream.indirect.gather [hbm4b:s1+s25], $0x80, s16, s25, $0xb8;
	v63 =	vld [tilespmem:$0x0]  }
0x226: {  	s16 =	simm.s32 $0x14A0  }
0x227: {  	[tilespmem:s8], [sflag:$0x2] =	stream.indirect.gather [hbm4b:s1+s25], $0x80, s16, s25, $0xb8;
	v63 =	vld [tilespmem:$0x0]  }
0x228: {  	_ = 	snop  }
0x229: {  	[tilespmem:s10], [sflag:$0x2] =	stream.indirect.gather [hbm4b:s1+s25], $0x80, s17, s25, $0xb8;
	v63 =	vld [tilespmem:$0x0]  }
0x22a: {  	_ = 	snop  }
0x22b: {  	[tilespmem:s12], [sflag:$0x2] =	stream.indirect.gather [hbm4b:s1+s31], $0x80, s18, s31, $0xb8;
	v63 =	vld [tilespmem:$0x0]  }
0x22c: {  	_ =	swait.ge [sflag:s13], $0x1000  }
0x22d: {  	[sflag:s13] =	ssyncset.done $0x0  }
0x22e: {  	[sflag:s13] =	ssyncadd.s32 $0xFFFFF000  }
0x22f: {  	_ =	swait.ge [sflag:s13], $0x1000  }
0x230: {  	[sflag:s13] =	ssyncset.done $0x0  }
0x231: {  	[sflag:s13] =	ssyncadd.s32 $0xFFFFF000  }
0x232: {  	_ =	swait.ge [sflag:s13], $0x1000  }
0x233: {  	[sflag:s13] =	ssyncset.done $0x0  }
0x234: {  	[sflag:s13] =	ssyncadd.s32 $0xFFFFF000  }
0x235: {  	_ =	swait.ge [sflag:s13], $0xE80  }
0x236: {  	[sflag:s13] =	ssyncset.done $0x0  }
0x237: {  	[sflag:s13] =	ssyncadd.s32 $0xFFFFF180  }
0x238: {  	[spmem:s3] =	stream.indirect.scatter.add.f32 [tilespmem:s26], [sflag:$0x3], $0x80, s7, s14, $0xb8;
	v63 =	vld [tilespmem:$0x0]  }
0x239: {  	_ =	swait.ge [sflag:s15], $0x3E80  }
0x23a: {  	[sflag:s15] =	ssyncset.done $0x0  }
0x23b: {  	s11 =	simm.s32 @!p0 $0x4;
	[sflag:s15] =	ssyncadd.s32 $0xFFFFC180  }
0x23c: {  	_ =	swait.ge @!p0 [sflag:s11], $0x500  }
0x23d: {  	[sflag:s11] =	ssyncset.done @!p0 $0x0  }
0x23e: {  	[sflag:s11] =	ssyncadd.s32 @!p0 $0xFFFFFB00  }
0x23f: {  	_ =	swait.ge @!p0 [sflag:s11], $0x500  }
0x240: {  	[sflag:s11] =	ssyncset.done @!p0 $0x0  }
0x241: {  	s16 =	simm.s32 @!p0 $0x2000;
	[sflag:s11] =	ssyncadd.s32 @!p0 $0xFFFFFB00;
	s11 =	simm.s32 @!p0 $0x20  }
0x242: {  	[tilespmem:s16], [sflag:$0x1] =	stream.indirect.gather @!p0 [hbm4b:s1+s11], $0x80, s9, s11, $0xb8;
	v63 =	vld [tilespmem:$0x0]  }
0x243: {  	s9 =	simm.s32 @!p0 $0x3000  }
0x244: {  	[tilespmem:s9], [sflag:$0x1] =	stream.indirect.gather @!p0 [hbm4b:s1+s11], $0x80, s11, s11, $0xb8;
	v63 =	vld [tilespmem:$0x0]  }
0x245: {  	s16 =	simm.s32 @!p0 $0x4000;
	s9 =	simm.s32 @!p0 $0x40  }
0x246: {  	[tilespmem:s16], [sflag:$0x1] =	stream.indirect.gather @!p0 [hbm4b:s1+s11], $0x80, s9, s11, $0xb8;
	v63 =	vld [tilespmem:$0x0]  }
0x247: {  	s9 =	simm.s32 @!p0 $0x1D;
	s11 =	simm.s32 @!p0 $0x60;
	s16 =	simm.s32 @!p0 $0x5000  }
0x248: {  	[tilespmem:s16], [sflag:$0x1] =	stream.indirect.gather @!p0 [hbm4b:s1+s9], $0x80, s11, s9, $0xb8;
	v63 =	vld [tilespmem:$0x0]  }
0x249: {  	_ =	swait.ge [sflag:s24], $0x1000  }
0x24a: {  	[sflag:s24] =	ssyncset.done $0x0  }
0x24b: {  	[sflag:s24] =	ssyncadd.s32 $0xFFFFF000  }
0x24c: {  	_ =	swait.ge [sflag:s24], $0x1000  }
0x24d: {  	[sflag:s24] =	ssyncset.done $0x0  }
0x24e: {  	[sflag:s24] =	ssyncadd.s32 $0xFFFFF000  }
0x24f: {  	_ =	swait.ge [sflag:s24], $0x1000  }
0x250: {  	[sflag:s24] =	ssyncset.done $0x0  }
0x251: {  	[sflag:s24] =	ssyncadd.s32 $0xFFFFF000  }
0x252: {  	_ =	swait.ge [sflag:s24], $0xE80  }
0x253: {  	[sflag:s24] =	ssyncset.done $0x0  }
.Ltmp3:
0x254: {  	[sflag:s24] =	ssyncadd.s32 $0xFFFFF180;
	(pc) =	sbr.rel @p0 .LBB2_6-.Ltmp3, $4  }
0x255: {  	[spmem:s3] =	stream.indirect.scatter.add.f32 [tilespmem:s2], [sflag:$0x3], $0x80, s0, s14, $0xb8;
	v63 =	vld [tilespmem:$0x0]  }
0x256: {  	_ =	swait.ge [sflag:s15], $0x3E80  }
0x257: {  	[sflag:s15] =	ssyncset.done $0x0  }
0x258: {  	[sflag:s15] =	ssyncadd.s32 $0xFFFFC180  }
0x259: {  	s9 =	simm.s32 $0x80  }
0x25a: {  	[tilespmem:s2], [sflag:$0x2] =	stream.indirect.gather [hbm4b:s1+s25], $0x80, s9, s25, $0xb8;
	v63 =	vld [tilespmem:$0x0]  }
0x25b: {  	s16 =	simm.s32 $0xA0  }
0x25c: {  	[tilespmem:s8], [sflag:$0x2] =	stream.indirect.gather [hbm4b:s1+s25], $0x80, s16, s25, $0xb8;
	v63 =	vld [tilespmem:$0x0]  }
.Ltmp4:
0x25d: {  	_ = 	snop;
	(pc) =	sbr.rel .LBB2_4-.Ltmp4, $4  }
0x25e: {  	s11 =	simm.s32 $0xC0  }
0x25f: {  	[tilespmem:s10], [sflag:$0x2] =	stream.indirect.gather [hbm4b:s1+s25], $0x80, s11, s25, $0xb8;
	v63 =	vld [tilespmem:$0x0]  }
0x260: {  	s6 =	sadd.s32 $0x200, s6;
	s16 =	simm.s32 $0xE0  }
0x261: {  	[tilespmem:s12], [sflag:$0x2] =	stream.indirect.gather [hbm4b:s1+s31], $0x80, s16, s31, $0xb8;
	v63 =	vld [tilespmem:$0x0]  }
.LBB2_7:
0x262: {  	_ =	sfence.sel $0x180000  }
0x263: {  	[bflag:$0x0] =	sbarrier.arrive $0xFFFF  }
0x264: {  	_ =	strace $0x90000047  }
0x265: {  	s0 =	stileid.u32;
	[bflag:$0x2] =	sbarrier.arrive $0xFFFF  }
0x266: {  	p0 =	sne.s32 s0, $0x0;
	s0 =	rddreg [dreg:$0x4]  }
0x267: {  	s0 =	sadd.s32 @!p0 $0x100000, s0  }
0x268: {  	[sflag:s0] =	ssyncadd.tile.s32 @!p0 $0x1;
	_ =	shalt  }
.Lfunc_end2:
_tile_overlayer_lowered:
.L_overlay_start_2:
0x269: {  	(tag) =	ssettag $0x2  }
0x26a: {  	s0 =	rddreg [dreg:$0x0];
	s2 =	stileid.u32  }
0x26b: {  	s1 =	rddreg [dreg:$0x1];
	p0 =	sne.s32 s2, $0x0  }
0x26c: {  	s3 =	rddreg [dreg:$0x2];
	[bflag:$0x3] =	sbarrier.arrive $0xFFFF;
	s2 =	simm.s32 @!p0 $0x1C07  }
0x26d: {  	[timem:s3], [sflag:s2] =	dma.local @!p0 [hbm:s0], s1  }
0x26e: {  	s0 =	simm.s32 @!p0 $0x7  }
0x26f: {  	_ =	swait.ge @!p0 [sflag:s0], s1  }
0x270: {  	s1 =	ssub.s32 @!p0 $0x0, s1;
	[sflag:s0] =	ssyncset.done @!p0 $0x0  }
0x271: {  	[sflag:s0] =	ssyncadd.s32 @!p0 s1  }
0x272: {  	[bflag:$0x3] =	sbarrier.arrive $0xFFFF  }
0x273: {  	_ =	shalt  }

</sc_bundles>
